<compile_context>
chip_gen: v7x
topology: tpu7x:2x2x1
jax: 0.10.2.dev20260603
libtpu: 0.0.44.dev20260713+nightly
codegen_flags: <defaults>
</compile_context>

<pallas_src>
import functools

import jax
import jax.numpy as jnp
import numpy as np
from jax import lax
from jax.experimental import pallas as pl
from jax.experimental.pallas import tpu as pltpu
from jax.experimental.pallas import tpu_sc as plsc

f32 = jnp.float32
i32 = jnp.int32

N = 10000
E = 160000
CW = 144
RW = 144
T = 10240
EPAD = 163840
NW = 32
EW = EPAD // NW
CH = 64
NCH = EW // CH
NCH0 = 112
SCH = 512
NSCH = EW // SCH

_INTERPRET = False

_mesh = plsc.VectorSubcoreMesh(core_axis_name="c", subcore_axis_name="s")

_S3 = float(np.sqrt(3.0).astype(np.float32))
_CENTERS = [float(c) for c in np.linspace(0.0, 6.0, 16, dtype=np.float64)]
_INV2W2 = float(1.0 / (2.0 * (6.0 / 16.0) ** 2))

_SC_PARAMS = pltpu.CompilerParams(
    needs_layout_passes=False, use_tc_tiling_on_sc=False)


@functools.partial(
    pl.kernel,
    out_type=jax.ShapeDtypeStruct((3, EPAD), f32),
    mesh=_mesh,
    scratch_types=(
        pltpu.VMEM((N,), f32),
        pltpu.VMEM((N,), f32),
        pltpu.VMEM((N,), f32),
        pltpu.VMEM((SCH,), i32),
        pltpu.VMEM((SCH,), i32),
        pltpu.VMEM((SCH,), f32),
        pltpu.VMEM((SCH,), f32),
        pltpu.VMEM((SCH,), f32),
    ),
    compiler_params=_SC_PARAMS,
    interpret=_INTERPRET,
)
def _phase_a(cx_h, cy_h, cz_h, src_h, dst_h, rel_h,
             cx_v, cy_v, cz_v, src_v, dst_v, px_v, py_v, pz_v):
    c = lax.axis_index("c")
    s = lax.axis_index("s")
    base = (s * 2 + c) * EW
    pltpu.sync_copy(cx_h, cx_v)
    pltpu.sync_copy(cy_h, cy_v)
    pltpu.sync_copy(cz_h, cz_v)

    def chunk(j, _):
        cb = base + j * SCH
        pltpu.sync_copy(src_h.at[pl.ds(cb, SCH)], src_v)
        pltpu.sync_copy(dst_h.at[pl.ds(cb, SCH)], dst_v)

        def grp(g, _):
            o = g * 16
            sv = src_v[pl.ds(o, 16)]
            dv = dst_v[pl.ds(o, 16)]
            px_v[pl.ds(o, 16)] = (plsc.load_gather(cx_v, [dv])
                                  - plsc.load_gather(cx_v, [sv]))
            py_v[pl.ds(o, 16)] = (plsc.load_gather(cy_v, [dv])
                                  - plsc.load_gather(cy_v, [sv]))
            pz_v[pl.ds(o, 16)] = (plsc.load_gather(cz_v, [dv])
                                  - plsc.load_gather(cz_v, [sv]))
            return 0

        lax.fori_loop(0, SCH // 16, grp, 0)
        pltpu.sync_copy(px_v, rel_h.at[0, pl.ds(cb, SCH)])
        pltpu.sync_copy(py_v, rel_h.at[1, pl.ds(cb, SCH)])
        pltpu.sync_copy(pz_v, rel_h.at[2, pl.ds(cb, SCH)])
        return 0

    lax.fori_loop(0, NSCH, chunk, 0)


@functools.partial(
    pl.kernel,
    out_type=jax.ShapeDtypeStruct((2, T, RW), f32),
    mesh=_mesh,
    scratch_types=(
        pltpu.VMEM_SHARED((T, RW), f32),
        pltpu.VMEM((8, RW), f32),
        pltpu.VMEM((CH,), i32),
        pltpu.VMEM((CH,), i32),
        pltpu.VMEM((CH,), i32),
        pltpu.VMEM((CH,), i32),
        pltpu.VMEM((CH, RW), f32),
        pltpu.VMEM((CH, RW), f32),
        pltpu.VMEM((CH, RW), f32),
        pltpu.VMEM((CH, RW), f32),
        pltpu.SemaphoreType.DMA,
        pltpu.SemaphoreType.DMA,
        pltpu.SemaphoreType.DMA,
        pltpu.SemaphoreType.DMA,
        pltpu.SemaphoreType.DMA,
        pltpu.SemaphoreType.DMA,
    ),
    compiler_params=_SC_PARAMS,
    interpret=_INTERPRET,
)
def _refine(xa_h, b_h, src_h, dst_h, p_h,
            acc_sh, zb_v, ixs0, ixs1, ixd0, ixd1, b0_v, b1_v, x0_v, x1_v,
            sg0, sg1, si0, si1, sc0, sc1):
    c = lax.axis_index("c")
    s = lax.axis_index("s")
    nch = jnp.where(c == 0, NCH0, 2 * NCH - NCH0)
    base = s * (2 * EW) + c * (NCH0 * CH)
    ixs = [ixs0, ixs1]
    ixd = [ixd0, ixd1]
    bv = [b0_v, b1_v]
    xv = [x0_v, x1_v]
    sg = [sg0, sg1]
    si = [si0, si1]
    scs = [sc0, sc1]
    zeros16 = jnp.zeros((16,), f32)

    def zrow(i, _):
        for jj in range(RW // 16):
            zb_v[i, pl.ds(jj * 16, 16)] = zeros16
        return 0

    lax.fori_loop(0, 8, zrow, 0)

    def zcp(t, _):
        pltpu.sync_copy(zb_v, acc_sh.at[pl.ds(s * 640 + t * 8, 8)])
        return 0

    lax.fori_loop(0, 80, zcp, 0)

    def issue_main(j, t):
        cb = base + j * CH
        h = CH // 2
        pltpu.async_copy(xa_h.at[ixs[t].at[pl.ds(0, h)]],
                         xv[t].at[pl.ds(0, h)], sg[t])
        pltpu.async_copy(xa_h.at[ixs[t].at[pl.ds(h, h)]],
                         xv[t].at[pl.ds(h, h)], sg[t])
        pltpu.async_copy(b_h.at[pl.ds(cb, CH)], bv[t], sg[t])
        pltpu.async_copy(dst_h.at[pl.ds(cb, CH)], ixd[t], sg[t])

    def wait_main(t):
        h = CH // 2
        pltpu.make_async_copy(xa_h.at[ixs[t].at[pl.ds(0, h)]],
                              xv[t].at[pl.ds(0, h)], sg[t]).wait()
        pltpu.make_async_copy(xa_h.at[ixs[t].at[pl.ds(h, h)]],
                              xv[t].at[pl.ds(h, h)], sg[t]).wait()
        pltpu.make_async_copy(b_h.at[pl.ds(0, CH)], bv[t], sg[t]).wait()
        pltpu.make_async_copy(dst_h.at[pl.ds(0, CH)], ixd[t], sg[t]).wait()

    pltpu.sync_copy(src_h.at[pl.ds(base, CH)], ixs[0])
    issue_main(0, 0)
    pltpu.async_copy(src_h.at[pl.ds(base + CH, CH)], ixs[1], si[1])
    plsc.subcore_barrier()

    def outer(jj, _):
        for t in range(2):
            j = jj * 2 + t
            wait_main(t)

            @pl.when(j + 1 < nch)
            def _issue_next():
                @pl.when(j >= 1)
                def _drain_scatter():
                    pltpu.make_async_copy(
                        xv[1 - t], acc_sh.at[ixd[1 - t]], scs[1 - t]).wait()

                pltpu.make_async_copy(
                    src_h.at[pl.ds(0, CH)], ixs[1 - t], si[1 - t]).wait()
                issue_main(j + 1, 1 - t)

            @pl.when(j + 2 < nch)
            def _prefetch_idx():
                pltpu.async_copy(
                    src_h.at[pl.ds(base + (j + 2) * CH, CH)], ixs[t], si[t])

            def edge(e, _):
                b0 = bv[t][e, pl.ds(0, 16)]
                xs0 = xv[t][e, pl.ds(0, 16)]
                xv[t][e, pl.ds(0, 16)] = xs0 * b0
                for k in range(1, 9):
                    xv[t][e, pl.ds(16 * k, 16)] = (
                        xv[t][e, pl.ds(16 * k, 16)] * b0
                        + xs0 * bv[t][e, pl.ds(16 * k, 16)])
                return 0

            lax.fori_loop(0, CH, edge, 0)
            pltpu.async_copy(xv[t], acc_sh.at[ixd[t]], scs[t], add=True)
        return 0

    lax.fori_loop(0, nch // 2, outer, 0)
    for t in range(2):
        pltpu.make_async_copy(xv[t], acc_sh.at[ixd[t]], scs[t]).wait()
    plsc.subcore_barrier()
    pltpu.sync_copy(acc_sh.at[pl.ds(s * 640, 640)],
                    p_h.at[c, pl.ds(s * 640, 640)])


def _bproj_body(rel_ref, cen_ref, w0_ref, w1_ref, w2_ref, bb_ref,
                b0_ref, b1_ref, b2_ref):
    rel = rel_ref[...]
    px, py, pz = rel[0:1], rel[1:2], rel[2:3]
    d = jnp.sqrt(px * px + py * py + pz * pz)
    inv = 1.0 / (d + 1e-8)
    ux, uy, uz = px * inv, py * inv, pz * inv
    sh = [jnp.ones_like(ux), ux, uy, uz,
          _S3 * ux * uy, _S3 * uy * uz, 0.5 * (3.0 * uz * uz - 1.0),
          _S3 * ux * uz, 0.5 * _S3 * (ux * ux - uy * uy)]
    t = d - cen_ref[...]
    rbf = jnp.exp(-(t * t) * _INV2W2)
    dbt = jnp.concatenate([sh[k] * rbf for k in range(9)], axis=0)
    dn = (((0,), (0,)), ((), ()))
    b0_ref[...] = lax.dot_general(dbt, w0_ref[...], dn,
                                  preferred_element_type=f32) + bb_ref[0:1]
    b1_ref[...] = lax.dot_general(dbt, w1_ref[...], dn,
                                  preferred_element_type=f32) + bb_ref[1:2]
    b2_ref[...] = lax.dot_general(dbt, w2_ref[...], dn,
                                  preferred_element_type=f32) + bb_ref[2:3]


def _xa0_body(x_ref, w_ref, b_ref, o_ref):
    o_ref[...] = (jnp.dot(x_ref[...], w_ref[...], preferred_element_type=f32)
                  + b_ref[...])


def _tail_body(x_ref, w1_ref, b1_ref, w2_ref, b2_ref, w3_ref, b3_ref, o_ref):
    x1 = jnp.dot(x_ref[...], w1_ref[...], preferred_element_type=f32) + b1_ref[...]
    y = jnp.dot(x1, w2_ref[...], preferred_element_type=f32) + b2_ref[...]
    gate = jnp.tile((y[:, :16] > 0).astype(f32), (1, 9))
    o_ref[...] = jnp.dot(y * gate, w3_ref[...],
                         preferred_element_type=f32) + b3_ref[...]


def _merge_body(a_ref, p_ref, o_ref):
    o_ref[...] = a_ref[...] + p_ref[0] + p_ref[1]


def _head_body(x_ref, w2_ref, b2_ref, w3_ref, b3_ref, o_ref):
    y = (jnp.dot(x_ref[...], w2_ref[...], preferred_element_type=f32)
         + b2_ref[...])
    gate = jnp.tile((y[:, :16] > 0).astype(f32), (1, 9))
    o_ref[...] = jnp.dot(y * gate, w3_ref[...],
                         preferred_element_type=f32) + b3_ref[...]


def _bigw(w):
    ko = w.shape[-1]
    m = jnp.zeros((CW, 9 * ko), f32)
    for k in range(9):
        l = 0 if k < 1 else (1 if k < 4 else 2)
        m = m.at[16 * k:16 * (k + 1), ko * k:ko * (k + 1)].set(w[l])
    return m


def kernel(x_dftb, coords, dst_idx, src_idx, W1, b1, Wb, bb, W2, b2, W3, b3):
    xf = x_dftb.reshape(E, CW)
    src_p = jnp.concatenate([src_idx.astype(i32), jnp.zeros((EPAD - E,), i32)])
    dst_geo = jnp.concatenate([dst_idx.astype(i32), jnp.zeros((EPAD - E,), i32)])
    dst_sc = jnp.concatenate([dst_idx.astype(i32), jnp.full((EPAD - E,), N, i32)])

    bw1 = _bigw(W1)
    bw2 = _bigw(W2)
    bw3 = jnp.pad(_bigw(W3), ((0, 0), (0, 16 - 9)))
    bwb = [_bigw(Wb[i]) for i in range(3)]
    b1v = jnp.pad(b1, (0, CW - 16)).reshape(1, CW)
    b2v = jnp.pad(b2, (0, CW - 16)).reshape(1, CW)
    b3v = jnp.pad(b3, (0, 15)).reshape(1, 16)
    bbv = jnp.pad(bb, ((0, 0), (0, CW - 16)))

    rel = _phase_a(coords[:, 0], coords[:, 1], coords[:, 2], src_p, dst_geo)

    pblk = 1024
    b_its = pl.pallas_call(
        _bproj_body,
        grid=(EPAD // pblk,),
        in_specs=[pl.BlockSpec((3, pblk), lambda i: (0, i)),
                  pl.BlockSpec((16, 1), lambda i: (0, 0)),
                  pl.BlockSpec((CW, CW), lambda i: (0, 0)),
                  pl.BlockSpec((CW, CW), lambda i: (0, 0)),
                  pl.BlockSpec((CW, CW), lambda i: (0, 0)),
                  pl.BlockSpec((3, CW), lambda i: (0, 0))],
        out_specs=[pl.BlockSpec((pblk, CW), lambda i: (i, 0))] * 3,
        out_shape=[jax.ShapeDtypeStruct((EPAD, CW), f32)] * 3,
        interpret=_INTERPRET,
    )(rel, jnp.linspace(0.0, 6.0, 16, dtype=f32).reshape(16, 1),
      bwb[0], bwb[1], bwb[2], bbv)

    xblk = 640
    xa = pl.pallas_call(
        _xa0_body,
        grid=(T // xblk,),
        in_specs=[pl.BlockSpec((xblk, CW), lambda i: (i, 0)),
                  pl.BlockSpec((CW, CW), lambda i: (0, 0)),
                  pl.BlockSpec((1, CW), lambda i: (0, 0))],
        out_specs=pl.BlockSpec((xblk, RW), lambda i: (i, 0)),
        out_shape=jax.ShapeDtypeStruct((T, RW), f32),
        interpret=_INTERPRET,
    )(xf, bw1, b1v)

    tblk = 1000
    out_tail = pl.pallas_call(
        _tail_body,
        grid=((E - N) // tblk,),
        in_specs=[pl.BlockSpec((tblk, CW), lambda i: (i + N // tblk, 0)),
                  pl.BlockSpec((CW, CW), lambda i: (0, 0)),
                  pl.BlockSpec((1, CW), lambda i: (0, 0)),
                  pl.BlockSpec((CW, CW), lambda i: (0, 0)),
                  pl.BlockSpec((1, CW), lambda i: (0, 0)),
                  pl.BlockSpec((CW, 16), lambda i: (0, 0)),
                  pl.BlockSpec((1, 16), lambda i: (0, 0))],
        out_specs=pl.BlockSpec((tblk, 16), lambda i: (i, 0)),
        out_shape=jax.ShapeDtypeStruct((E - N, 16), f32),
        interpret=_INTERPRET,
    )(xf, bw1, b1v, bw2, b2v, bw3, b3v)

    mblk = 640
    for i in range(3):
        p = _refine(xa, b_its[i], src_p, dst_sc)
        xa = pl.pallas_call(
            _merge_body,
            grid=(T // mblk,),
            in_specs=[pl.BlockSpec((mblk, RW), lambda i: (i, 0)),
                      pl.BlockSpec((2, mblk, RW), lambda i: (0, i, 0))],
            out_specs=pl.BlockSpec((mblk, RW), lambda i: (i, 0)),
            out_shape=jax.ShapeDtypeStruct((T, RW), f32),
            interpret=_INTERPRET,
        )(xa, p)

    hblk = 640
    out_head = pl.pallas_call(
        _head_body,
        grid=(T // hblk,),
        in_specs=[pl.BlockSpec((hblk, RW), lambda i: (i, 0)),
                  pl.BlockSpec((CW, CW), lambda i: (0, 0)),
                  pl.BlockSpec((1, CW), lambda i: (0, 0)),
                  pl.BlockSpec((CW, 16), lambda i: (0, 0)),
                  pl.BlockSpec((1, 16), lambda i: (0, 0))],
        out_specs=pl.BlockSpec((hblk, 16), lambda i: (i, 0)),
        out_shape=jax.ShapeDtypeStruct((T, 16), f32),
        interpret=_INTERPRET,
    )(xa, bw2, b2v, bw3, b3v)

    out = jnp.concatenate([out_head[:N, :9], out_tail[:, :9]], axis=0)
    return out.reshape(E, 1, 9, 1)

# --- scband reference (transcript-rebuilt; emitter-appended) ---
"""Pipeline reference for scband-coeff-net-58110907515322 (READ-ONLY COPY).

The authoritative reference and input builder live on the scoring server;
editing this copy changes nothing except your own understanding.
"""

import jax, jax.numpy as jnp
import numpy as np

N_NODES = 10000
N_EDGES = 160000
F = 16
NB = 16
NREF = 3
_SL = [(0, 1), (1, 4), (4, 9)]


def _deg_dense(x, W, b=None):
    outs = [x[..., s:e, :] @ W[l] for l, (s, e) in enumerate(_SL)]
    if b is not None:
        outs[0] = outs[0] + b
    return jnp.concatenate(outs, axis=-2)


def _sph(u):
    x, y, z = u[:, 0], u[:, 1], u[:, 2]
    s3 = np.sqrt(3.0).astype(np.float32)
    return jnp.stack([
        jnp.ones_like(x), x, y, z,
        s3 * x * y, s3 * y * z, 0.5 * (3.0 * z * z - 1.0), s3 * x * z, 0.5 * s3 * (x * x - y * y)
    ], axis=-1)


def setup_inputs(seed: int = 0):
    key = jax.random.key(seed)
    ks = jax.random.split(key, 8)
    x_dftb = jax.random.normal(ks[0], (N_EDGES, 1, 9, F), dtype=jnp.float32)
    coords = jax.random.normal(ks[1], (N_NODES, 3), dtype=jnp.float32)
    dst_idx = jax.random.randint(ks[2], (N_EDGES,), 0, N_NODES)
    src_idx = jax.random.randint(ks[3], (N_EDGES,), 0, N_NODES)
    sc = 0.1
    W1 = jax.random.normal(ks[4], (3, F, F), dtype=jnp.float32) * sc
    b1 = jnp.zeros((F,), dtype=jnp.float32)
    Wb = jax.random.normal(ks[5], (NREF, 3, NB, F), dtype=jnp.float32) * sc
    bb = jnp.zeros((NREF, F), dtype=jnp.float32)
    W2 = jax.random.normal(ks[6], (3, F, F), dtype=jnp.float32) * sc
    b2 = jnp.zeros((F,), dtype=jnp.float32)
    W3 = jax.random.normal(ks[7], (3, F, 1), dtype=jnp.float32) * sc
    b3 = jnp.zeros((1,), dtype=jnp.float32)
    return {"x_dftb": x_dftb, "coords": coords, "dst_idx": dst_idx, "src_idx": src_idx,
            "W1": W1, "b1": b1, "Wb": Wb, "bb": bb, "W2": W2, "b2": b2, "W3": W3, "b3": b3}


def reference(x_dftb, coords, dst_idx, src_idx, W1, b1, Wb, bb, W2, b2, W3, b3):
    # dist basis: gaussian radial basis x real spherical harmonics up to degree 2
    rel = coords[dst_idx] - coords[src_idx]
    d = jnp.linalg.norm(rel, axis=-1)
    u = rel / (d[:, None] + 1e-8)
    centers = jnp.linspace(0.0, 6.0, NB)
    width = 6.0 / NB
    rbf = jnp.exp(-((d[:, None] - centers) ** 2) / (2.0 * width * width))
    sh = _sph(u)
    dist_basis = sh[:, None, :, None] * rbf[:, None, None, :]  # (E, 1, 9, NB)
    # TensorDense (per-degree equivariant dense)
    x = _deg_dense(x_dftb, W1, b1)
    x = x.reshape((-1,) + x.shape[-3:])
    x = x[:dist_basis.shape[0]]
    # refinement message-passing steps
    for i in range(NREF):
        b = _deg_dense(dist_basis, Wb[i], bb[i])  # project basis to feature dim (+basis bias)
        xs = x[src_idx]
        b0 = b[..., 0:1, :]
        x0 = xs[..., 0:1, :]
        m = xs * b0
        m = m + jnp.concatenate([jnp.zeros_like(x0), x0 * b[..., 1:, :]], axis=-2)
        agg = jnp.zeros_like(x).at[dst_idx].add(m)
        x = x + agg
    x = _deg_dense(x, W2, b2)
    # equivariant relu: gate all irrep components by step(scalar channel)
    gate = (x[..., 0:1, :] > 0).astype(x.dtype)
    x = x * gate
    out = _deg_dense(x, W3, b3)
    return out

if __name__ == "__main__":
    import jax
    _d = setup_inputs()
    print(jax.jit(kernel)(*tuple(_d.values())))

</pallas_src>

<mosaic_0001>
#map = affine_map<(d0, d1) -> (0, 0)>
#map1 = affine_map<(d0, d1) -> (0)>
#map2 = affine_map<(d0, d1) -> (0, 0, 0)>
module attributes {stable_mosaic.version = 14 : i64} {
  func.func @_refine(%arg0: i32, %arg1: i32, %arg2: memref<10240x144xf32, #tpu.memory_space<hbm>>, %arg3: memref<163840x144xf32, #tpu.memory_space<hbm>>, %arg4: memref<163840xi32, #tpu.memory_space<hbm>>, %arg5: memref<163840xi32, #tpu.memory_space<hbm>>, %arg6: memref<2x10240x144xf32, #tpu.memory_space<hbm>>, %arg7: memref<10240x144xf32, #tpu.memory_space<vmem_shared>>, %arg8: memref<8x144xf32, #tpu.memory_space<vmem>>, %arg9: memref<64xi32, #tpu.memory_space<vmem>>, %arg10: memref<64xi32, #tpu.memory_space<vmem>>, %arg11: memref<64xi32, #tpu.memory_space<vmem>>, %arg12: memref<64xi32, #tpu.memory_space<vmem>>, %arg13: memref<64x144xf32, #tpu.memory_space<vmem>>, %arg14: memref<64x144xf32, #tpu.memory_space<vmem>>, %arg15: memref<64x144xf32, #tpu.memory_space<vmem>>, %arg16: memref<64x144xf32, #tpu.memory_space<vmem>>, %arg17: memref<!tpu.dma_semaphore, #tpu.memory_space<semaphore_mem>>, %arg18: memref<!tpu.dma_semaphore, #tpu.memory_space<semaphore_mem>>, %arg19: memref<!tpu.dma_semaphore, #tpu.memory_space<semaphore_mem>>, %arg20: memref<!tpu.dma_semaphore, #tpu.memory_space<semaphore_mem>>, %arg21: memref<!tpu.dma_semaphore, #tpu.memory_space<semaphore_mem>>, %arg22: memref<!tpu.dma_semaphore, #tpu.memory_space<semaphore_mem>>) attributes {dimension_semantics = [#tpu.dimension_semantics<core_parallel>, #tpu.dimension_semantics<subcore_parallel>], iteration_bounds = array<i64: 2, 16>, scalar_prefetch = 0 : i64, scratch_operands = 16 : i64, tpu.core_type = #tpu.core_type<sc_vector_subcore>, window_params = [{transform_indices = #map}, {transform_indices = #map}, {transform_indices = #map1}, {transform_indices = #map1}, {transform_indices = #map2}]} {
    %eq3A = arith.constant 0 : i32
    %eq3A_0 = arith.cmpi eq, %arg0, %eq3A : i32
    %jit3A = arith.constant 112 : i32
    %jit3A_1 = arith.constant 48 : i32
    %select_n3A = arith.select %eq3A_0, %jit3A, %jit3A_1 : i32
    %mul3A = arith.constant 10240 : i32
    %mul3A_2 = arith.muli %arg1, %mul3A : i32
    %mul3A_3 = arith.constant 7168 : i32
    %mul3A_4 = arith.muli %arg0, %mul3A_3 : i32
    %add3A = arith.addi %mul3A_2, %mul3A_4 : i32
    %broadcast_in_dim3A = arith.constant 0.000000e+00 : f32
    %broadcast_in_dim3A_5 = vector.broadcast %broadcast_in_dim3A : f32 to vector<16xf32>
    %scan3A = arith.constant 0 : i32
    %scan3A_6 = arith.constant 0 : i32
    %scan3A_7 = arith.constant 8 : i32
    %scan3A_8 = arith.addi %scan3A_6, %scan3A_7 : i32
    %scan3A_9 = arith.constant 1 : i32
    %scan3A_10 = scf.for %scan3A_85 = %scan3A_6 to %scan3A_8 step %scan3A_9 iter_args(%scan3A_86 = %scan3A) -> (i32)  : i32 {
      %swap3A = arith.index_cast %scan3A_85 : i32 to index
      %swap3A_87 = arith.constant 0 : index
      %swap3A_88 = tpu.vector_load %arg8[%swap3A, %swap3A_87] {strides = array<i32>} : memref<8x144xf32, #tpu.memory_space<vmem>>, vector<16xf32>,
      tpu.vector_store %arg8[%swap3A, %swap3A_87], %broadcast_in_dim3A_5 {strides = array<i32>} : memref<8x144xf32, #tpu.memory_space<vmem>>, vector<16xf32>,
      %swap3A_89 = arith.index_cast %scan3A_85 : i32 to index
      %swap3A_90 = arith.constant 16 : index
      %swap3A_91 = tpu.vector_load %arg8[%swap3A_89, %swap3A_90] {strides = array<i32>} : memref<8x144xf32, #tpu.memory_space<vmem>>, vector<16xf32>,
      tpu.vector_store %arg8[%swap3A_89, %swap3A_90], %broadcast_in_dim3A_5 {strides = array<i32>} : memref<8x144xf32, #tpu.memory_space<vmem>>, vector<16xf32>,
      %swap3A_92 = arith.index_cast %scan3A_85 : i32 to index
      %swap3A_93 = arith.constant 32 : index
      %swap3A_94 = tpu.vector_load %arg8[%swap3A_92, %swap3A_93] {strides = array<i32>} : memref<8x144xf32, #tpu.memory_space<vmem>>, vector<16xf32>,
      tpu.vector_store %arg8[%swap3A_92, %swap3A_93], %broadcast_in_dim3A_5 {strides = array<i32>} : memref<8x144xf32, #tpu.memory_space<vmem>>, vector<16xf32>,
      %swap3A_95 = arith.index_cast %scan3A_85 : i32 to index
      %swap3A_96 = arith.constant 48 : index
      %swap3A_97 = tpu.vector_load %arg8[%swap3A_95, %swap3A_96] {strides = array<i32>} : memref<8x144xf32, #tpu.memory_space<vmem>>, vector<16xf32>,
      tpu.vector_store %arg8[%swap3A_95, %swap3A_96], %broadcast_in_dim3A_5 {strides = array<i32>} : memref<8x144xf32, #tpu.memory_space<vmem>>, vector<16xf32>,
      %swap3A_98 = arith.index_cast %scan3A_85 : i32 to index
      %swap3A_99 = arith.constant 64 : index
      %swap3A_100 = tpu.vector_load %arg8[%swap3A_98, %swap3A_99] {strides = array<i32>} : memref<8x144xf32, #tpu.memory_space<vmem>>, vector<16xf32>,
      tpu.vector_store %arg8[%swap3A_98, %swap3A_99], %broadcast_in_dim3A_5 {strides = array<i32>} : memref<8x144xf32, #tpu.memory_space<vmem>>, vector<16xf32>,
      %swap3A_101 = arith.index_cast %scan3A_85 : i32 to index
      %swap3A_102 = arith.constant 80 : index
      %swap3A_103 = tpu.vector_load %arg8[%swap3A_101, %swap3A_102] {strides = array<i32>} : memref<8x144xf32, #tpu.memory_space<vmem>>, vector<16xf32>,
      tpu.vector_store %arg8[%swap3A_101, %swap3A_102], %broadcast_in_dim3A_5 {strides = array<i32>} : memref<8x144xf32, #tpu.memory_space<vmem>>, vector<16xf32>,
      %swap3A_104 = arith.index_cast %scan3A_85 : i32 to index
      %swap3A_105 = arith.constant 96 : index
      %swap3A_106 = tpu.vector_load %arg8[%swap3A_104, %swap3A_105] {strides = array<i32>} : memref<8x144xf32, #tpu.memory_space<vmem>>, vector<16xf32>,
      tpu.vector_store %arg8[%swap3A_104, %swap3A_105], %broadcast_in_dim3A_5 {strides = array<i32>} : memref<8x144xf32, #tpu.memory_space<vmem>>, vector<16xf32>,
      %swap3A_107 = arith.index_cast %scan3A_85 : i32 to index
      %swap3A_108 = arith.constant 112 : index
      %swap3A_109 = tpu.vector_load %arg8[%swap3A_107, %swap3A_108] {strides = array<i32>} : memref<8x144xf32, #tpu.memory_space<vmem>>, vector<16xf32>,
      tpu.vector_store %arg8[%swap3A_107, %swap3A_108], %broadcast_in_dim3A_5 {strides = array<i32>} : memref<8x144xf32, #tpu.memory_space<vmem>>, vector<16xf32>,
      %swap3A_110 = arith.index_cast %scan3A_85 : i32 to index
      %swap3A_111 = arith.constant 128 : index
      %swap3A_112 = tpu.vector_load %arg8[%swap3A_110, %swap3A_111] {strides = array<i32>} : memref<8x144xf32, #tpu.memory_space<vmem>>, vector<16xf32>,
      tpu.vector_store %arg8[%swap3A_110, %swap3A_111], %broadcast_in_dim3A_5 {strides = array<i32>} : memref<8x144xf32, #tpu.memory_space<vmem>>, vector<16xf32>,
      %scan3A_113 = arith.constant 0 : i32
      scf.yield %scan3A_113 : i32
    }
    %scan3A_11 = arith.constant 8 : i32
    %scan3A_12 = arith.constant 0 : i32
    %scan3A_13 = arith.constant 0 : i32
    %scan3A_14 = arith.constant 80 : i32
    %scan3A_15 = arith.addi %scan3A_13, %scan3A_14 : i32
    %scan3A_16 = arith.constant 1 : i32
    %scan3A_17 = scf.for %scan3A_85 = %scan3A_13 to %scan3A_15 step %scan3A_16 iter_args(%scan3A_86 = %scan3A_12) -> (i32)  : i32 {
      %mul3A_87 = arith.constant 640 : i32
      %mul3A_88 = arith.muli %arg1, %mul3A_87 : i32
      %mul3A_89 = arith.constant 8 : i32
      %mul3A_90 = arith.muli %scan3A_85, %mul3A_89 : i32
      %add3A_91 = arith.addi %mul3A_88, %mul3A_90 : i32
      "tpu.region"() ({
        %run_scoped3A = tpu.sem_alloc : memref<!tpu.dma_semaphore, #tpu.memory_space<semaphore_mem>>
        %dma_start3A_93 = arith.constant 0 : i32
        %dma_start3A_94 = tpu.memref_slice %arg7[%add3A_91, %dma_start3A_93] : memref<10240x144xf32, #tpu.memory_space<vmem_shared>> -> memref<8x144xf32, #tpu.memory_space<vmem_shared>>
        %dma_start3A_95 = arith.constant 0 : i32
        %dma_start3A_96 = tpu.memref_slice %arg7[%add3A_91, %dma_start3A_95] : memref<10240x144xf32, #tpu.memory_space<vmem_shared>> -> memref<8x144xf32, #tpu.memory_space<vmem_shared>>
        tpu.enqueue_dma source(%arg8 : memref<8x144xf32, #tpu.memory_space<vmem>>) target(%dma_start3A_96 : memref<8x144xf32, #tpu.memory_space<vmem_shared>>) target_semaphore(%run_scoped3A : memref<!tpu.dma_semaphore, #tpu.memory_space<semaphore_mem>>)
        %dma_wait3A_97 = arith.constant 0 : i32
        %dma_wait3A_98 = tpu.memref_slice %arg7[%add3A_91, %dma_wait3A_97] : memref<10240x144xf32, #tpu.memory_space<vmem_shared>> -> memref<8x144xf32, #tpu.memory_space<vmem_shared>>
        %dma_wait3A_99 = arith.constant 0 : i32
        %dma_wait3A_100 = tpu.memref_slice %arg7[%add3A_91, %dma_wait3A_99] : memref<10240x144xf32, #tpu.memory_space<vmem_shared>> -> memref<8x144xf32, #tpu.memory_space<vmem_shared>>
        tpu.wait_dma2 semaphore(%run_scoped3A : memref<!tpu.dma_semaphore, #tpu.memory_space<semaphore_mem>>) src(%arg8 : memref<8x144xf32, #tpu.memory_space<vmem>>) dst(%dma_wait3A_100 : memref<8x144xf32, #tpu.memory_space<vmem_shared>>)
        tpu.yield
      }) : () -> ()
      %scan3A_92 = arith.constant 0 : i32
      scf.yield %scan3A_92 : i32
    }
    %scan3A_18 = arith.constant 80 : i32
    "tpu.region"() ({
      %run_scoped3A = tpu.sem_alloc : memref<!tpu.dma_semaphore, #tpu.memory_space<semaphore_mem>>
      %dma_start3A_85 = tpu.memref_slice %arg4[%add3A] : memref<163840xi32, #tpu.memory_space<hbm>> -> memref<64xi32, #tpu.memory_space<hbm>>
      %dma_start3A_86 = tpu.memref_slice %arg4[%add3A] : memref<163840xi32, #tpu.memory_space<hbm>> -> memref<64xi32, #tpu.memory_space<hbm>>
      tpu.enqueue_dma source(%dma_start3A_86 : memref<64xi32, #tpu.memory_space<hbm>>) target(%arg9 : memref<64xi32, #tpu.memory_space<vmem>>) target_semaphore(%run_scoped3A : memref<!tpu.dma_semaphore, #tpu.memory_space<semaphore_mem>>)
      %dma_wait3A_87 = tpu.memref_slice %arg4[%add3A] : memref<163840xi32, #tpu.memory_space<hbm>> -> memref<64xi32, #tpu.memory_space<hbm>>
      %dma_wait3A_88 = tpu.memref_slice %arg4[%add3A] : memref<163840xi32, #tpu.memory_space<hbm>> -> memref<64xi32, #tpu.memory_space<hbm>>
      tpu.wait_dma2 semaphore(%run_scoped3A : memref<!tpu.dma_semaphore, #tpu.memory_space<semaphore_mem>>) src(%dma_wait3A_88 : memref<64xi32, #tpu.memory_space<hbm>>) dst(%arg9 : memref<64xi32, #tpu.memory_space<vmem>>)
      tpu.yield
    }) : () -> ()
    %add3A_19 = arith.constant 0 : i32
    %add3A_20 = arith.addi %add3A, %add3A_19 : i32
    %dma_start3A = arith.constant 0 : i32
    %dma_start3A_21 = arith.constant 0 : i32
    %dma_start3A_22 = tpu.memref_slice %arg15[%dma_start3A, %dma_start3A_21] : memref<64x144xf32, #tpu.memory_space<vmem>> -> memref<32x144xf32, #tpu.memory_space<vmem>>
    %dma_start3A_23 = arith.constant 0 : i32
    %dma_start3A_24 = tpu.memref_slice %arg9[%dma_start3A_23] : memref<64xi32, #tpu.memory_space<vmem>> -> memref<32xi32, #tpu.memory_space<vmem>>
    %dma_start3A_25 = arith.constant 0 : i32
    %dma_start3A_26 = arith.constant 0 : i32
    %dma_start3A_27 = tpu.memref_slice %arg2[%dma_start3A_25, %dma_start3A_26] : memref<10240x144xf32, #tpu.memory_space<hbm>> -> memref<10240x144xf32, #tpu.memory_space<hbm>>
    tpu.enqueue_indirect_dma source(%dma_start3A_27 : memref<10240x144xf32, #tpu.memory_space<hbm>>) target(%dma_start3A_22 : memref<32x144xf32, #tpu.memory_space<vmem>>) offsets(%dma_start3A_24 : memref<32xi32, #tpu.memory_space<vmem>>) semaphore(%arg17 : memref<!tpu.dma_semaphore, #tpu.memory_space<semaphore_mem>>)
    %dma_start3A_28 = arith.constant 32 : i32
    %dma_start3A_29 = arith.constant 0 : i32
    %dma_start3A_30 = tpu.memref_slice %arg15[%dma_start3A_28, %dma_start3A_29] : memref<64x144xf32, #tpu.memory_space<vmem>> -> memref<32x144xf32, #tpu.memory_space<vmem>>
    %dma_start3A_31 = arith.constant 32 : i32
    %dma_start3A_32 = tpu.memref_slice %arg9[%dma_start3A_31] : memref<64xi32, #tpu.memory_space<vmem>> -> memref<32xi32, #tpu.memory_space<vmem>>
    %dma_start3A_33 = arith.constant 0 : i32
    %dma_start3A_34 = arith.constant 0 : i32
    %dma_start3A_35 = tpu.memref_slice %arg2[%dma_start3A_33, %dma_start3A_34] : memref<10240x144xf32, #tpu.memory_space<hbm>> -> memref<10240x144xf32, #tpu.memory_space<hbm>>
    tpu.enqueue_indirect_dma source(%dma_start3A_35 : memref<10240x144xf32, #tpu.memory_space<hbm>>) target(%dma_start3A_30 : memref<32x144xf32, #tpu.memory_space<vmem>>) offsets(%dma_start3A_32 : memref<32xi32, #tpu.memory_space<vmem>>) semaphore(%arg17 : memref<!tpu.dma_semaphore, #tpu.memory_space<semaphore_mem>>)
    %dma_start3A_36 = arith.constant 0 : i32
    %dma_start3A_37 = tpu.memref_slice %arg3[%add3A_20, %dma_start3A_36] : memref<163840x144xf32, #tpu.memory_space<hbm>> -> memref<64x144xf32, #tpu.memory_space<hbm>>
    %dma_start3A_38 = arith.constant 0 : i32
    %dma_start3A_39 = tpu.memref_slice %arg3[%add3A_20, %dma_start3A_38] : memref<163840x144xf32, #tpu.memory_space<hbm>> -> memref<64x144xf32, #tpu.memory_space<hbm>>
    tpu.enqueue_dma source(%dma_start3A_39 : memref<64x144xf32, #tpu.memory_space<hbm>>) target(%arg13 : memref<64x144xf32, #tpu.memory_space<vmem>>) target_semaphore(%arg17 : memref<!tpu.dma_semaphore, #tpu.memory_space<semaphore_mem>>)
    %dma_start3A_40 = tpu.memref_slice %arg5[%add3A_20] : memref<163840xi32, #tpu.memory_space<hbm>> -> memref<64xi32, #tpu.memory_space<hbm>>
    %dma_start3A_41 = tpu.memref_slice %arg5[%add3A_20] : memref<163840xi32, #tpu.memory_space<hbm>> -> memref<64xi32, #tpu.memory_space<hbm>>
    tpu.enqueue_dma source(%dma_start3A_41 : memref<64xi32, #tpu.memory_space<hbm>>) target(%arg11 : memref<64xi32, #tpu.memory_space<vmem>>) target_semaphore(%arg17 : memref<!tpu.dma_semaphore, #tpu.memory_space<semaphore_mem>>)
    %add3A_42 = arith.constant 64 : i32
    %add3A_43 = arith.addi %add3A, %add3A_42 : i32
    %dma_start3A_44 = tpu.memref_slice %arg4[%add3A_43] : memref<163840xi32, #tpu.memory_space<hbm>> -> memref<64xi32, #tpu.memory_space<hbm>>
    %dma_start3A_45 = tpu.memref_slice %arg4[%add3A_43] : memref<163840xi32, #tpu.memory_space<hbm>> -> memref<64xi32, #tpu.memory_space<hbm>>
    tpu.enqueue_dma source(%dma_start3A_45 : memref<64xi32, #tpu.memory_space<hbm>>) target(%arg10 : memref<64xi32, #tpu.memory_space<vmem>>) target_semaphore(%arg20 : memref<!tpu.dma_semaphore, #tpu.memory_space<semaphore_mem>>)
    %barrier3A = arith.constant 0 : index
    tpu.barrier barrier_id(%barrier3A)
    %jit3A_46 = arith.constant 2 : i32
    %div3A = arith.divsi %select_n3A, %jit3A_46 : i32
    %sign3A = arith.constant 0 : i32
    %sign3A_47 = arith.cmpi sgt, %select_n3A, %sign3A : i32
    %sign3A_48 = arith.extui %sign3A_47 : i1 to i32
    %sign3A_49 = arith.constant 0 : i32
    %sign3A_50 = arith.cmpi slt, %select_n3A, %sign3A_49 : i32
    %sign3A_51 = arith.extui %sign3A_50 : i1 to i32
    %sign3A_52 = arith.subi %sign3A_48, %sign3A_51 : i32
    %sign3A_53 = arith.constant 0 : i32
    %sign3A_54 = arith.cmpi sgt, %jit3A_46, %sign3A_53 : i32
    %sign3A_55 = arith.extui %sign3A_54 : i1 to i32
    %sign3A_56 = arith.constant 0 : i32
    %sign3A_57 = arith.cmpi slt, %jit3A_46, %sign3A_56 : i32
    %sign3A_58 = arith.extui %sign3A_57 : i1 to i32
    %sign3A_59 = arith.subi %sign3A_55, %sign3A_58 : i32
    %ne3A = arith.cmpi ne, %sign3A_52, %sign3A_59 : i32
    %rem3A = arith.remsi %select_n3A, %jit3A_46 : i32
    %ne3A_60 = arith.constant 0 : i32
    %ne3A_61 = arith.cmpi ne, %rem3A, %ne3A_60 : i32
    %and3A = arith.andi %ne3A, %ne3A_61 : i1
    %sub3A = arith.constant 1 : i32
    %sub3A_62 = arith.subi %div3A, %sub3A : i32
    %select_n3A_63 = arith.select %and3A, %sub3A_62, %div3A : i32
    %while3A = arith.constant 0 : i32
    %while3A_64 = arith.constant 0 : i32
    %while3A_65 = arith.subi %select_n3A_63, %while3A : i32
    %while3A_66 = arith.addi %while3A, %while3A_65 : i32
    %while3A_67 = arith.constant 1 : i32
    %while3A_68 = arith.divsi %while3A_65, %while3A_67 : i32
    %while3A_69 = arith.muli %while3A_68, %while3A_67 : i32
    %while3A_70 = arith.addi %while3A, %while3A_69 : i32
    %while3A_71 = arith.constant 1 : i32
    %while3A_72 = scf.for %while3A_85 = %while3A to %while3A_70 step %while3A_71 iter_args(%while3A_86 = %while3A_64) -> (i32)  : i32 {
      %mul3A_87 = arith.constant 2 : i32
      %mul3A_88 = arith.muli %while3A_85, %mul3A_87 : i32
      %add3A_89 = arith.constant 0 : i32
      %add3A_90 = arith.addi %mul3A_88, %add3A_89 : i32
      %dma_wait3A_91 = arith.constant 0 : i32
      %dma_wait3A_92 = arith.constant 0 : i32
      %dma_wait3A_93 = tpu.memref_slice %arg15[%dma_wait3A_91, %dma_wait3A_92] : memref<64x144xf32, #tpu.memory_space<vmem>> -> memref<32x144xf32, #tpu.memory_space<vmem>>
      %dma_wait3A_94 = arith.constant 0 : i32
      %dma_wait3A_95 = tpu.memref_slice %arg9[%dma_wait3A_94] : memref<64xi32, #tpu.memory_space<vmem>> -> memref<32xi32, #tpu.memory_space<vmem>>
      %dma_wait3A_96 = arith.constant 0 : i32
      %dma_wait3A_97 = arith.constant 0 : i32
      %dma_wait3A_98 = tpu.memref_slice %arg2[%dma_wait3A_96, %dma_wait3A_97] : memref<10240x144xf32, #tpu.memory_space<hbm>> -> memref<10240x144xf32, #tpu.memory_space<hbm>>
      tpu.wait_indirect_dma semaphore(%arg17 : memref<!tpu.dma_semaphore, #tpu.memory_space<semaphore_mem>>) src(%dma_wait3A_98 : memref<10240x144xf32, #tpu.memory_space<hbm>>) dst(%dma_wait3A_93 : memref<32x144xf32, #tpu.memory_space<vmem>>)
      %dma_wait3A_99 = arith.constant 32 : i32
      %dma_wait3A_100 = arith.constant 0 : i32
      %dma_wait3A_101 = tpu.memref_slice %arg15[%dma_wait3A_99, %dma_wait3A_100] : memref<64x144xf32, #tpu.memory_space<vmem>> -> memref<32x144xf32, #tpu.memory_space<vmem>>
      %dma_wait3A_102 = arith.constant 32 : i32
      %dma_wait3A_103 = tpu.memref_slice %arg9[%dma_wait3A_102] : memref<64xi32, #tpu.memory_space<vmem>> -> memref<32xi32, #tpu.memory_space<vmem>>
      %dma_wait3A_104 = arith.constant 0 : i32
      %dma_wait3A_105 = arith.constant 0 : i32
      %dma_wait3A_106 = tpu.memref_slice %arg2[%dma_wait3A_104, %dma_wait3A_105] : memref<10240x144xf32, #tpu.memory_space<hbm>> -> memref<10240x144xf32, #tpu.memory_space<hbm>>
      tpu.wait_indirect_dma semaphore(%arg17 : memref<!tpu.dma_semaphore, #tpu.memory_space<semaphore_mem>>) src(%dma_wait3A_106 : memref<10240x144xf32, #tpu.memory_space<hbm>>) dst(%dma_wait3A_101 : memref<32x144xf32, #tpu.memory_space<vmem>>)
      %dma_wait3A_107 = arith.constant 0 : i32
      %dma_wait3A_108 = arith.constant 0 : i32
      %dma_wait3A_109 = tpu.memref_slice %arg3[%dma_wait3A_107, %dma_wait3A_108] : memref<163840x144xf32, #tpu.memory_space<hbm>> -> memref<64x144xf32, #tpu.memory_space<hbm>>
      %dma_wait3A_110 = arith.constant 0 : i32
      %dma_wait3A_111 = arith.constant 0 : i32
      %dma_wait3A_112 = tpu.memref_slice %arg3[%dma_wait3A_110, %dma_wait3A_111] : memref<163840x144xf32, #tpu.memory_space<hbm>> -> memref<64x144xf32, #tpu.memory_space<hbm>>
      tpu.wait_dma2 semaphore(%arg17 : memref<!tpu.dma_semaphore, #tpu.memory_space<semaphore_mem>>) src(%dma_wait3A_112 : memref<64x144xf32, #tpu.memory_space<hbm>>) dst(%arg13 : memref<64x144xf32, #tpu.memory_space<vmem>>)
      %dma_wait3A_113 = arith.constant 0 : i32
      %dma_wait3A_114 = tpu.memref_slice %arg5[%dma_wait3A_113] : memref<163840xi32, #tpu.memory_space<hbm>> -> memref<64xi32, #tpu.memory_space<hbm>>
      %dma_wait3A_115 = arith.constant 0 : i32
      %dma_wait3A_116 = tpu.memref_slice %arg5[%dma_wait3A_115] : memref<163840xi32, #tpu.memory_space<hbm>> -> memref<64xi32, #tpu.memory_space<hbm>>
      tpu.wait_dma2 semaphore(%arg17 : memref<!tpu.dma_semaphore, #tpu.memory_space<semaphore_mem>>) src(%dma_wait3A_116 : memref<64xi32, #tpu.memory_space<hbm>>) dst(%arg11 : memref<64xi32, #tpu.memory_space<vmem>>)
      %add3A_117 = arith.constant 1 : i32
      %add3A_118 = arith.addi %add3A_90, %add3A_117 : i32
      %lt3A = arith.cmpi slt, %add3A_118, %select_n3A : i32
      %convert_element_type3A = arith.extui %lt3A : i1 to i32
      %cond3A = arith.constant 0 : i32
      %cond3A_119 = arith.cmpi ne, %convert_element_type3A, %cond3A : i32
      scf.if %cond3A_119 {
        %ge3A = arith.constant 1 : i32
        %ge3A_189 = arith.cmpi sge, %add3A_90, %ge3A : i32
        %convert_element_type3A_190 = arith.extui %ge3A_189 : i1 to i32
        %cond3A_191 = arith.constant 0 : i32
        %cond3A_192 = arith.cmpi ne, %convert_element_type3A_190, %cond3A_191 : i32
        scf.if %cond3A_192 {
          %dma_wait3A_224 = arith.constant 0 : i32
          %dma_wait3A_225 = arith.constant 0 : i32
          %dma_wait3A_226 = tpu.memref_slice %arg7[%dma_wait3A_224, %dma_wait3A_225] : memref<10240x144xf32, #tpu.memory_space<vmem_shared>> -> memref<10240x144xf32, #tpu.memory_space<vmem_shared>>
          tpu.wait_indirect_dma semaphore(%arg22 : memref<!tpu.dma_semaphore, #tpu.memory_space<semaphore_mem>>) src(%arg16 : memref<64x144xf32, #tpu.memory_space<vmem>>) dst(%dma_wait3A_226 : memref<10240x144xf32, #tpu.memory_space<vmem_shared>>)
        } else {
        }
        %dma_wait3A_193 = arith.constant 0 : i32
        %dma_wait3A_194 = tpu.memref_slice %arg4[%dma_wait3A_193] : memref<163840xi32, #tpu.memory_space<hbm>> -> memref<64xi32, #tpu.memory_space<hbm>>
        %dma_wait3A_195 = arith.constant 0 : i32
        %dma_wait3A_196 = tpu.memref_slice %arg4[%dma_wait3A_195] : memref<163840xi32, #tpu.memory_space<hbm>> -> memref<64xi32, #tpu.memory_space<hbm>>
        tpu.wait_dma2 semaphore(%arg20 : memref<!tpu.dma_semaphore, #tpu.memory_space<semaphore_mem>>) src(%dma_wait3A_196 : memref<64xi32, #tpu.memory_space<hbm>>) dst(%arg10 : memref<64xi32, #tpu.memory_space<vmem>>)
        %add3A_197 = arith.constant 1 : i32
        %add3A_198 = arith.addi %add3A_90, %add3A_197 : i32
        %mul3A_199 = arith.constant 64 : i32
        %mul3A_200 = arith.muli %add3A_198, %mul3A_199 : i32
        %add3A_201 = arith.addi %add3A, %mul3A_200 : i32
        %dma_start3A_202 = arith.constant 0 : i32
        %dma_start3A_203 = arith.constant 0 : i32
        %dma_start3A_204 = tpu.memref_slice %arg16[%dma_start3A_202, %dma_start3A_203] : memref<64x144xf32, #tpu.memory_space<vmem>> -> memref<32x144xf32, #tpu.memory_space<vmem>>
        %dma_start3A_205 = arith.constant 0 : i32
        %dma_start3A_206 = tpu.memref_slice %arg10[%dma_start3A_205] : memref<64xi32, #tpu.memory_space<vmem>> -> memref<32xi32, #tpu.memory_space<vmem>>
        %dma_start3A_207 = arith.constant 0 : i32
        %dma_start3A_208 = arith.constant 0 : i32
        %dma_start3A_209 = tpu.memref_slice %arg2[%dma_start3A_207, %dma_start3A_208] : memref<10240x144xf32, #tpu.memory_space<hbm>> -> memref<10240x144xf32, #tpu.memory_space<hbm>>
        tpu.enqueue_indirect_dma source(%dma_start3A_209 : memref<10240x144xf32, #tpu.memory_space<hbm>>) target(%dma_start3A_204 : memref<32x144xf32, #tpu.memory_space<vmem>>) offsets(%dma_start3A_206 : memref<32xi32, #tpu.memory_space<vmem>>) semaphore(%arg18 : memref<!tpu.dma_semaphore, #tpu.memory_space<semaphore_mem>>)
        %dma_start3A_210 = arith.constant 32 : i32
        %dma_start3A_211 = arith.constant 0 : i32
        %dma_start3A_212 = tpu.memref_slice %arg16[%dma_start3A_210, %dma_start3A_211] : memref<64x144xf32, #tpu.memory_space<vmem>> -> memref<32x144xf32, #tpu.memory_space<vmem>>
        %dma_start3A_213 = arith.constant 32 : i32
        %dma_start3A_214 = tpu.memref_slice %arg10[%dma_start3A_213] : memref<64xi32, #tpu.memory_space<vmem>> -> memref<32xi32, #tpu.memory_space<vmem>>
        %dma_start3A_215 = arith.constant 0 : i32
        %dma_start3A_216 = arith.constant 0 : i32
        %dma_start3A_217 = tpu.memref_slice %arg2[%dma_start3A_215, %dma_start3A_216] : memref<10240x144xf32, #tpu.memory_space<hbm>> -> memref<10240x144xf32, #tpu.memory_space<hbm>>
        tpu.enqueue_indirect_dma source(%dma_start3A_217 : memref<10240x144xf32, #tpu.memory_space<hbm>>) target(%dma_start3A_212 : memref<32x144xf32, #tpu.memory_space<vmem>>) offsets(%dma_start3A_214 : memref<32xi32, #tpu.memory_space<vmem>>) semaphore(%arg18 : memref<!tpu.dma_semaphore, #tpu.memory_space<semaphore_mem>>)
        %dma_start3A_218 = arith.constant 0 : i32
        %dma_start3A_219 = tpu.memref_slice %arg3[%add3A_201, %dma_start3A_218] : memref<163840x144xf32, #tpu.memory_space<hbm>> -> memref<64x144xf32, #tpu.memory_space<hbm>>
        %dma_start3A_220 = arith.constant 0 : i32
        %dma_start3A_221 = tpu.memref_slice %arg3[%add3A_201, %dma_start3A_220] : memref<163840x144xf32, #tpu.memory_space<hbm>> -> memref<64x144xf32, #tpu.memory_space<hbm>>
        tpu.enqueue_dma source(%dma_start3A_221 : memref<64x144xf32, #tpu.memory_space<hbm>>) target(%arg14 : memref<64x144xf32, #tpu.memory_space<vmem>>) target_semaphore(%arg18 : memref<!tpu.dma_semaphore, #tpu.memory_space<semaphore_mem>>)
        %dma_start3A_222 = tpu.memref_slice %arg5[%add3A_201] : memref<163840xi32, #tpu.memory_space<hbm>> -> memref<64xi32, #tpu.memory_space<hbm>>
        %dma_start3A_223 = tpu.memref_slice %arg5[%add3A_201] : memref<163840xi32, #tpu.memory_space<hbm>> -> memref<64xi32, #tpu.memory_space<hbm>>
        tpu.enqueue_dma source(%dma_start3A_223 : memref<64xi32, #tpu.memory_space<hbm>>) target(%arg12 : memref<64xi32, #tpu.memory_space<vmem>>) target_semaphore(%arg18 : memref<!tpu.dma_semaphore, #tpu.memory_space<semaphore_mem>>)
      } else {
      }
      %add3A_120 = arith.constant 2 : i32
      %add3A_121 = arith.addi %add3A_90, %add3A_120 : i32
      %lt3A_122 = arith.cmpi slt, %add3A_121, %select_n3A : i32
      %convert_element_type3A_123 = arith.extui %lt3A_122 : i1 to i32
      %cond3A_124 = arith.constant 0 : i32
      %cond3A_125 = arith.cmpi ne, %convert_element_type3A_123, %cond3A_124 : i32
      scf.if %cond3A_125 {
        %add3A_189 = arith.constant 2 : i32
        %add3A_190 = arith.addi %add3A_90, %add3A_189 : i32
        %mul3A_191 = arith.constant 64 : i32
        %mul3A_192 = arith.muli %add3A_190, %mul3A_191 : i32
        %add3A_193 = arith.addi %add3A, %mul3A_192 : i32
        %dma_start3A_194 = tpu.memref_slice %arg4[%add3A_193] : memref<163840xi32, #tpu.memory_space<hbm>> -> memref<64xi32, #tpu.memory_space<hbm>>
        %dma_start3A_195 = tpu.memref_slice %arg4[%add3A_193] : memref<163840xi32, #tpu.memory_space<hbm>> -> memref<64xi32, #tpu.memory_space<hbm>>
        tpu.enqueue_dma source(%dma_start3A_195 : memref<64xi32, #tpu.memory_space<hbm>>) target(%arg9 : memref<64xi32, #tpu.memory_space<vmem>>) target_semaphore(%arg19 : memref<!tpu.dma_semaphore, #tpu.memory_space<semaphore_mem>>)
      } else {
      }
      %scan3A_126 = arith.constant 0 : i32
      %scan3A_127 = arith.constant 0 : i32
      %scan3A_128 = arith.constant 64 : i32
      %scan3A_129 = arith.addi %scan3A_127, %scan3A_128 : i32
      %scan3A_130 = arith.constant 1 : i32
      %scan3A_131 = scf.for %scan3A_189 = %scan3A_127 to %scan3A_129 step %scan3A_130 iter_args(%scan3A_190 = %scan3A_126) -> (i32)  : i32 {
        %get3A = arith.index_cast %scan3A_189 : i32 to index
        %get3A_191 = arith.constant 0 : index
        %get3A_192 = tpu.vector_load %arg13[%get3A, %get3A_191] {strides = array<i32>} : memref<64x144xf32, #tpu.memory_space<vmem>>, vector<16xf32>,
        %get3A_193 = arith.index_cast %scan3A_189 : i32 to index
        %get3A_194 = arith.constant 0 : index
        %get3A_195 = tpu.vector_load %arg15[%get3A_193, %get3A_194] {strides = array<i32>} : memref<64x144xf32, #tpu.memory_space<vmem>>, vector<16xf32>,
        %mul3A_196 = arith.mulf %get3A_195, %get3A_192 : vector<16xf32>
        %swap3A = arith.index_cast %scan3A_189 : i32 to index
        %swap3A_197 = arith.constant 0 : index
        %swap3A_198 = tpu.vector_load %arg15[%swap3A, %swap3A_197] {strides = array<i32>} : memref<64x144xf32, #tpu.memory_space<vmem>>, vector<16xf32>,
        tpu.vector_store %arg15[%swap3A, %swap3A_197], %mul3A_196 {strides = array<i32>} : memref<64x144xf32, #tpu.memory_space<vmem>>, vector<16xf32>,
        %get3A_199 = arith.index_cast %scan3A_189 : i32 to index
        %get3A_200 = arith.constant 16 : index
        %get3A_201 = tpu.vector_load %arg15[%get3A_199, %get3A_200] {strides = array<i32>} : memref<64x144xf32, #tpu.memory_space<vmem>>, vector<16xf32>,
        %mul3A_202 = arith.mulf %get3A_201, %get3A_192 : vector<16xf32>
        %get3A_203 = arith.index_cast %scan3A_189 : i32 to index
        %get3A_204 = arith.constant 16 : index
        %get3A_205 = tpu.vector_load %arg13[%get3A_203, %get3A_204] {strides = array<i32>} : memref<64x144xf32, #tpu.memory_space<vmem>>, vector<16xf32>,
        %mul3A_206 = arith.mulf %get3A_195, %get3A_205 : vector<16xf32>
        %add3A_207 = arith.addf %mul3A_202, %mul3A_206 : vector<16xf32>
        %swap3A_208 = arith.index_cast %scan3A_189 : i32 to index
        %swap3A_209 = arith.constant 16 : index
        %swap3A_210 = tpu.vector_load %arg15[%swap3A_208, %swap3A_209] {strides = array<i32>} : memref<64x144xf32, #tpu.memory_space<vmem>>, vector<16xf32>,
        tpu.vector_store %arg15[%swap3A_208, %swap3A_209], %add3A_207 {strides = array<i32>} : memref<64x144xf32, #tpu.memory_space<vmem>>, vector<16xf32>,
        %get3A_211 = arith.index_cast %scan3A_189 : i32 to index
        %get3A_212 = arith.constant 32 : index
        %get3A_213 = tpu.vector_load %arg15[%get3A_211, %get3A_212] {strides = array<i32>} : memref<64x144xf32, #tpu.memory_space<vmem>>, vector<16xf32>,
        %mul3A_214 = arith.mulf %get3A_213, %get3A_192 : vector<16xf32>
        %get3A_215 = arith.index_cast %scan3A_189 : i32 to index
        %get3A_216 = arith.constant 32 : index
        %get3A_217 = tpu.vector_load %arg13[%get3A_215, %get3A_216] {strides = array<i32>} : memref<64x144xf32, #tpu.memory_space<vmem>>, vector<16xf32>,
        %mul3A_218 = arith.mulf %get3A_195, %get3A_217 : vector<16xf32>
        %add3A_219 = arith.addf %mul3A_214, %mul3A_218 : vector<16xf32>
        %swap3A_220 = arith.index_cast %scan3A_189 : i32 to index
        %swap3A_221 = arith.constant 32 : index
        %swap3A_222 = tpu.vector_load %arg15[%swap3A_220, %swap3A_221] {strides = array<i32>} : memref<64x144xf32, #tpu.memory_space<vmem>>, vector<16xf32>,
        tpu.vector_store %arg15[%swap3A_220, %swap3A_221], %add3A_219 {strides = array<i32>} : memref<64x144xf32, #tpu.memory_space<vmem>>, vector<16xf32>,
        %get3A_223 = arith.index_cast %scan3A_189 : i32 to index
        %get3A_224 = arith.constant 48 : index
        %get3A_225 = tpu.vector_load %arg15[%get3A_223, %get3A_224] {strides = array<i32>} : memref<64x144xf32, #tpu.memory_space<vmem>>, vector<16xf32>,
        %mul3A_226 = arith.mulf %get3A_225, %get3A_192 : vector<16xf32>
        %get3A_227 = arith.index_cast %scan3A_189 : i32 to index
        %get3A_228 = arith.constant 48 : index
        %get3A_229 = tpu.vector_load %arg13[%get3A_227, %get3A_228] {strides = array<i32>} : memref<64x144xf32, #tpu.memory_space<vmem>>, vector<16xf32>,
        %mul3A_230 = arith.mulf %get3A_195, %get3A_229 : vector<16xf32>
        %add3A_231 = arith.addf %mul3A_226, %mul3A_230 : vector<16xf32>
        %swap3A_232 = arith.index_cast %scan3A_189 : i32 to index
        %swap3A_233 = arith.constant 48 : index
        %swap3A_234 = tpu.vector_load %arg15[%swap3A_232, %swap3A_233] {strides = array<i32>} : memref<64x144xf32, #tpu.memory_space<vmem>>, vector<16xf32>,
        tpu.vector_store %arg15[%swap3A_232, %swap3A_233], %add3A_231 {strides = array<i32>} : memref<64x144xf32, #tpu.memory_space<vmem>>, vector<16xf32>,
        %get3A_235 = arith.index_cast %scan3A_189 : i32 to index
        %get3A_236 = arith.constant 64 : index
        %get3A_237 = tpu.vector_load %arg15[%get3A_235, %get3A_236] {strides = array<i32>} : memref<64x144xf32, #tpu.memory_space<vmem>>, vector<16xf32>,
        %mul3A_238 = arith.mulf %get3A_237, %get3A_192 : vector<16xf32>
        %get3A_239 = arith.index_cast %scan3A_189 : i32 to index
        %get3A_240 = arith.constant 64 : index
        %get3A_241 = tpu.vector_load %arg13[%get3A_239, %get3A_240] {strides = array<i32>} : memref<64x144xf32, #tpu.memory_space<vmem>>, vector<16xf32>,
        %mul3A_242 = arith.mulf %get3A_195, %get3A_241 : vector<16xf32>
        %add3A_243 = arith.addf %mul3A_238, %mul3A_242 : vector<16xf32>
        %swap3A_244 = arith.index_cast %scan3A_189 : i32 to index
        %swap3A_245 = arith.constant 64 : index
        %swap3A_246 = tpu.vector_load %arg15[%swap3A_244, %swap3A_245] {strides = array<i32>} : memref<64x144xf32, #tpu.memory_space<vmem>>, vector<16xf32>,
        tpu.vector_store %arg15[%swap3A_244, %swap3A_245], %add3A_243 {strides = array<i32>} : memref<64x144xf32, #tpu.memory_space<vmem>>, vector<16xf32>,
        %get3A_247 = arith.index_cast %scan3A_189 : i32 to index
        %get3A_248 = arith.constant 80 : index
        %get3A_249 = tpu.vector_load %arg15[%get3A_247, %get3A_248] {strides = array<i32>} : memref<64x144xf32, #tpu.memory_space<vmem>>, vector<16xf32>,
        %mul3A_250 = arith.mulf %get3A_249, %get3A_192 : vector<16xf32>
        %get3A_251 = arith.index_cast %scan3A_189 : i32 to index
        %get3A_252 = arith.constant 80 : index
        %get3A_253 = tpu.vector_load %arg13[%get3A_251, %get3A_252] {strides = array<i32>} : memref<64x144xf32, #tpu.memory_space<vmem>>, vector<16xf32>,
        %mul3A_254 = arith.mulf %get3A_195, %get3A_253 : vector<16xf32>
        %add3A_255 = arith.addf %mul3A_250, %mul3A_254 : vector<16xf32>
        %swap3A_256 = arith.index_cast %scan3A_189 : i32 to index
        %swap3A_257 = arith.constant 80 : index
        %swap3A_258 = tpu.vector_load %arg15[%swap3A_256, %swap3A_257] {strides = array<i32>} : memref<64x144xf32, #tpu.memory_space<vmem>>, vector<16xf32>,
        tpu.vector_store %arg15[%swap3A_256, %swap3A_257], %add3A_255 {strides = array<i32>} : memref<64x144xf32, #tpu.memory_space<vmem>>, vector<16xf32>,
        %get3A_259 = arith.index_cast %scan3A_189 : i32 to index
        %get3A_260 = arith.constant 96 : index
        %get3A_261 = tpu.vector_load %arg15[%get3A_259, %get3A_260] {strides = array<i32>} : memref<64x144xf32, #tpu.memory_space<vmem>>, vector<16xf32>,
        %mul3A_262 = arith.mulf %get3A_261, %get3A_192 : vector<16xf32>
        %get3A_263 = arith.index_cast %scan3A_189 : i32 to index
        %get3A_264 = arith.constant 96 : index
        %get3A_265 = tpu.vector_load %arg13[%get3A_263, %get3A_264] {strides = array<i32>} : memref<64x144xf32, #tpu.memory_space<vmem>>, vector<16xf32>,
        %mul3A_266 = arith.mulf %get3A_195, %get3A_265 : vector<16xf32>
        %add3A_267 = arith.addf %mul3A_262, %mul3A_266 : vector<16xf32>
        %swap3A_268 = arith.index_cast %scan3A_189 : i32 to index
        %swap3A_269 = arith.constant 96 : index
        %swap3A_270 = tpu.vector_load %arg15[%swap3A_268, %swap3A_269] {strides = array<i32>} : memref<64x144xf32, #tpu.memory_space<vmem>>, vector<16xf32>,
        tpu.vector_store %arg15[%swap3A_268, %swap3A_269], %add3A_267 {strides = array<i32>} : memref<64x144xf32, #tpu.memory_space<vmem>>, vector<16xf32>,
        %get3A_271 = arith.index_cast %scan3A_189 : i32 to index
        %get3A_272 = arith.constant 112 : index
        %get3A_273 = tpu.vector_load %arg15[%get3A_271, %get3A_272] {strides = array<i32>} : memref<64x144xf32, #tpu.memory_space<vmem>>, vector<16xf32>,
        %mul3A_274 = arith.mulf %get3A_273, %get3A_192 : vector<16xf32>
        %get3A_275 = arith.index_cast %scan3A_189 : i32 to index
        %get3A_276 = arith.constant 112 : index
        %get3A_277 = tpu.vector_load %arg13[%get3A_275, %get3A_276] {strides = array<i32>} : memref<64x144xf32, #tpu.memory_space<vmem>>, vector<16xf32>,
        %mul3A_278 = arith.mulf %get3A_195, %get3A_277 : vector<16xf32>
        %add3A_279 = arith.addf %mul3A_274, %mul3A_278 : vector<16xf32>
        %swap3A_280 = arith.index_cast %scan3A_189 : i32 to index
        %swap3A_281 = arith.constant 112 : index
        %swap3A_282 = tpu.vector_load %arg15[%swap3A_280, %swap3A_281] {strides = array<i32>} : memref<64x144xf32, #tpu.memory_space<vmem>>, vector<16xf32>,
        tpu.vector_store %arg15[%swap3A_280, %swap3A_281], %add3A_279 {strides = array<i32>} : memref<64x144xf32, #tpu.memory_space<vmem>>, vector<16xf32>,
        %get3A_283 = arith.index_cast %scan3A_189 : i32 to index
        %get3A_284 = arith.constant 128 : index
        %get3A_285 = tpu.vector_load %arg15[%get3A_283, %get3A_284] {strides = array<i32>} : memref<64x144xf32, #tpu.memory_space<vmem>>, vector<16xf32>,
        %mul3A_286 = arith.mulf %get3A_285, %get3A_192 : vector<16xf32>
        %get3A_287 = arith.index_cast %scan3A_189 : i32 to index
        %get3A_288 = arith.constant 128 : index
        %get3A_289 = tpu.vector_load %arg13[%get3A_287, %get3A_288] {strides = array<i32>} : memref<64x144xf32, #tpu.memory_space<vmem>>, vector<16xf32>,
        %mul3A_290 = arith.mulf %get3A_195, %get3A_289 : vector<16xf32>
        %add3A_291 = arith.addf %mul3A_286, %mul3A_290 : vector<16xf32>
        %swap3A_292 = arith.index_cast %scan3A_189 : i32 to index
        %swap3A_293 = arith.constant 128 : index
        %swap3A_294 = tpu.vector_load %arg15[%swap3A_292, %swap3A_293] {strides = array<i32>} : memref<64x144xf32, #tpu.memory_space<vmem>>, vector<16xf32>,
        tpu.vector_store %arg15[%swap3A_292, %swap3A_293], %add3A_291 {strides = array<i32>} : memref<64x144xf32, #tpu.memory_space<vmem>>, vector<16xf32>,
        %scan3A_295 = arith.constant 0 : i32
        scf.yield %scan3A_295 : i32
      }
      %scan3A_132 = arith.constant 64 : i32
      %dma_start3A_133 = arith.constant 0 : i32
      %dma_start3A_134 = arith.constant 0 : i32
      %dma_start3A_135 = tpu.memref_slice %arg7[%dma_start3A_133, %dma_start3A_134] : memref<10240x144xf32, #tpu.memory_space<vmem_shared>> -> memref<10240x144xf32, #tpu.memory_space<vmem_shared>>
      tpu.enqueue_indirect_dma source(%arg15 : memref<64x144xf32, #tpu.memory_space<vmem>>) target(%dma_start3A_135 : memref<10240x144xf32, #tpu.memory_space<vmem_shared>>) offsets(%arg11 : memref<64xi32, #tpu.memory_space<vmem>>) semaphore(%arg21 : memref<!tpu.dma_semaphore, #tpu.memory_space<semaphore_mem>>) {add = true}
      %mul3A_136 = arith.constant 2 : i32
      %mul3A_137 = arith.muli %while3A_85, %mul3A_136 : i32
      %add3A_138 = arith.constant 1 : i32
      %add3A_139 = arith.addi %mul3A_137, %add3A_138 : i32
      %dma_wait3A_140 = arith.constant 0 : i32
      %dma_wait3A_141 = arith.constant 0 : i32
      %dma_wait3A_142 = tpu.memref_slice %arg16[%dma_wait3A_140, %dma_wait3A_141] : memref<64x144xf32, #tpu.memory_space<vmem>> -> memref<32x144xf32, #tpu.memory_space<vmem>>
      %dma_wait3A_143 = arith.constant 0 : i32
      %dma_wait3A_144 = tpu.memref_slice %arg10[%dma_wait3A_143] : memref<64xi32, #tpu.memory_space<vmem>> -> memref<32xi32, #tpu.memory_space<vmem>>
      %dma_wait3A_145 = arith.constant 0 : i32
      %dma_wait3A_146 = arith.constant 0 : i32
      %dma_wait3A_147 = tpu.memref_slice %arg2[%dma_wait3A_145, %dma_wait3A_146] : memref<10240x144xf32, #tpu.memory_space<hbm>> -> memref<10240x144xf32, #tpu.memory_space<hbm>>
      tpu.wait_indirect_dma semaphore(%arg18 : memref<!tpu.dma_semaphore, #tpu.memory_space<semaphore_mem>>) src(%dma_wait3A_147 : memref<10240x144xf32, #tpu.memory_space<hbm>>) dst(%dma_wait3A_142 : memref<32x144xf32, #tpu.memory_space<vmem>>)
      %dma_wait3A_148 = arith.constant 32 : i32
      %dma_wait3A_149 = arith.constant 0 : i32
      %dma_wait3A_150 = tpu.memref_slice %arg16[%dma_wait3A_148, %dma_wait3A_149] : memref<64x144xf32, #tpu.memory_space<vmem>> -> memref<32x144xf32, #tpu.memory_space<vmem>>
      %dma_wait3A_151 = arith.constant 32 : i32
      %dma_wait3A_152 = tpu.memref_slice %arg10[%dma_wait3A_151] : memref<64xi32, #tpu.memory_space<vmem>> -> memref<32xi32, #tpu.memory_space<vmem>>
      %dma_wait3A_153 = arith.constant 0 : i32
      %dma_wait3A_154 = arith.constant 0 : i32
      %dma_wait3A_155 = tpu.memref_slice %arg2[%dma_wait3A_153, %dma_wait3A_154] : memref<10240x144xf32, #tpu.memory_space<hbm>> -> memref<10240x144xf32, #tpu.memory_space<hbm>>
      tpu.wait_indirect_dma semaphore(%arg18 : memref<!tpu.dma_semaphore, #tpu.memory_space<semaphore_mem>>) src(%dma_wait3A_155 : memref<10240x144xf32, #tpu.memory_space<hbm>>) dst(%dma_wait3A_150 : memref<32x144xf32, #tpu.memory_space<vmem>>)
      %dma_wait3A_156 = arith.constant 0 : i32
      %dma_wait3A_157 = arith.constant 0 : i32
      %dma_wait3A_158 = tpu.memref_slice %arg3[%dma_wait3A_156, %dma_wait3A_157] : memref<163840x144xf32, #tpu.memory_space<hbm>> -> memref<64x144xf32, #tpu.memory_space<hbm>>
      %dma_wait3A_159 = arith.constant 0 : i32
      %dma_wait3A_160 = arith.constant 0 : i32
      %dma_wait3A_161 = tpu.memref_slice %arg3[%dma_wait3A_159, %dma_wait3A_160] : memref<163840x144xf32, #tpu.memory_space<hbm>> -> memref<64x144xf32, #tpu.memory_space<hbm>>
      tpu.wait_dma2 semaphore(%arg18 : memref<!tpu.dma_semaphore, #tpu.memory_space<semaphore_mem>>) src(%dma_wait3A_161 : memref<64x144xf32, #tpu.memory_space<hbm>>) dst(%arg14 : memref<64x144xf32, #tpu.memory_space<vmem>>)
      %dma_wait3A_162 = arith.constant 0 : i32
      %dma_wait3A_163 = tpu.memref_slice %arg5[%dma_wait3A_162] : memref<163840xi32, #tpu.memory_space<hbm>> -> memref<64xi32, #tpu.memory_space<hbm>>
      %dma_wait3A_164 = arith.constant 0 : i32
      %dma_wait3A_165 = tpu.memref_slice %arg5[%dma_wait3A_164] : memref<163840xi32, #tpu.memory_space<hbm>> -> memref<64xi32, #tpu.memory_space<hbm>>
      tpu.wait_dma2 semaphore(%arg18 : memref<!tpu.dma_semaphore, #tpu.memory_space<semaphore_mem>>) src(%dma_wait3A_165 : memref<64xi32, #tpu.memory_space<hbm>>) dst(%arg12 : memref<64xi32, #tpu.memory_space<vmem>>)
      %add3A_166 = arith.constant 1 : i32
      %add3A_167 = arith.addi %add3A_139, %add3A_166 : i32
      %lt3A_168 = arith.cmpi slt, %add3A_167, %select_n3A : i32
      %convert_element_type3A_169 = arith.extui %lt3A_168 : i1 to i32
      %cond3A_170 = arith.constant 0 : i32
      %cond3A_171 = arith.cmpi ne, %convert_element_type3A_169, %cond3A_170 : i32
      scf.if %cond3A_171 {
        %ge3A = arith.constant 1 : i32
        %ge3A_189 = arith.cmpi sge, %add3A_139, %ge3A : i32
        %convert_element_type3A_190 = arith.extui %ge3A_189 : i1 to i32
        %cond3A_191 = arith.constant 0 : i32
        %cond3A_192 = arith.cmpi ne, %convert_element_type3A_190, %cond3A_191 : i32
        scf.if %cond3A_192 {
          %dma_wait3A_224 = arith.constant 0 : i32
          %dma_wait3A_225 = arith.constant 0 : i32
          %dma_wait3A_226 = tpu.memref_slice %arg7[%dma_wait3A_224, %dma_wait3A_225] : memref<10240x144xf32, #tpu.memory_space<vmem_shared>> -> memref<10240x144xf32, #tpu.memory_space<vmem_shared>>
          tpu.wait_indirect_dma semaphore(%arg21 : memref<!tpu.dma_semaphore, #tpu.memory_space<semaphore_mem>>) src(%arg15 : memref<64x144xf32, #tpu.memory_space<vmem>>) dst(%dma_wait3A_226 : memref<10240x144xf32, #tpu.memory_space<vmem_shared>>)
        } else {
        }
        %dma_wait3A_193 = arith.constant 0 : i32
        %dma_wait3A_194 = tpu.memref_slice %arg4[%dma_wait3A_193] : memref<163840xi32, #tpu.memory_space<hbm>> -> memref<64xi32, #tpu.memory_space<hbm>>
        %dma_wait3A_195 = arith.constant 0 : i32
        %dma_wait3A_196 = tpu.memref_slice %arg4[%dma_wait3A_195] : memref<163840xi32, #tpu.memory_space<hbm>> -> memref<64xi32, #tpu.memory_space<hbm>>
        tpu.wait_dma2 semaphore(%arg19 : memref<!tpu.dma_semaphore, #tpu.memory_space<semaphore_mem>>) src(%dma_wait3A_196 : memref<64xi32, #tpu.memory_space<hbm>>) dst(%arg9 : memref<64xi32, #tpu.memory_space<vmem>>)
        %add3A_197 = arith.constant 1 : i32
        %add3A_198 = arith.addi %add3A_139, %add3A_197 : i32
        %mul3A_199 = arith.constant 64 : i32
        %mul3A_200 = arith.muli %add3A_198, %mul3A_199 : i32
        %add3A_201 = arith.addi %add3A, %mul3A_200 : i32
        %dma_start3A_202 = arith.constant 0 : i32
        %dma_start3A_203 = arith.constant 0 : i32
        %dma_start3A_204 = tpu.memref_slice %arg15[%dma_start3A_202, %dma_start3A_203] : memref<64x144xf32, #tpu.memory_space<vmem>> -> memref<32x144xf32, #tpu.memory_space<vmem>>
        %dma_start3A_205 = arith.constant 0 : i32
        %dma_start3A_206 = tpu.memref_slice %arg9[%dma_start3A_205] : memref<64xi32, #tpu.memory_space<vmem>> -> memref<32xi32, #tpu.memory_space<vmem>>
        %dma_start3A_207 = arith.constant 0 : i32
        %dma_start3A_208 = arith.constant 0 : i32
        %dma_start3A_209 = tpu.memref_slice %arg2[%dma_start3A_207, %dma_start3A_208] : memref<10240x144xf32, #tpu.memory_space<hbm>> -> memref<10240x144xf32, #tpu.memory_space<hbm>>
        tpu.enqueue_indirect_dma source(%dma_start3A_209 : memref<10240x144xf32, #tpu.memory_space<hbm>>) target(%dma_start3A_204 : memref<32x144xf32, #tpu.memory_space<vmem>>) offsets(%dma_start3A_206 : memref<32xi32, #tpu.memory_space<vmem>>) semaphore(%arg17 : memref<!tpu.dma_semaphore, #tpu.memory_space<semaphore_mem>>)
        %dma_start3A_210 = arith.constant 32 : i32
        %dma_start3A_211 = arith.constant 0 : i32
        %dma_start3A_212 = tpu.memref_slice %arg15[%dma_start3A_210, %dma_start3A_211] : memref<64x144xf32, #tpu.memory_space<vmem>> -> memref<32x144xf32, #tpu.memory_space<vmem>>
        %dma_start3A_213 = arith.constant 32 : i32
        %dma_start3A_214 = tpu.memref_slice %arg9[%dma_start3A_213] : memref<64xi32, #tpu.memory_space<vmem>> -> memref<32xi32, #tpu.memory_space<vmem>>
        %dma_start3A_215 = arith.constant 0 : i32
        %dma_start3A_216 = arith.constant 0 : i32
        %dma_start3A_217 = tpu.memref_slice %arg2[%dma_start3A_215, %dma_start3A_216] : memref<10240x144xf32, #tpu.memory_space<hbm>> -> memref<10240x144xf32, #tpu.memory_space<hbm>>
        tpu.enqueue_indirect_dma source(%dma_start3A_217 : memref<10240x144xf32, #tpu.memory_space<hbm>>) target(%dma_start3A_212 : memref<32x144xf32, #tpu.memory_space<vmem>>) offsets(%dma_start3A_214 : memref<32xi32, #tpu.memory_space<vmem>>) semaphore(%arg17 : memref<!tpu.dma_semaphore, #tpu.memory_space<semaphore_mem>>)
        %dma_start3A_218 = arith.constant 0 : i32
        %dma_start3A_219 = tpu.memref_slice %arg3[%add3A_201, %dma_start3A_218] : memref<163840x144xf32, #tpu.memory_space<hbm>> -> memref<64x144xf32, #tpu.memory_space<hbm>>
        %dma_start3A_220 = arith.constant 0 : i32
        %dma_start3A_221 = tpu.memref_slice %arg3[%add3A_201, %dma_start3A_220] : memref<163840x144xf32, #tpu.memory_space<hbm>> -> memref<64x144xf32, #tpu.memory_space<hbm>>
        tpu.enqueue_dma source(%dma_start3A_221 : memref<64x144xf32, #tpu.memory_space<hbm>>) target(%arg13 : memref<64x144xf32, #tpu.memory_space<vmem>>) target_semaphore(%arg17 : memref<!tpu.dma_semaphore, #tpu.memory_space<semaphore_mem>>)
        %dma_start3A_222 = tpu.memref_slice %arg5[%add3A_201] : memref<163840xi32, #tpu.memory_space<hbm>> -> memref<64xi32, #tpu.memory_space<hbm>>
        %dma_start3A_223 = tpu.memref_slice %arg5[%add3A_201] : memref<163840xi32, #tpu.memory_space<hbm>> -> memref<64xi32, #tpu.memory_space<hbm>>
        tpu.enqueue_dma source(%dma_start3A_223 : memref<64xi32, #tpu.memory_space<hbm>>) target(%arg11 : memref<64xi32, #tpu.memory_space<vmem>>) target_semaphore(%arg17 : memref<!tpu.dma_semaphore, #tpu.memory_space<semaphore_mem>>)
      } else {
      }
      %add3A_172 = arith.constant 2 : i32
      %add3A_173 = arith.addi %add3A_139, %add3A_172 : i32
      %lt3A_174 = arith.cmpi slt, %add3A_173, %select_n3A : i32
      %convert_element_type3A_175 = arith.extui %lt3A_174 : i1 to i32
      %cond3A_176 = arith.constant 0 : i32
      %cond3A_177 = arith.cmpi ne, %convert_element_type3A_175, %cond3A_176 : i32
      scf.if %cond3A_177 {
        %add3A_189 = arith.constant 2 : i32
        %add3A_190 = arith.addi %add3A_139, %add3A_189 : i32
        %mul3A_191 = arith.constant 64 : i32
        %mul3A_192 = arith.muli %add3A_190, %mul3A_191 : i32
        %add3A_193 = arith.addi %add3A, %mul3A_192 : i32
        %dma_start3A_194 = tpu.memref_slice %arg4[%add3A_193] : memref<163840xi32, #tpu.memory_space<hbm>> -> memref<64xi32, #tpu.memory_space<hbm>>
        %dma_start3A_195 = tpu.memref_slice %arg4[%add3A_193] : memref<163840xi32, #tpu.memory_space<hbm>> -> memref<64xi32, #tpu.memory_space<hbm>>
        tpu.enqueue_dma source(%dma_start3A_195 : memref<64xi32, #tpu.memory_space<hbm>>) target(%arg10 : memref<64xi32, #tpu.memory_space<vmem>>) target_semaphore(%arg20 : memref<!tpu.dma_semaphore, #tpu.memory_space<semaphore_mem>>)
      } else {
      }
      %scan3A_178 = arith.constant 0 : i32
      %scan3A_179 = arith.constant 0 : i32
      %scan3A_180 = arith.constant 64 : i32
      %scan3A_181 = arith.addi %scan3A_179, %scan3A_180 : i32
      %scan3A_182 = arith.constant 1 : i32
      %scan3A_183 = scf.for %scan3A_189 = %scan3A_179 to %scan3A_181 step %scan3A_182 iter_args(%scan3A_190 = %scan3A_178) -> (i32)  : i32 {
        %get3A = arith.index_cast %scan3A_189 : i32 to index
        %get3A_191 = arith.constant 0 : index
        %get3A_192 = tpu.vector_load %arg14[%get3A, %get3A_191] {strides = array<i32>} : memref<64x144xf32, #tpu.memory_space<vmem>>, vector<16xf32>,
        %get3A_193 = arith.index_cast %scan3A_189 : i32 to index
        %get3A_194 = arith.constant 0 : index
        %get3A_195 = tpu.vector_load %arg16[%get3A_193, %get3A_194] {strides = array<i32>} : memref<64x144xf32, #tpu.memory_space<vmem>>, vector<16xf32>,
        %mul3A_196 = arith.mulf %get3A_195, %get3A_192 : vector<16xf32>
        %swap3A = arith.index_cast %scan3A_189 : i32 to index
        %swap3A_197 = arith.constant 0 : index
        %swap3A_198 = tpu.vector_load %arg16[%swap3A, %swap3A_197] {strides = array<i32>} : memref<64x144xf32, #tpu.memory_space<vmem>>, vector<16xf32>,
        tpu.vector_store %arg16[%swap3A, %swap3A_197], %mul3A_196 {strides = array<i32>} : memref<64x144xf32, #tpu.memory_space<vmem>>, vector<16xf32>,
        %get3A_199 = arith.index_cast %scan3A_189 : i32 to index
        %get3A_200 = arith.constant 16 : index
        %get3A_201 = tpu.vector_load %arg16[%get3A_199, %get3A_200] {strides = array<i32>} : memref<64x144xf32, #tpu.memory_space<vmem>>, vector<16xf32>,
        %mul3A_202 = arith.mulf %get3A_201, %get3A_192 : vector<16xf32>
        %get3A_203 = arith.index_cast %scan3A_189 : i32 to index
        %get3A_204 = arith.constant 16 : index
        %get3A_205 = tpu.vector_load %arg14[%get3A_203, %get3A_204] {strides = array<i32>} : memref<64x144xf32, #tpu.memory_space<vmem>>, vector<16xf32>,
        %mul3A_206 = arith.mulf %get3A_195, %get3A_205 : vector<16xf32>
        %add3A_207 = arith.addf %mul3A_202, %mul3A_206 : vector<16xf32>
        %swap3A_208 = arith.index_cast %scan3A_189 : i32 to index
        %swap3A_209 = arith.constant 16 : index
        %swap3A_210 = tpu.vector_load %arg16[%swap3A_208, %swap3A_209] {strides = array<i32>} : memref<64x144xf32, #tpu.memory_space<vmem>>, vector<16xf32>,
        tpu.vector_store %arg16[%swap3A_208, %swap3A_209], %add3A_207 {strides = array<i32>} : memref<64x144xf32, #tpu.memory_space<vmem>>, vector<16xf32>,
        %get3A_211 = arith.index_cast %scan3A_189 : i32 to index
        %get3A_212 = arith.constant 32 : index
        %get3A_213 = tpu.vector_load %arg16[%get3A_211, %get3A_212] {strides = array<i32>} : memref<64x144xf32, #tpu.memory_space<vmem>>, vector<16xf32>,
        %mul3A_214 = arith.mulf %get3A_213, %get3A_192 : vector<16xf32>
        %get3A_215 = arith.index_cast %scan3A_189 : i32 to index
        %get3A_216 = arith.constant 32 : index
        %get3A_217 = tpu.vector_load %arg14[%get3A_215, %get3A_216] {strides = array<i32>} : memref<64x144xf32, #tpu.memory_space<vmem>>, vector<16xf32>,
        %mul3A_218 = arith.mulf %get3A_195, %get3A_217 : vector<16xf32>
        %add3A_219 = arith.addf %mul3A_214, %mul3A_218 : vector<16xf32>
        %swap3A_220 = arith.index_cast %scan3A_189 : i32 to index
        %swap3A_221 = arith.constant 32 : index
        %swap3A_222 = tpu.vector_load %arg16[%swap3A_220, %swap3A_221] {strides = array<i32>} : memref<64x144xf32, #tpu.memory_space<vmem>>, vector<16xf32>,
        tpu.vector_store %arg16[%swap3A_220, %swap3A_221], %add3A_219 {strides = array<i32>} : memref<64x144xf32, #tpu.memory_space<vmem>>, vector<16xf32>,
        %get3A_223 = arith.index_cast %scan3A_189 : i32 to index
        %get3A_224 = arith.constant 48 : index
        %get3A_225 = tpu.vector_load %arg16[%get3A_223, %get3A_224] {strides = array<i32>} : memref<64x144xf32, #tpu.memory_space<vmem>>, vector<16xf32>,
        %mul3A_226 = arith.mulf %get3A_225, %get3A_192 : vector<16xf32>
        %get3A_227 = arith.index_cast %scan3A_189 : i32 to index
        %get3A_228 = arith.constant 48 : index
        %get3A_229 = tpu.vector_load %arg14[%get3A_227, %get3A_228] {strides = array<i32>} : memref<64x144xf32, #tpu.memory_space<vmem>>, vector<16xf32>,
        %mul3A_230 = arith.mulf %get3A_195, %get3A_229 : vector<16xf32>
        %add3A_231 = arith.addf %mul3A_226, %mul3A_230 : vector<16xf32>
        %swap3A_232 = arith.index_cast %scan3A_189 : i32 to index
        %swap3A_233 = arith.constant 48 : index
        %swap3A_234 = tpu.vector_load %arg16[%swap3A_232, %swap3A_233] {strides = array<i32>} : memref<64x144xf32, #tpu.memory_space<vmem>>, vector<16xf32>,
        tpu.vector_store %arg16[%swap3A_232, %swap3A_233], %add3A_231 {strides = array<i32>} : memref<64x144xf32, #tpu.memory_space<vmem>>, vector<16xf32>,
        %get3A_235 = arith.index_cast %scan3A_189 : i32 to index
        %get3A_236 = arith.constant 64 : index
        %get3A_237 = tpu.vector_load %arg16[%get3A_235, %get3A_236] {strides = array<i32>} : memref<64x144xf32, #tpu.memory_space<vmem>>, vector<16xf32>,
        %mul3A_238 = arith.mulf %get3A_237, %get3A_192 : vector<16xf32>
        %get3A_239 = arith.index_cast %scan3A_189 : i32 to index
        %get3A_240 = arith.constant 64 : index
        %get3A_241 = tpu.vector_load %arg14[%get3A_239, %get3A_240] {strides = array<i32>} : memref<64x144xf32, #tpu.memory_space<vmem>>, vector<16xf32>,
        %mul3A_242 = arith.mulf %get3A_195, %get3A_241 : vector<16xf32>
        %add3A_243 = arith.addf %mul3A_238, %mul3A_242 : vector<16xf32>
        %swap3A_244 = arith.index_cast %scan3A_189 : i32 to index
        %swap3A_245 = arith.constant 64 : index
        %swap3A_246 = tpu.vector_load %arg16[%swap3A_244, %swap3A_245] {strides = array<i32>} : memref<64x144xf32, #tpu.memory_space<vmem>>, vector<16xf32>,
        tpu.vector_store %arg16[%swap3A_244, %swap3A_245], %add3A_243 {strides = array<i32>} : memref<64x144xf32, #tpu.memory_space<vmem>>, vector<16xf32>,
        %get3A_247 = arith.index_cast %scan3A_189 : i32 to index
        %get3A_248 = arith.constant 80 : index
        %get3A_249 = tpu.vector_load %arg16[%get3A_247, %get3A_248] {strides = array<i32>} : memref<64x144xf32, #tpu.memory_space<vmem>>, vector<16xf32>,
        %mul3A_250 = arith.mulf %get3A_249, %get3A_192 : vector<16xf32>
        %get3A_251 = arith.index_cast %scan3A_189 : i32 to index
        %get3A_252 = arith.constant 80 : index
        %get3A_253 = tpu.vector_load %arg14[%get3A_251, %get3A_252] {strides = array<i32>} : memref<64x144xf32, #tpu.memory_space<vmem>>, vector<16xf32>,
        %mul3A_254 = arith.mulf %get3A_195, %get3A_253 : vector<16xf32>
        %add3A_255 = arith.addf %mul3A_250, %mul3A_254 : vector<16xf32>
        %swap3A_256 = arith.index_cast %scan3A_189 : i32 to index
        %swap3A_257 = arith.constant 80 : index
        %swap3A_258 = tpu.vector_load %arg16[%swap3A_256, %swap3A_257] {strides = array<i32>} : memref<64x144xf32, #tpu.memory_space<vmem>>, vector<16xf32>,
        tpu.vector_store %arg16[%swap3A_256, %swap3A_257], %add3A_255 {strides = array<i32>} : memref<64x144xf32, #tpu.memory_space<vmem>>, vector<16xf32>,
        %get3A_259 = arith.index_cast %scan3A_189 : i32 to index
        %get3A_260 = arith.constant 96 : index
        %get3A_261 = tpu.vector_load %arg16[%get3A_259, %get3A_260] {strides = array<i32>} : memref<64x144xf32, #tpu.memory_space<vmem>>, vector<16xf32>,
        %mul3A_262 = arith.mulf %get3A_261, %get3A_192 : vector<16xf32>
        %get3A_263 = arith.index_cast %scan3A_189 : i32 to index
        %get3A_264 = arith.constant 96 : index
        %get3A_265 = tpu.vector_load %arg14[%get3A_263, %get3A_264] {strides = array<i32>} : memref<64x144xf32, #tpu.memory_space<vmem>>, vector<16xf32>,
        %mul3A_266 = arith.mulf %get3A_195, %get3A_265 : vector<16xf32>
        %add3A_267 = arith.addf %mul3A_262, %mul3A_266 : vector<16xf32>
        %swap3A_268 = arith.index_cast %scan3A_189 : i32 to index
        %swap3A_269 = arith.constant 96 : index
        %swap3A_270 = tpu.vector_load %arg16[%swap3A_268, %swap3A_269] {strides = array<i32>} : memref<64x144xf32, #tpu.memory_space<vmem>>, vector<16xf32>,
        tpu.vector_store %arg16[%swap3A_268, %swap3A_269], %add3A_267 {strides = array<i32>} : memref<64x144xf32, #tpu.memory_space<vmem>>, vector<16xf32>,
        %get3A_271 = arith.index_cast %scan3A_189 : i32 to index
        %get3A_272 = arith.constant 112 : index
        %get3A_273 = tpu.vector_load %arg16[%get3A_271, %get3A_272] {strides = array<i32>} : memref<64x144xf32, #tpu.memory_space<vmem>>, vector<16xf32>,
        %mul3A_274 = arith.mulf %get3A_273, %get3A_192 : vector<16xf32>
        %get3A_275 = arith.index_cast %scan3A_189 : i32 to index
        %get3A_276 = arith.constant 112 : index
        %get3A_277 = tpu.vector_load %arg14[%get3A_275, %get3A_276] {strides = array<i32>} : memref<64x144xf32, #tpu.memory_space<vmem>>, vector<16xf32>,
        %mul3A_278 = arith.mulf %get3A_195, %get3A_277 : vector<16xf32>
        %add3A_279 = arith.addf %mul3A_274, %mul3A_278 : vector<16xf32>
        %swap3A_280 = arith.index_cast %scan3A_189 : i32 to index
        %swap3A_281 = arith.constant 112 : index
        %swap3A_282 = tpu.vector_load %arg16[%swap3A_280, %swap3A_281] {strides = array<i32>} : memref<64x144xf32, #tpu.memory_space<vmem>>, vector<16xf32>,
        tpu.vector_store %arg16[%swap3A_280, %swap3A_281], %add3A_279 {strides = array<i32>} : memref<64x144xf32, #tpu.memory_space<vmem>>, vector<16xf32>,
        %get3A_283 = arith.index_cast %scan3A_189 : i32 to index
        %get3A_284 = arith.constant 128 : index
        %get3A_285 = tpu.vector_load %arg16[%get3A_283, %get3A_284] {strides = array<i32>} : memref<64x144xf32, #tpu.memory_space<vmem>>, vector<16xf32>,
        %mul3A_286 = arith.mulf %get3A_285, %get3A_192 : vector<16xf32>
        %get3A_287 = arith.index_cast %scan3A_189 : i32 to index
        %get3A_288 = arith.constant 128 : index
        %get3A_289 = tpu.vector_load %arg14[%get3A_287, %get3A_288] {strides = array<i32>} : memref<64x144xf32, #tpu.memory_space<vmem>>, vector<16xf32>,
        %mul3A_290 = arith.mulf %get3A_195, %get3A_289 : vector<16xf32>
        %add3A_291 = arith.addf %mul3A_286, %mul3A_290 : vector<16xf32>
        %swap3A_292 = arith.index_cast %scan3A_189 : i32 to index
        %swap3A_293 = arith.constant 128 : index
        %swap3A_294 = tpu.vector_load %arg16[%swap3A_292, %swap3A_293] {strides = array<i32>} : memref<64x144xf32, #tpu.memory_space<vmem>>, vector<16xf32>,
        tpu.vector_store %arg16[%swap3A_292, %swap3A_293], %add3A_291 {strides = array<i32>} : memref<64x144xf32, #tpu.memory_space<vmem>>, vector<16xf32>,
        %scan3A_295 = arith.constant 0 : i32
        scf.yield %scan3A_295 : i32
      }
      %scan3A_184 = arith.constant 64 : i32
      %dma_start3A_185 = arith.constant 0 : i32
      %dma_start3A_186 = arith.constant 0 : i32
      %dma_start3A_187 = tpu.memref_slice %arg7[%dma_start3A_185, %dma_start3A_186] : memref<10240x144xf32, #tpu.memory_space<vmem_shared>> -> memref<10240x144xf32, #tpu.memory_space<vmem_shared>>
      tpu.enqueue_indirect_dma source(%arg16 : memref<64x144xf32, #tpu.memory_space<vmem>>) target(%dma_start3A_187 : memref<10240x144xf32, #tpu.memory_space<vmem_shared>>) offsets(%arg12 : memref<64xi32, #tpu.memory_space<vmem>>) semaphore(%arg22 : memref<!tpu.dma_semaphore, #tpu.memory_space<semaphore_mem>>) {add = true}
      %while3A_188 = arith.constant 0 : i32
      scf.yield %while3A_188 : i32
    }
    %while3A_73 = arith.constant 1 : i32
    %while3A_74 = scf.for %while3A_85 = %while3A_70 to %while3A_66 step %while3A_73 iter_args(%while3A_86 = %while3A_72) -> (i32)  : i32 {
      %mul3A_87 = arith.constant 2 : i32
      %mul3A_88 = arith.muli %while3A_85, %mul3A_87 : i32
      %add3A_89 = arith.constant 0 : i32
      %add3A_90 = arith.addi %mul3A_88, %add3A_89 : i32
      %dma_wait3A_91 = arith.constant 0 : i32
      %dma_wait3A_92 = arith.constant 0 : i32
      %dma_wait3A_93 = tpu.memref_slice %arg15[%dma_wait3A_91, %dma_wait3A_92] : memref<64x144xf32, #tpu.memory_space<vmem>> -> memref<32x144xf32, #tpu.memory_space<vmem>>
      %dma_wait3A_94 = arith.constant 0 : i32
      %dma_wait3A_95 = tpu.memref_slice %arg9[%dma_wait3A_94] : memref<64xi32, #tpu.memory_space<vmem>> -> memref<32xi32, #tpu.memory_space<vmem>>
      %dma_wait3A_96 = arith.constant 0 : i32
      %dma_wait3A_97 = arith.constant 0 : i32
      %dma_wait3A_98 = tpu.memref_slice %arg2[%dma_wait3A_96, %dma_wait3A_97] : memref<10240x144xf32, #tpu.memory_space<hbm>> -> memref<10240x144xf32, #tpu.memory_space<hbm>>
      tpu.wait_indirect_dma semaphore(%arg17 : memref<!tpu.dma_semaphore, #tpu.memory_space<semaphore_mem>>) src(%dma_wait3A_98 : memref<10240x144xf32, #tpu.memory_space<hbm>>) dst(%dma_wait3A_93 : memref<32x144xf32, #tpu.memory_space<vmem>>)
      %dma_wait3A_99 = arith.constant 32 : i32
      %dma_wait3A_100 = arith.constant 0 : i32
      %dma_wait3A_101 = tpu.memref_slice %arg15[%dma_wait3A_99, %dma_wait3A_100] : memref<64x144xf32, #tpu.memory_space<vmem>> -> memref<32x144xf32, #tpu.memory_space<vmem>>
      %dma_wait3A_102 = arith.constant 32 : i32
      %dma_wait3A_103 = tpu.memref_slice %arg9[%dma_wait3A_102] : memref<64xi32, #tpu.memory_space<vmem>> -> memref<32xi32, #tpu.memory_space<vmem>>
      %dma_wait3A_104 = arith.constant 0 : i32
      %dma_wait3A_105 = arith.constant 0 : i32
      %dma_wait3A_106 = tpu.memref_slice %arg2[%dma_wait3A_104, %dma_wait3A_105] : memref<10240x144xf32, #tpu.memory_space<hbm>> -> memref<10240x144xf32, #tpu.memory_space<hbm>>
      tpu.wait_indirect_dma semaphore(%arg17 : memref<!tpu.dma_semaphore, #tpu.memory_space<semaphore_mem>>) src(%dma_wait3A_106 : memref<10240x144xf32, #tpu.memory_space<hbm>>) dst(%dma_wait3A_101 : memref<32x144xf32, #tpu.memory_space<vmem>>)
      %dma_wait3A_107 = arith.constant 0 : i32
      %dma_wait3A_108 = arith.constant 0 : i32
      %dma_wait3A_109 = tpu.memref_slice %arg3[%dma_wait3A_107, %dma_wait3A_108] : memref<163840x144xf32, #tpu.memory_space<hbm>> -> memref<64x144xf32, #tpu.memory_space<hbm>>
      %dma_wait3A_110 = arith.constant 0 : i32
      %dma_wait3A_111 = arith.constant 0 : i32
      %dma_wait3A_112 = tpu.memref_slice %arg3[%dma_wait3A_110, %dma_wait3A_111] : memref<163840x144xf32, #tpu.memory_space<hbm>> -> memref<64x144xf32, #tpu.memory_space<hbm>>
      tpu.wait_dma2 semaphore(%arg17 : memref<!tpu.dma_semaphore, #tpu.memory_space<semaphore_mem>>) src(%dma_wait3A_112 : memref<64x144xf32, #tpu.memory_space<hbm>>) dst(%arg13 : memref<64x144xf32, #tpu.memory_space<vmem>>)
      %dma_wait3A_113 = arith.constant 0 : i32
      %dma_wait3A_114 = tpu.memref_slice %arg5[%dma_wait3A_113] : memref<163840xi32, #tpu.memory_space<hbm>> -> memref<64xi32, #tpu.memory_space<hbm>>
      %dma_wait3A_115 = arith.constant 0 : i32
      %dma_wait3A_116 = tpu.memref_slice %arg5[%dma_wait3A_115] : memref<163840xi32, #tpu.memory_space<hbm>> -> memref<64xi32, #tpu.memory_space<hbm>>
      tpu.wait_dma2 semaphore(%arg17 : memref<!tpu.dma_semaphore, #tpu.memory_space<semaphore_mem>>) src(%dma_wait3A_116 : memref<64xi32, #tpu.memory_space<hbm>>) dst(%arg11 : memref<64xi32, #tpu.memory_space<vmem>>)
      %add3A_117 = arith.constant 1 : i32
      %add3A_118 = arith.addi %add3A_90, %add3A_117 : i32
      %lt3A = arith.cmpi slt, %add3A_118, %select_n3A : i32
      %convert_element_type3A = arith.extui %lt3A : i1 to i32
      %cond3A = arith.constant 0 : i32
      %cond3A_119 = arith.cmpi ne, %convert_element_type3A, %cond3A : i32
      scf.if %cond3A_119 {
        %ge3A = arith.constant 1 : i32
        %ge3A_189 = arith.cmpi sge, %add3A_90, %ge3A : i32
        %convert_element_type3A_190 = arith.extui %ge3A_189 : i1 to i32
        %cond3A_191 = arith.constant 0 : i32
        %cond3A_192 = arith.cmpi ne, %convert_element_type3A_190, %cond3A_191 : i32
        scf.if %cond3A_192 {
          %dma_wait3A_224 = arith.constant 0 : i32
          %dma_wait3A_225 = arith.constant 0 : i32
          %dma_wait3A_226 = tpu.memref_slice %arg7[%dma_wait3A_224, %dma_wait3A_225] : memref<10240x144xf32, #tpu.memory_space<vmem_shared>> -> memref<10240x144xf32, #tpu.memory_space<vmem_shared>>
          tpu.wait_indirect_dma semaphore(%arg22 : memref<!tpu.dma_semaphore, #tpu.memory_space<semaphore_mem>>) src(%arg16 : memref<64x144xf32, #tpu.memory_space<vmem>>) dst(%dma_wait3A_226 : memref<10240x144xf32, #tpu.memory_space<vmem_shared>>)
        } else {
        }
        %dma_wait3A_193 = arith.constant 0 : i32
        %dma_wait3A_194 = tpu.memref_slice %arg4[%dma_wait3A_193] : memref<163840xi32, #tpu.memory_space<hbm>> -> memref<64xi32, #tpu.memory_space<hbm>>
        %dma_wait3A_195 = arith.constant 0 : i32
        %dma_wait3A_196 = tpu.memref_slice %arg4[%dma_wait3A_195] : memref<163840xi32, #tpu.memory_space<hbm>> -> memref<64xi32, #tpu.memory_space<hbm>>
        tpu.wait_dma2 semaphore(%arg20 : memref<!tpu.dma_semaphore, #tpu.memory_space<semaphore_mem>>) src(%dma_wait3A_196 : memref<64xi32, #tpu.memory_space<hbm>>) dst(%arg10 : memref<64xi32, #tpu.memory_space<vmem>>)
        %add3A_197 = arith.constant 1 : i32
        %add3A_198 = arith.addi %add3A_90, %add3A_197 : i32
        %mul3A_199 = arith.constant 64 : i32
        %mul3A_200 = arith.muli %add3A_198, %mul3A_199 : i32
        %add3A_201 = arith.addi %add3A, %mul3A_200 : i32
        %dma_start3A_202 = arith.constant 0 : i32
        %dma_start3A_203 = arith.constant 0 : i32
        %dma_start3A_204 = tpu.memref_slice %arg16[%dma_start3A_202, %dma_start3A_203] : memref<64x144xf32, #tpu.memory_space<vmem>> -> memref<32x144xf32, #tpu.memory_space<vmem>>
        %dma_start3A_205 = arith.constant 0 : i32
        %dma_start3A_206 = tpu.memref_slice %arg10[%dma_start3A_205] : memref<64xi32, #tpu.memory_space<vmem>> -> memref<32xi32, #tpu.memory_space<vmem>>
        %dma_start3A_207 = arith.constant 0 : i32
        %dma_start3A_208 = arith.constant 0 : i32
        %dma_start3A_209 = tpu.memref_slice %arg2[%dma_start3A_207, %dma_start3A_208] : memref<10240x144xf32, #tpu.memory_space<hbm>> -> memref<10240x144xf32, #tpu.memory_space<hbm>>
        tpu.enqueue_indirect_dma source(%dma_start3A_209 : memref<10240x144xf32, #tpu.memory_space<hbm>>) target(%dma_start3A_204 : memref<32x144xf32, #tpu.memory_space<vmem>>) offsets(%dma_start3A_206 : memref<32xi32, #tpu.memory_space<vmem>>) semaphore(%arg18 : memref<!tpu.dma_semaphore, #tpu.memory_space<semaphore_mem>>)
        %dma_start3A_210 = arith.constant 32 : i32
        %dma_start3A_211 = arith.constant 0 : i32
        %dma_start3A_212 = tpu.memref_slice %arg16[%dma_start3A_210, %dma_start3A_211] : memref<64x144xf32, #tpu.memory_space<vmem>> -> memref<32x144xf32, #tpu.memory_space<vmem>>
        %dma_start3A_213 = arith.constant 32 : i32
        %dma_start3A_214 = tpu.memref_slice %arg10[%dma_start3A_213] : memref<64xi32, #tpu.memory_space<vmem>> -> memref<32xi32, #tpu.memory_space<vmem>>
        %dma_start3A_215 = arith.constant 0 : i32
        %dma_start3A_216 = arith.constant 0 : i32
        %dma_start3A_217 = tpu.memref_slice %arg2[%dma_start3A_215, %dma_start3A_216] : memref<10240x144xf32, #tpu.memory_space<hbm>> -> memref<10240x144xf32, #tpu.memory_space<hbm>>
        tpu.enqueue_indirect_dma source(%dma_start3A_217 : memref<10240x144xf32, #tpu.memory_space<hbm>>) target(%dma_start3A_212 : memref<32x144xf32, #tpu.memory_space<vmem>>) offsets(%dma_start3A_214 : memref<32xi32, #tpu.memory_space<vmem>>) semaphore(%arg18 : memref<!tpu.dma_semaphore, #tpu.memory_space<semaphore_mem>>)
        %dma_start3A_218 = arith.constant 0 : i32
        %dma_start3A_219 = tpu.memref_slice %arg3[%add3A_201, %dma_start3A_218] : memref<163840x144xf32, #tpu.memory_space<hbm>> -> memref<64x144xf32, #tpu.memory_space<hbm>>
        %dma_start3A_220 = arith.constant 0 : i32
        %dma_start3A_221 = tpu.memref_slice %arg3[%add3A_201, %dma_start3A_220] : memref<163840x144xf32, #tpu.memory_space<hbm>> -> memref<64x144xf32, #tpu.memory_space<hbm>>
        tpu.enqueue_dma source(%dma_start3A_221 : memref<64x144xf32, #tpu.memory_space<hbm>>) target(%arg14 : memref<64x144xf32, #tpu.memory_space<vmem>>) target_semaphore(%arg18 : memref<!tpu.dma_semaphore, #tpu.memory_space<semaphore_mem>>)
        %dma_start3A_222 = tpu.memref_slice %arg5[%add3A_201] : memref<163840xi32, #tpu.memory_space<hbm>> -> memref<64xi32, #tpu.memory_space<hbm>>
        %dma_start3A_223 = tpu.memref_slice %arg5[%add3A_201] : memref<163840xi32, #tpu.memory_space<hbm>> -> memref<64xi32, #tpu.memory_space<hbm>>
        tpu.enqueue_dma source(%dma_start3A_223 : memref<64xi32, #tpu.memory_space<hbm>>) target(%arg12 : memref<64xi32, #tpu.memory_space<vmem>>) target_semaphore(%arg18 : memref<!tpu.dma_semaphore, #tpu.memory_space<semaphore_mem>>)
      } else {
      }
      %add3A_120 = arith.constant 2 : i32
      %add3A_121 = arith.addi %add3A_90, %add3A_120 : i32
      %lt3A_122 = arith.cmpi slt, %add3A_121, %select_n3A : i32
      %convert_element_type3A_123 = arith.extui %lt3A_122 : i1 to i32
      %cond3A_124 = arith.constant 0 : i32
      %cond3A_125 = arith.cmpi ne, %convert_element_type3A_123, %cond3A_124 : i32
      scf.if %cond3A_125 {
        %add3A_189 = arith.constant 2 : i32
        %add3A_190 = arith.addi %add3A_90, %add3A_189 : i32
        %mul3A_191 = arith.constant 64 : i32
        %mul3A_192 = arith.muli %add3A_190, %mul3A_191 : i32
        %add3A_193 = arith.addi %add3A, %mul3A_192 : i32
        %dma_start3A_194 = tpu.memref_slice %arg4[%add3A_193] : memref<163840xi32, #tpu.memory_space<hbm>> -> memref<64xi32, #tpu.memory_space<hbm>>
        %dma_start3A_195 = tpu.memref_slice %arg4[%add3A_193] : memref<163840xi32, #tpu.memory_space<hbm>> -> memref<64xi32, #tpu.memory_space<hbm>>
        tpu.enqueue_dma source(%dma_start3A_195 : memref<64xi32, #tpu.memory_space<hbm>>) target(%arg9 : memref<64xi32, #tpu.memory_space<vmem>>) target_semaphore(%arg19 : memref<!tpu.dma_semaphore, #tpu.memory_space<semaphore_mem>>)
      } else {
      }
      %scan3A_126 = arith.constant 0 : i32
      %scan3A_127 = arith.constant 0 : i32
      %scan3A_128 = arith.constant 64 : i32
      %scan3A_129 = arith.addi %scan3A_127, %scan3A_128 : i32
      %scan3A_130 = arith.constant 1 : i32
      %scan3A_131 = scf.for %scan3A_189 = %scan3A_127 to %scan3A_129 step %scan3A_130 iter_args(%scan3A_190 = %scan3A_126) -> (i32)  : i32 {
        %get3A = arith.index_cast %scan3A_189 : i32 to index
        %get3A_191 = arith.constant 0 : index
        %get3A_192 = tpu.vector_load %arg13[%get3A, %get3A_191] {strides = array<i32>} : memref<64x144xf32, #tpu.memory_space<vmem>>, vector<16xf32>,
        %get3A_193 = arith.index_cast %scan3A_189 : i32 to index
        %get3A_194 = arith.constant 0 : index
        %get3A_195 = tpu.vector_load %arg15[%get3A_193, %get3A_194] {strides = array<i32>} : memref<64x144xf32, #tpu.memory_space<vmem>>, vector<16xf32>,
        %mul3A_196 = arith.mulf %get3A_195, %get3A_192 : vector<16xf32>
        %swap3A = arith.index_cast %scan3A_189 : i32 to index
        %swap3A_197 = arith.constant 0 : index
        %swap3A_198 = tpu.vector_load %arg15[%swap3A, %swap3A_197] {strides = array<i32>} : memref<64x144xf32, #tpu.memory_space<vmem>>, vector<16xf32>,
        tpu.vector_store %arg15[%swap3A, %swap3A_197], %mul3A_196 {strides = array<i32>} : memref<64x144xf32, #tpu.memory_space<vmem>>, vector<16xf32>,
        %get3A_199 = arith.index_cast %scan3A_189 : i32 to index
        %get3A_200 = arith.constant 16 : index
        %get3A_201 = tpu.vector_load %arg15[%get3A_199, %get3A_200] {strides = array<i32>} : memref<64x144xf32, #tpu.memory_space<vmem>>, vector<16xf32>,
        %mul3A_202 = arith.mulf %get3A_201, %get3A_192 : vector<16xf32>
        %get3A_203 = arith.index_cast %scan3A_189 : i32 to index
        %get3A_204 = arith.constant 16 : index
        %get3A_205 = tpu.vector_load %arg13[%get3A_203, %get3A_204] {strides = array<i32>} : memref<64x144xf32, #tpu.memory_space<vmem>>, vector<16xf32>,
        %mul3A_206 = arith.mulf %get3A_195, %get3A_205 : vector<16xf32>
        %add3A_207 = arith.addf %mul3A_202, %mul3A_206 : vector<16xf32>
        %swap3A_208 = arith.index_cast %scan3A_189 : i32 to index
        %swap3A_209 = arith.constant 16 : index
        %swap3A_210 = tpu.vector_load %arg15[%swap3A_208, %swap3A_209] {strides = array<i32>} : memref<64x144xf32, #tpu.memory_space<vmem>>, vector<16xf32>,
        tpu.vector_store %arg15[%swap3A_208, %swap3A_209], %add3A_207 {strides = array<i32>} : memref<64x144xf32, #tpu.memory_space<vmem>>, vector<16xf32>,
        %get3A_211 = arith.index_cast %scan3A_189 : i32 to index
        %get3A_212 = arith.constant 32 : index
        %get3A_213 = tpu.vector_load %arg15[%get3A_211, %get3A_212] {strides = array<i32>} : memref<64x144xf32, #tpu.memory_space<vmem>>, vector<16xf32>,
        %mul3A_214 = arith.mulf %get3A_213, %get3A_192 : vector<16xf32>
        %get3A_215 = arith.index_cast %scan3A_189 : i32 to index
        %get3A_216 = arith.constant 32 : index
        %get3A_217 = tpu.vector_load %arg13[%get3A_215, %get3A_216] {strides = array<i32>} : memref<64x144xf32, #tpu.memory_space<vmem>>, vector<16xf32>,
        %mul3A_218 = arith.mulf %get3A_195, %get3A_217 : vector<16xf32>
        %add3A_219 = arith.addf %mul3A_214, %mul3A_218 : vector<16xf32>
        %swap3A_220 = arith.index_cast %scan3A_189 : i32 to index
        %swap3A_221 = arith.constant 32 : index
        %swap3A_222 = tpu.vector_load %arg15[%swap3A_220, %swap3A_221] {strides = array<i32>} : memref<64x144xf32, #tpu.memory_space<vmem>>, vector<16xf32>,
        tpu.vector_store %arg15[%swap3A_220, %swap3A_221], %add3A_219 {strides = array<i32>} : memref<64x144xf32, #tpu.memory_space<vmem>>, vector<16xf32>,
        %get3A_223 = arith.index_cast %scan3A_189 : i32 to index
        %get3A_224 = arith.constant 48 : index
        %get3A_225 = tpu.vector_load %arg15[%get3A_223, %get3A_224] {strides = array<i32>} : memref<64x144xf32, #tpu.memory_space<vmem>>, vector<16xf32>,
        %mul3A_226 = arith.mulf %get3A_225, %get3A_192 : vector<16xf32>
        %get3A_227 = arith.index_cast %scan3A_189 : i32 to index
        %get3A_228 = arith.constant 48 : index
        %get3A_229 = tpu.vector_load %arg13[%get3A_227, %get3A_228] {strides = array<i32>} : memref<64x144xf32, #tpu.memory_space<vmem>>, vector<16xf32>,
        %mul3A_230 = arith.mulf %get3A_195, %get3A_229 : vector<16xf32>
        %add3A_231 = arith.addf %mul3A_226, %mul3A_230 : vector<16xf32>
        %swap3A_232 = arith.index_cast %scan3A_189 : i32 to index
        %swap3A_233 = arith.constant 48 : index
        %swap3A_234 = tpu.vector_load %arg15[%swap3A_232, %swap3A_233] {strides = array<i32>} : memref<64x144xf32, #tpu.memory_space<vmem>>, vector<16xf32>,
        tpu.vector_store %arg15[%swap3A_232, %swap3A_233], %add3A_231 {strides = array<i32>} : memref<64x144xf32, #tpu.memory_space<vmem>>, vector<16xf32>,
        %get3A_235 = arith.index_cast %scan3A_189 : i32 to index
        %get3A_236 = arith.constant 64 : index
        %get3A_237 = tpu.vector_load %arg15[%get3A_235, %get3A_236] {strides = array<i32>} : memref<64x144xf32, #tpu.memory_space<vmem>>, vector<16xf32>,
        %mul3A_238 = arith.mulf %get3A_237, %get3A_192 : vector<16xf32>
        %get3A_239 = arith.index_cast %scan3A_189 : i32 to index
        %get3A_240 = arith.constant 64 : index
        %get3A_241 = tpu.vector_load %arg13[%get3A_239, %get3A_240] {strides = array<i32>} : memref<64x144xf32, #tpu.memory_space<vmem>>, vector<16xf32>,
        %mul3A_242 = arith.mulf %get3A_195, %get3A_241 : vector<16xf32>
        %add3A_243 = arith.addf %mul3A_238, %mul3A_242 : vector<16xf32>
        %swap3A_244 = arith.index_cast %scan3A_189 : i32 to index
        %swap3A_245 = arith.constant 64 : index
        %swap3A_246 = tpu.vector_load %arg15[%swap3A_244, %swap3A_245] {strides = array<i32>} : memref<64x144xf32, #tpu.memory_space<vmem>>, vector<16xf32>,
        tpu.vector_store %arg15[%swap3A_244, %swap3A_245], %add3A_243 {strides = array<i32>} : memref<64x144xf32, #tpu.memory_space<vmem>>, vector<16xf32>,
        %get3A_247 = arith.index_cast %scan3A_189 : i32 to index
        %get3A_248 = arith.constant 80 : index
        %get3A_249 = tpu.vector_load %arg15[%get3A_247, %get3A_248] {strides = array<i32>} : memref<64x144xf32, #tpu.memory_space<vmem>>, vector<16xf32>,
        %mul3A_250 = arith.mulf %get3A_249, %get3A_192 : vector<16xf32>
        %get3A_251 = arith.index_cast %scan3A_189 : i32 to index
        %get3A_252 = arith.constant 80 : index
        %get3A_253 = tpu.vector_load %arg13[%get3A_251, %get3A_252] {strides = array<i32>} : memref<64x144xf32, #tpu.memory_space<vmem>>, vector<16xf32>,
        %mul3A_254 = arith.mulf %get3A_195, %get3A_253 : vector<16xf32>
        %add3A_255 = arith.addf %mul3A_250, %mul3A_254 : vector<16xf32>
        %swap3A_256 = arith.index_cast %scan3A_189 : i32 to index
        %swap3A_257 = arith.constant 80 : index
        %swap3A_258 = tpu.vector_load %arg15[%swap3A_256, %swap3A_257] {strides = array<i32>} : memref<64x144xf32, #tpu.memory_space<vmem>>, vector<16xf32>,
        tpu.vector_store %arg15[%swap3A_256, %swap3A_257], %add3A_255 {strides = array<i32>} : memref<64x144xf32, #tpu.memory_space<vmem>>, vector<16xf32>,
        %get3A_259 = arith.index_cast %scan3A_189 : i32 to index
        %get3A_260 = arith.constant 96 : index
        %get3A_261 = tpu.vector_load %arg15[%get3A_259, %get3A_260] {strides = array<i32>} : memref<64x144xf32, #tpu.memory_space<vmem>>, vector<16xf32>,
        %mul3A_262 = arith.mulf %get3A_261, %get3A_192 : vector<16xf32>
        %get3A_263 = arith.index_cast %scan3A_189 : i32 to index
        %get3A_264 = arith.constant 96 : index
        %get3A_265 = tpu.vector_load %arg13[%get3A_263, %get3A_264] {strides = array<i32>} : memref<64x144xf32, #tpu.memory_space<vmem>>, vector<16xf32>,
        %mul3A_266 = arith.mulf %get3A_195, %get3A_265 : vector<16xf32>
        %add3A_267 = arith.addf %mul3A_262, %mul3A_266 : vector<16xf32>
        %swap3A_268 = arith.index_cast %scan3A_189 : i32 to index
        %swap3A_269 = arith.constant 96 : index
        %swap3A_270 = tpu.vector_load %arg15[%swap3A_268, %swap3A_269] {strides = array<i32>} : memref<64x144xf32, #tpu.memory_space<vmem>>, vector<16xf32>,
        tpu.vector_store %arg15[%swap3A_268, %swap3A_269], %add3A_267 {strides = array<i32>} : memref<64x144xf32, #tpu.memory_space<vmem>>, vector<16xf32>,
        %get3A_271 = arith.index_cast %scan3A_189 : i32 to index
        %get3A_272 = arith.constant 112 : index
        %get3A_273 = tpu.vector_load %arg15[%get3A_271, %get3A_272] {strides = array<i32>} : memref<64x144xf32, #tpu.memory_space<vmem>>, vector<16xf32>,
        %mul3A_274 = arith.mulf %get3A_273, %get3A_192 : vector<16xf32>
        %get3A_275 = arith.index_cast %scan3A_189 : i32 to index
        %get3A_276 = arith.constant 112 : index
        %get3A_277 = tpu.vector_load %arg13[%get3A_275, %get3A_276] {strides = array<i32>} : memref<64x144xf32, #tpu.memory_space<vmem>>, vector<16xf32>,
        %mul3A_278 = arith.mulf %get3A_195, %get3A_277 : vector<16xf32>
        %add3A_279 = arith.addf %mul3A_274, %mul3A_278 : vector<16xf32>
        %swap3A_280 = arith.index_cast %scan3A_189 : i32 to index
        %swap3A_281 = arith.constant 112 : index
        %swap3A_282 = tpu.vector_load %arg15[%swap3A_280, %swap3A_281] {strides = array<i32>} : memref<64x144xf32, #tpu.memory_space<vmem>>, vector<16xf32>,
        tpu.vector_store %arg15[%swap3A_280, %swap3A_281], %add3A_279 {strides = array<i32>} : memref<64x144xf32, #tpu.memory_space<vmem>>, vector<16xf32>,
        %get3A_283 = arith.index_cast %scan3A_189 : i32 to index
        %get3A_284 = arith.constant 128 : index
        %get3A_285 = tpu.vector_load %arg15[%get3A_283, %get3A_284] {strides = array<i32>} : memref<64x144xf32, #tpu.memory_space<vmem>>, vector<16xf32>,
        %mul3A_286 = arith.mulf %get3A_285, %get3A_192 : vector<16xf32>
        %get3A_287 = arith.index_cast %scan3A_189 : i32 to index
        %get3A_288 = arith.constant 128 : index
        %get3A_289 = tpu.vector_load %arg13[%get3A_287, %get3A_288] {strides = array<i32>} : memref<64x144xf32, #tpu.memory_space<vmem>>, vector<16xf32>,
        %mul3A_290 = arith.mulf %get3A_195, %get3A_289 : vector<16xf32>
        %add3A_291 = arith.addf %mul3A_286, %mul3A_290 : vector<16xf32>
        %swap3A_292 = arith.index_cast %scan3A_189 : i32 to index
        %swap3A_293 = arith.constant 128 : index
        %swap3A_294 = tpu.vector_load %arg15[%swap3A_292, %swap3A_293] {strides = array<i32>} : memref<64x144xf32, #tpu.memory_space<vmem>>, vector<16xf32>,
        tpu.vector_store %arg15[%swap3A_292, %swap3A_293], %add3A_291 {strides = array<i32>} : memref<64x144xf32, #tpu.memory_space<vmem>>, vector<16xf32>,
        %scan3A_295 = arith.constant 0 : i32
        scf.yield %scan3A_295 : i32
      }
      %scan3A_132 = arith.constant 64 : i32
      %dma_start3A_133 = arith.constant 0 : i32
      %dma_start3A_134 = arith.constant 0 : i32
      %dma_start3A_135 = tpu.memref_slice %arg7[%dma_start3A_133, %dma_start3A_134] : memref<10240x144xf32, #tpu.memory_space<vmem_shared>> -> memref<10240x144xf32, #tpu.memory_space<vmem_shared>>
      tpu.enqueue_indirect_dma source(%arg15 : memref<64x144xf32, #tpu.memory_space<vmem>>) target(%dma_start3A_135 : memref<10240x144xf32, #tpu.memory_space<vmem_shared>>) offsets(%arg11 : memref<64xi32, #tpu.memory_space<vmem>>) semaphore(%arg21 : memref<!tpu.dma_semaphore, #tpu.memory_space<semaphore_mem>>) {add = true}
      %mul3A_136 = arith.constant 2 : i32
      %mul3A_137 = arith.muli %while3A_85, %mul3A_136 : i32
      %add3A_138 = arith.constant 1 : i32
      %add3A_139 = arith.addi %mul3A_137, %add3A_138 : i32
      %dma_wait3A_140 = arith.constant 0 : i32
      %dma_wait3A_141 = arith.constant 0 : i32
      %dma_wait3A_142 = tpu.memref_slice %arg16[%dma_wait3A_140, %dma_wait3A_141] : memref<64x144xf32, #tpu.memory_space<vmem>> -> memref<32x144xf32, #tpu.memory_space<vmem>>
      %dma_wait3A_143 = arith.constant 0 : i32
      %dma_wait3A_144 = tpu.memref_slice %arg10[%dma_wait3A_143] : memref<64xi32, #tpu.memory_space<vmem>> -> memref<32xi32, #tpu.memory_space<vmem>>
      %dma_wait3A_145 = arith.constant 0 : i32
      %dma_wait3A_146 = arith.constant 0 : i32
      %dma_wait3A_147 = tpu.memref_slice %arg2[%dma_wait3A_145, %dma_wait3A_146] : memref<10240x144xf32, #tpu.memory_space<hbm>> -> memref<10240x144xf32, #tpu.memory_space<hbm>>
      tpu.wait_indirect_dma semaphore(%arg18 : memref<!tpu.dma_semaphore, #tpu.memory_space<semaphore_mem>>) src(%dma_wait3A_147 : memref<10240x144xf32, #tpu.memory_space<hbm>>) dst(%dma_wait3A_142 : memref<32x144xf32, #tpu.memory_space<vmem>>)
      %dma_wait3A_148 = arith.constant 32 : i32
      %dma_wait3A_149 = arith.constant 0 : i32
      %dma_wait3A_150 = tpu.memref_slice %arg16[%dma_wait3A_148, %dma_wait3A_149] : memref<64x144xf32, #tpu.memory_space<vmem>> -> memref<32x144xf32, #tpu.memory_space<vmem>>
      %dma_wait3A_151 = arith.constant 32 : i32
      %dma_wait3A_152 = tpu.memref_slice %arg10[%dma_wait3A_151] : memref<64xi32, #tpu.memory_space<vmem>> -> memref<32xi32, #tpu.memory_space<vmem>>
      %dma_wait3A_153 = arith.constant 0 : i32
      %dma_wait3A_154 = arith.constant 0 : i32
      %dma_wait3A_155 = tpu.memref_slice %arg2[%dma_wait3A_153, %dma_wait3A_154] : memref<10240x144xf32, #tpu.memory_space<hbm>> -> memref<10240x144xf32, #tpu.memory_space<hbm>>
      tpu.wait_indirect_dma semaphore(%arg18 : memref<!tpu.dma_semaphore, #tpu.memory_space<semaphore_mem>>) src(%dma_wait3A_155 : memref<10240x144xf32, #tpu.memory_space<hbm>>) dst(%dma_wait3A_150 : memref<32x144xf32, #tpu.memory_space<vmem>>)
      %dma_wait3A_156 = arith.constant 0 : i32
      %dma_wait3A_157 = arith.constant 0 : i32
      %dma_wait3A_158 = tpu.memref_slice %arg3[%dma_wait3A_156, %dma_wait3A_157] : memref<163840x144xf32, #tpu.memory_space<hbm>> -> memref<64x144xf32, #tpu.memory_space<hbm>>
      %dma_wait3A_159 = arith.constant 0 : i32
      %dma_wait3A_160 = arith.constant 0 : i32
      %dma_wait3A_161 = tpu.memref_slice %arg3[%dma_wait3A_159, %dma_wait3A_160] : memref<163840x144xf32, #tpu.memory_space<hbm>> -> memref<64x144xf32, #tpu.memory_space<hbm>>
      tpu.wait_dma2 semaphore(%arg18 : memref<!tpu.dma_semaphore, #tpu.memory_space<semaphore_mem>>) src(%dma_wait3A_161 : memref<64x144xf32, #tpu.memory_space<hbm>>) dst(%arg14 : memref<64x144xf32, #tpu.memory_space<vmem>>)
      %dma_wait3A_162 = arith.constant 0 : i32
      %dma_wait3A_163 = tpu.memref_slice %arg5[%dma_wait3A_162] : memref<163840xi32, #tpu.memory_space<hbm>> -> memref<64xi32, #tpu.memory_space<hbm>>
      %dma_wait3A_164 = arith.constant 0 : i32
      %dma_wait3A_165 = tpu.memref_slice %arg5[%dma_wait3A_164] : memref<163840xi32, #tpu.memory_space<hbm>> -> memref<64xi32, #tpu.memory_space<hbm>>
      tpu.wait_dma2 semaphore(%arg18 : memref<!tpu.dma_semaphore, #tpu.memory_space<semaphore_mem>>) src(%dma_wait3A_165 : memref<64xi32, #tpu.memory_space<hbm>>) dst(%arg12 : memref<64xi32, #tpu.memory_space<vmem>>)
      %add3A_166 = arith.constant 1 : i32
      %add3A_167 = arith.addi %add3A_139, %add3A_166 : i32
      %lt3A_168 = arith.cmpi slt, %add3A_167, %select_n3A : i32
      %convert_element_type3A_169 = arith.extui %lt3A_168 : i1 to i32
      %cond3A_170 = arith.constant 0 : i32
      %cond3A_171 = arith.cmpi ne, %convert_element_type3A_169, %cond3A_170 : i32
      scf.if %cond3A_171 {
        %ge3A = arith.constant 1 : i32
        %ge3A_189 = arith.cmpi sge, %add3A_139, %ge3A : i32
        %convert_element_type3A_190 = arith.extui %ge3A_189 : i1 to i32
        %cond3A_191 = arith.constant 0 : i32
        %cond3A_192 = arith.cmpi ne, %convert_element_type3A_190, %cond3A_191 : i32
        scf.if %cond3A_192 {
          %dma_wait3A_224 = arith.constant 0 : i32
          %dma_wait3A_225 = arith.constant 0 : i32
          %dma_wait3A_226 = tpu.memref_slice %arg7[%dma_wait3A_224, %dma_wait3A_225] : memref<10240x144xf32, #tpu.memory_space<vmem_shared>> -> memref<10240x144xf32, #tpu.memory_space<vmem_shared>>
          tpu.wait_indirect_dma semaphore(%arg21 : memref<!tpu.dma_semaphore, #tpu.memory_space<semaphore_mem>>) src(%arg15 : memref<64x144xf32, #tpu.memory_space<vmem>>) dst(%dma_wait3A_226 : memref<10240x144xf32, #tpu.memory_space<vmem_shared>>)
        } else {
        }
        %dma_wait3A_193 = arith.constant 0 : i32
        %dma_wait3A_194 = tpu.memref_slice %arg4[%dma_wait3A_193] : memref<163840xi32, #tpu.memory_space<hbm>> -> memref<64xi32, #tpu.memory_space<hbm>>
        %dma_wait3A_195 = arith.constant 0 : i32
        %dma_wait3A_196 = tpu.memref_slice %arg4[%dma_wait3A_195] : memref<163840xi32, #tpu.memory_space<hbm>> -> memref<64xi32, #tpu.memory_space<hbm>>
        tpu.wait_dma2 semaphore(%arg19 : memref<!tpu.dma_semaphore, #tpu.memory_space<semaphore_mem>>) src(%dma_wait3A_196 : memref<64xi32, #tpu.memory_space<hbm>>) dst(%arg9 : memref<64xi32, #tpu.memory_space<vmem>>)
        %add3A_197 = arith.constant 1 : i32
        %add3A_198 = arith.addi %add3A_139, %add3A_197 : i32
        %mul3A_199 = arith.constant 64 : i32
        %mul3A_200 = arith.muli %add3A_198, %mul3A_199 : i32
        %add3A_201 = arith.addi %add3A, %mul3A_200 : i32
        %dma_start3A_202 = arith.constant 0 : i32
        %dma_start3A_203 = arith.constant 0 : i32
        %dma_start3A_204 = tpu.memref_slice %arg15[%dma_start3A_202, %dma_start3A_203] : memref<64x144xf32, #tpu.memory_space<vmem>> -> memref<32x144xf32, #tpu.memory_space<vmem>>
        %dma_start3A_205 = arith.constant 0 : i32
        %dma_start3A_206 = tpu.memref_slice %arg9[%dma_start3A_205] : memref<64xi32, #tpu.memory_space<vmem>> -> memref<32xi32, #tpu.memory_space<vmem>>
        %dma_start3A_207 = arith.constant 0 : i32
        %dma_start3A_208 = arith.constant 0 : i32
        %dma_start3A_209 = tpu.memref_slice %arg2[%dma_start3A_207, %dma_start3A_208] : memref<10240x144xf32, #tpu.memory_space<hbm>> -> memref<10240x144xf32, #tpu.memory_space<hbm>>
        tpu.enqueue_indirect_dma source(%dma_start3A_209 : memref<10240x144xf32, #tpu.memory_space<hbm>>) target(%dma_start3A_204 : memref<32x144xf32, #tpu.memory_space<vmem>>) offsets(%dma_start3A_206 : memref<32xi32, #tpu.memory_space<vmem>>) semaphore(%arg17 : memref<!tpu.dma_semaphore, #tpu.memory_space<semaphore_mem>>)
        %dma_start3A_210 = arith.constant 32 : i32
        %dma_start3A_211 = arith.constant 0 : i32
        %dma_start3A_212 = tpu.memref_slice %arg15[%dma_start3A_210, %dma_start3A_211] : memref<64x144xf32, #tpu.memory_space<vmem>> -> memref<32x144xf32, #tpu.memory_space<vmem>>
        %dma_start3A_213 = arith.constant 32 : i32
        %dma_start3A_214 = tpu.memref_slice %arg9[%dma_start3A_213] : memref<64xi32, #tpu.memory_space<vmem>> -> memref<32xi32, #tpu.memory_space<vmem>>
        %dma_start3A_215 = arith.constant 0 : i32
        %dma_start3A_216 = arith.constant 0 : i32
        %dma_start3A_217 = tpu.memref_slice %arg2[%dma_start3A_215, %dma_start3A_216] : memref<10240x144xf32, #tpu.memory_space<hbm>> -> memref<10240x144xf32, #tpu.memory_space<hbm>>
        tpu.enqueue_indirect_dma source(%dma_start3A_217 : memref<10240x144xf32, #tpu.memory_space<hbm>>) target(%dma_start3A_212 : memref<32x144xf32, #tpu.memory_space<vmem>>) offsets(%dma_start3A_214 : memref<32xi32, #tpu.memory_space<vmem>>) semaphore(%arg17 : memref<!tpu.dma_semaphore, #tpu.memory_space<semaphore_mem>>)
        %dma_start3A_218 = arith.constant 0 : i32
        %dma_start3A_219 = tpu.memref_slice %arg3[%add3A_201, %dma_start3A_218] : memref<163840x144xf32, #tpu.memory_space<hbm>> -> memref<64x144xf32, #tpu.memory_space<hbm>>
        %dma_start3A_220 = arith.constant 0 : i32
        %dma_start3A_221 = tpu.memref_slice %arg3[%add3A_201, %dma_start3A_220] : memref<163840x144xf32, #tpu.memory_space<hbm>> -> memref<64x144xf32, #tpu.memory_space<hbm>>
        tpu.enqueue_dma source(%dma_start3A_221 : memref<64x144xf32, #tpu.memory_space<hbm>>) target(%arg13 : memref<64x144xf32, #tpu.memory_space<vmem>>) target_semaphore(%arg17 : memref<!tpu.dma_semaphore, #tpu.memory_space<semaphore_mem>>)
        %dma_start3A_222 = tpu.memref_slice %arg5[%add3A_201] : memref<163840xi32, #tpu.memory_space<hbm>> -> memref<64xi32, #tpu.memory_space<hbm>>
        %dma_start3A_223 = tpu.memref_slice %arg5[%add3A_201] : memref<163840xi32, #tpu.memory_space<hbm>> -> memref<64xi32, #tpu.memory_space<hbm>>
        tpu.enqueue_dma source(%dma_start3A_223 : memref<64xi32, #tpu.memory_space<hbm>>) target(%arg11 : memref<64xi32, #tpu.memory_space<vmem>>) target_semaphore(%arg17 : memref<!tpu.dma_semaphore, #tpu.memory_space<semaphore_mem>>)
      } else {
      }
      %add3A_172 = arith.constant 2 : i32
      %add3A_173 = arith.addi %add3A_139, %add3A_172 : i32
      %lt3A_174 = arith.cmpi slt, %add3A_173, %select_n3A : i32
      %convert_element_type3A_175 = arith.extui %lt3A_174 : i1 to i32
      %cond3A_176 = arith.constant 0 : i32
      %cond3A_177 = arith.cmpi ne, %convert_element_type3A_175, %cond3A_176 : i32
      scf.if %cond3A_177 {
        %add3A_189 = arith.constant 2 : i32
        %add3A_190 = arith.addi %add3A_139, %add3A_189 : i32
        %mul3A_191 = arith.constant 64 : i32
        %mul3A_192 = arith.muli %add3A_190, %mul3A_191 : i32
        %add3A_193 = arith.addi %add3A, %mul3A_192 : i32
        %dma_start3A_194 = tpu.memref_slice %arg4[%add3A_193] : memref<163840xi32, #tpu.memory_space<hbm>> -> memref<64xi32, #tpu.memory_space<hbm>>
        %dma_start3A_195 = tpu.memref_slice %arg4[%add3A_193] : memref<163840xi32, #tpu.memory_space<hbm>> -> memref<64xi32, #tpu.memory_space<hbm>>
        tpu.enqueue_dma source(%dma_start3A_195 : memref<64xi32, #tpu.memory_space<hbm>>) target(%arg10 : memref<64xi32, #tpu.memory_space<vmem>>) target_semaphore(%arg20 : memref<!tpu.dma_semaphore, #tpu.memory_space<semaphore_mem>>)
      } else {
      }
      %scan3A_178 = arith.constant 0 : i32
      %scan3A_179 = arith.constant 0 : i32
      %scan3A_180 = arith.constant 64 : i32
      %scan3A_181 = arith.addi %scan3A_179, %scan3A_180 : i32
      %scan3A_182 = arith.constant 1 : i32
      %scan3A_183 = scf.for %scan3A_189 = %scan3A_179 to %scan3A_181 step %scan3A_182 iter_args(%scan3A_190 = %scan3A_178) -> (i32)  : i32 {
        %get3A = arith.index_cast %scan3A_189 : i32 to index
        %get3A_191 = arith.constant 0 : index
        %get3A_192 = tpu.vector_load %arg14[%get3A, %get3A_191] {strides = array<i32>} : memref<64x144xf32, #tpu.memory_space<vmem>>, vector<16xf32>,
        %get3A_193 = arith.index_cast %scan3A_189 : i32 to index
        %get3A_194 = arith.constant 0 : index
        %get3A_195 = tpu.vector_load %arg16[%get3A_193, %get3A_194] {strides = array<i32>} : memref<64x144xf32, #tpu.memory_space<vmem>>, vector<16xf32>,
        %mul3A_196 = arith.mulf %get3A_195, %get3A_192 : vector<16xf32>
        %swap3A = arith.index_cast %scan3A_189 : i32 to index
        %swap3A_197 = arith.constant 0 : index
        %swap3A_198 = tpu.vector_load %arg16[%swap3A, %swap3A_197] {strides = array<i32>} : memref<64x144xf32, #tpu.memory_space<vmem>>, vector<16xf32>,
        tpu.vector_store %arg16[%swap3A, %swap3A_197], %mul3A_196 {strides = array<i32>} : memref<64x144xf32, #tpu.memory_space<vmem>>, vector<16xf32>,
        %get3A_199 = arith.index_cast %scan3A_189 : i32 to index
        %get3A_200 = arith.constant 16 : index
        %get3A_201 = tpu.vector_load %arg16[%get3A_199, %get3A_200] {strides = array<i32>} : memref<64x144xf32, #tpu.memory_space<vmem>>, vector<16xf32>,
        %mul3A_202 = arith.mulf %get3A_201, %get3A_192 : vector<16xf32>
        %get3A_203 = arith.index_cast %scan3A_189 : i32 to index
        %get3A_204 = arith.constant 16 : index
        %get3A_205 = tpu.vector_load %arg14[%get3A_203, %get3A_204] {strides = array<i32>} : memref<64x144xf32, #tpu.memory_space<vmem>>, vector<16xf32>,
        %mul3A_206 = arith.mulf %get3A_195, %get3A_205 : vector<16xf32>
        %add3A_207 = arith.addf %mul3A_202, %mul3A_206 : vector<16xf32>
        %swap3A_208 = arith.index_cast %scan3A_189 : i32 to index
        %swap3A_209 = arith.constant 16 : index
        %swap3A_210 = tpu.vector_load %arg16[%swap3A_208, %swap3A_209] {strides = array<i32>} : memref<64x144xf32, #tpu.memory_space<vmem>>, vector<16xf32>,
        tpu.vector_store %arg16[%swap3A_208, %swap3A_209], %add3A_207 {strides = array<i32>} : memref<64x144xf32, #tpu.memory_space<vmem>>, vector<16xf32>,
        %get3A_211 = arith.index_cast %scan3A_189 : i32 to index
        %get3A_212 = arith.constant 32 : index
        %get3A_213 = tpu.vector_load %arg16[%get3A_211, %get3A_212] {strides = array<i32>} : memref<64x144xf32, #tpu.memory_space<vmem>>, vector<16xf32>,
        %mul3A_214 = arith.mulf %get3A_213, %get3A_192 : vector<16xf32>
        %get3A_215 = arith.index_cast %scan3A_189 : i32 to index
        %get3A_216 = arith.constant 32 : index
        %get3A_217 = tpu.vector_load %arg14[%get3A_215, %get3A_216] {strides = array<i32>} : memref<64x144xf32, #tpu.memory_space<vmem>>, vector<16xf32>,
        %mul3A_218 = arith.mulf %get3A_195, %get3A_217 : vector<16xf32>
        %add3A_219 = arith.addf %mul3A_214, %mul3A_218 : vector<16xf32>
        %swap3A_220 = arith.index_cast %scan3A_189 : i32 to index
        %swap3A_221 = arith.constant 32 : index
        %swap3A_222 = tpu.vector_load %arg16[%swap3A_220, %swap3A_221] {strides = array<i32>} : memref<64x144xf32, #tpu.memory_space<vmem>>, vector<16xf32>,
        tpu.vector_store %arg16[%swap3A_220, %swap3A_221], %add3A_219 {strides = array<i32>} : memref<64x144xf32, #tpu.memory_space<vmem>>, vector<16xf32>,
        %get3A_223 = arith.index_cast %scan3A_189 : i32 to index
        %get3A_224 = arith.constant 48 : index
        %get3A_225 = tpu.vector_load %arg16[%get3A_223, %get3A_224] {strides = array<i32>} : memref<64x144xf32, #tpu.memory_space<vmem>>, vector<16xf32>,
        %mul3A_226 = arith.mulf %get3A_225, %get3A_192 : vector<16xf32>
        %get3A_227 = arith.index_cast %scan3A_189 : i32 to index
        %get3A_228 = arith.constant 48 : index
        %get3A_229 = tpu.vector_load %arg14[%get3A_227, %get3A_228] {strides = array<i32>} : memref<64x144xf32, #tpu.memory_space<vmem>>, vector<16xf32>,
        %mul3A_230 = arith.mulf %get3A_195, %get3A_229 : vector<16xf32>
        %add3A_231 = arith.addf %mul3A_226, %mul3A_230 : vector<16xf32>
        %swap3A_232 = arith.index_cast %scan3A_189 : i32 to index
        %swap3A_233 = arith.constant 48 : index
        %swap3A_234 = tpu.vector_load %arg16[%swap3A_232, %swap3A_233] {strides = array<i32>} : memref<64x144xf32, #tpu.memory_space<vmem>>, vector<16xf32>,
        tpu.vector_store %arg16[%swap3A_232, %swap3A_233], %add3A_231 {strides = array<i32>} : memref<64x144xf32, #tpu.memory_space<vmem>>, vector<16xf32>,
        %get3A_235 = arith.index_cast %scan3A_189 : i32 to index
        %get3A_236 = arith.constant 64 : index
        %get3A_237 = tpu.vector_load %arg16[%get3A_235, %get3A_236] {strides = array<i32>} : memref<64x144xf32, #tpu.memory_space<vmem>>, vector<16xf32>,
        %mul3A_238 = arith.mulf %get3A_237, %get3A_192 : vector<16xf32>
        %get3A_239 = arith.index_cast %scan3A_189 : i32 to index
        %get3A_240 = arith.constant 64 : index
        %get3A_241 = tpu.vector_load %arg14[%get3A_239, %get3A_240] {strides = array<i32>} : memref<64x144xf32, #tpu.memory_space<vmem>>, vector<16xf32>,
        %mul3A_242 = arith.mulf %get3A_195, %get3A_241 : vector<16xf32>
        %add3A_243 = arith.addf %mul3A_238, %mul3A_242 : vector<16xf32>
        %swap3A_244 = arith.index_cast %scan3A_189 : i32 to index
        %swap3A_245 = arith.constant 64 : index
        %swap3A_246 = tpu.vector_load %arg16[%swap3A_244, %swap3A_245] {strides = array<i32>} : memref<64x144xf32, #tpu.memory_space<vmem>>, vector<16xf32>,
        tpu.vector_store %arg16[%swap3A_244, %swap3A_245], %add3A_243 {strides = array<i32>} : memref<64x144xf32, #tpu.memory_space<vmem>>, vector<16xf32>,
        %get3A_247 = arith.index_cast %scan3A_189 : i32 to index
        %get3A_248 = arith.constant 80 : index
        %get3A_249 = tpu.vector_load %arg16[%get3A_247, %get3A_248] {strides = array<i32>} : memref<64x144xf32, #tpu.memory_space<vmem>>, vector<16xf32>,
        %mul3A_250 = arith.mulf %get3A_249, %get3A_192 : vector<16xf32>
        %get3A_251 = arith.index_cast %scan3A_189 : i32 to index
        %get3A_252 = arith.constant 80 : index
        %get3A_253 = tpu.vector_load %arg14[%get3A_251, %get3A_252] {strides = array<i32>} : memref<64x144xf32, #tpu.memory_space<vmem>>, vector<16xf32>,
        %mul3A_254 = arith.mulf %get3A_195, %get3A_253 : vector<16xf32>
        %add3A_255 = arith.addf %mul3A_250, %mul3A_254 : vector<16xf32>
        %swap3A_256 = arith.index_cast %scan3A_189 : i32 to index
        %swap3A_257 = arith.constant 80 : index
        %swap3A_258 = tpu.vector_load %arg16[%swap3A_256, %swap3A_257] {strides = array<i32>} : memref<64x144xf32, #tpu.memory_space<vmem>>, vector<16xf32>,
        tpu.vector_store %arg16[%swap3A_256, %swap3A_257], %add3A_255 {strides = array<i32>} : memref<64x144xf32, #tpu.memory_space<vmem>>, vector<16xf32>,
        %get3A_259 = arith.index_cast %scan3A_189 : i32 to index
        %get3A_260 = arith.constant 96 : index
        %get3A_261 = tpu.vector_load %arg16[%get3A_259, %get3A_260] {strides = array<i32>} : memref<64x144xf32, #tpu.memory_space<vmem>>, vector<16xf32>,
        %mul3A_262 = arith.mulf %get3A_261, %get3A_192 : vector<16xf32>
        %get3A_263 = arith.index_cast %scan3A_189 : i32 to index
        %get3A_264 = arith.constant 96 : index
        %get3A_265 = tpu.vector_load %arg14[%get3A_263, %get3A_264] {strides = array<i32>} : memref<64x144xf32, #tpu.memory_space<vmem>>, vector<16xf32>,
        %mul3A_266 = arith.mulf %get3A_195, %get3A_265 : vector<16xf32>
        %add3A_267 = arith.addf %mul3A_262, %mul3A_266 : vector<16xf32>
        %swap3A_268 = arith.index_cast %scan3A_189 : i32 to index
        %swap3A_269 = arith.constant 96 : index
        %swap3A_270 = tpu.vector_load %arg16[%swap3A_268, %swap3A_269] {strides = array<i32>} : memref<64x144xf32, #tpu.memory_space<vmem>>, vector<16xf32>,
        tpu.vector_store %arg16[%swap3A_268, %swap3A_269], %add3A_267 {strides = array<i32>} : memref<64x144xf32, #tpu.memory_space<vmem>>, vector<16xf32>,
        %get3A_271 = arith.index_cast %scan3A_189 : i32 to index
        %get3A_272 = arith.constant 112 : index
        %get3A_273 = tpu.vector_load %arg16[%get3A_271, %get3A_272] {strides = array<i32>} : memref<64x144xf32, #tpu.memory_space<vmem>>, vector<16xf32>,
        %mul3A_274 = arith.mulf %get3A_273, %get3A_192 : vector<16xf32>
        %get3A_275 = arith.index_cast %scan3A_189 : i32 to index
        %get3A_276 = arith.constant 112 : index
        %get3A_277 = tpu.vector_load %arg14[%get3A_275, %get3A_276] {strides = array<i32>} : memref<64x144xf32, #tpu.memory_space<vmem>>, vector<16xf32>,
        %mul3A_278 = arith.mulf %get3A_195, %get3A_277 : vector<16xf32>
        %add3A_279 = arith.addf %mul3A_274, %mul3A_278 : vector<16xf32>
        %swap3A_280 = arith.index_cast %scan3A_189 : i32 to index
        %swap3A_281 = arith.constant 112 : index
        %swap3A_282 = tpu.vector_load %arg16[%swap3A_280, %swap3A_281] {strides = array<i32>} : memref<64x144xf32, #tpu.memory_space<vmem>>, vector<16xf32>,
        tpu.vector_store %arg16[%swap3A_280, %swap3A_281], %add3A_279 {strides = array<i32>} : memref<64x144xf32, #tpu.memory_space<vmem>>, vector<16xf32>,
        %get3A_283 = arith.index_cast %scan3A_189 : i32 to index
        %get3A_284 = arith.constant 128 : index
        %get3A_285 = tpu.vector_load %arg16[%get3A_283, %get3A_284] {strides = array<i32>} : memref<64x144xf32, #tpu.memory_space<vmem>>, vector<16xf32>,
        %mul3A_286 = arith.mulf %get3A_285, %get3A_192 : vector<16xf32>
        %get3A_287 = arith.index_cast %scan3A_189 : i32 to index
        %get3A_288 = arith.constant 128 : index
        %get3A_289 = tpu.vector_load %arg14[%get3A_287, %get3A_288] {strides = array<i32>} : memref<64x144xf32, #tpu.memory_space<vmem>>, vector<16xf32>,
        %mul3A_290 = arith.mulf %get3A_195, %get3A_289 : vector<16xf32>
        %add3A_291 = arith.addf %mul3A_286, %mul3A_290 : vector<16xf32>
        %swap3A_292 = arith.index_cast %scan3A_189 : i32 to index
        %swap3A_293 = arith.constant 128 : index
        %swap3A_294 = tpu.vector_load %arg16[%swap3A_292, %swap3A_293] {strides = array<i32>} : memref<64x144xf32, #tpu.memory_space<vmem>>, vector<16xf32>,
        tpu.vector_store %arg16[%swap3A_292, %swap3A_293], %add3A_291 {strides = array<i32>} : memref<64x144xf32, #tpu.memory_space<vmem>>, vector<16xf32>,
        %scan3A_295 = arith.constant 0 : i32
        scf.yield %scan3A_295 : i32
      }
      %scan3A_184 = arith.constant 64 : i32
      %dma_start3A_185 = arith.constant 0 : i32
      %dma_start3A_186 = arith.constant 0 : i32
      %dma_start3A_187 = tpu.memref_slice %arg7[%dma_start3A_185, %dma_start3A_186] : memref<10240x144xf32, #tpu.memory_space<vmem_shared>> -> memref<10240x144xf32, #tpu.memory_space<vmem_shared>>
      tpu.enqueue_indirect_dma source(%arg16 : memref<64x144xf32, #tpu.memory_space<vmem>>) target(%dma_start3A_187 : memref<10240x144xf32, #tpu.memory_space<vmem_shared>>) offsets(%arg12 : memref<64xi32, #tpu.memory_space<vmem>>) semaphore(%arg22 : memref<!tpu.dma_semaphore, #tpu.memory_space<semaphore_mem>>) {add = true}
      %while3A_188 = arith.constant 0 : i32
      scf.yield %while3A_188 : i32
    }
    %dma_wait3A = arith.constant 0 : i32
    %dma_wait3A_75 = arith.constant 0 : i32
    %dma_wait3A_76 = tpu.memref_slice %arg7[%dma_wait3A, %dma_wait3A_75] : memref<10240x144xf32, #tpu.memory_space<vmem_shared>> -> memref<10240x144xf32, #tpu.memory_space<vmem_shared>>
    tpu.wait_indirect_dma semaphore(%arg21 : memref<!tpu.dma_semaphore, #tpu.memory_space<semaphore_mem>>) src(%arg15 : memref<64x144xf32, #tpu.memory_space<vmem>>) dst(%dma_wait3A_76 : memref<10240x144xf32, #tpu.memory_space<vmem_shared>>)
    %dma_wait3A_77 = arith.constant 0 : i32
    %dma_wait3A_78 = arith.constant 0 : i32
    %dma_wait3A_79 = tpu.memref_slice %arg7[%dma_wait3A_77, %dma_wait3A_78] : memref<10240x144xf32, #tpu.memory_space<vmem_shared>> -> memref<10240x144xf32, #tpu.memory_space<vmem_shared>>
    tpu.wait_indirect_dma semaphore(%arg22 : memref<!tpu.dma_semaphore, #tpu.memory_space<semaphore_mem>>) src(%arg16 : memref<64x144xf32, #tpu.memory_space<vmem>>) dst(%dma_wait3A_79 : memref<10240x144xf32, #tpu.memory_space<vmem_shared>>)
    %barrier3A_80 = arith.constant 0 : index
    tpu.barrier barrier_id(%barrier3A_80)
    %mul3A_81 = arith.constant 640 : i32
    %mul3A_82 = arith.muli %arg1, %mul3A_81 : i32
    %mul3A_83 = arith.constant 640 : i32
    %mul3A_84 = arith.muli %arg1, %mul3A_83 : i32
    "tpu.region"() ({
      %run_scoped3A = tpu.sem_alloc : memref<!tpu.dma_semaphore, #tpu.memory_space<semaphore_mem>>
      %dma_start3A_85 = arith.constant 0 : i32
      %dma_start3A_86 = tpu.memref_slice %arg6[%arg0, %mul3A_84, %dma_start3A_85] : memref<2x10240x144xf32, #tpu.memory_space<hbm>> -> memref<1x640x144xf32, #tpu.memory_space<hbm>>
      %dma_start3A_87 = tpu.memref_squeeze %dma_start3A_86 : memref<1x640x144xf32, #tpu.memory_space<hbm>> -> memref<640x144xf32, #tpu.memory_space<hbm>>
      %dma_start3A_88 = arith.constant 0 : i32
      %dma_start3A_89 = tpu.memref_slice %arg7[%mul3A_82, %dma_start3A_88] : memref<10240x144xf32, #tpu.memory_space<vmem_shared>> -> memref<640x144xf32, #tpu.memory_space<vmem_shared>>
      tpu.enqueue_dma source(%dma_start3A_89 : memref<640x144xf32, #tpu.memory_space<vmem_shared>>) target(%dma_start3A_87 : memref<640x144xf32, #tpu.memory_space<hbm>>) target_semaphore(%run_scoped3A : memref<!tpu.dma_semaphore, #tpu.memory_space<semaphore_mem>>)
      %dma_wait3A_90 = arith.constant 0 : i32
      %dma_wait3A_91 = tpu.memref_slice %arg6[%arg0, %mul3A_84, %dma_wait3A_90] : memref<2x10240x144xf32, #tpu.memory_space<hbm>> -> memref<1x640x144xf32, #tpu.memory_space<hbm>>
      %dma_wait3A_92 = tpu.memref_squeeze %dma_wait3A_91 : memref<1x640x144xf32, #tpu.memory_space<hbm>> -> memref<640x144xf32, #tpu.memory_space<hbm>>
      %dma_wait3A_93 = arith.constant 0 : i32
      %dma_wait3A_94 = tpu.memref_slice %arg7[%mul3A_82, %dma_wait3A_93] : memref<10240x144xf32, #tpu.memory_space<vmem_shared>> -> memref<640x144xf32, #tpu.memory_space<vmem_shared>>
      tpu.wait_dma2 semaphore(%run_scoped3A : memref<!tpu.dma_semaphore, #tpu.memory_space<semaphore_mem>>) src(%dma_wait3A_94 : memref<640x144xf32, #tpu.memory_space<vmem_shared>>) dst(%dma_wait3A_92 : memref<640x144xf32, #tpu.memory_space<hbm>>)
      tpu.yield
    }) : () -> ()
    return
  }
}

#map = affine_map<(d0, d1) -> (0, 0)>
#map1 = affine_map<(d0, d1) -> (0)>
#map2 = affine_map<(d0, d1) -> (0, 0, 0)>
module attributes {stable_mosaic.version = 14 : i64} {
  func.func @_refine(%arg0: i32, %arg1: i32, %arg2: memref<10240x144xf32, #tpu.memory_space<hbm>>, %arg3: memref<163840x144xf32, #tpu.memory_space<hbm>>, %arg4: memref<163840xi32, #tpu.memory_space<hbm>>, %arg5: memref<163840xi32, #tpu.memory_space<hbm>>, %arg6: memref<2x10240x144xf32, #tpu.memory_space<hbm>>, %arg7: memref<10240x144xf32, #tpu.memory_space<vmem_shared>>, %arg8: memref<8x144xf32, #tpu.memory_space<vmem>>, %arg9: memref<64xi32, #tpu.memory_space<vmem>>, %arg10: memref<64xi32, #tpu.memory_space<vmem>>, %arg11: memref<64xi32, #tpu.memory_space<vmem>>, %arg12: memref<64xi32, #tpu.memory_space<vmem>>, %arg13: memref<64x144xf32, #tpu.memory_space<vmem>>, %arg14: memref<64x144xf32, #tpu.memory_space<vmem>>, %arg15: memref<64x144xf32, #tpu.memory_space<vmem>>, %arg16: memref<64x144xf32, #tpu.memory_space<vmem>>, %arg17: memref<!tpu.dma_semaphore, #tpu.memory_space<semaphore_mem>>, %arg18: memref<!tpu.dma_semaphore, #tpu.memory_space<semaphore_mem>>, %arg19: memref<!tpu.dma_semaphore, #tpu.memory_space<semaphore_mem>>, %arg20: memref<!tpu.dma_semaphore, #tpu.memory_space<semaphore_mem>>, %arg21: memref<!tpu.dma_semaphore, #tpu.memory_space<semaphore_mem>>, %arg22: memref<!tpu.dma_semaphore, #tpu.memory_space<semaphore_mem>>) attributes {dimension_semantics = [#tpu.dimension_semantics<core_parallel>, #tpu.dimension_semantics<subcore_parallel>], iteration_bounds = array<i64: 2, 16>, scalar_prefetch = 0 : i64, scratch_operands = 16 : i64, tpu.core_type = #tpu.core_type<sc_vector_subcore>, window_params = [{transform_indices = #map}, {transform_indices = #map}, {transform_indices = #map1}, {transform_indices = #map1}, {transform_indices = #map2}]} {
    %eq3A = arith.constant 0 : i32
    %eq3A_0 = arith.cmpi eq, %arg0, %eq3A : i32
    %jit3A = arith.constant 112 : i32
    %jit3A_1 = arith.constant 48 : i32
    %select_n3A = arith.select %eq3A_0, %jit3A, %jit3A_1 : i32
    %mul3A = arith.constant 10240 : i32
    %mul3A_2 = arith.muli %arg1, %mul3A : i32
    %mul3A_3 = arith.constant 7168 : i32
    %mul3A_4 = arith.muli %arg0, %mul3A_3 : i32
    %add3A = arith.addi %mul3A_2, %mul3A_4 : i32
    %broadcast_in_dim3A = arith.constant 0.000000e+00 : f32
    %broadcast_in_dim3A_5 = vector.broadcast %broadcast_in_dim3A : f32 to vector<16xf32>
    %scan3A = arith.constant 0 : i32
    %scan3A_6 = arith.constant 0 : i32
    %scan3A_7 = arith.constant 8 : i32
    %scan3A_8 = arith.addi %scan3A_6, %scan3A_7 : i32
    %scan3A_9 = arith.constant 1 : i32
    %scan3A_10 = scf.for %scan3A_85 = %scan3A_6 to %scan3A_8 step %scan3A_9 iter_args(%scan3A_86 = %scan3A) -> (i32)  : i32 {
      %swap3A = arith.index_cast %scan3A_85 : i32 to index
      %swap3A_87 = arith.constant 0 : index
      %swap3A_88 = tpu.vector_load %arg8[%swap3A, %swap3A_87] {strides = array<i32>} : memref<8x144xf32, #tpu.memory_space<vmem>>, vector<16xf32>,
      tpu.vector_store %arg8[%swap3A, %swap3A_87], %broadcast_in_dim3A_5 {strides = array<i32>} : memref<8x144xf32, #tpu.memory_space<vmem>>, vector<16xf32>,
      %swap3A_89 = arith.index_cast %scan3A_85 : i32 to index
      %swap3A_90 = arith.constant 16 : index
      %swap3A_91 = tpu.vector_load %arg8[%swap3A_89, %swap3A_90] {strides = array<i32>} : memref<8x144xf32, #tpu.memory_space<vmem>>, vector<16xf32>,
      tpu.vector_store %arg8[%swap3A_89, %swap3A_90], %broadcast_in_dim3A_5 {strides = array<i32>} : memref<8x144xf32, #tpu.memory_space<vmem>>, vector<16xf32>,
      %swap3A_92 = arith.index_cast %scan3A_85 : i32 to index
      %swap3A_93 = arith.constant 32 : index
      %swap3A_94 = tpu.vector_load %arg8[%swap3A_92, %swap3A_93] {strides = array<i32>} : memref<8x144xf32, #tpu.memory_space<vmem>>, vector<16xf32>,
      tpu.vector_store %arg8[%swap3A_92, %swap3A_93], %broadcast_in_dim3A_5 {strides = array<i32>} : memref<8x144xf32, #tpu.memory_space<vmem>>, vector<16xf32>,
      %swap3A_95 = arith.index_cast %scan3A_85 : i32 to index
      %swap3A_96 = arith.constant 48 : index
      %swap3A_97 = tpu.vector_load %arg8[%swap3A_95, %swap3A_96] {strides = array<i32>} : memref<8x144xf32, #tpu.memory_space<vmem>>, vector<16xf32>,
      tpu.vector_store %arg8[%swap3A_95, %swap3A_96], %broadcast_in_dim3A_5 {strides = array<i32>} : memref<8x144xf32, #tpu.memory_space<vmem>>, vector<16xf32>,
      %swap3A_98 = arith.index_cast %scan3A_85 : i32 to index
      %swap3A_99 = arith.constant 64 : index
      %swap3A_100 = tpu.vector_load %arg8[%swap3A_98, %swap3A_99] {strides = array<i32>} : memref<8x144xf32, #tpu.memory_space<vmem>>, vector<16xf32>,
      tpu.vector_store %arg8[%swap3A_98, %swap3A_99], %broadcast_in_dim3A_5 {strides = array<i32>} : memref<8x144xf32, #tpu.memory_space<vmem>>, vector<16xf32>,
      %swap3A_101 = arith.index_cast %scan3A_85 : i32 to index
      %swap3A_102 = arith.constant 80 : index
      %swap3A_103 = tpu.vector_load %arg8[%swap3A_101, %swap3A_102] {strides = array<i32>} : memref<8x144xf32, #tpu.memory_space<vmem>>, vector<16xf32>,
      tpu.vector_store %arg8[%swap3A_101, %swap3A_102], %broadcast_in_dim3A_5 {strides = array<i32>} : memref<8x144xf32, #tpu.memory_space<vmem>>, vector<16xf32>,
      %swap3A_104 = arith.index_cast %scan3A_85 : i32 to index
      %swap3A_105 = arith.constant 96 : index
      %swap3A_106 = tpu.vector_load %arg8[%swap3A_104, %swap3A_105] {strides = array<i32>} : memref<8x144xf32, #tpu.memory_space<vmem>>, vector<16xf32>,
      tpu.vector_store %arg8[%swap3A_104, %swap3A_105], %broadcast_in_dim3A_5 {strides = array<i32>} : memref<8x144xf32, #tpu.memory_space<vmem>>, vector<16xf32>,
      %swap3A_107 = arith.index_cast %scan3A_85 : i32 to index
      %swap3A_108 = arith.constant 112 : index
      %swap3A_109 = tpu.vector_load %arg8[%swap3A_107, %swap3A_108] {strides = array<i32>} : memref<8x144xf32, #tpu.memory_space<vmem>>, vector<16xf32>,
      tpu.vector_store %arg8[%swap3A_107, %swap3A_108], %broadcast_in_dim3A_5 {strides = array<i32>} : memref<8x144xf32, #tpu.memory_space<vmem>>, vector<16xf32>,
      %swap3A_110 = arith.index_cast %scan3A_85 : i32 to index
      %swap3A_111 = arith.constant 128 : index
      %swap3A_112 = tpu.vector_load %arg8[%swap3A_110, %swap3A_111] {strides = array<i32>} : memref<8x144xf32, #tpu.memory_space<vmem>>, vector<16xf32>,
      tpu.vector_store %arg8[%swap3A_110, %swap3A_111], %broadcast_in_dim3A_5 {strides = array<i32>} : memref<8x144xf32, #tpu.memory_space<vmem>>, vector<16xf32>,
      %scan3A_113 = arith.constant 0 : i32
      scf.yield %scan3A_113 : i32
    }
    %scan3A_11 = arith.constant 8 : i32
    %scan3A_12 = arith.constant 0 : i32
    %scan3A_13 = arith.constant 0 : i32
    %scan3A_14 = arith.constant 80 : i32
    %scan3A_15 = arith.addi %scan3A_13, %scan3A_14 : i32
    %scan3A_16 = arith.constant 1 : i32
    %scan3A_17 = scf.for %scan3A_85 = %scan3A_13 to %scan3A_15 step %scan3A_16 iter_args(%scan3A_86 = %scan3A_12) -> (i32)  : i32 {
      %mul3A_87 = arith.constant 640 : i32
      %mul3A_88 = arith.muli %arg1, %mul3A_87 : i32
      %mul3A_89 = arith.constant 8 : i32
      %mul3A_90 = arith.muli %scan3A_85, %mul3A_89 : i32
      %add3A_91 = arith.addi %mul3A_88, %mul3A_90 : i32
      "tpu.region"() ({
        %run_scoped3A = tpu.sem_alloc : memref<!tpu.dma_semaphore, #tpu.memory_space<semaphore_mem>>
        %dma_start3A_93 = arith.constant 0 : i32
        %dma_start3A_94 = tpu.memref_slice %arg7[%add3A_91, %dma_start3A_93] : memref<10240x144xf32, #tpu.memory_space<vmem_shared>> -> memref<8x144xf32, #tpu.memory_space<vmem_shared>>
        %dma_start3A_95 = arith.constant 0 : i32
        %dma_start3A_96 = tpu.memref_slice %arg7[%add3A_91, %dma_start3A_95] : memref<10240x144xf32, #tpu.memory_space<vmem_shared>> -> memref<8x144xf32, #tpu.memory_space<vmem_shared>>
        tpu.enqueue_dma source(%arg8 : memref<8x144xf32, #tpu.memory_space<vmem>>) target(%dma_start3A_96 : memref<8x144xf32, #tpu.memory_space<vmem_shared>>) target_semaphore(%run_scoped3A : memref<!tpu.dma_semaphore, #tpu.memory_space<semaphore_mem>>)
        %dma_wait3A_97 = arith.constant 0 : i32
        %dma_wait3A_98 = tpu.memref_slice %arg7[%add3A_91, %dma_wait3A_97] : memref<10240x144xf32, #tpu.memory_space<vmem_shared>> -> memref<8x144xf32, #tpu.memory_space<vmem_shared>>
        %dma_wait3A_99 = arith.constant 0 : i32
        %dma_wait3A_100 = tpu.memref_slice %arg7[%add3A_91, %dma_wait3A_99] : memref<10240x144xf32, #tpu.memory_space<vmem_shared>> -> memref<8x144xf32, #tpu.memory_space<vmem_shared>>
        tpu.wait_dma2 semaphore(%run_scoped3A : memref<!tpu.dma_semaphore, #tpu.memory_space<semaphore_mem>>) src(%arg8 : memref<8x144xf32, #tpu.memory_space<vmem>>) dst(%dma_wait3A_100 : memref<8x144xf32, #tpu.memory_space<vmem_shared>>)
        tpu.yield
      }) : () -> ()
      %scan3A_92 = arith.constant 0 : i32
      scf.yield %scan3A_92 : i32
    }
    %scan3A_18 = arith.constant 80 : i32
    "tpu.region"() ({
      %run_scoped3A = tpu.sem_alloc : memref<!tpu.dma_semaphore, #tpu.memory_space<semaphore_mem>>
      %dma_start3A_85 = tpu.memref_slice %arg4[%add3A] : memref<163840xi32, #tpu.memory_space<hbm>> -> memref<64xi32, #tpu.memory_space<hbm>>
      %dma_start3A_86 = tpu.memref_slice %arg4[%add3A] : memref<163840xi32, #tpu.memory_space<hbm>> -> memref<64xi32, #tpu.memory_space<hbm>>
      tpu.enqueue_dma source(%dma_start3A_86 : memref<64xi32, #tpu.memory_space<hbm>>) target(%arg9 : memref<64xi32, #tpu.memory_space<vmem>>) target_semaphore(%run_scoped3A : memref<!tpu.dma_semaphore, #tpu.memory_space<semaphore_mem>>)
      %dma_wait3A_87 = tpu.memref_slice %arg4[%add3A] : memref<163840xi32, #tpu.memory_space<hbm>> -> memref<64xi32, #tpu.memory_space<hbm>>
      %dma_wait3A_88 = tpu.memref_slice %arg4[%add3A] : memref<163840xi32, #tpu.memory_space<hbm>> -> memref<64xi32, #tpu.memory_space<hbm>>
      tpu.wait_dma2 semaphore(%run_scoped3A : memref<!tpu.dma_semaphore, #tpu.memory_space<semaphore_mem>>) src(%dma_wait3A_88 : memref<64xi32, #tpu.memory_space<hbm>>) dst(%arg9 : memref<64xi32, #tpu.memory_space<vmem>>)
      tpu.yield
    }) : () -> ()
    %add3A_19 = arith.constant 0 : i32
    %add3A_20 = arith.addi %add3A, %add3A_19 : i32
    %dma_start3A = arith.constant 0 : i32
    %dma_start3A_21 = arith.constant 0 : i32
    %dma_start3A_22 = tpu.memref_slice %arg15[%dma_start3A, %dma_start3A_21] : memref<64x144xf32, #tpu.memory_space<vmem>> -> memref<32x144xf32, #tpu.memory_space<vmem>>
    %dma_start3A_23 = arith.constant 0 : i32
    %dma_start3A_24 = tpu.memref_slice %arg9[%dma_start3A_23] : memref<64xi32, #tpu.memory_space<vmem>> -> memref<32xi32, #tpu.memory_space<vmem>>
    %dma_start3A_25 = arith.constant 0 : i32
    %dma_start3A_26 = arith.constant 0 : i32
    %dma_start3A_27 = tpu.memref_slice %arg2[%dma_start3A_25, %dma_start3A_26] : memref<10240x144xf32, #tpu.memory_space<hbm>> -> memref<10240x144xf32, #tpu.memory_space<hbm>>
    tpu.enqueue_indirect_dma source(%dma_start3A_27 : memref<10240x144xf32, #tpu.memory_space<hbm>>) target(%dma_start3A_22 : memref<32x144xf32, #tpu.memory_space<vmem>>) offsets(%dma_start3A_24 : memref<32xi32, #tpu.memory_space<vmem>>) semaphore(%arg17 : memref<!tpu.dma_semaphore, #tpu.memory_space<semaphore_mem>>)
    %dma_start3A_28 = arith.constant 32 : i32
    %dma_start3A_29 = arith.constant 0 : i32
    %dma_start3A_30 = tpu.memref_slice %arg15[%dma_start3A_28, %dma_start3A_29] : memref<64x144xf32, #tpu.memory_space<vmem>> -> memref<32x144xf32, #tpu.memory_space<vmem>>
    %dma_start3A_31 = arith.constant 32 : i32
    %dma_start3A_32 = tpu.memref_slice %arg9[%dma_start3A_31] : memref<64xi32, #tpu.memory_space<vmem>> -> memref<32xi32, #tpu.memory_space<vmem>>
    %dma_start3A_33 = arith.constant 0 : i32
    %dma_start3A_34 = arith.constant 0 : i32
    %dma_start3A_35 = tpu.memref_slice %arg2[%dma_start3A_33, %dma_start3A_34] : memref<10240x144xf32, #tpu.memory_space<hbm>> -> memref<10240x144xf32, #tpu.memory_space<hbm>>
    tpu.enqueue_indirect_dma source(%dma_start3A_35 : memref<10240x144xf32, #tpu.memory_space<hbm>>) target(%dma_start3A_30 : memref<32x144xf32, #tpu.memory_space<vmem>>) offsets(%dma_start3A_32 : memref<32xi32, #tpu.memory_space<vmem>>) semaphore(%arg17 : memref<!tpu.dma_semaphore, #tpu.memory_space<semaphore_mem>>)
    %dma_start3A_36 = arith.constant 0 : i32
    %dma_start3A_37 = tpu.memref_slice %arg3[%add3A_20, %dma_start3A_36] : memref<163840x144xf32, #tpu.memory_space<hbm>> -> memref<64x144xf32, #tpu.memory_space<hbm>>
    %dma_start3A_38 = arith.constant 0 : i32
    %dma_start3A_39 = tpu.memref_slice %arg3[%add3A_20, %dma_start3A_38] : memref<163840x144xf32, #tpu.memory_space<hbm>> -> memref<64x144xf32, #tpu.memory_space<hbm>>
    tpu.enqueue_dma source(%dma_start3A_39 : memref<64x144xf32, #tpu.memory_space<hbm>>) target(%arg13 : memref<64x144xf32, #tpu.memory_space<vmem>>) target_semaphore(%arg17 : memref<!tpu.dma_semaphore, #tpu.memory_space<semaphore_mem>>)
    %dma_start3A_40 = tpu.memref_slice %arg5[%add3A_20] : memref<163840xi32, #tpu.memory_space<hbm>> -> memref<64xi32, #tpu.memory_space<hbm>>
    %dma_start3A_41 = tpu.memref_slice %arg5[%add3A_20] : memref<163840xi32, #tpu.memory_space<hbm>> -> memref<64xi32, #tpu.memory_space<hbm>>
    tpu.enqueue_dma source(%dma_start3A_41 : memref<64xi32, #tpu.memory_space<hbm>>) target(%arg11 : memref<64xi32, #tpu.memory_space<vmem>>) target_semaphore(%arg17 : memref<!tpu.dma_semaphore, #tpu.memory_space<semaphore_mem>>)
    %add3A_42 = arith.constant 64 : i32
    %add3A_43 = arith.addi %add3A, %add3A_42 : i32
    %dma_start3A_44 = tpu.memref_slice %arg4[%add3A_43] : memref<163840xi32, #tpu.memory_space<hbm>> -> memref<64xi32, #tpu.memory_space<hbm>>
    %dma_start3A_45 = tpu.memref_slice %arg4[%add3A_43] : memref<163840xi32, #tpu.memory_space<hbm>> -> memref<64xi32, #tpu.memory_space<hbm>>
    tpu.enqueue_dma source(%dma_start3A_45 : memref<64xi32, #tpu.memory_space<hbm>>) target(%arg10 : memref<64xi32, #tpu.memory_space<vmem>>) target_semaphore(%arg20 : memref<!tpu.dma_semaphore, #tpu.memory_space<semaphore_mem>>)
    %barrier3A = arith.constant 0 : index
    tpu.barrier barrier_id(%barrier3A)
    %jit3A_46 = arith.constant 2 : i32
    %div3A = arith.divsi %select_n3A, %jit3A_46 : i32
    %sign3A = arith.constant 0 : i32
    %sign3A_47 = arith.cmpi sgt, %select_n3A, %sign3A : i32
    %sign3A_48 = arith.extui %sign3A_47 : i1 to i32
    %sign3A_49 = arith.constant 0 : i32
    %sign3A_50 = arith.cmpi slt, %select_n3A, %sign3A_49 : i32
    %sign3A_51 = arith.extui %sign3A_50 : i1 to i32
    %sign3A_52 = arith.subi %sign3A_48, %sign3A_51 : i32
    %sign3A_53 = arith.constant 0 : i32
    %sign3A_54 = arith.cmpi sgt, %jit3A_46, %sign3A_53 : i32
    %sign3A_55 = arith.extui %sign3A_54 : i1 to i32
    %sign3A_56 = arith.constant 0 : i32
    %sign3A_57 = arith.cmpi slt, %jit3A_46, %sign3A_56 : i32
    %sign3A_58 = arith.extui %sign3A_57 : i1 to i32
    %sign3A_59 = arith.subi %sign3A_55, %sign3A_58 : i32
    %ne3A = arith.cmpi ne, %sign3A_52, %sign3A_59 : i32
    %rem3A = arith.remsi %select_n3A, %jit3A_46 : i32
    %ne3A_60 = arith.constant 0 : i32
    %ne3A_61 = arith.cmpi ne, %rem3A, %ne3A_60 : i32
    %and3A = arith.andi %ne3A, %ne3A_61 : i1
    %sub3A = arith.constant 1 : i32
    %sub3A_62 = arith.subi %div3A, %sub3A : i32
    %select_n3A_63 = arith.select %and3A, %sub3A_62, %div3A : i32
    %while3A = arith.constant 0 : i32
    %while3A_64 = arith.constant 0 : i32
    %while3A_65 = arith.subi %select_n3A_63, %while3A : i32
    %while3A_66 = arith.addi %while3A, %while3A_65 : i32
    %while3A_67 = arith.constant 1 : i32
    %while3A_68 = arith.divsi %while3A_65, %while3A_67 : i32
    %while3A_69 = arith.muli %while3A_68, %while3A_67 : i32
    %while3A_70 = arith.addi %while3A, %while3A_69 : i32
    %while3A_71 = arith.constant 1 : i32
    %while3A_72 = scf.for %while3A_85 = %while3A to %while3A_70 step %while3A_71 iter_args(%while3A_86 = %while3A_64) -> (i32)  : i32 {
      %mul3A_87 = arith.constant 2 : i32
      %mul3A_88 = arith.muli %while3A_85, %mul3A_87 : i32
      %add3A_89 = arith.constant 0 : i32
      %add3A_90 = arith.addi %mul3A_88, %add3A_89 : i32
      %dma_wait3A_91 = arith.constant 0 : i32
      %dma_wait3A_92 = arith.constant 0 : i32
      %dma_wait3A_93 = tpu.memref_slice %arg15[%dma_wait3A_91, %dma_wait3A_92] : memref<64x144xf32, #tpu.memory_space<vmem>> -> memref<32x144xf32, #tpu.memory_space<vmem>>
      %dma_wait3A_94 = arith.constant 0 : i32
      %dma_wait3A_95 = tpu.memref_slice %arg9[%dma_wait3A_94] : memref<64xi32, #tpu.memory_space<vmem>> -> memref<32xi32, #tpu.memory_space<vmem>>
      %dma_wait3A_96 = arith.constant 0 : i32
      %dma_wait3A_97 = arith.constant 0 : i32
      %dma_wait3A_98 = tpu.memref_slice %arg2[%dma_wait3A_96, %dma_wait3A_97] : memref<10240x144xf32, #tpu.memory_space<hbm>> -> memref<10240x144xf32, #tpu.memory_space<hbm>>
      tpu.wait_indirect_dma semaphore(%arg17 : memref<!tpu.dma_semaphore, #tpu.memory_space<semaphore_mem>>) src(%dma_wait3A_98 : memref<10240x144xf32, #tpu.memory_space<hbm>>) dst(%dma_wait3A_93 : memref<32x144xf32, #tpu.memory_space<vmem>>)
      %dma_wait3A_99 = arith.constant 32 : i32
      %dma_wait3A_100 = arith.constant 0 : i32
      %dma_wait3A_101 = tpu.memref_slice %arg15[%dma_wait3A_99, %dma_wait3A_100] : memref<64x144xf32, #tpu.memory_space<vmem>> -> memref<32x144xf32, #tpu.memory_space<vmem>>
      %dma_wait3A_102 = arith.constant 32 : i32
      %dma_wait3A_103 = tpu.memref_slice %arg9[%dma_wait3A_102] : memref<64xi32, #tpu.memory_space<vmem>> -> memref<32xi32, #tpu.memory_space<vmem>>
      %dma_wait3A_104 = arith.constant 0 : i32
      %dma_wait3A_105 = arith.constant 0 : i32
      %dma_wait3A_106 = tpu.memref_slice %arg2[%dma_wait3A_104, %dma_wait3A_105] : memref<10240x144xf32, #tpu.memory_space<hbm>> -> memref<10240x144xf32, #tpu.memory_space<hbm>>
      tpu.wait_indirect_dma semaphore(%arg17 : memref<!tpu.dma_semaphore, #tpu.memory_space<semaphore_mem>>) src(%dma_wait3A_106 : memref<10240x144xf32, #tpu.memory_space<hbm>>) dst(%dma_wait3A_101 : memref<32x144xf32, #tpu.memory_space<vmem>>)
      %dma_wait3A_107 = arith.constant 0 : i32
      %dma_wait3A_108 = arith.constant 0 : i32
      %dma_wait3A_109 = tpu.memref_slice %arg3[%dma_wait3A_107, %dma_wait3A_108] : memref<163840x144xf32, #tpu.memory_space<hbm>> -> memref<64x144xf32, #tpu.memory_space<hbm>>
      %dma_wait3A_110 = arith.constant 0 : i32
      %dma_wait3A_111 = arith.constant 0 : i32
      %dma_wait3A_112 = tpu.memref_slice %arg3[%dma_wait3A_110, %dma_wait3A_111] : memref<163840x144xf32, #tpu.memory_space<hbm>> -> memref<64x144xf32, #tpu.memory_space<hbm>>
      tpu.wait_dma2 semaphore(%arg17 : memref<!tpu.dma_semaphore, #tpu.memory_space<semaphore_mem>>) src(%dma_wait3A_112 : memref<64x144xf32, #tpu.memory_space<hbm>>) dst(%arg13 : memref<64x144xf32, #tpu.memory_space<vmem>>)
      %dma_wait3A_113 = arith.constant 0 : i32
      %dma_wait3A_114 = tpu.memref_slice %arg5[%dma_wait3A_113] : memref<163840xi32, #tpu.memory_space<hbm>> -> memref<64xi32, #tpu.memory_space<hbm>>
      %dma_wait3A_115 = arith.constant 0 : i32
      %dma_wait3A_116 = tpu.memref_slice %arg5[%dma_wait3A_115] : memref<163840xi32, #tpu.memory_space<hbm>> -> memref<64xi32, #tpu.memory_space<hbm>>
      tpu.wait_dma2 semaphore(%arg17 : memref<!tpu.dma_semaphore, #tpu.memory_space<semaphore_mem>>) src(%dma_wait3A_116 : memref<64xi32, #tpu.memory_space<hbm>>) dst(%arg11 : memref<64xi32, #tpu.memory_space<vmem>>)
      %add3A_117 = arith.constant 1 : i32
      %add3A_118 = arith.addi %add3A_90, %add3A_117 : i32
      %lt3A = arith.cmpi slt, %add3A_118, %select_n3A : i32
      %convert_element_type3A = arith.extui %lt3A : i1 to i32
      %cond3A = arith.constant 0 : i32
      %cond3A_119 = arith.cmpi ne, %convert_element_type3A, %cond3A : i32
      scf.if %cond3A_119 {
        %ge3A = arith.constant 1 : i32
        %ge3A_189 = arith.cmpi sge, %add3A_90, %ge3A : i32
        %convert_element_type3A_190 = arith.extui %ge3A_189 : i1 to i32
        %cond3A_191 = arith.constant 0 : i32
        %cond3A_192 = arith.cmpi ne, %convert_element_type3A_190, %cond3A_191 : i32
        scf.if %cond3A_192 {
          %dma_wait3A_224 = arith.constant 0 : i32
          %dma_wait3A_225 = arith.constant 0 : i32
          %dma_wait3A_226 = tpu.memref_slice %arg7[%dma_wait3A_224, %dma_wait3A_225] : memref<10240x144xf32, #tpu.memory_space<vmem_shared>> -> memref<10240x144xf32, #tpu.memory_space<vmem_shared>>
          tpu.wait_indirect_dma semaphore(%arg22 : memref<!tpu.dma_semaphore, #tpu.memory_space<semaphore_mem>>) src(%arg16 : memref<64x144xf32, #tpu.memory_space<vmem>>) dst(%dma_wait3A_226 : memref<10240x144xf32, #tpu.memory_space<vmem_shared>>)
        } else {
        }
        %dma_wait3A_193 = arith.constant 0 : i32
        %dma_wait3A_194 = tpu.memref_slice %arg4[%dma_wait3A_193] : memref<163840xi32, #tpu.memory_space<hbm>> -> memref<64xi32, #tpu.memory_space<hbm>>
        %dma_wait3A_195 = arith.constant 0 : i32
        %dma_wait3A_196 = tpu.memref_slice %arg4[%dma_wait3A_195] : memref<163840xi32, #tpu.memory_space<hbm>> -> memref<64xi32, #tpu.memory_space<hbm>>
        tpu.wait_dma2 semaphore(%arg20 : memref<!tpu.dma_semaphore, #tpu.memory_space<semaphore_mem>>) src(%dma_wait3A_196 : memref<64xi32, #tpu.memory_space<hbm>>) dst(%arg10 : memref<64xi32, #tpu.memory_space<vmem>>)
        %add3A_197 = arith.constant 1 : i32
        %add3A_198 = arith.addi %add3A_90, %add3A_197 : i32
        %mul3A_199 = arith.constant 64 : i32
        %mul3A_200 = arith.muli %add3A_198, %mul3A_199 : i32
        %add3A_201 = arith.addi %add3A, %mul3A_200 : i32
        %dma_start3A_202 = arith.constant 0 : i32
        %dma_start3A_203 = arith.constant 0 : i32
        %dma_start3A_204 = tpu.memref_slice %arg16[%dma_start3A_202, %dma_start3A_203] : memref<64x144xf32, #tpu.memory_space<vmem>> -> memref<32x144xf32, #tpu.memory_space<vmem>>
        %dma_start3A_205 = arith.constant 0 : i32
        %dma_start3A_206 = tpu.memref_slice %arg10[%dma_start3A_205] : memref<64xi32, #tpu.memory_space<vmem>> -> memref<32xi32, #tpu.memory_space<vmem>>
        %dma_start3A_207 = arith.constant 0 : i32
        %dma_start3A_208 = arith.constant 0 : i32
        %dma_start3A_209 = tpu.memref_slice %arg2[%dma_start3A_207, %dma_start3A_208] : memref<10240x144xf32, #tpu.memory_space<hbm>> -> memref<10240x144xf32, #tpu.memory_space<hbm>>
        tpu.enqueue_indirect_dma source(%dma_start3A_209 : memref<10240x144xf32, #tpu.memory_space<hbm>>) target(%dma_start3A_204 : memref<32x144xf32, #tpu.memory_space<vmem>>) offsets(%dma_start3A_206 : memref<32xi32, #tpu.memory_space<vmem>>) semaphore(%arg18 : memref<!tpu.dma_semaphore, #tpu.memory_space<semaphore_mem>>)
        %dma_start3A_210 = arith.constant 32 : i32
        %dma_start3A_211 = arith.constant 0 : i32
        %dma_start3A_212 = tpu.memref_slice %arg16[%dma_start3A_210, %dma_start3A_211] : memref<64x144xf32, #tpu.memory_space<vmem>> -> memref<32x144xf32, #tpu.memory_space<vmem>>
        %dma_start3A_213 = arith.constant 32 : i32
        %dma_start3A_214 = tpu.memref_slice %arg10[%dma_start3A_213] : memref<64xi32, #tpu.memory_space<vmem>> -> memref<32xi32, #tpu.memory_space<vmem>>
        %dma_start3A_215 = arith.constant 0 : i32
        %dma_start3A_216 = arith.constant 0 : i32
        %dma_start3A_217 = tpu.memref_slice %arg2[%dma_start3A_215, %dma_start3A_216] : memref<10240x144xf32, #tpu.memory_space<hbm>> -> memref<10240x144xf32, #tpu.memory_space<hbm>>
        tpu.enqueue_indirect_dma source(%dma_start3A_217 : memref<10240x144xf32, #tpu.memory_space<hbm>>) target(%dma_start3A_212 : memref<32x144xf32, #tpu.memory_space<vmem>>) offsets(%dma_start3A_214 : memref<32xi32, #tpu.memory_space<vmem>>) semaphore(%arg18 : memref<!tpu.dma_semaphore, #tpu.memory_space<semaphore_mem>>)
        %dma_start3A_218 = arith.constant 0 : i32
        %dma_start3A_219 = tpu.memref_slice %arg3[%add3A_201, %dma_start3A_218] : memref<163840x144xf32, #tpu.memory_space<hbm>> -> memref<64x144xf32, #tpu.memory_space<hbm>>
        %dma_start3A_220 = arith.constant 0 : i32
        %dma_start3A_221 = tpu.memref_slice %arg3[%add3A_201, %dma_start3A_220] : memref<163840x144xf32, #tpu.memory_space<hbm>> -> memref<64x144xf32, #tpu.memory_space<hbm>>
        tpu.enqueue_dma source(%dma_start3A_221 : memref<64x144xf32, #tpu.memory_space<hbm>>) target(%arg14 : memref<64x144xf32, #tpu.memory_space<vmem>>) target_semaphore(%arg18 : memref<!tpu.dma_semaphore, #tpu.memory_space<semaphore_mem>>)
        %dma_start3A_222 = tpu.memref_slice %arg5[%add3A_201] : memref<163840xi32, #tpu.memory_space<hbm>> -> memref<64xi32, #tpu.memory_space<hbm>>
        %dma_start3A_223 = tpu.memref_slice %arg5[%add3A_201] : memref<163840xi32, #tpu.memory_space<hbm>> -> memref<64xi32, #tpu.memory_space<hbm>>
        tpu.enqueue_dma source(%dma_start3A_223 : memref<64xi32, #tpu.memory_space<hbm>>) target(%arg12 : memref<64xi32, #tpu.memory_space<vmem>>) target_semaphore(%arg18 : memref<!tpu.dma_semaphore, #tpu.memory_space<semaphore_mem>>)
      } else {
      }
      %add3A_120 = arith.constant 2 : i32
      %add3A_121 = arith.addi %add3A_90, %add3A_120 : i32
      %lt3A_122 = arith.cmpi slt, %add3A_121, %select_n3A : i32
      %convert_element_type3A_123 = arith.extui %lt3A_122 : i1 to i32
      %cond3A_124 = arith.constant 0 : i32
      %cond3A_125 = arith.cmpi ne, %convert_element_type3A_123, %cond3A_124 : i32
      scf.if %cond3A_125 {
        %add3A_189 = arith.constant 2 : i32
        %add3A_190 = arith.addi %add3A_90, %add3A_189 : i32
        %mul3A_191 = arith.constant 64 : i32
        %mul3A_192 = arith.muli %add3A_190, %mul3A_191 : i32
        %add3A_193 = arith.addi %add3A, %mul3A_192 : i32
        %dma_start3A_194 = tpu.memref_slice %arg4[%add3A_193] : memref<163840xi32, #tpu.memory_space<hbm>> -> memref<64xi32, #tpu.memory_space<hbm>>
        %dma_start3A_195 = tpu.memref_slice %arg4[%add3A_193] : memref<163840xi32, #tpu.memory_space<hbm>> -> memref<64xi32, #tpu.memory_space<hbm>>
        tpu.enqueue_dma source(%dma_start3A_195 : memref<64xi32, #tpu.memory_space<hbm>>) target(%arg9 : memref<64xi32, #tpu.memory_space<vmem>>) target_semaphore(%arg19 : memref<!tpu.dma_semaphore, #tpu.memory_space<semaphore_mem>>)
      } else {
      }
      %scan3A_126 = arith.constant 0 : i32
      %scan3A_127 = arith.constant 0 : i32
      %scan3A_128 = arith.constant 64 : i32
      %scan3A_129 = arith.addi %scan3A_127, %scan3A_128 : i32
      %scan3A_130 = arith.constant 1 : i32
      %scan3A_131 = scf.for %scan3A_189 = %scan3A_127 to %scan3A_129 step %scan3A_130 iter_args(%scan3A_190 = %scan3A_126) -> (i32)  : i32 {
        %get3A = arith.index_cast %scan3A_189 : i32 to index
        %get3A_191 = arith.constant 0 : index
        %get3A_192 = tpu.vector_load %arg13[%get3A, %get3A_191] {strides = array<i32>} : memref<64x144xf32, #tpu.memory_space<vmem>>, vector<16xf32>,
        %get3A_193 = arith.index_cast %scan3A_189 : i32 to index
        %get3A_194 = arith.constant 0 : index
        %get3A_195 = tpu.vector_load %arg15[%get3A_193, %get3A_194] {strides = array<i32>} : memref<64x144xf32, #tpu.memory_space<vmem>>, vector<16xf32>,
        %mul3A_196 = arith.mulf %get3A_195, %get3A_192 : vector<16xf32>
        %swap3A = arith.index_cast %scan3A_189 : i32 to index
        %swap3A_197 = arith.constant 0 : index
        %swap3A_198 = tpu.vector_load %arg15[%swap3A, %swap3A_197] {strides = array<i32>} : memref<64x144xf32, #tpu.memory_space<vmem>>, vector<16xf32>,
        tpu.vector_store %arg15[%swap3A, %swap3A_197], %mul3A_196 {strides = array<i32>} : memref<64x144xf32, #tpu.memory_space<vmem>>, vector<16xf32>,
        %get3A_199 = arith.index_cast %scan3A_189 : i32 to index
        %get3A_200 = arith.constant 16 : index
        %get3A_201 = tpu.vector_load %arg15[%get3A_199, %get3A_200] {strides = array<i32>} : memref<64x144xf32, #tpu.memory_space<vmem>>, vector<16xf32>,
        %mul3A_202 = arith.mulf %get3A_201, %get3A_192 : vector<16xf32>
        %get3A_203 = arith.index_cast %scan3A_189 : i32 to index
        %get3A_204 = arith.constant 16 : index
        %get3A_205 = tpu.vector_load %arg13[%get3A_203, %get3A_204] {strides = array<i32>} : memref<64x144xf32, #tpu.memory_space<vmem>>, vector<16xf32>,
        %mul3A_206 = arith.mulf %get3A_195, %get3A_205 : vector<16xf32>
        %add3A_207 = arith.addf %mul3A_202, %mul3A_206 : vector<16xf32>
        %swap3A_208 = arith.index_cast %scan3A_189 : i32 to index
        %swap3A_209 = arith.constant 16 : index
        %swap3A_210 = tpu.vector_load %arg15[%swap3A_208, %swap3A_209] {strides = array<i32>} : memref<64x144xf32, #tpu.memory_space<vmem>>, vector<16xf32>,
        tpu.vector_store %arg15[%swap3A_208, %swap3A_209], %add3A_207 {strides = array<i32>} : memref<64x144xf32, #tpu.memory_space<vmem>>, vector<16xf32>,
        %get3A_211 = arith.index_cast %scan3A_189 : i32 to index
        %get3A_212 = arith.constant 32 : index
        %get3A_213 = tpu.vector_load %arg15[%get3A_211, %get3A_212] {strides = array<i32>} : memref<64x144xf32, #tpu.memory_space<vmem>>, vector<16xf32>,
        %mul3A_214 = arith.mulf %get3A_213, %get3A_192 : vector<16xf32>
        %get3A_215 = arith.index_cast %scan3A_189 : i32 to index
        %get3A_216 = arith.constant 32 : index
        %get3A_217 = tpu.vector_load %arg13[%get3A_215, %get3A_216] {strides = array<i32>} : memref<64x144xf32, #tpu.memory_space<vmem>>, vector<16xf32>,
        %mul3A_218 = arith.mulf %get3A_195, %get3A_217 : vector<16xf32>
        %add3A_219 = arith.addf %mul3A_214, %mul3A_218 : vector<16xf32>
        %swap3A_220 = arith.index_cast %scan3A_189 : i32 to index
        %swap3A_221 = arith.constant 32 : index
        %swap3A_222 = tpu.vector_load %arg15[%swap3A_220, %swap3A_221] {strides = array<i32>} : memref<64x144xf32, #tpu.memory_space<vmem>>, vector<16xf32>,
        tpu.vector_store %arg15[%swap3A_220, %swap3A_221], %add3A_219 {strides = array<i32>} : memref<64x144xf32, #tpu.memory_space<vmem>>, vector<16xf32>,
        %get3A_223 = arith.index_cast %scan3A_189 : i32 to index
        %get3A_224 = arith.constant 48 : index
        %get3A_225 = tpu.vector_load %arg15[%get3A_223, %get3A_224] {strides = array<i32>} : memref<64x144xf32, #tpu.memory_space<vmem>>, vector<16xf32>,
        %mul3A_226 = arith.mulf %get3A_225, %get3A_192 : vector<16xf32>
        %get3A_227 = arith.index_cast %scan3A_189 : i32 to index
        %get3A_228 = arith.constant 48 : index
        %get3A_229 = tpu.vector_load %arg13[%get3A_227, %get3A_228] {strides = array<i32>} : memref<64x144xf32, #tpu.memory_space<vmem>>, vector<16xf32>,
        %mul3A_230 = arith.mulf %get3A_195, %get3A_229 : vector<16xf32>
        %add3A_231 = arith.addf %mul3A_226, %mul3A_230 : vector<16xf32>
        %swap3A_232 = arith.index_cast %scan3A_189 : i32 to index
        %swap3A_233 = arith.constant 48 : index
        %swap3A_234 = tpu.vector_load %arg15[%swap3A_232, %swap3A_233] {strides = array<i32>} : memref<64x144xf32, #tpu.memory_space<vmem>>, vector<16xf32>,
        tpu.vector_store %arg15[%swap3A_232, %swap3A_233], %add3A_231 {strides = array<i32>} : memref<64x144xf32, #tpu.memory_space<vmem>>, vector<16xf32>,
        %get3A_235 = arith.index_cast %scan3A_189 : i32 to index
        %get3A_236 = arith.constant 64 : index
        %get3A_237 = tpu.vector_load %arg15[%get3A_235, %get3A_236] {strides = array<i32>} : memref<64x144xf32, #tpu.memory_space<vmem>>, vector<16xf32>,
        %mul3A_238 = arith.mulf %get3A_237, %get3A_192 : vector<16xf32>
        %get3A_239 = arith.index_cast %scan3A_189 : i32 to index
        %get3A_240 = arith.constant 64 : index
        %get3A_241 = tpu.vector_load %arg13[%get3A_239, %get3A_240] {strides = array<i32>} : memref<64x144xf32, #tpu.memory_space<vmem>>, vector<16xf32>,
        %mul3A_242 = arith.mulf %get3A_195, %get3A_241 : vector<16xf32>
        %add3A_243 = arith.addf %mul3A_238, %mul3A_242 : vector<16xf32>
        %swap3A_244 = arith.index_cast %scan3A_189 : i32 to index
        %swap3A_245 = arith.constant 64 : index
        %swap3A_246 = tpu.vector_load %arg15[%swap3A_244, %swap3A_245] {strides = array<i32>} : memref<64x144xf32, #tpu.memory_space<vmem>>, vector<16xf32>,
        tpu.vector_store %arg15[%swap3A_244, %swap3A_245], %add3A_243 {strides = array<i32>} : memref<64x144xf32, #tpu.memory_space<vmem>>, vector<16xf32>,
        %get3A_247 = arith.index_cast %scan3A_189 : i32 to index
        %get3A_248 = arith.constant 80 : index
        %get3A_249 = tpu.vector_load %arg15[%get3A_247, %get3A_248] {strides = array<i32>} : memref<64x144xf32, #tpu.memory_space<vmem>>, vector<16xf32>,
        %mul3A_250 = arith.mulf %get3A_249, %get3A_192 : vector<16xf32>
        %get3A_251 = arith.index_cast %scan3A_189 : i32 to index
        %get3A_252 = arith.constant 80 : index
        %get3A_253 = tpu.vector_load %arg13[%get3A_251, %get3A_252] {strides = array<i32>} : memref<64x144xf32, #tpu.memory_space<vmem>>, vector<16xf32>,
        %mul3A_254 = arith.mulf %get3A_195, %get3A_253 : vector<16xf32>
        %add3A_255 = arith.addf %mul3A_250, %mul3A_254 : vector<16xf32>
        %swap3A_256 = arith.index_cast %scan3A_189 : i32 to index
        %swap3A_257 = arith.constant 80 : index
        %swap3A_258 = tpu.vector_load %arg15[%swap3A_256, %swap3A_257] {strides = array<i32>} : memref<64x144xf32, #tpu.memory_space<vmem>>, vector<16xf32>,
        tpu.vector_store %arg15[%swap3A_256, %swap3A_257], %add3A_255 {strides = array<i32>} : memref<64x144xf32, #tpu.memory_space<vmem>>, vector<16xf32>,
        %get3A_259 = arith.index_cast %scan3A_189 : i32 to index
        %get3A_260 = arith.constant 96 : index
        %get3A_261 = tpu.vector_load %arg15[%get3A_259, %get3A_260] {strides = array<i32>} : memref<64x144xf32, #tpu.memory_space<vmem>>, vector<16xf32>,
        %mul3A_262 = arith.mulf %get3A_261, %get3A_192 : vector<16xf32>
        %get3A_263 = arith.index_cast %scan3A_189 : i32 to index
        %get3A_264 = arith.constant 96 : index
        %get3A_265 = tpu.vector_load %arg13[%get3A_263, %get3A_264] {strides = array<i32>} : memref<64x144xf32, #tpu.memory_space<vmem>>, vector<16xf32>,
        %mul3A_266 = arith.mulf %get3A_195, %get3A_265 : vector<16xf32>
        %add3A_267 = arith.addf %mul3A_262, %mul3A_266 : vector<16xf32>
        %swap3A_268 = arith.index_cast %scan3A_189 : i32 to index
        %swap3A_269 = arith.constant 96 : index
        %swap3A_270 = tpu.vector_load %arg15[%swap3A_268, %swap3A_269] {strides = array<i32>} : memref<64x144xf32, #tpu.memory_space<vmem>>, vector<16xf32>,
        tpu.vector_store %arg15[%swap3A_268, %swap3A_269], %add3A_267 {strides = array<i32>} : memref<64x144xf32, #tpu.memory_space<vmem>>, vector<16xf32>,
        %get3A_271 = arith.index_cast %scan3A_189 : i32 to index
        %get3A_272 = arith.constant 112 : index
        %get3A_273 = tpu.vector_load %arg15[%get3A_271, %get3A_272] {strides = array<i32>} : memref<64x144xf32, #tpu.memory_space<vmem>>, vector<16xf32>,
        %mul3A_274 = arith.mulf %get3A_273, %get3A_192 : vector<16xf32>
        %get3A_275 = arith.index_cast %scan3A_189 : i32 to index
        %get3A_276 = arith.constant 112 : index
        %get3A_277 = tpu.vector_load %arg13[%get3A_275, %get3A_276] {strides = array<i32>} : memref<64x144xf32, #tpu.memory_space<vmem>>, vector<16xf32>,
        %mul3A_278 = arith.mulf %get3A_195, %get3A_277 : vector<16xf32>
        %add3A_279 = arith.addf %mul3A_274, %mul3A_278 : vector<16xf32>
        %swap3A_280 = arith.index_cast %scan3A_189 : i32 to index
        %swap3A_281 = arith.constant 112 : index
        %swap3A_282 = tpu.vector_load %arg15[%swap3A_280, %swap3A_281] {strides = array<i32>} : memref<64x144xf32, #tpu.memory_space<vmem>>, vector<16xf32>,
        tpu.vector_store %arg15[%swap3A_280, %swap3A_281], %add3A_279 {strides = array<i32>} : memref<64x144xf32, #tpu.memory_space<vmem>>, vector<16xf32>,
        %get3A_283 = arith.index_cast %scan3A_189 : i32 to index
        %get3A_284 = arith.constant 128 : index
        %get3A_285 = tpu.vector_load %arg15[%get3A_283, %get3A_284] {strides = array<i32>} : memref<64x144xf32, #tpu.memory_space<vmem>>, vector<16xf32>,
        %mul3A_286 = arith.mulf %get3A_285, %get3A_192 : vector<16xf32>
        %get3A_287 = arith.index_cast %scan3A_189 : i32 to index
        %get3A_288 = arith.constant 128 : index
        %get3A_289 = tpu.vector_load %arg13[%get3A_287, %get3A_288] {strides = array<i32>} : memref<64x144xf32, #tpu.memory_space<vmem>>, vector<16xf32>,
        %mul3A_290 = arith.mulf %get3A_195, %get3A_289 : vector<16xf32>
        %add3A_291 = arith.addf %mul3A_286, %mul3A_290 : vector<16xf32>
        %swap3A_292 = arith.index_cast %scan3A_189 : i32 to index
        %swap3A_293 = arith.constant 128 : index
        %swap3A_294 = tpu.vector_load %arg15[%swap3A_292, %swap3A_293] {strides = array<i32>} : memref<64x144xf32, #tpu.memory_space<vmem>>, vector<16xf32>,
        tpu.vector_store %arg15[%swap3A_292, %swap3A_293], %add3A_291 {strides = array<i32>} : memref<64x144xf32, #tpu.memory_space<vmem>>, vector<16xf32>,
        %scan3A_295 = arith.constant 0 : i32
        scf.yield %scan3A_295 : i32
      }
      %scan3A_132 = arith.constant 64 : i32
      %dma_start3A_133 = arith.constant 0 : i32
      %dma_start3A_134 = arith.constant 0 : i32
      %dma_start3A_135 = tpu.memref_slice %arg7[%dma_start3A_133, %dma_start3A_134] : memref<10240x144xf32, #tpu.memory_space<vmem_shared>> -> memref<10240x144xf32, #tpu.memory_space<vmem_shared>>
      tpu.enqueue_indirect_dma source(%arg15 : memref<64x144xf32, #tpu.memory_space<vmem>>) target(%dma_start3A_135 : memref<10240x144xf32, #tpu.memory_space<vmem_shared>>) offsets(%arg11 : memref<64xi32, #tpu.memory_space<vmem>>) semaphore(%arg21 : memref<!tpu.dma_semaphore, #tpu.memory_space<semaphore_mem>>) {add = true}
      %mul3A_136 = arith.constant 2 : i32
      %mul3A_137 = arith.muli %while3A_85, %mul3A_136 : i32
      %add3A_138 = arith.constant 1 : i32
      %add3A_139 = arith.addi %mul3A_137, %add3A_138 : i32
      %dma_wait3A_140 = arith.constant 0 : i32
      %dma_wait3A_141 = arith.constant 0 : i32
      %dma_wait3A_142 = tpu.memref_slice %arg16[%dma_wait3A_140, %dma_wait3A_141] : memref<64x144xf32, #tpu.memory_space<vmem>> -> memref<32x144xf32, #tpu.memory_space<vmem>>
      %dma_wait3A_143 = arith.constant 0 : i32
      %dma_wait3A_144 = tpu.memref_slice %arg10[%dma_wait3A_143] : memref<64xi32, #tpu.memory_space<vmem>> -> memref<32xi32, #tpu.memory_space<vmem>>
      %dma_wait3A_145 = arith.constant 0 : i32
      %dma_wait3A_146 = arith.constant 0 : i32
      %dma_wait3A_147 = tpu.memref_slice %arg2[%dma_wait3A_145, %dma_wait3A_146] : memref<10240x144xf32, #tpu.memory_space<hbm>> -> memref<10240x144xf32, #tpu.memory_space<hbm>>
      tpu.wait_indirect_dma semaphore(%arg18 : memref<!tpu.dma_semaphore, #tpu.memory_space<semaphore_mem>>) src(%dma_wait3A_147 : memref<10240x144xf32, #tpu.memory_space<hbm>>) dst(%dma_wait3A_142 : memref<32x144xf32, #tpu.memory_space<vmem>>)
      %dma_wait3A_148 = arith.constant 32 : i32
      %dma_wait3A_149 = arith.constant 0 : i32
      %dma_wait3A_150 = tpu.memref_slice %arg16[%dma_wait3A_148, %dma_wait3A_149] : memref<64x144xf32, #tpu.memory_space<vmem>> -> memref<32x144xf32, #tpu.memory_space<vmem>>
      %dma_wait3A_151 = arith.constant 32 : i32
      %dma_wait3A_152 = tpu.memref_slice %arg10[%dma_wait3A_151] : memref<64xi32, #tpu.memory_space<vmem>> -> memref<32xi32, #tpu.memory_space<vmem>>
      %dma_wait3A_153 = arith.constant 0 : i32
      %dma_wait3A_154 = arith.constant 0 : i32
      %dma_wait3A_155 = tpu.memref_slice %arg2[%dma_wait3A_153, %dma_wait3A_154] : memref<10240x144xf32, #tpu.memory_space<hbm>> -> memref<10240x144xf32, #tpu.memory_space<hbm>>
      tpu.wait_indirect_dma semaphore(%arg18 : memref<!tpu.dma_semaphore, #tpu.memory_space<semaphore_mem>>) src(%dma_wait3A_155 : memref<10240x144xf32, #tpu.memory_space<hbm>>) dst(%dma_wait3A_150 : memref<32x144xf32, #tpu.memory_space<vmem>>)
      %dma_wait3A_156 = arith.constant 0 : i32
      %dma_wait3A_157 = arith.constant 0 : i32
      %dma_wait3A_158 = tpu.memref_slice %arg3[%dma_wait3A_156, %dma_wait3A_157] : memref<163840x144xf32, #tpu.memory_space<hbm>> -> memref<64x144xf32, #tpu.memory_space<hbm>>
      %dma_wait3A_159 = arith.constant 0 : i32
      %dma_wait3A_160 = arith.constant 0 : i32
      %dma_wait3A_161 = tpu.memref_slice %arg3[%dma_wait3A_159, %dma_wait3A_160] : memref<163840x144xf32, #tpu.memory_space<hbm>> -> memref<64x144xf32, #tpu.memory_space<hbm>>
      tpu.wait_dma2 semaphore(%arg18 : memref<!tpu.dma_semaphore, #tpu.memory_space<semaphore_mem>>) src(%dma_wait3A_161 : memref<64x144xf32, #tpu.memory_space<hbm>>) dst(%arg14 : memref<64x144xf32, #tpu.memory_space<vmem>>)
      %dma_wait3A_162 = arith.constant 0 : i32
      %dma_wait3A_163 = tpu.memref_slice %arg5[%dma_wait3A_162] : memref<163840xi32, #tpu.memory_space<hbm>> -> memref<64xi32, #tpu.memory_space<hbm>>
      %dma_wait3A_164 = arith.constant 0 : i32
      %dma_wait3A_165 = tpu.memref_slice %arg5[%dma_wait3A_164] : memref<163840xi32, #tpu.memory_space<hbm>> -> memref<64xi32, #tpu.memory_space<hbm>>
      tpu.wait_dma2 semaphore(%arg18 : memref<!tpu.dma_semaphore, #tpu.memory_space<semaphore_mem>>) src(%dma_wait3A_165 : memref<64xi32, #tpu.memory_space<hbm>>) dst(%arg12 : memref<64xi32, #tpu.memory_space<vmem>>)
      %add3A_166 = arith.constant 1 : i32
      %add3A_167 = arith.addi %add3A_139, %add3A_166 : i32
      %lt3A_168 = arith.cmpi slt, %add3A_167, %select_n3A : i32
      %convert_element_type3A_169 = arith.extui %lt3A_168 : i1 to i32
      %cond3A_170 = arith.constant 0 : i32
      %cond3A_171 = arith.cmpi ne, %convert_element_type3A_169, %cond3A_170 : i32
      scf.if %cond3A_171 {
        %ge3A = arith.constant 1 : i32
        %ge3A_189 = arith.cmpi sge, %add3A_139, %ge3A : i32
        %convert_element_type3A_190 = arith.extui %ge3A_189 : i1 to i32
        %cond3A_191 = arith.constant 0 : i32
        %cond3A_192 = arith.cmpi ne, %convert_element_type3A_190, %cond3A_191 : i32
        scf.if %cond3A_192 {
          %dma_wait3A_224 = arith.constant 0 : i32
          %dma_wait3A_225 = arith.constant 0 : i32
          %dma_wait3A_226 = tpu.memref_slice %arg7[%dma_wait3A_224, %dma_wait3A_225] : memref<10240x144xf32, #tpu.memory_space<vmem_shared>> -> memref<10240x144xf32, #tpu.memory_space<vmem_shared>>
          tpu.wait_indirect_dma semaphore(%arg21 : memref<!tpu.dma_semaphore, #tpu.memory_space<semaphore_mem>>) src(%arg15 : memref<64x144xf32, #tpu.memory_space<vmem>>) dst(%dma_wait3A_226 : memref<10240x144xf32, #tpu.memory_space<vmem_shared>>)
        } else {
        }
        %dma_wait3A_193 = arith.constant 0 : i32
        %dma_wait3A_194 = tpu.memref_slice %arg4[%dma_wait3A_193] : memref<163840xi32, #tpu.memory_space<hbm>> -> memref<64xi32, #tpu.memory_space<hbm>>
        %dma_wait3A_195 = arith.constant 0 : i32
        %dma_wait3A_196 = tpu.memref_slice %arg4[%dma_wait3A_195] : memref<163840xi32, #tpu.memory_space<hbm>> -> memref<64xi32, #tpu.memory_space<hbm>>
        tpu.wait_dma2 semaphore(%arg19 : memref<!tpu.dma_semaphore, #tpu.memory_space<semaphore_mem>>) src(%dma_wait3A_196 : memref<64xi32, #tpu.memory_space<hbm>>) dst(%arg9 : memref<64xi32, #tpu.memory_space<vmem>>)
        %add3A_197 = arith.constant 1 : i32
        %add3A_198 = arith.addi %add3A_139, %add3A_197 : i32
        %mul3A_199 = arith.constant 64 : i32
        %mul3A_200 = arith.muli %add3A_198, %mul3A_199 : i32
        %add3A_201 = arith.addi %add3A, %mul3A_200 : i32
        %dma_start3A_202 = arith.constant 0 : i32
        %dma_start3A_203 = arith.constant 0 : i32
        %dma_start3A_204 = tpu.memref_slice %arg15[%dma_start3A_202, %dma_start3A_203] : memref<64x144xf32, #tpu.memory_space<vmem>> -> memref<32x144xf32, #tpu.memory_space<vmem>>
        %dma_start3A_205 = arith.constant 0 : i32
        %dma_start3A_206 = tpu.memref_slice %arg9[%dma_start3A_205] : memref<64xi32, #tpu.memory_space<vmem>> -> memref<32xi32, #tpu.memory_space<vmem>>
        %dma_start3A_207 = arith.constant 0 : i32
        %dma_start3A_208 = arith.constant 0 : i32
        %dma_start3A_209 = tpu.memref_slice %arg2[%dma_start3A_207, %dma_start3A_208] : memref<10240x144xf32, #tpu.memory_space<hbm>> -> memref<10240x144xf32, #tpu.memory_space<hbm>>
        tpu.enqueue_indirect_dma source(%dma_start3A_209 : memref<10240x144xf32, #tpu.memory_space<hbm>>) target(%dma_start3A_204 : memref<32x144xf32, #tpu.memory_space<vmem>>) offsets(%dma_start3A_206 : memref<32xi32, #tpu.memory_space<vmem>>) semaphore(%arg17 : memref<!tpu.dma_semaphore, #tpu.memory_space<semaphore_mem>>)
        %dma_start3A_210 = arith.constant 32 : i32
        %dma_start3A_211 = arith.constant 0 : i32
        %dma_start3A_212 = tpu.memref_slice %arg15[%dma_start3A_210, %dma_start3A_211] : memref<64x144xf32, #tpu.memory_space<vmem>> -> memref<32x144xf32, #tpu.memory_space<vmem>>
        %dma_start3A_213 = arith.constant 32 : i32
        %dma_start3A_214 = tpu.memref_slice %arg9[%dma_start3A_213] : memref<64xi32, #tpu.memory_space<vmem>> -> memref<32xi32, #tpu.memory_space<vmem>>
        %dma_start3A_215 = arith.constant 0 : i32
        %dma_start3A_216 = arith.constant 0 : i32
        %dma_start3A_217 = tpu.memref_slice %arg2[%dma_start3A_215, %dma_start3A_216] : memref<10240x144xf32, #tpu.memory_space<hbm>> -> memref<10240x144xf32, #tpu.memory_space<hbm>>
        tpu.enqueue_indirect_dma source(%dma_start3A_217 : memref<10240x144xf32, #tpu.memory_space<hbm>>) target(%dma_start3A_212 : memref<32x144xf32, #tpu.memory_space<vmem>>) offsets(%dma_start3A_214 : memref<32xi32, #tpu.memory_space<vmem>>) semaphore(%arg17 : memref<!tpu.dma_semaphore, #tpu.memory_space<semaphore_mem>>)
        %dma_start3A_218 = arith.constant 0 : i32
        %dma_start3A_219 = tpu.memref_slice %arg3[%add3A_201, %dma_start3A_218] : memref<163840x144xf32, #tpu.memory_space<hbm>> -> memref<64x144xf32, #tpu.memory_space<hbm>>
        %dma_start3A_220 = arith.constant 0 : i32
        %dma_start3A_221 = tpu.memref_slice %arg3[%add3A_201, %dma_start3A_220] : memref<163840x144xf32, #tpu.memory_space<hbm>> -> memref<64x144xf32, #tpu.memory_space<hbm>>
        tpu.enqueue_dma source(%dma_start3A_221 : memref<64x144xf32, #tpu.memory_space<hbm>>) target(%arg13 : memref<64x144xf32, #tpu.memory_space<vmem>>) target_semaphore(%arg17 : memref<!tpu.dma_semaphore, #tpu.memory_space<semaphore_mem>>)
        %dma_start3A_222 = tpu.memref_slice %arg5[%add3A_201] : memref<163840xi32, #tpu.memory_space<hbm>> -> memref<64xi32, #tpu.memory_space<hbm>>
        %dma_start3A_223 = tpu.memref_slice %arg5[%add3A_201] : memref<163840xi32, #tpu.memory_space<hbm>> -> memref<64xi32, #tpu.memory_space<hbm>>
        tpu.enqueue_dma source(%dma_start3A_223 : memref<64xi32, #tpu.memory_space<hbm>>) target(%arg11 : memref<64xi32, #tpu.memory_space<vmem>>) target_semaphore(%arg17 : memref<!tpu.dma_semaphore, #tpu.memory_space<semaphore_mem>>)
      } else {
      }
      %add3A_172 = arith.constant 2 : i32
      %add3A_173 = arith.addi %add3A_139, %add3A_172 : i32
      %lt3A_174 = arith.cmpi slt, %add3A_173, %select_n3A : i32
      %convert_element_type3A_175 = arith.extui %lt3A_174 : i1 to i32
      %cond3A_176 = arith.constant 0 : i32
      %cond3A_177 = arith.cmpi ne, %convert_element_type3A_175, %cond3A_176 : i32
      scf.if %cond3A_177 {
        %add3A_189 = arith.constant 2 : i32
        %add3A_190 = arith.addi %add3A_139, %add3A_189 : i32
        %mul3A_191 = arith.constant 64 : i32
        %mul3A_192 = arith.muli %add3A_190, %mul3A_191 : i32
        %add3A_193 = arith.addi %add3A, %mul3A_192 : i32
        %dma_start3A_194 = tpu.memref_slice %arg4[%add3A_193] : memref<163840xi32, #tpu.memory_space<hbm>> -> memref<64xi32, #tpu.memory_space<hbm>>
        %dma_start3A_195 = tpu.memref_slice %arg4[%add3A_193] : memref<163840xi32, #tpu.memory_space<hbm>> -> memref<64xi32, #tpu.memory_space<hbm>>
        tpu.enqueue_dma source(%dma_start3A_195 : memref<64xi32, #tpu.memory_space<hbm>>) target(%arg10 : memref<64xi32, #tpu.memory_space<vmem>>) target_semaphore(%arg20 : memref<!tpu.dma_semaphore, #tpu.memory_space<semaphore_mem>>)
      } else {
      }
      %scan3A_178 = arith.constant 0 : i32
      %scan3A_179 = arith.constant 0 : i32
      %scan3A_180 = arith.constant 64 : i32
      %scan3A_181 = arith.addi %scan3A_179, %scan3A_180 : i32
      %scan3A_182 = arith.constant 1 : i32
      %scan3A_183 = scf.for %scan3A_189 = %scan3A_179 to %scan3A_181 step %scan3A_182 iter_args(%scan3A_190 = %scan3A_178) -> (i32)  : i32 {
        %get3A = arith.index_cast %scan3A_189 : i32 to index
        %get3A_191 = arith.constant 0 : index
        %get3A_192 = tpu.vector_load %arg14[%get3A, %get3A_191] {strides = array<i32>} : memref<64x144xf32, #tpu.memory_space<vmem>>, vector<16xf32>,
        %get3A_193 = arith.index_cast %scan3A_189 : i32 to index
        %get3A_194 = arith.constant 0 : index
        %get3A_195 = tpu.vector_load %arg16[%get3A_193, %get3A_194] {strides = array<i32>} : memref<64x144xf32, #tpu.memory_space<vmem>>, vector<16xf32>,
        %mul3A_196 = arith.mulf %get3A_195, %get3A_192 : vector<16xf32>
        %swap3A = arith.index_cast %scan3A_189 : i32 to index
        %swap3A_197 = arith.constant 0 : index
        %swap3A_198 = tpu.vector_load %arg16[%swap3A, %swap3A_197] {strides = array<i32>} : memref<64x144xf32, #tpu.memory_space<vmem>>, vector<16xf32>,
        tpu.vector_store %arg16[%swap3A, %swap3A_197], %mul3A_196 {strides = array<i32>} : memref<64x144xf32, #tpu.memory_space<vmem>>, vector<16xf32>,
        %get3A_199 = arith.index_cast %scan3A_189 : i32 to index
        %get3A_200 = arith.constant 16 : index
        %get3A_201 = tpu.vector_load %arg16[%get3A_199, %get3A_200] {strides = array<i32>} : memref<64x144xf32, #tpu.memory_space<vmem>>, vector<16xf32>,
        %mul3A_202 = arith.mulf %get3A_201, %get3A_192 : vector<16xf32>
        %get3A_203 = arith.index_cast %scan3A_189 : i32 to index
        %get3A_204 = arith.constant 16 : index
        %get3A_205 = tpu.vector_load %arg14[%get3A_203, %get3A_204] {strides = array<i32>} : memref<64x144xf32, #tpu.memory_space<vmem>>, vector<16xf32>,
        %mul3A_206 = arith.mulf %get3A_195, %get3A_205 : vector<16xf32>
        %add3A_207 = arith.addf %mul3A_202, %mul3A_206 : vector<16xf32>
        %swap3A_208 = arith.index_cast %scan3A_189 : i32 to index
        %swap3A_209 = arith.constant 16 : index
        %swap3A_210 = tpu.vector_load %arg16[%swap3A_208, %swap3A_209] {strides = array<i32>} : memref<64x144xf32, #tpu.memory_space<vmem>>, vector<16xf32>,
        tpu.vector_store %arg16[%swap3A_208, %swap3A_209], %add3A_207 {strides = array<i32>} : memref<64x144xf32, #tpu.memory_space<vmem>>, vector<16xf32>,
        %get3A_211 = arith.index_cast %scan3A_189 : i32 to index
        %get3A_212 = arith.constant 32 : index
        %get3A_213 = tpu.vector_load %arg16[%get3A_211, %get3A_212] {strides = array<i32>} : memref<64x144xf32, #tpu.memory_space<vmem>>, vector<16xf32>,
        %mul3A_214 = arith.mulf %get3A_213, %get3A_192 : vector<16xf32>
        %get3A_215 = arith.index_cast %scan3A_189 : i32 to index
        %get3A_216 = arith.constant 32 : index
        %get3A_217 = tpu.vector_load %arg14[%get3A_215, %get3A_216] {strides = array<i32>} : memref<64x144xf32, #tpu.memory_space<vmem>>, vector<16xf32>,
        %mul3A_218 = arith.mulf %get3A_195, %get3A_217 : vector<16xf32>
        %add3A_219 = arith.addf %mul3A_214, %mul3A_218 : vector<16xf32>
        %swap3A_220 = arith.index_cast %scan3A_189 : i32 to index
        %swap3A_221 = arith.constant 32 : index
        %swap3A_222 = tpu.vector_load %arg16[%swap3A_220, %swap3A_221] {strides = array<i32>} : memref<64x144xf32, #tpu.memory_space<vmem>>, vector<16xf32>,
        tpu.vector_store %arg16[%swap3A_220, %swap3A_221], %add3A_219 {strides = array<i32>} : memref<64x144xf32, #tpu.memory_space<vmem>>, vector<16xf32>,
        %get3A_223 = arith.index_cast %scan3A_189 : i32 to index
        %get3A_224 = arith.constant 48 : index
        %get3A_225 = tpu.vector_load %arg16[%get3A_223, %get3A_224] {strides = array<i32>} : memref<64x144xf32, #tpu.memory_space<vmem>>, vector<16xf32>,
        %mul3A_226 = arith.mulf %get3A_225, %get3A_192 : vector<16xf32>
        %get3A_227 = arith.index_cast %scan3A_189 : i32 to index
        %get3A_228 = arith.constant 48 : index
        %get3A_229 = tpu.vector_load %arg14[%get3A_227, %get3A_228] {strides = array<i32>} : memref<64x144xf32, #tpu.memory_space<vmem>>, vector<16xf32>,
        %mul3A_230 = arith.mulf %get3A_195, %get3A_229 : vector<16xf32>
        %add3A_231 = arith.addf %mul3A_226, %mul3A_230 : vector<16xf32>
        %swap3A_232 = arith.index_cast %scan3A_189 : i32 to index
        %swap3A_233 = arith.constant 48 : index
        %swap3A_234 = tpu.vector_load %arg16[%swap3A_232, %swap3A_233] {strides = array<i32>} : memref<64x144xf32, #tpu.memory_space<vmem>>, vector<16xf32>,
        tpu.vector_store %arg16[%swap3A_232, %swap3A_233], %add3A_231 {strides = array<i32>} : memref<64x144xf32, #tpu.memory_space<vmem>>, vector<16xf32>,
        %get3A_235 = arith.index_cast %scan3A_189 : i32 to index
        %get3A_236 = arith.constant 64 : index
        %get3A_237 = tpu.vector_load %arg16[%get3A_235, %get3A_236] {strides = array<i32>} : memref<64x144xf32, #tpu.memory_space<vmem>>, vector<16xf32>,
        %mul3A_238 = arith.mulf %get3A_237, %get3A_192 : vector<16xf32>
        %get3A_239 = arith.index_cast %scan3A_189 : i32 to index
        %get3A_240 = arith.constant 64 : index
        %get3A_241 = tpu.vector_load %arg14[%get3A_239, %get3A_240] {strides = array<i32>} : memref<64x144xf32, #tpu.memory_space<vmem>>, vector<16xf32>,
        %mul3A_242 = arith.mulf %get3A_195, %get3A_241 : vector<16xf32>
        %add3A_243 = arith.addf %mul3A_238, %mul3A_242 : vector<16xf32>
        %swap3A_244 = arith.index_cast %scan3A_189 : i32 to index
        %swap3A_245 = arith.constant 64 : index
        %swap3A_246 = tpu.vector_load %arg16[%swap3A_244, %swap3A_245] {strides = array<i32>} : memref<64x144xf32, #tpu.memory_space<vmem>>, vector<16xf32>,
        tpu.vector_store %arg16[%swap3A_244, %swap3A_245], %add3A_243 {strides = array<i32>} : memref<64x144xf32, #tpu.memory_space<vmem>>, vector<16xf32>,
        %get3A_247 = arith.index_cast %scan3A_189 : i32 to index
        %get3A_248 = arith.constant 80 : index
        %get3A_249 = tpu.vector_load %arg16[%get3A_247, %get3A_248] {strides = array<i32>} : memref<64x144xf32, #tpu.memory_space<vmem>>, vector<16xf32>,
        %mul3A_250 = arith.mulf %get3A_249, %get3A_192 : vector<16xf32>
        %get3A_251 = arith.index_cast %scan3A_189 : i32 to index
        %get3A_252 = arith.constant 80 : index
        %get3A_253 = tpu.vector_load %arg14[%get3A_251, %get3A_252] {strides = array<i32>} : memref<64x144xf32, #tpu.memory_space<vmem>>, vector<16xf32>,
        %mul3A_254 = arith.mulf %get3A_195, %get3A_253 : vector<16xf32>
        %add3A_255 = arith.addf %mul3A_250, %mul3A_254 : vector<16xf32>
        %swap3A_256 = arith.index_cast %scan3A_189 : i32 to index
        %swap3A_257 = arith.constant 80 : index
        %swap3A_258 = tpu.vector_load %arg16[%swap3A_256, %swap3A_257] {strides = array<i32>} : memref<64x144xf32, #tpu.memory_space<vmem>>, vector<16xf32>,
        tpu.vector_store %arg16[%swap3A_256, %swap3A_257], %add3A_255 {strides = array<i32>} : memref<64x144xf32, #tpu.memory_space<vmem>>, vector<16xf32>,
        %get3A_259 = arith.index_cast %scan3A_189 : i32 to index
        %get3A_260 = arith.constant 96 : index
        %get3A_261 = tpu.vector_load %arg16[%get3A_259, %get3A_260] {strides = array<i32>} : memref<64x144xf32, #tpu.memory_space<vmem>>, vector<16xf32>,
        %mul3A_262 = arith.mulf %get3A_261, %get3A_192 : vector<16xf32>
        %get3A_263 = arith.index_cast %scan3A_189 : i32 to index
        %get3A_264 = arith.constant 96 : index
        %get3A_265 = tpu.vector_load %arg14[%get3A_263, %get3A_264] {strides = array<i32>} : memref<64x144xf32, #tpu.memory_space<vmem>>, vector<16xf32>,
        %mul3A_266 = arith.mulf %get3A_195, %get3A_265 : vector<16xf32>
        %add3A_267 = arith.addf %mul3A_262, %mul3A_266 : vector<16xf32>
        %swap3A_268 = arith.index_cast %scan3A_189 : i32 to index
        %swap3A_269 = arith.constant 96 : index
        %swap3A_270 = tpu.vector_load %arg16[%swap3A_268, %swap3A_269] {strides = array<i32>} : memref<64x144xf32, #tpu.memory_space<vmem>>, vector<16xf32>,
        tpu.vector_store %arg16[%swap3A_268, %swap3A_269], %add3A_267 {strides = array<i32>} : memref<64x144xf32, #tpu.memory_space<vmem>>, vector<16xf32>,
        %get3A_271 = arith.index_cast %scan3A_189 : i32 to index
        %get3A_272 = arith.constant 112 : index
        %get3A_273 = tpu.vector_load %arg16[%get3A_271, %get3A_272] {strides = array<i32>} : memref<64x144xf32, #tpu.memory_space<vmem>>, vector<16xf32>,
        %mul3A_274 = arith.mulf %get3A_273, %get3A_192 : vector<16xf32>
        %get3A_275 = arith.index_cast %scan3A_189 : i32 to index
        %get3A_276 = arith.constant 112 : index
        %get3A_277 = tpu.vector_load %arg14[%get3A_275, %get3A_276] {strides = array<i32>} : memref<64x144xf32, #tpu.memory_space<vmem>>, vector<16xf32>,
        %mul3A_278 = arith.mulf %get3A_195, %get3A_277 : vector<16xf32>
        %add3A_279 = arith.addf %mul3A_274, %mul3A_278 : vector<16xf32>
        %swap3A_280 = arith.index_cast %scan3A_189 : i32 to index
        %swap3A_281 = arith.constant 112 : index
        %swap3A_282 = tpu.vector_load %arg16[%swap3A_280, %swap3A_281] {strides = array<i32>} : memref<64x144xf32, #tpu.memory_space<vmem>>, vector<16xf32>,
        tpu.vector_store %arg16[%swap3A_280, %swap3A_281], %add3A_279 {strides = array<i32>} : memref<64x144xf32, #tpu.memory_space<vmem>>, vector<16xf32>,
        %get3A_283 = arith.index_cast %scan3A_189 : i32 to index
        %get3A_284 = arith.constant 128 : index
        %get3A_285 = tpu.vector_load %arg16[%get3A_283, %get3A_284] {strides = array<i32>} : memref<64x144xf32, #tpu.memory_space<vmem>>, vector<16xf32>,
        %mul3A_286 = arith.mulf %get3A_285, %get3A_192 : vector<16xf32>
        %get3A_287 = arith.index_cast %scan3A_189 : i32 to index
        %get3A_288 = arith.constant 128 : index
        %get3A_289 = tpu.vector_load %arg14[%get3A_287, %get3A_288] {strides = array<i32>} : memref<64x144xf32, #tpu.memory_space<vmem>>, vector<16xf32>,
        %mul3A_290 = arith.mulf %get3A_195, %get3A_289 : vector<16xf32>
        %add3A_291 = arith.addf %mul3A_286, %mul3A_290 : vector<16xf32>
        %swap3A_292 = arith.index_cast %scan3A_189 : i32 to index
        %swap3A_293 = arith.constant 128 : index
        %swap3A_294 = tpu.vector_load %arg16[%swap3A_292, %swap3A_293] {strides = array<i32>} : memref<64x144xf32, #tpu.memory_space<vmem>>, vector<16xf32>,
        tpu.vector_store %arg16[%swap3A_292, %swap3A_293], %add3A_291 {strides = array<i32>} : memref<64x144xf32, #tpu.memory_space<vmem>>, vector<16xf32>,
        %scan3A_295 = arith.constant 0 : i32
        scf.yield %scan3A_295 : i32
      }
      %scan3A_184 = arith.constant 64 : i32
      %dma_start3A_185 = arith.constant 0 : i32
      %dma_start3A_186 = arith.constant 0 : i32
      %dma_start3A_187 = tpu.memref_slice %arg7[%dma_start3A_185, %dma_start3A_186] : memref<10240x144xf32, #tpu.memory_space<vmem_shared>> -> memref<10240x144xf32, #tpu.memory_space<vmem_shared>>
      tpu.enqueue_indirect_dma source(%arg16 : memref<64x144xf32, #tpu.memory_space<vmem>>) target(%dma_start3A_187 : memref<10240x144xf32, #tpu.memory_space<vmem_shared>>) offsets(%arg12 : memref<64xi32, #tpu.memory_space<vmem>>) semaphore(%arg22 : memref<!tpu.dma_semaphore, #tpu.memory_space<semaphore_mem>>) {add = true}
      %while3A_188 = arith.constant 0 : i32
      scf.yield %while3A_188 : i32
    }
    %while3A_73 = arith.constant 1 : i32
    %while3A_74 = scf.for %while3A_85 = %while3A_70 to %while3A_66 step %while3A_73 iter_args(%while3A_86 = %while3A_72) -> (i32)  : i32 {
      %mul3A_87 = arith.constant 2 : i32
      %mul3A_88 = arith.muli %while3A_85, %mul3A_87 : i32
      %add3A_89 = arith.constant 0 : i32
      %add3A_90 = arith.addi %mul3A_88, %add3A_89 : i32
      %dma_wait3A_91 = arith.constant 0 : i32
      %dma_wait3A_92 = arith.constant 0 : i32
      %dma_wait3A_93 = tpu.memref_slice %arg15[%dma_wait3A_91, %dma_wait3A_92] : memref<64x144xf32, #tpu.memory_space<vmem>> -> memref<32x144xf32, #tpu.memory_space<vmem>>
      %dma_wait3A_94 = arith.constant 0 : i32
      %dma_wait3A_95 = tpu.memref_slice %arg9[%dma_wait3A_94] : memref<64xi32, #tpu.memory_space<vmem>> -> memref<32xi32, #tpu.memory_space<vmem>>
      %dma_wait3A_96 = arith.constant 0 : i32
      %dma_wait3A_97 = arith.constant 0 : i32
      %dma_wait3A_98 = tpu.memref_slice %arg2[%dma_wait3A_96, %dma_wait3A_97] : memref<10240x144xf32, #tpu.memory_space<hbm>> -> memref<10240x144xf32, #tpu.memory_space<hbm>>
      tpu.wait_indirect_dma semaphore(%arg17 : memref<!tpu.dma_semaphore, #tpu.memory_space<semaphore_mem>>) src(%dma_wait3A_98 : memref<10240x144xf32, #tpu.memory_space<hbm>>) dst(%dma_wait3A_93 : memref<32x144xf32, #tpu.memory_space<vmem>>)
      %dma_wait3A_99 = arith.constant 32 : i32
      %dma_wait3A_100 = arith.constant 0 : i32
      %dma_wait3A_101 = tpu.memref_slice %arg15[%dma_wait3A_99, %dma_wait3A_100] : memref<64x144xf32, #tpu.memory_space<vmem>> -> memref<32x144xf32, #tpu.memory_space<vmem>>
      %dma_wait3A_102 = arith.constant 32 : i32
      %dma_wait3A_103 = tpu.memref_slice %arg9[%dma_wait3A_102] : memref<64xi32, #tpu.memory_space<vmem>> -> memref<32xi32, #tpu.memory_space<vmem>>
      %dma_wait3A_104 = arith.constant 0 : i32
      %dma_wait3A_105 = arith.constant 0 : i32
      %dma_wait3A_106 = tpu.memref_slice %arg2[%dma_wait3A_104, %dma_wait3A_105] : memref<10240x144xf32, #tpu.memory_space<hbm>> -> memref<10240x144xf32, #tpu.memory_space<hbm>>
      tpu.wait_indirect_dma semaphore(%arg17 : memref<!tpu.dma_semaphore, #tpu.memory_space<semaphore_mem>>) src(%dma_wait3A_106 : memref<10240x144xf32, #tpu.memory_space<hbm>>) dst(%dma_wait3A_101 : memref<32x144xf32, #tpu.memory_space<vmem>>)
      %dma_wait3A_107 = arith.constant 0 : i32
      %dma_wait3A_108 = arith.constant 0 : i32
      %dma_wait3A_109 = tpu.memref_slice %arg3[%dma_wait3A_107, %dma_wait3A_108] : memref<163840x144xf32, #tpu.memory_space<hbm>> -> memref<64x144xf32, #tpu.memory_space<hbm>>
      %dma_wait3A_110 = arith.constant 0 : i32
      %dma_wait3A_111 = arith.constant 0 : i32
      %dma_wait3A_112 = tpu.memref_slice %arg3[%dma_wait3A_110, %dma_wait3A_111] : memref<163840x144xf32, #tpu.memory_space<hbm>> -> memref<64x144xf32, #tpu.memory_space<hbm>>
      tpu.wait_dma2 semaphore(%arg17 : memref<!tpu.dma_semaphore, #tpu.memory_space<semaphore_mem>>) src(%dma_wait3A_112 : memref<64x144xf32, #tpu.memory_space<hbm>>) dst(%arg13 : memref<64x144xf32, #tpu.memory_space<vmem>>)
      %dma_wait3A_113 = arith.constant 0 : i32
      %dma_wait3A_114 = tpu.memref_slice %arg5[%dma_wait3A_113] : memref<163840xi32, #tpu.memory_space<hbm>> -> memref<64xi32, #tpu.memory_space<hbm>>
      %dma_wait3A_115 = arith.constant 0 : i32
      %dma_wait3A_116 = tpu.memref_slice %arg5[%dma_wait3A_115] : memref<163840xi32, #tpu.memory_space<hbm>> -> memref<64xi32, #tpu.memory_space<hbm>>
      tpu.wait_dma2 semaphore(%arg17 : memref<!tpu.dma_semaphore, #tpu.memory_space<semaphore_mem>>) src(%dma_wait3A_116 : memref<64xi32, #tpu.memory_space<hbm>>) dst(%arg11 : memref<64xi32, #tpu.memory_space<vmem>>)
      %add3A_117 = arith.constant 1 : i32
      %add3A_118 = arith.addi %add3A_90, %add3A_117 : i32
      %lt3A = arith.cmpi slt, %add3A_118, %select_n3A : i32
      %convert_element_type3A = arith.extui %lt3A : i1 to i32
      %cond3A = arith.constant 0 : i32
      %cond3A_119 = arith.cmpi ne, %convert_element_type3A, %cond3A : i32
      scf.if %cond3A_119 {
        %ge3A = arith.constant 1 : i32
        %ge3A_189 = arith.cmpi sge, %add3A_90, %ge3A : i32
        %convert_element_type3A_190 = arith.extui %ge3A_189 : i1 to i32
        %cond3A_191 = arith.constant 0 : i32
        %cond3A_192 = arith.cmpi ne, %convert_element_type3A_190, %cond3A_191 : i32
        scf.if %cond3A_192 {
          %dma_wait3A_224 = arith.constant 0 : i32
          %dma_wait3A_225 = arith.constant 0 : i32
          %dma_wait3A_226 = tpu.memref_slice %arg7[%dma_wait3A_224, %dma_wait3A_225] : memref<10240x144xf32, #tpu.memory_space<vmem_shared>> -> memref<10240x144xf32, #tpu.memory_space<vmem_shared>>
          tpu.wait_indirect_dma semaphore(%arg22 : memref<!tpu.dma_semaphore, #tpu.memory_space<semaphore_mem>>) src(%arg16 : memref<64x144xf32, #tpu.memory_space<vmem>>) dst(%dma_wait3A_226 : memref<10240x144xf32, #tpu.memory_space<vmem_shared>>)
        } else {
        }
        %dma_wait3A_193 = arith.constant 0 : i32
        %dma_wait3A_194 = tpu.memref_slice %arg4[%dma_wait3A_193] : memref<163840xi32, #tpu.memory_space<hbm>> -> memref<64xi32, #tpu.memory_space<hbm>>
        %dma_wait3A_195 = arith.constant 0 : i32
        %dma_wait3A_196 = tpu.memref_slice %arg4[%dma_wait3A_195] : memref<163840xi32, #tpu.memory_space<hbm>> -> memref<64xi32, #tpu.memory_space<hbm>>
        tpu.wait_dma2 semaphore(%arg20 : memref<!tpu.dma_semaphore, #tpu.memory_space<semaphore_mem>>) src(%dma_wait3A_196 : memref<64xi32, #tpu.memory_space<hbm>>) dst(%arg10 : memref<64xi32, #tpu.memory_space<vmem>>)
        %add3A_197 = arith.constant 1 : i32
        %add3A_198 = arith.addi %add3A_90, %add3A_197 : i32
        %mul3A_199 = arith.constant 64 : i32
        %mul3A_200 = arith.muli %add3A_198, %mul3A_199 : i32
        %add3A_201 = arith.addi %add3A, %mul3A_200 : i32
        %dma_start3A_202 = arith.constant 0 : i32
        %dma_start3A_203 = arith.constant 0 : i32
        %dma_start3A_204 = tpu.memref_slice %arg16[%dma_start3A_202, %dma_start3A_203] : memref<64x144xf32, #tpu.memory_space<vmem>> -> memref<32x144xf32, #tpu.memory_space<vmem>>
        %dma_start3A_205 = arith.constant 0 : i32
        %dma_start3A_206 = tpu.memref_slice %arg10[%dma_start3A_205] : memref<64xi32, #tpu.memory_space<vmem>> -> memref<32xi32, #tpu.memory_space<vmem>>
        %dma_start3A_207 = arith.constant 0 : i32
        %dma_start3A_208 = arith.constant 0 : i32
        %dma_start3A_209 = tpu.memref_slice %arg2[%dma_start3A_207, %dma_start3A_208] : memref<10240x144xf32, #tpu.memory_space<hbm>> -> memref<10240x144xf32, #tpu.memory_space<hbm>>
        tpu.enqueue_indirect_dma source(%dma_start3A_209 : memref<10240x144xf32, #tpu.memory_space<hbm>>) target(%dma_start3A_204 : memref<32x144xf32, #tpu.memory_space<vmem>>) offsets(%dma_start3A_206 : memref<32xi32, #tpu.memory_space<vmem>>) semaphore(%arg18 : memref<!tpu.dma_semaphore, #tpu.memory_space<semaphore_mem>>)
        %dma_start3A_210 = arith.constant 32 : i32
        %dma_start3A_211 = arith.constant 0 : i32
        %dma_start3A_212 = tpu.memref_slice %arg16[%dma_start3A_210, %dma_start3A_211] : memref<64x144xf32, #tpu.memory_space<vmem>> -> memref<32x144xf32, #tpu.memory_space<vmem>>
        %dma_start3A_213 = arith.constant 32 : i32
        %dma_start3A_214 = tpu.memref_slice %arg10[%dma_start3A_213] : memref<64xi32, #tpu.memory_space<vmem>> -> memref<32xi32, #tpu.memory_space<vmem>>
        %dma_start3A_215 = arith.constant 0 : i32
        %dma_start3A_216 = arith.constant 0 : i32
        %dma_start3A_217 = tpu.memref_slice %arg2[%dma_start3A_215, %dma_start3A_216] : memref<10240x144xf32, #tpu.memory_space<hbm>> -> memref<10240x144xf32, #tpu.memory_space<hbm>>
        tpu.enqueue_indirect_dma source(%dma_start3A_217 : memref<10240x144xf32, #tpu.memory_space<hbm>>) target(%dma_start3A_212 : memref<32x144xf32, #tpu.memory_space<vmem>>) offsets(%dma_start3A_214 : memref<32xi32, #tpu.memory_space<vmem>>) semaphore(%arg18 : memref<!tpu.dma_semaphore, #tpu.memory_space<semaphore_mem>>)
        %dma_start3A_218 = arith.constant 0 : i32
        %dma_start3A_219 = tpu.memref_slice %arg3[%add3A_201, %dma_start3A_218] : memref<163840x144xf32, #tpu.memory_space<hbm>> -> memref<64x144xf32, #tpu.memory_space<hbm>>
        %dma_start3A_220 = arith.constant 0 : i32
        %dma_start3A_221 = tpu.memref_slice %arg3[%add3A_201, %dma_start3A_220] : memref<163840x144xf32, #tpu.memory_space<hbm>> -> memref<64x144xf32, #tpu.memory_space<hbm>>
        tpu.enqueue_dma source(%dma_start3A_221 : memref<64x144xf32, #tpu.memory_space<hbm>>) target(%arg14 : memref<64x144xf32, #tpu.memory_space<vmem>>) target_semaphore(%arg18 : memref<!tpu.dma_semaphore, #tpu.memory_space<semaphore_mem>>)
        %dma_start3A_222 = tpu.memref_slice %arg5[%add3A_201] : memref<163840xi32, #tpu.memory_space<hbm>> -> memref<64xi32, #tpu.memory_space<hbm>>
        %dma_start3A_223 = tpu.memref_slice %arg5[%add3A_201] : memref<163840xi32, #tpu.memory_space<hbm>> -> memref<64xi32, #tpu.memory_space<hbm>>
        tpu.enqueue_dma source(%dma_start3A_223 : memref<64xi32, #tpu.memory_space<hbm>>) target(%arg12 : memref<64xi32, #tpu.memory_space<vmem>>) target_semaphore(%arg18 : memref<!tpu.dma_semaphore, #tpu.memory_space<semaphore_mem>>)
      } else {
      }
      %add3A_120 = arith.constant 2 : i32
      %add3A_121 = arith.addi %add3A_90, %add3A_120 : i32
      %lt3A_122 = arith.cmpi slt, %add3A_121, %select_n3A : i32
      %convert_element_type3A_123 = arith.extui %lt3A_122 : i1 to i32
      %cond3A_124 = arith.constant 0 : i32
      %cond3A_125 = arith.cmpi ne, %convert_element_type3A_123, %cond3A_124 : i32
      scf.if %cond3A_125 {
        %add3A_189 = arith.constant 2 : i32
        %add3A_190 = arith.addi %add3A_90, %add3A_189 : i32
        %mul3A_191 = arith.constant 64 : i32
        %mul3A_192 = arith.muli %add3A_190, %mul3A_191 : i32
        %add3A_193 = arith.addi %add3A, %mul3A_192 : i32
        %dma_start3A_194 = tpu.memref_slice %arg4[%add3A_193] : memref<163840xi32, #tpu.memory_space<hbm>> -> memref<64xi32, #tpu.memory_space<hbm>>
        %dma_start3A_195 = tpu.memref_slice %arg4[%add3A_193] : memref<163840xi32, #tpu.memory_space<hbm>> -> memref<64xi32, #tpu.memory_space<hbm>>
        tpu.enqueue_dma source(%dma_start3A_195 : memref<64xi32, #tpu.memory_space<hbm>>) target(%arg9 : memref<64xi32, #tpu.memory_space<vmem>>) target_semaphore(%arg19 : memref<!tpu.dma_semaphore, #tpu.memory_space<semaphore_mem>>)
      } else {
      }
      %scan3A_126 = arith.constant 0 : i32
      %scan3A_127 = arith.constant 0 : i32
      %scan3A_128 = arith.constant 64 : i32
      %scan3A_129 = arith.addi %scan3A_127, %scan3A_128 : i32
      %scan3A_130 = arith.constant 1 : i32
      %scan3A_131 = scf.for %scan3A_189 = %scan3A_127 to %scan3A_129 step %scan3A_130 iter_args(%scan3A_190 = %scan3A_126) -> (i32)  : i32 {
        %get3A = arith.index_cast %scan3A_189 : i32 to index
        %get3A_191 = arith.constant 0 : index
        %get3A_192 = tpu.vector_load %arg13[%get3A, %get3A_191] {strides = array<i32>} : memref<64x144xf32, #tpu.memory_space<vmem>>, vector<16xf32>,
        %get3A_193 = arith.index_cast %scan3A_189 : i32 to index
        %get3A_194 = arith.constant 0 : index
        %get3A_195 = tpu.vector_load %arg15[%get3A_193, %get3A_194] {strides = array<i32>} : memref<64x144xf32, #tpu.memory_space<vmem>>, vector<16xf32>,
        %mul3A_196 = arith.mulf %get3A_195, %get3A_192 : vector<16xf32>
        %swap3A = arith.index_cast %scan3A_189 : i32 to index
        %swap3A_197 = arith.constant 0 : index
        %swap3A_198 = tpu.vector_load %arg15[%swap3A, %swap3A_197] {strides = array<i32>} : memref<64x144xf32, #tpu.memory_space<vmem>>, vector<16xf32>,
        tpu.vector_store %arg15[%swap3A, %swap3A_197], %mul3A_196 {strides = array<i32>} : memref<64x144xf32, #tpu.memory_space<vmem>>, vector<16xf32>,
        %get3A_199 = arith.index_cast %scan3A_189 : i32 to index
        %get3A_200 = arith.constant 16 : index
        %get3A_201 = tpu.vector_load %arg15[%get3A_199, %get3A_200] {strides = array<i32>} : memref<64x144xf32, #tpu.memory_space<vmem>>, vector<16xf32>,
        %mul3A_202 = arith.mulf %get3A_201, %get3A_192 : vector<16xf32>
        %get3A_203 = arith.index_cast %scan3A_189 : i32 to index
        %get3A_204 = arith.constant 16 : index
        %get3A_205 = tpu.vector_load %arg13[%get3A_203, %get3A_204] {strides = array<i32>} : memref<64x144xf32, #tpu.memory_space<vmem>>, vector<16xf32>,
        %mul3A_206 = arith.mulf %get3A_195, %get3A_205 : vector<16xf32>
        %add3A_207 = arith.addf %mul3A_202, %mul3A_206 : vector<16xf32>
        %swap3A_208 = arith.index_cast %scan3A_189 : i32 to index
        %swap3A_209 = arith.constant 16 : index
        %swap3A_210 = tpu.vector_load %arg15[%swap3A_208, %swap3A_209] {strides = array<i32>} : memref<64x144xf32, #tpu.memory_space<vmem>>, vector<16xf32>,
        tpu.vector_store %arg15[%swap3A_208, %swap3A_209], %add3A_207 {strides = array<i32>} : memref<64x144xf32, #tpu.memory_space<vmem>>, vector<16xf32>,
        %get3A_211 = arith.index_cast %scan3A_189 : i32 to index
        %get3A_212 = arith.constant 32 : index
        %get3A_213 = tpu.vector_load %arg15[%get3A_211, %get3A_212] {strides = array<i32>} : memref<64x144xf32, #tpu.memory_space<vmem>>, vector<16xf32>,
        %mul3A_214 = arith.mulf %get3A_213, %get3A_192 : vector<16xf32>
        %get3A_215 = arith.index_cast %scan3A_189 : i32 to index
        %get3A_216 = arith.constant 32 : index
        %get3A_217 = tpu.vector_load %arg13[%get3A_215, %get3A_216] {strides = array<i32>} : memref<64x144xf32, #tpu.memory_space<vmem>>, vector<16xf32>,
        %mul3A_218 = arith.mulf %get3A_195, %get3A_217 : vector<16xf32>
        %add3A_219 = arith.addf %mul3A_214, %mul3A_218 : vector<16xf32>
        %swap3A_220 = arith.index_cast %scan3A_189 : i32 to index
        %swap3A_221 = arith.constant 32 : index
        %swap3A_222 = tpu.vector_load %arg15[%swap3A_220, %swap3A_221] {strides = array<i32>} : memref<64x144xf32, #tpu.memory_space<vmem>>, vector<16xf32>,
        tpu.vector_store %arg15[%swap3A_220, %swap3A_221], %add3A_219 {strides = array<i32>} : memref<64x144xf32, #tpu.memory_space<vmem>>, vector<16xf32>,
        %get3A_223 = arith.index_cast %scan3A_189 : i32 to index
        %get3A_224 = arith.constant 48 : index
        %get3A_225 = tpu.vector_load %arg15[%get3A_223, %get3A_224] {strides = array<i32>} : memref<64x144xf32, #tpu.memory_space<vmem>>, vector<16xf32>,
        %mul3A_226 = arith.mulf %get3A_225, %get3A_192 : vector<16xf32>
        %get3A_227 = arith.index_cast %scan3A_189 : i32 to index
        %get3A_228 = arith.constant 48 : index
        %get3A_229 = tpu.vector_load %arg13[%get3A_227, %get3A_228] {strides = array<i32>} : memref<64x144xf32, #tpu.memory_space<vmem>>, vector<16xf32>,
        %mul3A_230 = arith.mulf %get3A_195, %get3A_229 : vector<16xf32>
        %add3A_231 = arith.addf %mul3A_226, %mul3A_230 : vector<16xf32>
        %swap3A_232 = arith.index_cast %scan3A_189 : i32 to index
        %swap3A_233 = arith.constant 48 : index
        %swap3A_234 = tpu.vector_load %arg15[%swap3A_232, %swap3A_233] {strides = array<i32>} : memref<64x144xf32, #tpu.memory_space<vmem>>, vector<16xf32>,
        tpu.vector_store %arg15[%swap3A_232, %swap3A_233], %add3A_231 {strides = array<i32>} : memref<64x144xf32, #tpu.memory_space<vmem>>, vector<16xf32>,
        %get3A_235 = arith.index_cast %scan3A_189 : i32 to index
        %get3A_236 = arith.constant 64 : index
        %get3A_237 = tpu.vector_load %arg15[%get3A_235, %get3A_236] {strides = array<i32>} : memref<64x144xf32, #tpu.memory_space<vmem>>, vector<16xf32>,
        %mul3A_238 = arith.mulf %get3A_237, %get3A_192 : vector<16xf32>
        %get3A_239 = arith.index_cast %scan3A_189 : i32 to index
        %get3A_240 = arith.constant 64 : index
        %get3A_241 = tpu.vector_load %arg13[%get3A_239, %get3A_240] {strides = array<i32>} : memref<64x144xf32, #tpu.memory_space<vmem>>, vector<16xf32>,
        %mul3A_242 = arith.mulf %get3A_195, %get3A_241 : vector<16xf32>
        %add3A_243 = arith.addf %mul3A_238, %mul3A_242 : vector<16xf32>
        %swap3A_244 = arith.index_cast %scan3A_189 : i32 to index
        %swap3A_245 = arith.constant 64 : index
        %swap3A_246 = tpu.vector_load %arg15[%swap3A_244, %swap3A_245] {strides = array<i32>} : memref<64x144xf32, #tpu.memory_space<vmem>>, vector<16xf32>,
        tpu.vector_store %arg15[%swap3A_244, %swap3A_245], %add3A_243 {strides = array<i32>} : memref<64x144xf32, #tpu.memory_space<vmem>>, vector<16xf32>,
        %get3A_247 = arith.index_cast %scan3A_189 : i32 to index
        %get3A_248 = arith.constant 80 : index
        %get3A_249 = tpu.vector_load %arg15[%get3A_247, %get3A_248] {strides = array<i32>} : memref<64x144xf32, #tpu.memory_space<vmem>>, vector<16xf32>,
        %mul3A_250 = arith.mulf %get3A_249, %get3A_192 : vector<16xf32>
        %get3A_251 = arith.index_cast %scan3A_189 : i32 to index
        %get3A_252 = arith.constant 80 : index
        %get3A_253 = tpu.vector_load %arg13[%get3A_251, %get3A_252] {strides = array<i32>} : memref<64x144xf32, #tpu.memory_space<vmem>>, vector<16xf32>,
        %mul3A_254 = arith.mulf %get3A_195, %get3A_253 : vector<16xf32>
        %add3A_255 = arith.addf %mul3A_250, %mul3A_254 : vector<16xf32>
        %swap3A_256 = arith.index_cast %scan3A_189 : i32 to index
        %swap3A_257 = arith.constant 80 : index
        %swap3A_258 = tpu.vector_load %arg15[%swap3A_256, %swap3A_257] {strides = array<i32>} : memref<64x144xf32, #tpu.memory_space<vmem>>, vector<16xf32>,
        tpu.vector_store %arg15[%swap3A_256, %swap3A_257], %add3A_255 {strides = array<i32>} : memref<64x144xf32, #tpu.memory_space<vmem>>, vector<16xf32>,
        %get3A_259 = arith.index_cast %scan3A_189 : i32 to index
        %get3A_260 = arith.constant 96 : index
        %get3A_261 = tpu.vector_load %arg15[%get3A_259, %get3A_260] {strides = array<i32>} : memref<64x144xf32, #tpu.memory_space<vmem>>, vector<16xf32>,
        %mul3A_262 = arith.mulf %get3A_261, %get3A_192 : vector<16xf32>
        %get3A_263 = arith.index_cast %scan3A_189 : i32 to index
        %get3A_264 = arith.constant 96 : index
        %get3A_265 = tpu.vector_load %arg13[%get3A_263, %get3A_264] {strides = array<i32>} : memref<64x144xf32, #tpu.memory_space<vmem>>, vector<16xf32>,
        %mul3A_266 = arith.mulf %get3A_195, %get3A_265 : vector<16xf32>
        %add3A_267 = arith.addf %mul3A_262, %mul3A_266 : vector<16xf32>
        %swap3A_268 = arith.index_cast %scan3A_189 : i32 to index
        %swap3A_269 = arith.constant 96 : index
        %swap3A_270 = tpu.vector_load %arg15[%swap3A_268, %swap3A_269] {strides = array<i32>} : memref<64x144xf32, #tpu.memory_space<vmem>>, vector<16xf32>,
        tpu.vector_store %arg15[%swap3A_268, %swap3A_269], %add3A_267 {strides = array<i32>} : memref<64x144xf32, #tpu.memory_space<vmem>>, vector<16xf32>,
        %get3A_271 = arith.index_cast %scan3A_189 : i32 to index
        %get3A_272 = arith.constant 112 : index
        %get3A_273 = tpu.vector_load %arg15[%get3A_271, %get3A_272] {strides = array<i32>} : memref<64x144xf32, #tpu.memory_space<vmem>>, vector<16xf32>,
        %mul3A_274 = arith.mulf %get3A_273, %get3A_192 : vector<16xf32>
        %get3A_275 = arith.index_cast %scan3A_189 : i32 to index
        %get3A_276 = arith.constant 112 : index
        %get3A_277 = tpu.vector_load %arg13[%get3A_275, %get3A_276] {strides = array<i32>} : memref<64x144xf32, #tpu.memory_space<vmem>>, vector<16xf32>,
        %mul3A_278 = arith.mulf %get3A_195, %get3A_277 : vector<16xf32>
        %add3A_279 = arith.addf %mul3A_274, %mul3A_278 : vector<16xf32>
        %swap3A_280 = arith.index_cast %scan3A_189 : i32 to index
        %swap3A_281 = arith.constant 112 : index
        %swap3A_282 = tpu.vector_load %arg15[%swap3A_280, %swap3A_281] {strides = array<i32>} : memref<64x144xf32, #tpu.memory_space<vmem>>, vector<16xf32>,
        tpu.vector_store %arg15[%swap3A_280, %swap3A_281], %add3A_279 {strides = array<i32>} : memref<64x144xf32, #tpu.memory_space<vmem>>, vector<16xf32>,
        %get3A_283 = arith.index_cast %scan3A_189 : i32 to index
        %get3A_284 = arith.constant 128 : index
        %get3A_285 = tpu.vector_load %arg15[%get3A_283, %get3A_284] {strides = array<i32>} : memref<64x144xf32, #tpu.memory_space<vmem>>, vector<16xf32>,
        %mul3A_286 = arith.mulf %get3A_285, %get3A_192 : vector<16xf32>
        %get3A_287 = arith.index_cast %scan3A_189 : i32 to index
        %get3A_288 = arith.constant 128 : index
        %get3A_289 = tpu.vector_load %arg13[%get3A_287, %get3A_288] {strides = array<i32>} : memref<64x144xf32, #tpu.memory_space<vmem>>, vector<16xf32>,
        %mul3A_290 = arith.mulf %get3A_195, %get3A_289 : vector<16xf32>
        %add3A_291 = arith.addf %mul3A_286, %mul3A_290 : vector<16xf32>
        %swap3A_292 = arith.index_cast %scan3A_189 : i32 to index
        %swap3A_293 = arith.constant 128 : index
        %swap3A_294 = tpu.vector_load %arg15[%swap3A_292, %swap3A_293] {strides = array<i32>} : memref<64x144xf32, #tpu.memory_space<vmem>>, vector<16xf32>,
        tpu.vector_store %arg15[%swap3A_292, %swap3A_293], %add3A_291 {strides = array<i32>} : memref<64x144xf32, #tpu.memory_space<vmem>>, vector<16xf32>,
        %scan3A_295 = arith.constant 0 : i32
        scf.yield %scan3A_295 : i32
      }
      %scan3A_132 = arith.constant 64 : i32
      %dma_start3A_133 = arith.constant 0 : i32
      %dma_start3A_134 = arith.constant 0 : i32
      %dma_start3A_135 = tpu.memref_slice %arg7[%dma_start3A_133, %dma_start3A_134] : memref<10240x144xf32, #tpu.memory_space<vmem_shared>> -> memref<10240x144xf32, #tpu.memory_space<vmem_shared>>
      tpu.enqueue_indirect_dma source(%arg15 : memref<64x144xf32, #tpu.memory_space<vmem>>) target(%dma_start3A_135 : memref<10240x144xf32, #tpu.memory_space<vmem_shared>>) offsets(%arg11 : memref<64xi32, #tpu.memory_space<vmem>>) semaphore(%arg21 : memref<!tpu.dma_semaphore, #tpu.memory_space<semaphore_mem>>) {add = true}
      %mul3A_136 = arith.constant 2 : i32
      %mul3A_137 = arith.muli %while3A_85, %mul3A_136 : i32
      %add3A_138 = arith.constant 1 : i32
      %add3A_139 = arith.addi %mul3A_137, %add3A_138 : i32
      %dma_wait3A_140 = arith.constant 0 : i32
      %dma_wait3A_141 = arith.constant 0 : i32
      %dma_wait3A_142 = tpu.memref_slice %arg16[%dma_wait3A_140, %dma_wait3A_141] : memref<64x144xf32, #tpu.memory_space<vmem>> -> memref<32x144xf32, #tpu.memory_space<vmem>>
      %dma_wait3A_143 = arith.constant 0 : i32
      %dma_wait3A_144 = tpu.memref_slice %arg10[%dma_wait3A_143] : memref<64xi32, #tpu.memory_space<vmem>> -> memref<32xi32, #tpu.memory_space<vmem>>
      %dma_wait3A_145 = arith.constant 0 : i32
      %dma_wait3A_146 = arith.constant 0 : i32
      %dma_wait3A_147 = tpu.memref_slice %arg2[%dma_wait3A_145, %dma_wait3A_146] : memref<10240x144xf32, #tpu.memory_space<hbm>> -> memref<10240x144xf32, #tpu.memory_space<hbm>>
      tpu.wait_indirect_dma semaphore(%arg18 : memref<!tpu.dma_semaphore, #tpu.memory_space<semaphore_mem>>) src(%dma_wait3A_147 : memref<10240x144xf32, #tpu.memory_space<hbm>>) dst(%dma_wait3A_142 : memref<32x144xf32, #tpu.memory_space<vmem>>)
      %dma_wait3A_148 = arith.constant 32 : i32
      %dma_wait3A_149 = arith.constant 0 : i32
      %dma_wait3A_150 = tpu.memref_slice %arg16[%dma_wait3A_148, %dma_wait3A_149] : memref<64x144xf32, #tpu.memory_space<vmem>> -> memref<32x144xf32, #tpu.memory_space<vmem>>
      %dma_wait3A_151 = arith.constant 32 : i32
      %dma_wait3A_152 = tpu.memref_slice %arg10[%dma_wait3A_151] : memref<64xi32, #tpu.memory_space<vmem>> -> memref<32xi32, #tpu.memory_space<vmem>>
      %dma_wait3A_153 = arith.constant 0 : i32
      %dma_wait3A_154 = arith.constant 0 : i32
      %dma_wait3A_155 = tpu.memref_slice %arg2[%dma_wait3A_153, %dma_wait3A_154] : memref<10240x144xf32, #tpu.memory_space<hbm>> -> memref<10240x144xf32, #tpu.memory_space<hbm>>
      tpu.wait_indirect_dma semaphore(%arg18 : memref<!tpu.dma_semaphore, #tpu.memory_space<semaphore_mem>>) src(%dma_wait3A_155 : memref<10240x144xf32, #tpu.memory_space<hbm>>) dst(%dma_wait3A_150 : memref<32x144xf32, #tpu.memory_space<vmem>>)
      %dma_wait3A_156 = arith.constant 0 : i32
      %dma_wait3A_157 = arith.constant 0 : i32
      %dma_wait3A_158 = tpu.memref_slice %arg3[%dma_wait3A_156, %dma_wait3A_157] : memref<163840x144xf32, #tpu.memory_space<hbm>> -> memref<64x144xf32, #tpu.memory_space<hbm>>
      %dma_wait3A_159 = arith.constant 0 : i32
      %dma_wait3A_160 = arith.constant 0 : i32
      %dma_wait3A_161 = tpu.memref_slice %arg3[%dma_wait3A_159, %dma_wait3A_160] : memref<163840x144xf32, #tpu.memory_space<hbm>> -> memref<64x144xf32, #tpu.memory_space<hbm>>
      tpu.wait_dma2 semaphore(%arg18 : memref<!tpu.dma_semaphore, #tpu.memory_space<semaphore_mem>>) src(%dma_wait3A_161 : memref<64x144xf32, #tpu.memory_space<hbm>>) dst(%arg14 : memref<64x144xf32, #tpu.memory_space<vmem>>)
      %dma_wait3A_162 = arith.constant 0 : i32
      %dma_wait3A_163 = tpu.memref_slice %arg5[%dma_wait3A_162] : memref<163840xi32, #tpu.memory_space<hbm>> -> memref<64xi32, #tpu.memory_space<hbm>>
      %dma_wait3A_164 = arith.constant 0 : i32
      %dma_wait3A_165 = tpu.memref_slice %arg5[%dma_wait3A_164] : memref<163840xi32, #tpu.memory_space<hbm>> -> memref<64xi32, #tpu.memory_space<hbm>>
      tpu.wait_dma2 semaphore(%arg18 : memref<!tpu.dma_semaphore, #tpu.memory_space<semaphore_mem>>) src(%dma_wait3A_165 : memref<64xi32, #tpu.memory_space<hbm>>) dst(%arg12 : memref<64xi32, #tpu.memory_space<vmem>>)
      %add3A_166 = arith.constant 1 : i32
      %add3A_167 = arith.addi %add3A_139, %add3A_166 : i32
      %lt3A_168 = arith.cmpi slt, %add3A_167, %select_n3A : i32
      %convert_element_type3A_169 = arith.extui %lt3A_168 : i1 to i32
      %cond3A_170 = arith.constant 0 : i32
      %cond3A_171 = arith.cmpi ne, %convert_element_type3A_169, %cond3A_170 : i32
      scf.if %cond3A_171 {
        %ge3A = arith.constant 1 : i32
        %ge3A_189 = arith.cmpi sge, %add3A_139, %ge3A : i32
        %convert_element_type3A_190 = arith.extui %ge3A_189 : i1 to i32
        %cond3A_191 = arith.constant 0 : i32
        %cond3A_192 = arith.cmpi ne, %convert_element_type3A_190, %cond3A_191 : i32
        scf.if %cond3A_192 {
          %dma_wait3A_224 = arith.constant 0 : i32
          %dma_wait3A_225 = arith.constant 0 : i32
          %dma_wait3A_226 = tpu.memref_slice %arg7[%dma_wait3A_224, %dma_wait3A_225] : memref<10240x144xf32, #tpu.memory_space<vmem_shared>> -> memref<10240x144xf32, #tpu.memory_space<vmem_shared>>
          tpu.wait_indirect_dma semaphore(%arg21 : memref<!tpu.dma_semaphore, #tpu.memory_space<semaphore_mem>>) src(%arg15 : memref<64x144xf32, #tpu.memory_space<vmem>>) dst(%dma_wait3A_226 : memref<10240x144xf32, #tpu.memory_space<vmem_shared>>)
        } else {
        }
        %dma_wait3A_193 = arith.constant 0 : i32
        %dma_wait3A_194 = tpu.memref_slice %arg4[%dma_wait3A_193] : memref<163840xi32, #tpu.memory_space<hbm>> -> memref<64xi32, #tpu.memory_space<hbm>>
        %dma_wait3A_195 = arith.constant 0 : i32
        %dma_wait3A_196 = tpu.memref_slice %arg4[%dma_wait3A_195] : memref<163840xi32, #tpu.memory_space<hbm>> -> memref<64xi32, #tpu.memory_space<hbm>>
        tpu.wait_dma2 semaphore(%arg19 : memref<!tpu.dma_semaphore, #tpu.memory_space<semaphore_mem>>) src(%dma_wait3A_196 : memref<64xi32, #tpu.memory_space<hbm>>) dst(%arg9 : memref<64xi32, #tpu.memory_space<vmem>>)
        %add3A_197 = arith.constant 1 : i32
        %add3A_198 = arith.addi %add3A_139, %add3A_197 : i32
        %mul3A_199 = arith.constant 64 : i32
        %mul3A_200 = arith.muli %add3A_198, %mul3A_199 : i32
        %add3A_201 = arith.addi %add3A, %mul3A_200 : i32
        %dma_start3A_202 = arith.constant 0 : i32
        %dma_start3A_203 = arith.constant 0 : i32
        %dma_start3A_204 = tpu.memref_slice %arg15[%dma_start3A_202, %dma_start3A_203] : memref<64x144xf32, #tpu.memory_space<vmem>> -> memref<32x144xf32, #tpu.memory_space<vmem>>
        %dma_start3A_205 = arith.constant 0 : i32
        %dma_start3A_206 = tpu.memref_slice %arg9[%dma_start3A_205] : memref<64xi32, #tpu.memory_space<vmem>> -> memref<32xi32, #tpu.memory_space<vmem>>
        %dma_start3A_207 = arith.constant 0 : i32
        %dma_start3A_208 = arith.constant 0 : i32
        %dma_start3A_209 = tpu.memref_slice %arg2[%dma_start3A_207, %dma_start3A_208] : memref<10240x144xf32, #tpu.memory_space<hbm>> -> memref<10240x144xf32, #tpu.memory_space<hbm>>
        tpu.enqueue_indirect_dma source(%dma_start3A_209 : memref<10240x144xf32, #tpu.memory_space<hbm>>) target(%dma_start3A_204 : memref<32x144xf32, #tpu.memory_space<vmem>>) offsets(%dma_start3A_206 : memref<32xi32, #tpu.memory_space<vmem>>) semaphore(%arg17 : memref<!tpu.dma_semaphore, #tpu.memory_space<semaphore_mem>>)
        %dma_start3A_210 = arith.constant 32 : i32
        %dma_start3A_211 = arith.constant 0 : i32
        %dma_start3A_212 = tpu.memref_slice %arg15[%dma_start3A_210, %dma_start3A_211] : memref<64x144xf32, #tpu.memory_space<vmem>> -> memref<32x144xf32, #tpu.memory_space<vmem>>
        %dma_start3A_213 = arith.constant 32 : i32
        %dma_start3A_214 = tpu.memref_slice %arg9[%dma_start3A_213] : memref<64xi32, #tpu.memory_space<vmem>> -> memref<32xi32, #tpu.memory_space<vmem>>
        %dma_start3A_215 = arith.constant 0 : i32
        %dma_start3A_216 = arith.constant 0 : i32
        %dma_start3A_217 = tpu.memref_slice %arg2[%dma_start3A_215, %dma_start3A_216] : memref<10240x144xf32, #tpu.memory_space<hbm>> -> memref<10240x144xf32, #tpu.memory_space<hbm>>
        tpu.enqueue_indirect_dma source(%dma_start3A_217 : memref<10240x144xf32, #tpu.memory_space<hbm>>) target(%dma_start3A_212 : memref<32x144xf32, #tpu.memory_space<vmem>>) offsets(%dma_start3A_214 : memref<32xi32, #tpu.memory_space<vmem>>) semaphore(%arg17 : memref<!tpu.dma_semaphore, #tpu.memory_space<semaphore_mem>>)
        %dma_start3A_218 = arith.constant 0 : i32
        %dma_start3A_219 = tpu.memref_slice %arg3[%add3A_201, %dma_start3A_218] : memref<163840x144xf32, #tpu.memory_space<hbm>> -> memref<64x144xf32, #tpu.memory_space<hbm>>
        %dma_start3A_220 = arith.constant 0 : i32
        %dma_start3A_221 = tpu.memref_slice %arg3[%add3A_201, %dma_start3A_220] : memref<163840x144xf32, #tpu.memory_space<hbm>> -> memref<64x144xf32, #tpu.memory_space<hbm>>
        tpu.enqueue_dma source(%dma_start3A_221 : memref<64x144xf32, #tpu.memory_space<hbm>>) target(%arg13 : memref<64x144xf32, #tpu.memory_space<vmem>>) target_semaphore(%arg17 : memref<!tpu.dma_semaphore, #tpu.memory_space<semaphore_mem>>)
        %dma_start3A_222 = tpu.memref_slice %arg5[%add3A_201] : memref<163840xi32, #tpu.memory_space<hbm>> -> memref<64xi32, #tpu.memory_space<hbm>>
        %dma_start3A_223 = tpu.memref_slice %arg5[%add3A_201] : memref<163840xi32, #tpu.memory_space<hbm>> -> memref<64xi32, #tpu.memory_space<hbm>>
        tpu.enqueue_dma source(%dma_start3A_223 : memref<64xi32, #tpu.memory_space<hbm>>) target(%arg11 : memref<64xi32, #tpu.memory_space<vmem>>) target_semaphore(%arg17 : memref<!tpu.dma_semaphore, #tpu.memory_space<semaphore_mem>>)
      } else {
      }
      %add3A_172 = arith.constant 2 : i32
      %add3A_173 = arith.addi %add3A_139, %add3A_172 : i32
      %lt3A_174 = arith.cmpi slt, %add3A_173, %select_n3A : i32
      %convert_element_type3A_175 = arith.extui %lt3A_174 : i1 to i32
      %cond3A_176 = arith.constant 0 : i32
      %cond3A_177 = arith.cmpi ne, %convert_element_type3A_175, %cond3A_176 : i32
      scf.if %cond3A_177 {
        %add3A_189 = arith.constant 2 : i32
        %add3A_190 = arith.addi %add3A_139, %add3A_189 : i32
        %mul3A_191 = arith.constant 64 : i32
        %mul3A_192 = arith.muli %add3A_190, %mul3A_191 : i32
        %add3A_193 = arith.addi %add3A, %mul3A_192 : i32
        %dma_start3A_194 = tpu.memref_slice %arg4[%add3A_193] : memref<163840xi32, #tpu.memory_space<hbm>> -> memref<64xi32, #tpu.memory_space<hbm>>
        %dma_start3A_195 = tpu.memref_slice %arg4[%add3A_193] : memref<163840xi32, #tpu.memory_space<hbm>> -> memref<64xi32, #tpu.memory_space<hbm>>
        tpu.enqueue_dma source(%dma_start3A_195 : memref<64xi32, #tpu.memory_space<hbm>>) target(%arg10 : memref<64xi32, #tpu.memory_space<vmem>>) target_semaphore(%arg20 : memref<!tpu.dma_semaphore, #tpu.memory_space<semaphore_mem>>)
      } else {
      }
      %scan3A_178 = arith.constant 0 : i32
      %scan3A_179 = arith.constant 0 : i32
      %scan3A_180 = arith.constant 64 : i32
      %scan3A_181 = arith.addi %scan3A_179, %scan3A_180 : i32
      %scan3A_182 = arith.constant 1 : i32
      %scan3A_183 = scf.for %scan3A_189 = %scan3A_179 to %scan3A_181 step %scan3A_182 iter_args(%scan3A_190 = %scan3A_178) -> (i32)  : i32 {
        %get3A = arith.index_cast %scan3A_189 : i32 to index
        %get3A_191 = arith.constant 0 : index
        %get3A_192 = tpu.vector_load %arg14[%get3A, %get3A_191] {strides = array<i32>} : memref<64x144xf32, #tpu.memory_space<vmem>>, vector<16xf32>,
        %get3A_193 = arith.index_cast %scan3A_189 : i32 to index
        %get3A_194 = arith.constant 0 : index
        %get3A_195 = tpu.vector_load %arg16[%get3A_193, %get3A_194] {strides = array<i32>} : memref<64x144xf32, #tpu.memory_space<vmem>>, vector<16xf32>,
        %mul3A_196 = arith.mulf %get3A_195, %get3A_192 : vector<16xf32>
        %swap3A = arith.index_cast %scan3A_189 : i32 to index
        %swap3A_197 = arith.constant 0 : index
        %swap3A_198 = tpu.vector_load %arg16[%swap3A, %swap3A_197] {strides = array<i32>} : memref<64x144xf32, #tpu.memory_space<vmem>>, vector<16xf32>,
        tpu.vector_store %arg16[%swap3A, %swap3A_197], %mul3A_196 {strides = array<i32>} : memref<64x144xf32, #tpu.memory_space<vmem>>, vector<16xf32>,
        %get3A_199 = arith.index_cast %scan3A_189 : i32 to index
        %get3A_200 = arith.constant 16 : index
        %get3A_201 = tpu.vector_load %arg16[%get3A_199, %get3A_200] {strides = array<i32>} : memref<64x144xf32, #tpu.memory_space<vmem>>, vector<16xf32>,
        %mul3A_202 = arith.mulf %get3A_201, %get3A_192 : vector<16xf32>
        %get3A_203 = arith.index_cast %scan3A_189 : i32 to index
        %get3A_204 = arith.constant 16 : index
        %get3A_205 = tpu.vector_load %arg14[%get3A_203, %get3A_204] {strides = array<i32>} : memref<64x144xf32, #tpu.memory_space<vmem>>, vector<16xf32>,
        %mul3A_206 = arith.mulf %get3A_195, %get3A_205 : vector<16xf32>
        %add3A_207 = arith.addf %mul3A_202, %mul3A_206 : vector<16xf32>
        %swap3A_208 = arith.index_cast %scan3A_189 : i32 to index
        %swap3A_209 = arith.constant 16 : index
        %swap3A_210 = tpu.vector_load %arg16[%swap3A_208, %swap3A_209] {strides = array<i32>} : memref<64x144xf32, #tpu.memory_space<vmem>>, vector<16xf32>,
        tpu.vector_store %arg16[%swap3A_208, %swap3A_209], %add3A_207 {strides = array<i32>} : memref<64x144xf32, #tpu.memory_space<vmem>>, vector<16xf32>,
        %get3A_211 = arith.index_cast %scan3A_189 : i32 to index
        %get3A_212 = arith.constant 32 : index
        %get3A_213 = tpu.vector_load %arg16[%get3A_211, %get3A_212] {strides = array<i32>} : memref<64x144xf32, #tpu.memory_space<vmem>>, vector<16xf32>,
        %mul3A_214 = arith.mulf %get3A_213, %get3A_192 : vector<16xf32>
        %get3A_215 = arith.index_cast %scan3A_189 : i32 to index
        %get3A_216 = arith.constant 32 : index
        %get3A_217 = tpu.vector_load %arg14[%get3A_215, %get3A_216] {strides = array<i32>} : memref<64x144xf32, #tpu.memory_space<vmem>>, vector<16xf32>,
        %mul3A_218 = arith.mulf %get3A_195, %get3A_217 : vector<16xf32>
        %add3A_219 = arith.addf %mul3A_214, %mul3A_218 : vector<16xf32>
        %swap3A_220 = arith.index_cast %scan3A_189 : i32 to index
        %swap3A_221 = arith.constant 32 : index
        %swap3A_222 = tpu.vector_load %arg16[%swap3A_220, %swap3A_221] {strides = array<i32>} : memref<64x144xf32, #tpu.memory_space<vmem>>, vector<16xf32>,
        tpu.vector_store %arg16[%swap3A_220, %swap3A_221], %add3A_219 {strides = array<i32>} : memref<64x144xf32, #tpu.memory_space<vmem>>, vector<16xf32>,
        %get3A_223 = arith.index_cast %scan3A_189 : i32 to index
        %get3A_224 = arith.constant 48 : index
        %get3A_225 = tpu.vector_load %arg16[%get3A_223, %get3A_224] {strides = array<i32>} : memref<64x144xf32, #tpu.memory_space<vmem>>, vector<16xf32>,
        %mul3A_226 = arith.mulf %get3A_225, %get3A_192 : vector<16xf32>
        %get3A_227 = arith.index_cast %scan3A_189 : i32 to index
        %get3A_228 = arith.constant 48 : index
        %get3A_229 = tpu.vector_load %arg14[%get3A_227, %get3A_228] {strides = array<i32>} : memref<64x144xf32, #tpu.memory_space<vmem>>, vector<16xf32>,
        %mul3A_230 = arith.mulf %get3A_195, %get3A_229 : vector<16xf32>
        %add3A_231 = arith.addf %mul3A_226, %mul3A_230 : vector<16xf32>
        %swap3A_232 = arith.index_cast %scan3A_189 : i32 to index
        %swap3A_233 = arith.constant 48 : index
        %swap3A_234 = tpu.vector_load %arg16[%swap3A_232, %swap3A_233] {strides = array<i32>} : memref<64x144xf32, #tpu.memory_space<vmem>>, vector<16xf32>,
        tpu.vector_store %arg16[%swap3A_232, %swap3A_233], %add3A_231 {strides = array<i32>} : memref<64x144xf32, #tpu.memory_space<vmem>>, vector<16xf32>,
        %get3A_235 = arith.index_cast %scan3A_189 : i32 to index
        %get3A_236 = arith.constant 64 : index
        %get3A_237 = tpu.vector_load %arg16[%get3A_235, %get3A_236] {strides = array<i32>} : memref<64x144xf32, #tpu.memory_space<vmem>>, vector<16xf32>,
        %mul3A_238 = arith.mulf %get3A_237, %get3A_192 : vector<16xf32>
        %get3A_239 = arith.index_cast %scan3A_189 : i32 to index
        %get3A_240 = arith.constant 64 : index
        %get3A_241 = tpu.vector_load %arg14[%get3A_239, %get3A_240] {strides = array<i32>} : memref<64x144xf32, #tpu.memory_space<vmem>>, vector<16xf32>,
        %mul3A_242 = arith.mulf %get3A_195, %get3A_241 : vector<16xf32>
        %add3A_243 = arith.addf %mul3A_238, %mul3A_242 : vector<16xf32>
        %swap3A_244 = arith.index_cast %scan3A_189 : i32 to index
        %swap3A_245 = arith.constant 64 : index
        %swap3A_246 = tpu.vector_load %arg16[%swap3A_244, %swap3A_245] {strides = array<i32>} : memref<64x144xf32, #tpu.memory_space<vmem>>, vector<16xf32>,
        tpu.vector_store %arg16[%swap3A_244, %swap3A_245], %add3A_243 {strides = array<i32>} : memref<64x144xf32, #tpu.memory_space<vmem>>, vector<16xf32>,
        %get3A_247 = arith.index_cast %scan3A_189 : i32 to index
        %get3A_248 = arith.constant 80 : index
        %get3A_249 = tpu.vector_load %arg16[%get3A_247, %get3A_248] {strides = array<i32>} : memref<64x144xf32, #tpu.memory_space<vmem>>, vector<16xf32>,
        %mul3A_250 = arith.mulf %get3A_249, %get3A_192 : vector<16xf32>
        %get3A_251 = arith.index_cast %scan3A_189 : i32 to index
        %get3A_252 = arith.constant 80 : index
        %get3A_253 = tpu.vector_load %arg14[%get3A_251, %get3A_252] {strides = array<i32>} : memref<64x144xf32, #tpu.memory_space<vmem>>, vector<16xf32>,
        %mul3A_254 = arith.mulf %get3A_195, %get3A_253 : vector<16xf32>
        %add3A_255 = arith.addf %mul3A_250, %mul3A_254 : vector<16xf32>
        %swap3A_256 = arith.index_cast %scan3A_189 : i32 to index
        %swap3A_257 = arith.constant 80 : index
        %swap3A_258 = tpu.vector_load %arg16[%swap3A_256, %swap3A_257] {strides = array<i32>} : memref<64x144xf32, #tpu.memory_space<vmem>>, vector<16xf32>,
        tpu.vector_store %arg16[%swap3A_256, %swap3A_257], %add3A_255 {strides = array<i32>} : memref<64x144xf32, #tpu.memory_space<vmem>>, vector<16xf32>,
        %get3A_259 = arith.index_cast %scan3A_189 : i32 to index
        %get3A_260 = arith.constant 96 : index
        %get3A_261 = tpu.vector_load %arg16[%get3A_259, %get3A_260] {strides = array<i32>} : memref<64x144xf32, #tpu.memory_space<vmem>>, vector<16xf32>,
        %mul3A_262 = arith.mulf %get3A_261, %get3A_192 : vector<16xf32>
        %get3A_263 = arith.index_cast %scan3A_189 : i32 to index
        %get3A_264 = arith.constant 96 : index
        %get3A_265 = tpu.vector_load %arg14[%get3A_263, %get3A_264] {strides = array<i32>} : memref<64x144xf32, #tpu.memory_space<vmem>>, vector<16xf32>,
        %mul3A_266 = arith.mulf %get3A_195, %get3A_265 : vector<16xf32>
        %add3A_267 = arith.addf %mul3A_262, %mul3A_266 : vector<16xf32>
        %swap3A_268 = arith.index_cast %scan3A_189 : i32 to index
        %swap3A_269 = arith.constant 96 : index
        %swap3A_270 = tpu.vector_load %arg16[%swap3A_268, %swap3A_269] {strides = array<i32>} : memref<64x144xf32, #tpu.memory_space<vmem>>, vector<16xf32>,
        tpu.vector_store %arg16[%swap3A_268, %swap3A_269], %add3A_267 {strides = array<i32>} : memref<64x144xf32, #tpu.memory_space<vmem>>, vector<16xf32>,
        %get3A_271 = arith.index_cast %scan3A_189 : i32 to index
        %get3A_272 = arith.constant 112 : index
        %get3A_273 = tpu.vector_load %arg16[%get3A_271, %get3A_272] {strides = array<i32>} : memref<64x144xf32, #tpu.memory_space<vmem>>, vector<16xf32>,
        %mul3A_274 = arith.mulf %get3A_273, %get3A_192 : vector<16xf32>
        %get3A_275 = arith.index_cast %scan3A_189 : i32 to index
        %get3A_276 = arith.constant 112 : index
        %get3A_277 = tpu.vector_load %arg14[%get3A_275, %get3A_276] {strides = array<i32>} : memref<64x144xf32, #tpu.memory_space<vmem>>, vector<16xf32>,
        %mul3A_278 = arith.mulf %get3A_195, %get3A_277 : vector<16xf32>
        %add3A_279 = arith.addf %mul3A_274, %mul3A_278 : vector<16xf32>
        %swap3A_280 = arith.index_cast %scan3A_189 : i32 to index
        %swap3A_281 = arith.constant 112 : index
        %swap3A_282 = tpu.vector_load %arg16[%swap3A_280, %swap3A_281] {strides = array<i32>} : memref<64x144xf32, #tpu.memory_space<vmem>>, vector<16xf32>,
        tpu.vector_store %arg16[%swap3A_280, %swap3A_281], %add3A_279 {strides = array<i32>} : memref<64x144xf32, #tpu.memory_space<vmem>>, vector<16xf32>,
        %get3A_283 = arith.index_cast %scan3A_189 : i32 to index
        %get3A_284 = arith.constant 128 : index
        %get3A_285 = tpu.vector_load %arg16[%get3A_283, %get3A_284] {strides = array<i32>} : memref<64x144xf32, #tpu.memory_space<vmem>>, vector<16xf32>,
        %mul3A_286 = arith.mulf %get3A_285, %get3A_192 : vector<16xf32>
        %get3A_287 = arith.index_cast %scan3A_189 : i32 to index
        %get3A_288 = arith.constant 128 : index
        %get3A_289 = tpu.vector_load %arg14[%get3A_287, %get3A_288] {strides = array<i32>} : memref<64x144xf32, #tpu.memory_space<vmem>>, vector<16xf32>,
        %mul3A_290 = arith.mulf %get3A_195, %get3A_289 : vector<16xf32>
        %add3A_291 = arith.addf %mul3A_286, %mul3A_290 : vector<16xf32>
        %swap3A_292 = arith.index_cast %scan3A_189 : i32 to index
        %swap3A_293 = arith.constant 128 : index
        %swap3A_294 = tpu.vector_load %arg16[%swap3A_292, %swap3A_293] {strides = array<i32>} : memref<64x144xf32, #tpu.memory_space<vmem>>, vector<16xf32>,
        tpu.vector_store %arg16[%swap3A_292, %swap3A_293], %add3A_291 {strides = array<i32>} : memref<64x144xf32, #tpu.memory_space<vmem>>, vector<16xf32>,
        %scan3A_295 = arith.constant 0 : i32
        scf.yield %scan3A_295 : i32
      }
      %scan3A_184 = arith.constant 64 : i32
      %dma_start3A_185 = arith.constant 0 : i32
      %dma_start3A_186 = arith.constant 0 : i32
      %dma_start3A_187 = tpu.memref_slice %arg7[%dma_start3A_185, %dma_start3A_186] : memref<10240x144xf32, #tpu.memory_space<vmem_shared>> -> memref<10240x144xf32, #tpu.memory_space<vmem_shared>>
      tpu.enqueue_indirect_dma source(%arg16 : memref<64x144xf32, #tpu.memory_space<vmem>>) target(%dma_start3A_187 : memref<10240x144xf32, #tpu.memory_space<vmem_shared>>) offsets(%arg12 : memref<64xi32, #tpu.memory_space<vmem>>) semaphore(%arg22 : memref<!tpu.dma_semaphore, #tpu.memory_space<semaphore_mem>>) {add = true}
      %while3A_188 = arith.constant 0 : i32
      scf.yield %while3A_188 : i32
    }
    %dma_wait3A = arith.constant 0 : i32
    %dma_wait3A_75 = arith.constant 0 : i32
    %dma_wait3A_76 = tpu.memref_slice %arg7[%dma_wait3A, %dma_wait3A_75] : memref<10240x144xf32, #tpu.memory_space<vmem_shared>> -> memref<10240x144xf32, #tpu.memory_space<vmem_shared>>
    tpu.wait_indirect_dma semaphore(%arg21 : memref<!tpu.dma_semaphore, #tpu.memory_space<semaphore_mem>>) src(%arg15 : memref<64x144xf32, #tpu.memory_space<vmem>>) dst(%dma_wait3A_76 : memref<10240x144xf32, #tpu.memory_space<vmem_shared>>)
    %dma_wait3A_77 = arith.constant 0 : i32
    %dma_wait3A_78 = arith.constant 0 : i32
    %dma_wait3A_79 = tpu.memref_slice %arg7[%dma_wait3A_77, %dma_wait3A_78] : memref<10240x144xf32, #tpu.memory_space<vmem_shared>> -> memref<10240x144xf32, #tpu.memory_space<vmem_shared>>
    tpu.wait_indirect_dma semaphore(%arg22 : memref<!tpu.dma_semaphore, #tpu.memory_space<semaphore_mem>>) src(%arg16 : memref<64x144xf32, #tpu.memory_space<vmem>>) dst(%dma_wait3A_79 : memref<10240x144xf32, #tpu.memory_space<vmem_shared>>)
    %barrier3A_80 = arith.constant 0 : index
    tpu.barrier barrier_id(%barrier3A_80)
    %mul3A_81 = arith.constant 640 : i32
    %mul3A_82 = arith.muli %arg1, %mul3A_81 : i32
    %mul3A_83 = arith.constant 640 : i32
    %mul3A_84 = arith.muli %arg1, %mul3A_83 : i32
    "tpu.region"() ({
      %run_scoped3A = tpu.sem_alloc : memref<!tpu.dma_semaphore, #tpu.memory_space<semaphore_mem>>
      %dma_start3A_85 = arith.constant 0 : i32
      %dma_start3A_86 = tpu.memref_slice %arg6[%arg0, %mul3A_84, %dma_start3A_85] : memref<2x10240x144xf32, #tpu.memory_space<hbm>> -> memref<1x640x144xf32, #tpu.memory_space<hbm>>
      %dma_start3A_87 = tpu.memref_squeeze %dma_start3A_86 : memref<1x640x144xf32, #tpu.memory_space<hbm>> -> memref<640x144xf32, #tpu.memory_space<hbm>>
      %dma_start3A_88 = arith.constant 0 : i32
      %dma_start3A_89 = tpu.memref_slice %arg7[%mul3A_82, %dma_start3A_88] : memref<10240x144xf32, #tpu.memory_space<vmem_shared>> -> memref<640x144xf32, #tpu.memory_space<vmem_shared>>
      tpu.enqueue_dma source(%dma_start3A_89 : memref<640x144xf32, #tpu.memory_space<vmem_shared>>) target(%dma_start3A_87 : memref<640x144xf32, #tpu.memory_space<hbm>>) target_semaphore(%run_scoped3A : memref<!tpu.dma_semaphore, #tpu.memory_space<semaphore_mem>>)
      %dma_wait3A_90 = arith.constant 0 : i32
      %dma_wait3A_91 = tpu.memref_slice %arg6[%arg0, %mul3A_84, %dma_wait3A_90] : memref<2x10240x144xf32, #tpu.memory_space<hbm>> -> memref<1x640x144xf32, #tpu.memory_space<hbm>>
      %dma_wait3A_92 = tpu.memref_squeeze %dma_wait3A_91 : memref<1x640x144xf32, #tpu.memory_space<hbm>> -> memref<640x144xf32, #tpu.memory_space<hbm>>
      %dma_wait3A_93 = arith.constant 0 : i32
      %dma_wait3A_94 = tpu.memref_slice %arg7[%mul3A_82, %dma_wait3A_93] : memref<10240x144xf32, #tpu.memory_space<vmem_shared>> -> memref<640x144xf32, #tpu.memory_space<vmem_shared>>
      tpu.wait_dma2 semaphore(%run_scoped3A : memref<!tpu.dma_semaphore, #tpu.memory_space<semaphore_mem>>) src(%dma_wait3A_94 : memref<640x144xf32, #tpu.memory_space<vmem_shared>>) dst(%dma_wait3A_92 : memref<640x144xf32, #tpu.memory_space<hbm>>)
      tpu.yield
    }) : () -> ()
    return
  }
}

#map = affine_map<(d0, d1) -> (0)>
#map1 = affine_map<(d0, d1) -> (0, 0)>
module attributes {stable_mosaic.version = 14 : i64} {
  func.func @_phase_a(%arg0: i32, %arg1: i32, %arg2: memref<10000xf32, #tpu.memory_space<hbm>>, %arg3: memref<10000xf32, #tpu.memory_space<hbm>>, %arg4: memref<10000xf32, #tpu.memory_space<hbm>>, %arg5: memref<163840xi32, #tpu.memory_space<hbm>>, %arg6: memref<163840xi32, #tpu.memory_space<hbm>>, %arg7: memref<3x163840xf32, #tpu.memory_space<hbm>>, %arg8: memref<10000xf32, #tpu.memory_space<vmem>>, %arg9: memref<10000xf32, #tpu.memory_space<vmem>>, %arg10: memref<10000xf32, #tpu.memory_space<vmem>>, %arg11: memref<512xi32, #tpu.memory_space<vmem>>, %arg12: memref<512xi32, #tpu.memory_space<vmem>>, %arg13: memref<512xf32, #tpu.memory_space<vmem>>, %arg14: memref<512xf32, #tpu.memory_space<vmem>>, %arg15: memref<512xf32, #tpu.memory_space<vmem>>) attributes {dimension_semantics = [#tpu.dimension_semantics<core_parallel>, #tpu.dimension_semantics<subcore_parallel>], iteration_bounds = array<i64: 2, 16>, scalar_prefetch = 0 : i64, scratch_operands = 8 : i64, tpu.core_type = #tpu.core_type<sc_vector_subcore>, window_params = [{transform_indices = #map}, {transform_indices = #map}, {transform_indices = #map}, {transform_indices = #map}, {transform_indices = #map}, {transform_indices = #map1}]} {
    %mul3A = arith.constant 2 : i32
    %mul3A_0 = arith.muli %arg1, %mul3A : i32
    %add3A = arith.addi %mul3A_0, %arg0 : i32
    %mul3A_1 = arith.constant 5120 : i32
    %mul3A_2 = arith.muli %add3A, %mul3A_1 : i32
    "tpu.region"() ({
      %run_scoped3A = tpu.sem_alloc : memref<!tpu.dma_semaphore, #tpu.memory_space<semaphore_mem>>
      tpu.enqueue_dma source(%arg2 : memref<10000xf32, #tpu.memory_space<hbm>>) target(%arg8 : memref<10000xf32, #tpu.memory_space<vmem>>) target_semaphore(%run_scoped3A : memref<!tpu.dma_semaphore, #tpu.memory_space<semaphore_mem>>)
      tpu.wait_dma2 semaphore(%run_scoped3A : memref<!tpu.dma_semaphore, #tpu.memory_space<semaphore_mem>>) src(%arg2 : memref<10000xf32, #tpu.memory_space<hbm>>) dst(%arg8 : memref<10000xf32, #tpu.memory_space<vmem>>)
      tpu.yield
    }) : () -> ()
    "tpu.region"() ({
      %run_scoped3A = tpu.sem_alloc : memref<!tpu.dma_semaphore, #tpu.memory_space<semaphore_mem>>
      tpu.enqueue_dma source(%arg3 : memref<10000xf32, #tpu.memory_space<hbm>>) target(%arg9 : memref<10000xf32, #tpu.memory_space<vmem>>) target_semaphore(%run_scoped3A : memref<!tpu.dma_semaphore, #tpu.memory_space<semaphore_mem>>)
      tpu.wait_dma2 semaphore(%run_scoped3A : memref<!tpu.dma_semaphore, #tpu.memory_space<semaphore_mem>>) src(%arg3 : memref<10000xf32, #tpu.memory_space<hbm>>) dst(%arg9 : memref<10000xf32, #tpu.memory_space<vmem>>)
      tpu.yield
    }) : () -> ()
    "tpu.region"() ({
      %run_scoped3A = tpu.sem_alloc : memref<!tpu.dma_semaphore, #tpu.memory_space<semaphore_mem>>
      tpu.enqueue_dma source(%arg4 : memref<10000xf32, #tpu.memory_space<hbm>>) target(%arg10 : memref<10000xf32, #tpu.memory_space<vmem>>) target_semaphore(%run_scoped3A : memref<!tpu.dma_semaphore, #tpu.memory_space<semaphore_mem>>)
      tpu.wait_dma2 semaphore(%run_scoped3A : memref<!tpu.dma_semaphore, #tpu.memory_space<semaphore_mem>>) src(%arg4 : memref<10000xf32, #tpu.memory_space<hbm>>) dst(%arg10 : memref<10000xf32, #tpu.memory_space<vmem>>)
      tpu.yield
    }) : () -> ()
    %scan3A = arith.constant 0 : i32
    %scan3A_3 = arith.constant 0 : i32
    %scan3A_4 = arith.constant 10 : i32
    %scan3A_5 = arith.addi %scan3A_3, %scan3A_4 : i32
    %scan3A_6 = arith.constant 1 : i32
    %scan3A_7 = scf.for %scan3A_9 = %scan3A_3 to %scan3A_5 step %scan3A_6 iter_args(%scan3A_10 = %scan3A) -> (i32)  : i32 {
      %mul3A_11 = arith.constant 512 : i32
      %mul3A_12 = arith.muli %scan3A_9, %mul3A_11 : i32
      %add3A_13 = arith.addi %mul3A_2, %mul3A_12 : i32
      "tpu.region"() ({
        %run_scoped3A_24 = tpu.sem_alloc : memref<!tpu.dma_semaphore, #tpu.memory_space<semaphore_mem>>
        %dma_start3A = tpu.memref_slice %arg5[%add3A_13] : memref<163840xi32, #tpu.memory_space<hbm>> -> memref<512xi32, #tpu.memory_space<hbm>>
        %dma_start3A_25 = tpu.memref_slice %arg5[%add3A_13] : memref<163840xi32, #tpu.memory_space<hbm>> -> memref<512xi32, #tpu.memory_space<hbm>>
        tpu.enqueue_dma source(%dma_start3A_25 : memref<512xi32, #tpu.memory_space<hbm>>) target(%arg11 : memref<512xi32, #tpu.memory_space<vmem>>) target_semaphore(%run_scoped3A_24 : memref<!tpu.dma_semaphore, #tpu.memory_space<semaphore_mem>>)
        %dma_wait3A = tpu.memref_slice %arg5[%add3A_13] : memref<163840xi32, #tpu.memory_space<hbm>> -> memref<512xi32, #tpu.memory_space<hbm>>
        %dma_wait3A_26 = tpu.memref_slice %arg5[%add3A_13] : memref<163840xi32, #tpu.memory_space<hbm>> -> memref<512xi32, #tpu.memory_space<hbm>>
        tpu.wait_dma2 semaphore(%run_scoped3A_24 : memref<!tpu.dma_semaphore, #tpu.memory_space<semaphore_mem>>) src(%dma_wait3A_26 : memref<512xi32, #tpu.memory_space<hbm>>) dst(%arg11 : memref<512xi32, #tpu.memory_space<vmem>>)
        tpu.yield
      }) : () -> ()
      "tpu.region"() ({
        %run_scoped3A_24 = tpu.sem_alloc : memref<!tpu.dma_semaphore, #tpu.memory_space<semaphore_mem>>
        %dma_start3A = tpu.memref_slice %arg6[%add3A_13] : memref<163840xi32, #tpu.memory_space<hbm>> -> memref<512xi32, #tpu.memory_space<hbm>>
        %dma_start3A_25 = tpu.memref_slice %arg6[%add3A_13] : memref<163840xi32, #tpu.memory_space<hbm>> -> memref<512xi32, #tpu.memory_space<hbm>>
        tpu.enqueue_dma source(%dma_start3A_25 : memref<512xi32, #tpu.memory_space<hbm>>) target(%arg12 : memref<512xi32, #tpu.memory_space<vmem>>) target_semaphore(%run_scoped3A_24 : memref<!tpu.dma_semaphore, #tpu.memory_space<semaphore_mem>>)
        %dma_wait3A = tpu.memref_slice %arg6[%add3A_13] : memref<163840xi32, #tpu.memory_space<hbm>> -> memref<512xi32, #tpu.memory_space<hbm>>
        %dma_wait3A_26 = tpu.memref_slice %arg6[%add3A_13] : memref<163840xi32, #tpu.memory_space<hbm>> -> memref<512xi32, #tpu.memory_space<hbm>>
        tpu.wait_dma2 semaphore(%run_scoped3A_24 : memref<!tpu.dma_semaphore, #tpu.memory_space<semaphore_mem>>) src(%dma_wait3A_26 : memref<512xi32, #tpu.memory_space<hbm>>) dst(%arg12 : memref<512xi32, #tpu.memory_space<vmem>>)
        tpu.yield
      }) : () -> ()
      %scan3A_14 = arith.constant 0 : i32
      %scan3A_15 = arith.constant 0 : i32
      %scan3A_16 = arith.constant 32 : i32
      %scan3A_17 = arith.addi %scan3A_15, %scan3A_16 : i32
      %scan3A_18 = arith.constant 1 : i32
      %scan3A_19 = scf.for %scan3A_24 = %scan3A_15 to %scan3A_17 step %scan3A_18 iter_args(%scan3A_25 = %scan3A_14) -> (i32)  : i32 {
        %mul3A_26 = arith.constant 16 : i32
        %mul3A_27 = arith.muli %scan3A_24, %mul3A_26 : i32
        %get3A = arith.index_cast %mul3A_27 : i32 to index
        %get3A_28 = tpu.vector_load %arg11[%get3A] {strides = array<i32>} : memref<512xi32, #tpu.memory_space<vmem>>, vector<16xi32>,
        %get3A_29 = arith.index_cast %mul3A_27 : i32 to index
        %get3A_30 = tpu.vector_load %arg12[%get3A_29] {strides = array<i32>} : memref<512xi32, #tpu.memory_space<vmem>>, vector<16xi32>,
        %gather3A = tpu.vector_load_idx %arg8[%get3A_30] : memref<10000xf32, #tpu.memory_space<vmem>>[vector<16xi32>], vector<16xf32>,
        %gather3A_31 = tpu.vector_load_idx %arg8[%get3A_28] : memref<10000xf32, #tpu.memory_space<vmem>>[vector<16xi32>], vector<16xf32>,
        %sub3A = arith.subf %gather3A, %gather3A_31 : vector<16xf32>
        %swap3A = arith.index_cast %mul3A_27 : i32 to index
        %swap3A_32 = tpu.vector_load %arg13[%swap3A] {strides = array<i32>} : memref<512xf32, #tpu.memory_space<vmem>>, vector<16xf32>,
        tpu.vector_store %arg13[%swap3A], %sub3A {strides = array<i32>} : memref<512xf32, #tpu.memory_space<vmem>>, vector<16xf32>,
        %gather3A_33 = tpu.vector_load_idx %arg9[%get3A_30] : memref<10000xf32, #tpu.memory_space<vmem>>[vector<16xi32>], vector<16xf32>,
        %gather3A_34 = tpu.vector_load_idx %arg9[%get3A_28] : memref<10000xf32, #tpu.memory_space<vmem>>[vector<16xi32>], vector<16xf32>,
        %sub3A_35 = arith.subf %gather3A_33, %gather3A_34 : vector<16xf32>
        %swap3A_36 = arith.index_cast %mul3A_27 : i32 to index
        %swap3A_37 = tpu.vector_load %arg14[%swap3A_36] {strides = array<i32>} : memref<512xf32, #tpu.memory_space<vmem>>, vector<16xf32>,
        tpu.vector_store %arg14[%swap3A_36], %sub3A_35 {strides = array<i32>} : memref<512xf32, #tpu.memory_space<vmem>>, vector<16xf32>,
        %gather3A_38 = tpu.vector_load_idx %arg10[%get3A_30] : memref<10000xf32, #tpu.memory_space<vmem>>[vector<16xi32>], vector<16xf32>,
        %gather3A_39 = tpu.vector_load_idx %arg10[%get3A_28] : memref<10000xf32, #tpu.memory_space<vmem>>[vector<16xi32>], vector<16xf32>,
        %sub3A_40 = arith.subf %gather3A_38, %gather3A_39 : vector<16xf32>
        %swap3A_41 = arith.index_cast %mul3A_27 : i32 to index
        %swap3A_42 = tpu.vector_load %arg15[%swap3A_41] {strides = array<i32>} : memref<512xf32, #tpu.memory_space<vmem>>, vector<16xf32>,
        tpu.vector_store %arg15[%swap3A_41], %sub3A_40 {strides = array<i32>} : memref<512xf32, #tpu.memory_space<vmem>>, vector<16xf32>,
        %scan3A_43 = arith.constant 0 : i32
        scf.yield %scan3A_43 : i32
      }
      %scan3A_20 = arith.constant 32 : i32
      %run_scoped3A = arith.constant 0 : i32
      "tpu.region"() ({
        %run_scoped3A_24 = tpu.sem_alloc : memref<!tpu.dma_semaphore, #tpu.memory_space<semaphore_mem>>
        %dma_start3A = tpu.memref_slice %arg7[%run_scoped3A, %add3A_13] : memref<3x163840xf32, #tpu.memory_space<hbm>> -> memref<1x512xf32, #tpu.memory_space<hbm>>
        %dma_start3A_25 = tpu.memref_squeeze %dma_start3A : memref<1x512xf32, #tpu.memory_space<hbm>> -> memref<512xf32, #tpu.memory_space<hbm>>
        %dma_start3A_26 = tpu.memref_slice %arg7[%run_scoped3A, %add3A_13] : memref<3x163840xf32, #tpu.memory_space<hbm>> -> memref<1x512xf32, #tpu.memory_space<hbm>>
        %dma_start3A_27 = tpu.memref_squeeze %dma_start3A_26 : memref<1x512xf32, #tpu.memory_space<hbm>> -> memref<512xf32, #tpu.memory_space<hbm>>
        tpu.enqueue_dma source(%arg13 : memref<512xf32, #tpu.memory_space<vmem>>) target(%dma_start3A_27 : memref<512xf32, #tpu.memory_space<hbm>>) target_semaphore(%run_scoped3A_24 : memref<!tpu.dma_semaphore, #tpu.memory_space<semaphore_mem>>)
        %dma_wait3A = tpu.memref_slice %arg7[%run_scoped3A, %add3A_13] : memref<3x163840xf32, #tpu.memory_space<hbm>> -> memref<1x512xf32, #tpu.memory_space<hbm>>
        %dma_wait3A_28 = tpu.memref_squeeze %dma_wait3A : memref<1x512xf32, #tpu.memory_space<hbm>> -> memref<512xf32, #tpu.memory_space<hbm>>
        %dma_wait3A_29 = tpu.memref_slice %arg7[%run_scoped3A, %add3A_13] : memref<3x163840xf32, #tpu.memory_space<hbm>> -> memref<1x512xf32, #tpu.memory_space<hbm>>
        %dma_wait3A_30 = tpu.memref_squeeze %dma_wait3A_29 : memref<1x512xf32, #tpu.memory_space<hbm>> -> memref<512xf32, #tpu.memory_space<hbm>>
        tpu.wait_dma2 semaphore(%run_scoped3A_24 : memref<!tpu.dma_semaphore, #tpu.memory_space<semaphore_mem>>) src(%arg13 : memref<512xf32, #tpu.memory_space<vmem>>) dst(%dma_wait3A_30 : memref<512xf32, #tpu.memory_space<hbm>>)
        tpu.yield
      }) : () -> ()
      %run_scoped3A_21 = arith.constant 1 : i32
      "tpu.region"() ({
        %run_scoped3A_24 = tpu.sem_alloc : memref<!tpu.dma_semaphore, #tpu.memory_space<semaphore_mem>>
        %dma_start3A = tpu.memref_slice %arg7[%run_scoped3A_21, %add3A_13] : memref<3x163840xf32, #tpu.memory_space<hbm>> -> memref<1x512xf32, #tpu.memory_space<hbm>>
        %dma_start3A_25 = tpu.memref_squeeze %dma_start3A : memref<1x512xf32, #tpu.memory_space<hbm>> -> memref<512xf32, #tpu.memory_space<hbm>>
        %dma_start3A_26 = tpu.memref_slice %arg7[%run_scoped3A_21, %add3A_13] : memref<3x163840xf32, #tpu.memory_space<hbm>> -> memref<1x512xf32, #tpu.memory_space<hbm>>
        %dma_start3A_27 = tpu.memref_squeeze %dma_start3A_26 : memref<1x512xf32, #tpu.memory_space<hbm>> -> memref<512xf32, #tpu.memory_space<hbm>>
        tpu.enqueue_dma source(%arg14 : memref<512xf32, #tpu.memory_space<vmem>>) target(%dma_start3A_27 : memref<512xf32, #tpu.memory_space<hbm>>) target_semaphore(%run_scoped3A_24 : memref<!tpu.dma_semaphore, #tpu.memory_space<semaphore_mem>>)
        %dma_wait3A = tpu.memref_slice %arg7[%run_scoped3A_21, %add3A_13] : memref<3x163840xf32, #tpu.memory_space<hbm>> -> memref<1x512xf32, #tpu.memory_space<hbm>>
        %dma_wait3A_28 = tpu.memref_squeeze %dma_wait3A : memref<1x512xf32, #tpu.memory_space<hbm>> -> memref<512xf32, #tpu.memory_space<hbm>>
        %dma_wait3A_29 = tpu.memref_slice %arg7[%run_scoped3A_21, %add3A_13] : memref<3x163840xf32, #tpu.memory_space<hbm>> -> memref<1x512xf32, #tpu.memory_space<hbm>>
        %dma_wait3A_30 = tpu.memref_squeeze %dma_wait3A_29 : memref<1x512xf32, #tpu.memory_space<hbm>> -> memref<512xf32, #tpu.memory_space<hbm>>
        tpu.wait_dma2 semaphore(%run_scoped3A_24 : memref<!tpu.dma_semaphore, #tpu.memory_space<semaphore_mem>>) src(%arg14 : memref<512xf32, #tpu.memory_space<vmem>>) dst(%dma_wait3A_30 : memref<512xf32, #tpu.memory_space<hbm>>)
        tpu.yield
      }) : () -> ()
      %run_scoped3A_22 = arith.constant 2 : i32
      "tpu.region"() ({
        %run_scoped3A_24 = tpu.sem_alloc : memref<!tpu.dma_semaphore, #tpu.memory_space<semaphore_mem>>
        %dma_start3A = tpu.memref_slice %arg7[%run_scoped3A_22, %add3A_13] : memref<3x163840xf32, #tpu.memory_space<hbm>> -> memref<1x512xf32, #tpu.memory_space<hbm>>
        %dma_start3A_25 = tpu.memref_squeeze %dma_start3A : memref<1x512xf32, #tpu.memory_space<hbm>> -> memref<512xf32, #tpu.memory_space<hbm>>
        %dma_start3A_26 = tpu.memref_slice %arg7[%run_scoped3A_22, %add3A_13] : memref<3x163840xf32, #tpu.memory_space<hbm>> -> memref<1x512xf32, #tpu.memory_space<hbm>>
        %dma_start3A_27 = tpu.memref_squeeze %dma_start3A_26 : memref<1x512xf32, #tpu.memory_space<hbm>> -> memref<512xf32, #tpu.memory_space<hbm>>
        tpu.enqueue_dma source(%arg15 : memref<512xf32, #tpu.memory_space<vmem>>) target(%dma_start3A_27 : memref<512xf32, #tpu.memory_space<hbm>>) target_semaphore(%run_scoped3A_24 : memref<!tpu.dma_semaphore, #tpu.memory_space<semaphore_mem>>)
        %dma_wait3A = tpu.memref_slice %arg7[%run_scoped3A_22, %add3A_13] : memref<3x163840xf32, #tpu.memory_space<hbm>> -> memref<1x512xf32, #tpu.memory_space<hbm>>
        %dma_wait3A_28 = tpu.memref_squeeze %dma_wait3A : memref<1x512xf32, #tpu.memory_space<hbm>> -> memref<512xf32, #tpu.memory_space<hbm>>
        %dma_wait3A_29 = tpu.memref_slice %arg7[%run_scoped3A_22, %add3A_13] : memref<3x163840xf32, #tpu.memory_space<hbm>> -> memref<1x512xf32, #tpu.memory_space<hbm>>
        %dma_wait3A_30 = tpu.memref_squeeze %dma_wait3A_29 : memref<1x512xf32, #tpu.memory_space<hbm>> -> memref<512xf32, #tpu.memory_space<hbm>>
        tpu.wait_dma2 semaphore(%run_scoped3A_24 : memref<!tpu.dma_semaphore, #tpu.memory_space<semaphore_mem>>) src(%arg15 : memref<512xf32, #tpu.memory_space<vmem>>) dst(%dma_wait3A_30 : memref<512xf32, #tpu.memory_space<hbm>>)
        tpu.yield
      }) : () -> ()
      %scan3A_23 = arith.constant 0 : i32
      scf.yield %scan3A_23 : i32
    }
    %scan3A_8 = arith.constant 10 : i32
    return
  }
}

#map = affine_map<(d0, d1) -> (0, 0)>
#map1 = affine_map<(d0, d1) -> (0)>
#map2 = affine_map<(d0, d1) -> (0, 0, 0)>
module attributes {stable_mosaic.version = 14 : i64} {
  func.func @_refine(%arg0: i32, %arg1: i32, %arg2: memref<10240x144xf32, #tpu.memory_space<hbm>>, %arg3: memref<163840x144xf32, #tpu.memory_space<hbm>>, %arg4: memref<163840xi32, #tpu.memory_space<hbm>>, %arg5: memref<163840xi32, #tpu.memory_space<hbm>>, %arg6: memref<2x10240x144xf32, #tpu.memory_space<hbm>>, %arg7: memref<10240x144xf32, #tpu.memory_space<vmem_shared>>, %arg8: memref<8x144xf32, #tpu.memory_space<vmem>>, %arg9: memref<64xi32, #tpu.memory_space<vmem>>, %arg10: memref<64xi32, #tpu.memory_space<vmem>>, %arg11: memref<64xi32, #tpu.memory_space<vmem>>, %arg12: memref<64xi32, #tpu.memory_space<vmem>>, %arg13: memref<64x144xf32, #tpu.memory_space<vmem>>, %arg14: memref<64x144xf32, #tpu.memory_space<vmem>>, %arg15: memref<64x144xf32, #tpu.memory_space<vmem>>, %arg16: memref<64x144xf32, #tpu.memory_space<vmem>>, %arg17: memref<!tpu.dma_semaphore, #tpu.memory_space<semaphore_mem>>, %arg18: memref<!tpu.dma_semaphore, #tpu.memory_space<semaphore_mem>>, %arg19: memref<!tpu.dma_semaphore, #tpu.memory_space<semaphore_mem>>, %arg20: memref<!tpu.dma_semaphore, #tpu.memory_space<semaphore_mem>>, %arg21: memref<!tpu.dma_semaphore, #tpu.memory_space<semaphore_mem>>, %arg22: memref<!tpu.dma_semaphore, #tpu.memory_space<semaphore_mem>>) attributes {dimension_semantics = [#tpu.dimension_semantics<core_parallel>, #tpu.dimension_semantics<subcore_parallel>], iteration_bounds = array<i64: 2, 16>, scalar_prefetch = 0 : i64, scratch_operands = 16 : i64, tpu.core_type = #tpu.core_type<sc_vector_subcore>, window_params = [{transform_indices = #map}, {transform_indices = #map}, {transform_indices = #map1}, {transform_indices = #map1}, {transform_indices = #map2}]} {
    %eq3A = arith.constant 0 : i32
    %eq3A_0 = arith.cmpi eq, %arg0, %eq3A : i32
    %jit3A = arith.constant 112 : i32
    %jit3A_1 = arith.constant 48 : i32
    %select_n3A = arith.select %eq3A_0, %jit3A, %jit3A_1 : i32
    %mul3A = arith.constant 10240 : i32
    %mul3A_2 = arith.muli %arg1, %mul3A : i32
    %mul3A_3 = arith.constant 7168 : i32
    %mul3A_4 = arith.muli %arg0, %mul3A_3 : i32
    %add3A = arith.addi %mul3A_2, %mul3A_4 : i32
    %broadcast_in_dim3A = arith.constant 0.000000e+00 : f32
    %broadcast_in_dim3A_5 = vector.broadcast %broadcast_in_dim3A : f32 to vector<16xf32>
    %scan3A = arith.constant 0 : i32
    %scan3A_6 = arith.constant 0 : i32
    %scan3A_7 = arith.constant 8 : i32
    %scan3A_8 = arith.addi %scan3A_6, %scan3A_7 : i32
    %scan3A_9 = arith.constant 1 : i32
    %scan3A_10 = scf.for %scan3A_85 = %scan3A_6 to %scan3A_8 step %scan3A_9 iter_args(%scan3A_86 = %scan3A) -> (i32)  : i32 {
      %swap3A = arith.index_cast %scan3A_85 : i32 to index
      %swap3A_87 = arith.constant 0 : index
      %swap3A_88 = tpu.vector_load %arg8[%swap3A, %swap3A_87] {strides = array<i32>} : memref<8x144xf32, #tpu.memory_space<vmem>>, vector<16xf32>,
      tpu.vector_store %arg8[%swap3A, %swap3A_87], %broadcast_in_dim3A_5 {strides = array<i32>} : memref<8x144xf32, #tpu.memory_space<vmem>>, vector<16xf32>,
      %swap3A_89 = arith.index_cast %scan3A_85 : i32 to index
      %swap3A_90 = arith.constant 16 : index
      %swap3A_91 = tpu.vector_load %arg8[%swap3A_89, %swap3A_90] {strides = array<i32>} : memref<8x144xf32, #tpu.memory_space<vmem>>, vector<16xf32>,
      tpu.vector_store %arg8[%swap3A_89, %swap3A_90], %broadcast_in_dim3A_5 {strides = array<i32>} : memref<8x144xf32, #tpu.memory_space<vmem>>, vector<16xf32>,
      %swap3A_92 = arith.index_cast %scan3A_85 : i32 to index
      %swap3A_93 = arith.constant 32 : index
      %swap3A_94 = tpu.vector_load %arg8[%swap3A_92, %swap3A_93] {strides = array<i32>} : memref<8x144xf32, #tpu.memory_space<vmem>>, vector<16xf32>,
      tpu.vector_store %arg8[%swap3A_92, %swap3A_93], %broadcast_in_dim3A_5 {strides = array<i32>} : memref<8x144xf32, #tpu.memory_space<vmem>>, vector<16xf32>,
      %swap3A_95 = arith.index_cast %scan3A_85 : i32 to index
      %swap3A_96 = arith.constant 48 : index
      %swap3A_97 = tpu.vector_load %arg8[%swap3A_95, %swap3A_96] {strides = array<i32>} : memref<8x144xf32, #tpu.memory_space<vmem>>, vector<16xf32>,
      tpu.vector_store %arg8[%swap3A_95, %swap3A_96], %broadcast_in_dim3A_5 {strides = array<i32>} : memref<8x144xf32, #tpu.memory_space<vmem>>, vector<16xf32>,
      %swap3A_98 = arith.index_cast %scan3A_85 : i32 to index
      %swap3A_99 = arith.constant 64 : index
      %swap3A_100 = tpu.vector_load %arg8[%swap3A_98, %swap3A_99] {strides = array<i32>} : memref<8x144xf32, #tpu.memory_space<vmem>>, vector<16xf32>,
      tpu.vector_store %arg8[%swap3A_98, %swap3A_99], %broadcast_in_dim3A_5 {strides = array<i32>} : memref<8x144xf32, #tpu.memory_space<vmem>>, vector<16xf32>,
      %swap3A_101 = arith.index_cast %scan3A_85 : i32 to index
      %swap3A_102 = arith.constant 80 : index
      %swap3A_103 = tpu.vector_load %arg8[%swap3A_101, %swap3A_102] {strides = array<i32>} : memref<8x144xf32, #tpu.memory_space<vmem>>, vector<16xf32>,
      tpu.vector_store %arg8[%swap3A_101, %swap3A_102], %broadcast_in_dim3A_5 {strides = array<i32>} : memref<8x144xf32, #tpu.memory_space<vmem>>, vector<16xf32>,
      %swap3A_104 = arith.index_cast %scan3A_85 : i32 to index
      %swap3A_105 = arith.constant 96 : index
      %swap3A_106 = tpu.vector_load %arg8[%swap3A_104, %swap3A_105] {strides = array<i32>} : memref<8x144xf32, #tpu.memory_space<vmem>>, vector<16xf32>,
      tpu.vector_store %arg8[%swap3A_104, %swap3A_105], %broadcast_in_dim3A_5 {strides = array<i32>} : memref<8x144xf32, #tpu.memory_space<vmem>>, vector<16xf32>,
      %swap3A_107 = arith.index_cast %scan3A_85 : i32 to index
      %swap3A_108 = arith.constant 112 : index
      %swap3A_109 = tpu.vector_load %arg8[%swap3A_107, %swap3A_108] {strides = array<i32>} : memref<8x144xf32, #tpu.memory_space<vmem>>, vector<16xf32>,
      tpu.vector_store %arg8[%swap3A_107, %swap3A_108], %broadcast_in_dim3A_5 {strides = array<i32>} : memref<8x144xf32, #tpu.memory_space<vmem>>, vector<16xf32>,
      %swap3A_110 = arith.index_cast %scan3A_85 : i32 to index
      %swap3A_111 = arith.constant 128 : index
      %swap3A_112 = tpu.vector_load %arg8[%swap3A_110, %swap3A_111] {strides = array<i32>} : memref<8x144xf32, #tpu.memory_space<vmem>>, vector<16xf32>,
      tpu.vector_store %arg8[%swap3A_110, %swap3A_111], %broadcast_in_dim3A_5 {strides = array<i32>} : memref<8x144xf32, #tpu.memory_space<vmem>>, vector<16xf32>,
      %scan3A_113 = arith.constant 0 : i32
      scf.yield %scan3A_113 : i32
    }
    %scan3A_11 = arith.constant 8 : i32
    %scan3A_12 = arith.constant 0 : i32
    %scan3A_13 = arith.constant 0 : i32
    %scan3A_14 = arith.constant 80 : i32
    %scan3A_15 = arith.addi %scan3A_13, %scan3A_14 : i32
    %scan3A_16 = arith.constant 1 : i32
    %scan3A_17 = scf.for %scan3A_85 = %scan3A_13 to %scan3A_15 step %scan3A_16 iter_args(%scan3A_86 = %scan3A_12) -> (i32)  : i32 {
      %mul3A_87 = arith.constant 640 : i32
      %mul3A_88 = arith.muli %arg1, %mul3A_87 : i32
      %mul3A_89 = arith.constant 8 : i32
      %mul3A_90 = arith.muli %scan3A_85, %mul3A_89 : i32
      %add3A_91 = arith.addi %mul3A_88, %mul3A_90 : i32
      "tpu.region"() ({
        %run_scoped3A = tpu.sem_alloc : memref<!tpu.dma_semaphore, #tpu.memory_space<semaphore_mem>>
        %dma_start3A_93 = arith.constant 0 : i32
        %dma_start3A_94 = tpu.memref_slice %arg7[%add3A_91, %dma_start3A_93] : memref<10240x144xf32, #tpu.memory_space<vmem_shared>> -> memref<8x144xf32, #tpu.memory_space<vmem_shared>>
        %dma_start3A_95 = arith.constant 0 : i32
        %dma_start3A_96 = tpu.memref_slice %arg7[%add3A_91, %dma_start3A_95] : memref<10240x144xf32, #tpu.memory_space<vmem_shared>> -> memref<8x144xf32, #tpu.memory_space<vmem_shared>>
        tpu.enqueue_dma source(%arg8 : memref<8x144xf32, #tpu.memory_space<vmem>>) target(%dma_start3A_96 : memref<8x144xf32, #tpu.memory_space<vmem_shared>>) target_semaphore(%run_scoped3A : memref<!tpu.dma_semaphore, #tpu.memory_space<semaphore_mem>>)
        %dma_wait3A_97 = arith.constant 0 : i32
        %dma_wait3A_98 = tpu.memref_slice %arg7[%add3A_91, %dma_wait3A_97] : memref<10240x144xf32, #tpu.memory_space<vmem_shared>> -> memref<8x144xf32, #tpu.memory_space<vmem_shared>>
        %dma_wait3A_99 = arith.constant 0 : i32
        %dma_wait3A_100 = tpu.memref_slice %arg7[%add3A_91, %dma_wait3A_99] : memref<10240x144xf32, #tpu.memory_space<vmem_shared>> -> memref<8x144xf32, #tpu.memory_space<vmem_shared>>
        tpu.wait_dma2 semaphore(%run_scoped3A : memref<!tpu.dma_semaphore, #tpu.memory_space<semaphore_mem>>) src(%arg8 : memref<8x144xf32, #tpu.memory_space<vmem>>) dst(%dma_wait3A_100 : memref<8x144xf32, #tpu.memory_space<vmem_shared>>)
        tpu.yield
      }) : () -> ()
      %scan3A_92 = arith.constant 0 : i32
      scf.yield %scan3A_92 : i32
    }
    %scan3A_18 = arith.constant 80 : i32
    "tpu.region"() ({
      %run_scoped3A = tpu.sem_alloc : memref<!tpu.dma_semaphore, #tpu.memory_space<semaphore_mem>>
      %dma_start3A_85 = tpu.memref_slice %arg4[%add3A] : memref<163840xi32, #tpu.memory_space<hbm>> -> memref<64xi32, #tpu.memory_space<hbm>>
      %dma_start3A_86 = tpu.memref_slice %arg4[%add3A] : memref<163840xi32, #tpu.memory_space<hbm>> -> memref<64xi32, #tpu.memory_space<hbm>>
      tpu.enqueue_dma source(%dma_start3A_86 : memref<64xi32, #tpu.memory_space<hbm>>) target(%arg9 : memref<64xi32, #tpu.memory_space<vmem>>) target_semaphore(%run_scoped3A : memref<!tpu.dma_semaphore, #tpu.memory_space<semaphore_mem>>)
      %dma_wait3A_87 = tpu.memref_slice %arg4[%add3A] : memref<163840xi32, #tpu.memory_space<hbm>> -> memref<64xi32, #tpu.memory_space<hbm>>
      %dma_wait3A_88 = tpu.memref_slice %arg4[%add3A] : memref<163840xi32, #tpu.memory_space<hbm>> -> memref<64xi32, #tpu.memory_space<hbm>>
      tpu.wait_dma2 semaphore(%run_scoped3A : memref<!tpu.dma_semaphore, #tpu.memory_space<semaphore_mem>>) src(%dma_wait3A_88 : memref<64xi32, #tpu.memory_space<hbm>>) dst(%arg9 : memref<64xi32, #tpu.memory_space<vmem>>)
      tpu.yield
    }) : () -> ()
    %add3A_19 = arith.constant 0 : i32
    %add3A_20 = arith.addi %add3A, %add3A_19 : i32
    %dma_start3A = arith.constant 0 : i32
    %dma_start3A_21 = arith.constant 0 : i32
    %dma_start3A_22 = tpu.memref_slice %arg15[%dma_start3A, %dma_start3A_21] : memref<64x144xf32, #tpu.memory_space<vmem>> -> memref<32x144xf32, #tpu.memory_space<vmem>>
    %dma_start3A_23 = arith.constant 0 : i32
    %dma_start3A_24 = tpu.memref_slice %arg9[%dma_start3A_23] : memref<64xi32, #tpu.memory_space<vmem>> -> memref<32xi32, #tpu.memory_space<vmem>>
    %dma_start3A_25 = arith.constant 0 : i32
    %dma_start3A_26 = arith.constant 0 : i32
    %dma_start3A_27 = tpu.memref_slice %arg2[%dma_start3A_25, %dma_start3A_26] : memref<10240x144xf32, #tpu.memory_space<hbm>> -> memref<10240x144xf32, #tpu.memory_space<hbm>>
    tpu.enqueue_indirect_dma source(%dma_start3A_27 : memref<10240x144xf32, #tpu.memory_space<hbm>>) target(%dma_start3A_22 : memref<32x144xf32, #tpu.memory_space<vmem>>) offsets(%dma_start3A_24 : memref<32xi32, #tpu.memory_space<vmem>>) semaphore(%arg17 : memref<!tpu.dma_semaphore, #tpu.memory_space<semaphore_mem>>)
    %dma_start3A_28 = arith.constant 32 : i32
    %dma_start3A_29 = arith.constant 0 : i32
    %dma_start3A_30 = tpu.memref_slice %arg15[%dma_start3A_28, %dma_start3A_29] : memref<64x144xf32, #tpu.memory_space<vmem>> -> memref<32x144xf32, #tpu.memory_space<vmem>>
    %dma_start3A_31 = arith.constant 32 : i32
    %dma_start3A_32 = tpu.memref_slice %arg9[%dma_start3A_31] : memref<64xi32, #tpu.memory_space<vmem>> -> memref<32xi32, #tpu.memory_space<vmem>>
    %dma_start3A_33 = arith.constant 0 : i32
    %dma_start3A_34 = arith.constant 0 : i32
    %dma_start3A_35 = tpu.memref_slice %arg2[%dma_start3A_33, %dma_start3A_34] : memref<10240x144xf32, #tpu.memory_space<hbm>> -> memref<10240x144xf32, #tpu.memory_space<hbm>>
    tpu.enqueue_indirect_dma source(%dma_start3A_35 : memref<10240x144xf32, #tpu.memory_space<hbm>>) target(%dma_start3A_30 : memref<32x144xf32, #tpu.memory_space<vmem>>) offsets(%dma_start3A_32 : memref<32xi32, #tpu.memory_space<vmem>>) semaphore(%arg17 : memref<!tpu.dma_semaphore, #tpu.memory_space<semaphore_mem>>)
    %dma_start3A_36 = arith.constant 0 : i32
    %dma_start3A_37 = tpu.memref_slice %arg3[%add3A_20, %dma_start3A_36] : memref<163840x144xf32, #tpu.memory_space<hbm>> -> memref<64x144xf32, #tpu.memory_space<hbm>>
    %dma_start3A_38 = arith.constant 0 : i32
    %dma_start3A_39 = tpu.memref_slice %arg3[%add3A_20, %dma_start3A_38] : memref<163840x144xf32, #tpu.memory_space<hbm>> -> memref<64x144xf32, #tpu.memory_space<hbm>>
    tpu.enqueue_dma source(%dma_start3A_39 : memref<64x144xf32, #tpu.memory_space<hbm>>) target(%arg13 : memref<64x144xf32, #tpu.memory_space<vmem>>) target_semaphore(%arg17 : memref<!tpu.dma_semaphore, #tpu.memory_space<semaphore_mem>>)
    %dma_start3A_40 = tpu.memref_slice %arg5[%add3A_20] : memref<163840xi32, #tpu.memory_space<hbm>> -> memref<64xi32, #tpu.memory_space<hbm>>
    %dma_start3A_41 = tpu.memref_slice %arg5[%add3A_20] : memref<163840xi32, #tpu.memory_space<hbm>> -> memref<64xi32, #tpu.memory_space<hbm>>
    tpu.enqueue_dma source(%dma_start3A_41 : memref<64xi32, #tpu.memory_space<hbm>>) target(%arg11 : memref<64xi32, #tpu.memory_space<vmem>>) target_semaphore(%arg17 : memref<!tpu.dma_semaphore, #tpu.memory_space<semaphore_mem>>)
    %add3A_42 = arith.constant 64 : i32
    %add3A_43 = arith.addi %add3A, %add3A_42 : i32
    %dma_start3A_44 = tpu.memref_slice %arg4[%add3A_43] : memref<163840xi32, #tpu.memory_space<hbm>> -> memref<64xi32, #tpu.memory_space<hbm>>
    %dma_start3A_45 = tpu.memref_slice %arg4[%add3A_43] : memref<163840xi32, #tpu.memory_space<hbm>> -> memref<64xi32, #tpu.memory_space<hbm>>
    tpu.enqueue_dma source(%dma_start3A_45 : memref<64xi32, #tpu.memory_space<hbm>>) target(%arg10 : memref<64xi32, #tpu.memory_space<vmem>>) target_semaphore(%arg20 : memref<!tpu.dma_semaphore, #tpu.memory_space<semaphore_mem>>)
    %barrier3A = arith.constant 0 : index
    tpu.barrier barrier_id(%barrier3A)
    %jit3A_46 = arith.constant 2 : i32
    %div3A = arith.divsi %select_n3A, %jit3A_46 : i32
    %sign3A = arith.constant 0 : i32
    %sign3A_47 = arith.cmpi sgt, %select_n3A, %sign3A : i32
    %sign3A_48 = arith.extui %sign3A_47 : i1 to i32
    %sign3A_49 = arith.constant 0 : i32
    %sign3A_50 = arith.cmpi slt, %select_n3A, %sign3A_49 : i32
    %sign3A_51 = arith.extui %sign3A_50 : i1 to i32
    %sign3A_52 = arith.subi %sign3A_48, %sign3A_51 : i32
    %sign3A_53 = arith.constant 0 : i32
    %sign3A_54 = arith.cmpi sgt, %jit3A_46, %sign3A_53 : i32
    %sign3A_55 = arith.extui %sign3A_54 : i1 to i32
    %sign3A_56 = arith.constant 0 : i32
    %sign3A_57 = arith.cmpi slt, %jit3A_46, %sign3A_56 : i32
    %sign3A_58 = arith.extui %sign3A_57 : i1 to i32
    %sign3A_59 = arith.subi %sign3A_55, %sign3A_58 : i32
    %ne3A = arith.cmpi ne, %sign3A_52, %sign3A_59 : i32
    %rem3A = arith.remsi %select_n3A, %jit3A_46 : i32
    %ne3A_60 = arith.constant 0 : i32
    %ne3A_61 = arith.cmpi ne, %rem3A, %ne3A_60 : i32
    %and3A = arith.andi %ne3A, %ne3A_61 : i1
    %sub3A = arith.constant 1 : i32
    %sub3A_62 = arith.subi %div3A, %sub3A : i32
    %select_n3A_63 = arith.select %and3A, %sub3A_62, %div3A : i32
    %while3A = arith.constant 0 : i32
    %while3A_64 = arith.constant 0 : i32
    %while3A_65 = arith.subi %select_n3A_63, %while3A : i32
    %while3A_66 = arith.addi %while3A, %while3A_65 : i32
    %while3A_67 = arith.constant 1 : i32
    %while3A_68 = arith.divsi %while3A_65, %while3A_67 : i32
    %while3A_69 = arith.muli %while3A_68, %while3A_67 : i32
    %while3A_70 = arith.addi %while3A, %while3A_69 : i32
    %while3A_71 = arith.constant 1 : i32
    %while3A_72 = scf.for %while3A_85 = %while3A to %while3A_70 step %while3A_71 iter_args(%while3A_86 = %while3A_64) -> (i32)  : i32 {
      %mul3A_87 = arith.constant 2 : i32
      %mul3A_88 = arith.muli %while3A_85, %mul3A_87 : i32
      %add3A_89 = arith.constant 0 : i32
      %add3A_90 = arith.addi %mul3A_88, %add3A_89 : i32
      %dma_wait3A_91 = arith.constant 0 : i32
      %dma_wait3A_92 = arith.constant 0 : i32
      %dma_wait3A_93 = tpu.memref_slice %arg15[%dma_wait3A_91, %dma_wait3A_92] : memref<64x144xf32, #tpu.memory_space<vmem>> -> memref<32x144xf32, #tpu.memory_space<vmem>>
      %dma_wait3A_94 = arith.constant 0 : i32
      %dma_wait3A_95 = tpu.memref_slice %arg9[%dma_wait3A_94] : memref<64xi32, #tpu.memory_space<vmem>> -> memref<32xi32, #tpu.memory_space<vmem>>
      %dma_wait3A_96 = arith.constant 0 : i32
      %dma_wait3A_97 = arith.constant 0 : i32
      %dma_wait3A_98 = tpu.memref_slice %arg2[%dma_wait3A_96, %dma_wait3A_97] : memref<10240x144xf32, #tpu.memory_space<hbm>> -> memref<10240x144xf32, #tpu.memory_space<hbm>>
      tpu.wait_indirect_dma semaphore(%arg17 : memref<!tpu.dma_semaphore, #tpu.memory_space<semaphore_mem>>) src(%dma_wait3A_98 : memref<10240x144xf32, #tpu.memory_space<hbm>>) dst(%dma_wait3A_93 : memref<32x144xf32, #tpu.memory_space<vmem>>)
      %dma_wait3A_99 = arith.constant 32 : i32
      %dma_wait3A_100 = arith.constant 0 : i32
      %dma_wait3A_101 = tpu.memref_slice %arg15[%dma_wait3A_99, %dma_wait3A_100] : memref<64x144xf32, #tpu.memory_space<vmem>> -> memref<32x144xf32, #tpu.memory_space<vmem>>
      %dma_wait3A_102 = arith.constant 32 : i32
      %dma_wait3A_103 = tpu.memref_slice %arg9[%dma_wait3A_102] : memref<64xi32, #tpu.memory_space<vmem>> -> memref<32xi32, #tpu.memory_space<vmem>>
      %dma_wait3A_104 = arith.constant 0 : i32
      %dma_wait3A_105 = arith.constant 0 : i32
      %dma_wait3A_106 = tpu.memref_slice %arg2[%dma_wait3A_104, %dma_wait3A_105] : memref<10240x144xf32, #tpu.memory_space<hbm>> -> memref<10240x144xf32, #tpu.memory_space<hbm>>
      tpu.wait_indirect_dma semaphore(%arg17 : memref<!tpu.dma_semaphore, #tpu.memory_space<semaphore_mem>>) src(%dma_wait3A_106 : memref<10240x144xf32, #tpu.memory_space<hbm>>) dst(%dma_wait3A_101 : memref<32x144xf32, #tpu.memory_space<vmem>>)
      %dma_wait3A_107 = arith.constant 0 : i32
      %dma_wait3A_108 = arith.constant 0 : i32
      %dma_wait3A_109 = tpu.memref_slice %arg3[%dma_wait3A_107, %dma_wait3A_108] : memref<163840x144xf32, #tpu.memory_space<hbm>> -> memref<64x144xf32, #tpu.memory_space<hbm>>
      %dma_wait3A_110 = arith.constant 0 : i32
      %dma_wait3A_111 = arith.constant 0 : i32
      %dma_wait3A_112 = tpu.memref_slice %arg3[%dma_wait3A_110, %dma_wait3A_111] : memref<163840x144xf32, #tpu.memory_space<hbm>> -> memref<64x144xf32, #tpu.memory_space<hbm>>
      tpu.wait_dma2 semaphore(%arg17 : memref<!tpu.dma_semaphore, #tpu.memory_space<semaphore_mem>>) src(%dma_wait3A_112 : memref<64x144xf32, #tpu.memory_space<hbm>>) dst(%arg13 : memref<64x144xf32, #tpu.memory_space<vmem>>)
      %dma_wait3A_113 = arith.constant 0 : i32
      %dma_wait3A_114 = tpu.memref_slice %arg5[%dma_wait3A_113] : memref<163840xi32, #tpu.memory_space<hbm>> -> memref<64xi32, #tpu.memory_space<hbm>>
      %dma_wait3A_115 = arith.constant 0 : i32
      %dma_wait3A_116 = tpu.memref_slice %arg5[%dma_wait3A_115] : memref<163840xi32, #tpu.memory_space<hbm>> -> memref<64xi32, #tpu.memory_space<hbm>>
      tpu.wait_dma2 semaphore(%arg17 : memref<!tpu.dma_semaphore, #tpu.memory_space<semaphore_mem>>) src(%dma_wait3A_116 : memref<64xi32, #tpu.memory_space<hbm>>) dst(%arg11 : memref<64xi32, #tpu.memory_space<vmem>>)
      %add3A_117 = arith.constant 1 : i32
      %add3A_118 = arith.addi %add3A_90, %add3A_117 : i32
      %lt3A = arith.cmpi slt, %add3A_118, %select_n3A : i32
      %convert_element_type3A = arith.extui %lt3A : i1 to i32
      %cond3A = arith.constant 0 : i32
      %cond3A_119 = arith.cmpi ne, %convert_element_type3A, %cond3A : i32
      scf.if %cond3A_119 {
        %ge3A = arith.constant 1 : i32
        %ge3A_189 = arith.cmpi sge, %add3A_90, %ge3A : i32
        %convert_element_type3A_190 = arith.extui %ge3A_189 : i1 to i32
        %cond3A_191 = arith.constant 0 : i32
        %cond3A_192 = arith.cmpi ne, %convert_element_type3A_190, %cond3A_191 : i32
        scf.if %cond3A_192 {
          %dma_wait3A_224 = arith.constant 0 : i32
          %dma_wait3A_225 = arith.constant 0 : i32
          %dma_wait3A_226 = tpu.memref_slice %arg7[%dma_wait3A_224, %dma_wait3A_225] : memref<10240x144xf32, #tpu.memory_space<vmem_shared>> -> memref<10240x144xf32, #tpu.memory_space<vmem_shared>>
          tpu.wait_indirect_dma semaphore(%arg22 : memref<!tpu.dma_semaphore, #tpu.memory_space<semaphore_mem>>) src(%arg16 : memref<64x144xf32, #tpu.memory_space<vmem>>) dst(%dma_wait3A_226 : memref<10240x144xf32, #tpu.memory_space<vmem_shared>>)
        } else {
        }
        %dma_wait3A_193 = arith.constant 0 : i32
        %dma_wait3A_194 = tpu.memref_slice %arg4[%dma_wait3A_193] : memref<163840xi32, #tpu.memory_space<hbm>> -> memref<64xi32, #tpu.memory_space<hbm>>
        %dma_wait3A_195 = arith.constant 0 : i32
        %dma_wait3A_196 = tpu.memref_slice %arg4[%dma_wait3A_195] : memref<163840xi32, #tpu.memory_space<hbm>> -> memref<64xi32, #tpu.memory_space<hbm>>
        tpu.wait_dma2 semaphore(%arg20 : memref<!tpu.dma_semaphore, #tpu.memory_space<semaphore_mem>>) src(%dma_wait3A_196 : memref<64xi32, #tpu.memory_space<hbm>>) dst(%arg10 : memref<64xi32, #tpu.memory_space<vmem>>)
        %add3A_197 = arith.constant 1 : i32
        %add3A_198 = arith.addi %add3A_90, %add3A_197 : i32
        %mul3A_199 = arith.constant 64 : i32
        %mul3A_200 = arith.muli %add3A_198, %mul3A_199 : i32
        %add3A_201 = arith.addi %add3A, %mul3A_200 : i32
        %dma_start3A_202 = arith.constant 0 : i32
        %dma_start3A_203 = arith.constant 0 : i32
        %dma_start3A_204 = tpu.memref_slice %arg16[%dma_start3A_202, %dma_start3A_203] : memref<64x144xf32, #tpu.memory_space<vmem>> -> memref<32x144xf32, #tpu.memory_space<vmem>>
        %dma_start3A_205 = arith.constant 0 : i32
        %dma_start3A_206 = tpu.memref_slice %arg10[%dma_start3A_205] : memref<64xi32, #tpu.memory_space<vmem>> -> memref<32xi32, #tpu.memory_space<vmem>>
        %dma_start3A_207 = arith.constant 0 : i32
        %dma_start3A_208 = arith.constant 0 : i32
        %dma_start3A_209 = tpu.memref_slice %arg2[%dma_start3A_207, %dma_start3A_208] : memref<10240x144xf32, #tpu.memory_space<hbm>> -> memref<10240x144xf32, #tpu.memory_space<hbm>>
        tpu.enqueue_indirect_dma source(%dma_start3A_209 : memref<10240x144xf32, #tpu.memory_space<hbm>>) target(%dma_start3A_204 : memref<32x144xf32, #tpu.memory_space<vmem>>) offsets(%dma_start3A_206 : memref<32xi32, #tpu.memory_space<vmem>>) semaphore(%arg18 : memref<!tpu.dma_semaphore, #tpu.memory_space<semaphore_mem>>)
        %dma_start3A_210 = arith.constant 32 : i32
        %dma_start3A_211 = arith.constant 0 : i32
        %dma_start3A_212 = tpu.memref_slice %arg16[%dma_start3A_210, %dma_start3A_211] : memref<64x144xf32, #tpu.memory_space<vmem>> -> memref<32x144xf32, #tpu.memory_space<vmem>>
        %dma_start3A_213 = arith.constant 32 : i32
        %dma_start3A_214 = tpu.memref_slice %arg10[%dma_start3A_213] : memref<64xi32, #tpu.memory_space<vmem>> -> memref<32xi32, #tpu.memory_space<vmem>>
        %dma_start3A_215 = arith.constant 0 : i32
        %dma_start3A_216 = arith.constant 0 : i32
        %dma_start3A_217 = tpu.memref_slice %arg2[%dma_start3A_215, %dma_start3A_216] : memref<10240x144xf32, #tpu.memory_space<hbm>> -> memref<10240x144xf32, #tpu.memory_space<hbm>>
        tpu.enqueue_indirect_dma source(%dma_start3A_217 : memref<10240x144xf32, #tpu.memory_space<hbm>>) target(%dma_start3A_212 : memref<32x144xf32, #tpu.memory_space<vmem>>) offsets(%dma_start3A_214 : memref<32xi32, #tpu.memory_space<vmem>>) semaphore(%arg18 : memref<!tpu.dma_semaphore, #tpu.memory_space<semaphore_mem>>)
        %dma_start3A_218 = arith.constant 0 : i32
        %dma_start3A_219 = tpu.memref_slice %arg3[%add3A_201, %dma_start3A_218] : memref<163840x144xf32, #tpu.memory_space<hbm>> -> memref<64x144xf32, #tpu.memory_space<hbm>>
        %dma_start3A_220 = arith.constant 0 : i32
        %dma_start3A_221 = tpu.memref_slice %arg3[%add3A_201, %dma_start3A_220] : memref<163840x144xf32, #tpu.memory_space<hbm>> -> memref<64x144xf32, #tpu.memory_space<hbm>>
        tpu.enqueue_dma source(%dma_start3A_221 : memref<64x144xf32, #tpu.memory_space<hbm>>) target(%arg14 : memref<64x144xf32, #tpu.memory_space<vmem>>) target_semaphore(%arg18 : memref<!tpu.dma_semaphore, #tpu.memory_space<semaphore_mem>>)
        %dma_start3A_222 = tpu.memref_slice %arg5[%add3A_201] : memref<163840xi32, #tpu.memory_space<hbm>> -> memref<64xi32, #tpu.memory_space<hbm>>
        %dma_start3A_223 = tpu.memref_slice %arg5[%add3A_201] : memref<163840xi32, #tpu.memory_space<hbm>> -> memref<64xi32, #tpu.memory_space<hbm>>
        tpu.enqueue_dma source(%dma_start3A_223 : memref<64xi32, #tpu.memory_space<hbm>>) target(%arg12 : memref<64xi32, #tpu.memory_space<vmem>>) target_semaphore(%arg18 : memref<!tpu.dma_semaphore, #tpu.memory_space<semaphore_mem>>)
      } else {
      }
      %add3A_120 = arith.constant 2 : i32
      %add3A_121 = arith.addi %add3A_90, %add3A_120 : i32
      %lt3A_122 = arith.cmpi slt, %add3A_121, %select_n3A : i32
      %convert_element_type3A_123 = arith.extui %lt3A_122 : i1 to i32
      %cond3A_124 = arith.constant 0 : i32
      %cond3A_125 = arith.cmpi ne, %convert_element_type3A_123, %cond3A_124 : i32
      scf.if %cond3A_125 {
        %add3A_189 = arith.constant 2 : i32
        %add3A_190 = arith.addi %add3A_90, %add3A_189 : i32
        %mul3A_191 = arith.constant 64 : i32
        %mul3A_192 = arith.muli %add3A_190, %mul3A_191 : i32
        %add3A_193 = arith.addi %add3A, %mul3A_192 : i32
        %dma_start3A_194 = tpu.memref_slice %arg4[%add3A_193] : memref<163840xi32, #tpu.memory_space<hbm>> -> memref<64xi32, #tpu.memory_space<hbm>>
        %dma_start3A_195 = tpu.memref_slice %arg4[%add3A_193] : memref<163840xi32, #tpu.memory_space<hbm>> -> memref<64xi32, #tpu.memory_space<hbm>>
        tpu.enqueue_dma source(%dma_start3A_195 : memref<64xi32, #tpu.memory_space<hbm>>) target(%arg9 : memref<64xi32, #tpu.memory_space<vmem>>) target_semaphore(%arg19 : memref<!tpu.dma_semaphore, #tpu.memory_space<semaphore_mem>>)
      } else {
      }
      %scan3A_126 = arith.constant 0 : i32
      %scan3A_127 = arith.constant 0 : i32
      %scan3A_128 = arith.constant 64 : i32
      %scan3A_129 = arith.addi %scan3A_127, %scan3A_128 : i32
      %scan3A_130 = arith.constant 1 : i32
      %scan3A_131 = scf.for %scan3A_189 = %scan3A_127 to %scan3A_129 step %scan3A_130 iter_args(%scan3A_190 = %scan3A_126) -> (i32)  : i32 {
        %get3A = arith.index_cast %scan3A_189 : i32 to index
        %get3A_191 = arith.constant 0 : index
        %get3A_192 = tpu.vector_load %arg13[%get3A, %get3A_191] {strides = array<i32>} : memref<64x144xf32, #tpu.memory_space<vmem>>, vector<16xf32>,
        %get3A_193 = arith.index_cast %scan3A_189 : i32 to index
        %get3A_194 = arith.constant 0 : index
        %get3A_195 = tpu.vector_load %arg15[%get3A_193, %get3A_194] {strides = array<i32>} : memref<64x144xf32, #tpu.memory_space<vmem>>, vector<16xf32>,
        %mul3A_196 = arith.mulf %get3A_195, %get3A_192 : vector<16xf32>
        %swap3A = arith.index_cast %scan3A_189 : i32 to index
        %swap3A_197 = arith.constant 0 : index
        %swap3A_198 = tpu.vector_load %arg15[%swap3A, %swap3A_197] {strides = array<i32>} : memref<64x144xf32, #tpu.memory_space<vmem>>, vector<16xf32>,
        tpu.vector_store %arg15[%swap3A, %swap3A_197], %mul3A_196 {strides = array<i32>} : memref<64x144xf32, #tpu.memory_space<vmem>>, vector<16xf32>,
        %get3A_199 = arith.index_cast %scan3A_189 : i32 to index
        %get3A_200 = arith.constant 16 : index
        %get3A_201 = tpu.vector_load %arg15[%get3A_199, %get3A_200] {strides = array<i32>} : memref<64x144xf32, #tpu.memory_space<vmem>>, vector<16xf32>,
        %mul3A_202 = arith.mulf %get3A_201, %get3A_192 : vector<16xf32>
        %get3A_203 = arith.index_cast %scan3A_189 : i32 to index
        %get3A_204 = arith.constant 16 : index
        %get3A_205 = tpu.vector_load %arg13[%get3A_203, %get3A_204] {strides = array<i32>} : memref<64x144xf32, #tpu.memory_space<vmem>>, vector<16xf32>,
        %mul3A_206 = arith.mulf %get3A_195, %get3A_205 : vector<16xf32>
        %add3A_207 = arith.addf %mul3A_202, %mul3A_206 : vector<16xf32>
        %swap3A_208 = arith.index_cast %scan3A_189 : i32 to index
        %swap3A_209 = arith.constant 16 : index
        %swap3A_210 = tpu.vector_load %arg15[%swap3A_208, %swap3A_209] {strides = array<i32>} : memref<64x144xf32, #tpu.memory_space<vmem>>, vector<16xf32>,
        tpu.vector_store %arg15[%swap3A_208, %swap3A_209], %add3A_207 {strides = array<i32>} : memref<64x144xf32, #tpu.memory_space<vmem>>, vector<16xf32>,
        %get3A_211 = arith.index_cast %scan3A_189 : i32 to index
        %get3A_212 = arith.constant 32 : index
        %get3A_213 = tpu.vector_load %arg15[%get3A_211, %get3A_212] {strides = array<i32>} : memref<64x144xf32, #tpu.memory_space<vmem>>, vector<16xf32>,
        %mul3A_214 = arith.mulf %get3A_213, %get3A_192 : vector<16xf32>
        %get3A_215 = arith.index_cast %scan3A_189 : i32 to index
        %get3A_216 = arith.constant 32 : index
        %get3A_217 = tpu.vector_load %arg13[%get3A_215, %get3A_216] {strides = array<i32>} : memref<64x144xf32, #tpu.memory_space<vmem>>, vector<16xf32>,
        %mul3A_218 = arith.mulf %get3A_195, %get3A_217 : vector<16xf32>
        %add3A_219 = arith.addf %mul3A_214, %mul3A_218 : vector<16xf32>
        %swap3A_220 = arith.index_cast %scan3A_189 : i32 to index
        %swap3A_221 = arith.constant 32 : index
        %swap3A_222 = tpu.vector_load %arg15[%swap3A_220, %swap3A_221] {strides = array<i32>} : memref<64x144xf32, #tpu.memory_space<vmem>>, vector<16xf32>,
        tpu.vector_store %arg15[%swap3A_220, %swap3A_221], %add3A_219 {strides = array<i32>} : memref<64x144xf32, #tpu.memory_space<vmem>>, vector<16xf32>,
        %get3A_223 = arith.index_cast %scan3A_189 : i32 to index
        %get3A_224 = arith.constant 48 : index
        %get3A_225 = tpu.vector_load %arg15[%get3A_223, %get3A_224] {strides = array<i32>} : memref<64x144xf32, #tpu.memory_space<vmem>>, vector<16xf32>,
        %mul3A_226 = arith.mulf %get3A_225, %get3A_192 : vector<16xf32>
        %get3A_227 = arith.index_cast %scan3A_189 : i32 to index
        %get3A_228 = arith.constant 48 : index
        %get3A_229 = tpu.vector_load %arg13[%get3A_227, %get3A_228] {strides = array<i32>} : memref<64x144xf32, #tpu.memory_space<vmem>>, vector<16xf32>,
        %mul3A_230 = arith.mulf %get3A_195, %get3A_229 : vector<16xf32>
        %add3A_231 = arith.addf %mul3A_226, %mul3A_230 : vector<16xf32>
        %swap3A_232 = arith.index_cast %scan3A_189 : i32 to index
        %swap3A_233 = arith.constant 48 : index
        %swap3A_234 = tpu.vector_load %arg15[%swap3A_232, %swap3A_233] {strides = array<i32>} : memref<64x144xf32, #tpu.memory_space<vmem>>, vector<16xf32>,
        tpu.vector_store %arg15[%swap3A_232, %swap3A_233], %add3A_231 {strides = array<i32>} : memref<64x144xf32, #tpu.memory_space<vmem>>, vector<16xf32>,
        %get3A_235 = arith.index_cast %scan3A_189 : i32 to index
        %get3A_236 = arith.constant 64 : index
        %get3A_237 = tpu.vector_load %arg15[%get3A_235, %get3A_236] {strides = array<i32>} : memref<64x144xf32, #tpu.memory_space<vmem>>, vector<16xf32>,
        %mul3A_238 = arith.mulf %get3A_237, %get3A_192 : vector<16xf32>
        %get3A_239 = arith.index_cast %scan3A_189 : i32 to index
        %get3A_240 = arith.constant 64 : index
        %get3A_241 = tpu.vector_load %arg13[%get3A_239, %get3A_240] {strides = array<i32>} : memref<64x144xf32, #tpu.memory_space<vmem>>, vector<16xf32>,
        %mul3A_242 = arith.mulf %get3A_195, %get3A_241 : vector<16xf32>
        %add3A_243 = arith.addf %mul3A_238, %mul3A_242 : vector<16xf32>
        %swap3A_244 = arith.index_cast %scan3A_189 : i32 to index
        %swap3A_245 = arith.constant 64 : index
        %swap3A_246 = tpu.vector_load %arg15[%swap3A_244, %swap3A_245] {strides = array<i32>} : memref<64x144xf32, #tpu.memory_space<vmem>>, vector<16xf32>,
        tpu.vector_store %arg15[%swap3A_244, %swap3A_245], %add3A_243 {strides = array<i32>} : memref<64x144xf32, #tpu.memory_space<vmem>>, vector<16xf32>,
        %get3A_247 = arith.index_cast %scan3A_189 : i32 to index
        %get3A_248 = arith.constant 80 : index
        %get3A_249 = tpu.vector_load %arg15[%get3A_247, %get3A_248] {strides = array<i32>} : memref<64x144xf32, #tpu.memory_space<vmem>>, vector<16xf32>,
        %mul3A_250 = arith.mulf %get3A_249, %get3A_192 : vector<16xf32>
        %get3A_251 = arith.index_cast %scan3A_189 : i32 to index
        %get3A_252 = arith.constant 80 : index
        %get3A_253 = tpu.vector_load %arg13[%get3A_251, %get3A_252] {strides = array<i32>} : memref<64x144xf32, #tpu.memory_space<vmem>>, vector<16xf32>,
        %mul3A_254 = arith.mulf %get3A_195, %get3A_253 : vector<16xf32>
        %add3A_255 = arith.addf %mul3A_250, %mul3A_254 : vector<16xf32>
        %swap3A_256 = arith.index_cast %scan3A_189 : i32 to index
        %swap3A_257 = arith.constant 80 : index
        %swap3A_258 = tpu.vector_load %arg15[%swap3A_256, %swap3A_257] {strides = array<i32>} : memref<64x144xf32, #tpu.memory_space<vmem>>, vector<16xf32>,
        tpu.vector_store %arg15[%swap3A_256, %swap3A_257], %add3A_255 {strides = array<i32>} : memref<64x144xf32, #tpu.memory_space<vmem>>, vector<16xf32>,
        %get3A_259 = arith.index_cast %scan3A_189 : i32 to index
        %get3A_260 = arith.constant 96 : index
        %get3A_261 = tpu.vector_load %arg15[%get3A_259, %get3A_260] {strides = array<i32>} : memref<64x144xf32, #tpu.memory_space<vmem>>, vector<16xf32>,
        %mul3A_262 = arith.mulf %get3A_261, %get3A_192 : vector<16xf32>
        %get3A_263 = arith.index_cast %scan3A_189 : i32 to index
        %get3A_264 = arith.constant 96 : index
        %get3A_265 = tpu.vector_load %arg13[%get3A_263, %get3A_264] {strides = array<i32>} : memref<64x144xf32, #tpu.memory_space<vmem>>, vector<16xf32>,
        %mul3A_266 = arith.mulf %get3A_195, %get3A_265 : vector<16xf32>
        %add3A_267 = arith.addf %mul3A_262, %mul3A_266 : vector<16xf32>
        %swap3A_268 = arith.index_cast %scan3A_189 : i32 to index
        %swap3A_269 = arith.constant 96 : index
        %swap3A_270 = tpu.vector_load %arg15[%swap3A_268, %swap3A_269] {strides = array<i32>} : memref<64x144xf32, #tpu.memory_space<vmem>>, vector<16xf32>,
        tpu.vector_store %arg15[%swap3A_268, %swap3A_269], %add3A_267 {strides = array<i32>} : memref<64x144xf32, #tpu.memory_space<vmem>>, vector<16xf32>,
        %get3A_271 = arith.index_cast %scan3A_189 : i32 to index
        %get3A_272 = arith.constant 112 : index
        %get3A_273 = tpu.vector_load %arg15[%get3A_271, %get3A_272] {strides = array<i32>} : memref<64x144xf32, #tpu.memory_space<vmem>>, vector<16xf32>,
        %mul3A_274 = arith.mulf %get3A_273, %get3A_192 : vector<16xf32>
        %get3A_275 = arith.index_cast %scan3A_189 : i32 to index
        %get3A_276 = arith.constant 112 : index
        %get3A_277 = tpu.vector_load %arg13[%get3A_275, %get3A_276] {strides = array<i32>} : memref<64x144xf32, #tpu.memory_space<vmem>>, vector<16xf32>,
        %mul3A_278 = arith.mulf %get3A_195, %get3A_277 : vector<16xf32>
        %add3A_279 = arith.addf %mul3A_274, %mul3A_278 : vector<16xf32>
        %swap3A_280 = arith.index_cast %scan3A_189 : i32 to index
        %swap3A_281 = arith.constant 112 : index
        %swap3A_282 = tpu.vector_load %arg15[%swap3A_280, %swap3A_281] {strides = array<i32>} : memref<64x144xf32, #tpu.memory_space<vmem>>, vector<16xf32>,
        tpu.vector_store %arg15[%swap3A_280, %swap3A_281], %add3A_279 {strides = array<i32>} : memref<64x144xf32, #tpu.memory_space<vmem>>, vector<16xf32>,
        %get3A_283 = arith.index_cast %scan3A_189 : i32 to index
        %get3A_284 = arith.constant 128 : index
        %get3A_285 = tpu.vector_load %arg15[%get3A_283, %get3A_284] {strides = array<i32>} : memref<64x144xf32, #tpu.memory_space<vmem>>, vector<16xf32>,
        %mul3A_286 = arith.mulf %get3A_285, %get3A_192 : vector<16xf32>
        %get3A_287 = arith.index_cast %scan3A_189 : i32 to index
        %get3A_288 = arith.constant 128 : index
        %get3A_289 = tpu.vector_load %arg13[%get3A_287, %get3A_288] {strides = array<i32>} : memref<64x144xf32, #tpu.memory_space<vmem>>, vector<16xf32>,
        %mul3A_290 = arith.mulf %get3A_195, %get3A_289 : vector<16xf32>
        %add3A_291 = arith.addf %mul3A_286, %mul3A_290 : vector<16xf32>
        %swap3A_292 = arith.index_cast %scan3A_189 : i32 to index
        %swap3A_293 = arith.constant 128 : index
        %swap3A_294 = tpu.vector_load %arg15[%swap3A_292, %swap3A_293] {strides = array<i32>} : memref<64x144xf32, #tpu.memory_space<vmem>>, vector<16xf32>,
        tpu.vector_store %arg15[%swap3A_292, %swap3A_293], %add3A_291 {strides = array<i32>} : memref<64x144xf32, #tpu.memory_space<vmem>>, vector<16xf32>,
        %scan3A_295 = arith.constant 0 : i32
        scf.yield %scan3A_295 : i32
      }
      %scan3A_132 = arith.constant 64 : i32
      %dma_start3A_133 = arith.constant 0 : i32
      %dma_start3A_134 = arith.constant 0 : i32
      %dma_start3A_135 = tpu.memref_slice %arg7[%dma_start3A_133, %dma_start3A_134] : memref<10240x144xf32, #tpu.memory_space<vmem_shared>> -> memref<10240x144xf32, #tpu.memory_space<vmem_shared>>
      tpu.enqueue_indirect_dma source(%arg15 : memref<64x144xf32, #tpu.memory_space<vmem>>) target(%dma_start3A_135 : memref<10240x144xf32, #tpu.memory_space<vmem_shared>>) offsets(%arg11 : memref<64xi32, #tpu.memory_space<vmem>>) semaphore(%arg21 : memref<!tpu.dma_semaphore, #tpu.memory_space<semaphore_mem>>) {add = true}
      %mul3A_136 = arith.constant 2 : i32
      %mul3A_137 = arith.muli %while3A_85, %mul3A_136 : i32
      %add3A_138 = arith.constant 1 : i32
      %add3A_139 = arith.addi %mul3A_137, %add3A_138 : i32
      %dma_wait3A_140 = arith.constant 0 : i32
      %dma_wait3A_141 = arith.constant 0 : i32
      %dma_wait3A_142 = tpu.memref_slice %arg16[%dma_wait3A_140, %dma_wait3A_141] : memref<64x144xf32, #tpu.memory_space<vmem>> -> memref<32x144xf32, #tpu.memory_space<vmem>>
      %dma_wait3A_143 = arith.constant 0 : i32
      %dma_wait3A_144 = tpu.memref_slice %arg10[%dma_wait3A_143] : memref<64xi32, #tpu.memory_space<vmem>> -> memref<32xi32, #tpu.memory_space<vmem>>
      %dma_wait3A_145 = arith.constant 0 : i32
      %dma_wait3A_146 = arith.constant 0 : i32
      %dma_wait3A_147 = tpu.memref_slice %arg2[%dma_wait3A_145, %dma_wait3A_146] : memref<10240x144xf32, #tpu.memory_space<hbm>> -> memref<10240x144xf32, #tpu.memory_space<hbm>>
      tpu.wait_indirect_dma semaphore(%arg18 : memref<!tpu.dma_semaphore, #tpu.memory_space<semaphore_mem>>) src(%dma_wait3A_147 : memref<10240x144xf32, #tpu.memory_space<hbm>>) dst(%dma_wait3A_142 : memref<32x144xf32, #tpu.memory_space<vmem>>)
      %dma_wait3A_148 = arith.constant 32 : i32
      %dma_wait3A_149 = arith.constant 0 : i32
      %dma_wait3A_150 = tpu.memref_slice %arg16[%dma_wait3A_148, %dma_wait3A_149] : memref<64x144xf32, #tpu.memory_space<vmem>> -> memref<32x144xf32, #tpu.memory_space<vmem>>
      %dma_wait3A_151 = arith.constant 32 : i32
      %dma_wait3A_152 = tpu.memref_slice %arg10[%dma_wait3A_151] : memref<64xi32, #tpu.memory_space<vmem>> -> memref<32xi32, #tpu.memory_space<vmem>>
      %dma_wait3A_153 = arith.constant 0 : i32
      %dma_wait3A_154 = arith.constant 0 : i32
      %dma_wait3A_155 = tpu.memref_slice %arg2[%dma_wait3A_153, %dma_wait3A_154] : memref<10240x144xf32, #tpu.memory_space<hbm>> -> memref<10240x144xf32, #tpu.memory_space<hbm>>
      tpu.wait_indirect_dma semaphore(%arg18 : memref<!tpu.dma_semaphore, #tpu.memory_space<semaphore_mem>>) src(%dma_wait3A_155 : memref<10240x144xf32, #tpu.memory_space<hbm>>) dst(%dma_wait3A_150 : memref<32x144xf32, #tpu.memory_space<vmem>>)
      %dma_wait3A_156 = arith.constant 0 : i32
      %dma_wait3A_157 = arith.constant 0 : i32
      %dma_wait3A_158 = tpu.memref_slice %arg3[%dma_wait3A_156, %dma_wait3A_157] : memref<163840x144xf32, #tpu.memory_space<hbm>> -> memref<64x144xf32, #tpu.memory_space<hbm>>
      %dma_wait3A_159 = arith.constant 0 : i32
      %dma_wait3A_160 = arith.constant 0 : i32
      %dma_wait3A_161 = tpu.memref_slice %arg3[%dma_wait3A_159, %dma_wait3A_160] : memref<163840x144xf32, #tpu.memory_space<hbm>> -> memref<64x144xf32, #tpu.memory_space<hbm>>
      tpu.wait_dma2 semaphore(%arg18 : memref<!tpu.dma_semaphore, #tpu.memory_space<semaphore_mem>>) src(%dma_wait3A_161 : memref<64x144xf32, #tpu.memory_space<hbm>>) dst(%arg14 : memref<64x144xf32, #tpu.memory_space<vmem>>)
      %dma_wait3A_162 = arith.constant 0 : i32
      %dma_wait3A_163 = tpu.memref_slice %arg5[%dma_wait3A_162] : memref<163840xi32, #tpu.memory_space<hbm>> -> memref<64xi32, #tpu.memory_space<hbm>>
      %dma_wait3A_164 = arith.constant 0 : i32
      %dma_wait3A_165 = tpu.memref_slice %arg5[%dma_wait3A_164] : memref<163840xi32, #tpu.memory_space<hbm>> -> memref<64xi32, #tpu.memory_space<hbm>>
      tpu.wait_dma2 semaphore(%arg18 : memref<!tpu.dma_semaphore, #tpu.memory_space<semaphore_mem>>) src(%dma_wait3A_165 : memref<64xi32, #tpu.memory_space<hbm>>) dst(%arg12 : memref<64xi32, #tpu.memory_space<vmem>>)
      %add3A_166 = arith.constant 1 : i32
      %add3A_167 = arith.addi %add3A_139, %add3A_166 : i32
      %lt3A_168 = arith.cmpi slt, %add3A_167, %select_n3A : i32
      %convert_element_type3A_169 = arith.extui %lt3A_168 : i1 to i32
      %cond3A_170 = arith.constant 0 : i32
      %cond3A_171 = arith.cmpi ne, %convert_element_type3A_169, %cond3A_170 : i32
      scf.if %cond3A_171 {
        %ge3A = arith.constant 1 : i32
        %ge3A_189 = arith.cmpi sge, %add3A_139, %ge3A : i32
        %convert_element_type3A_190 = arith.extui %ge3A_189 : i1 to i32
        %cond3A_191 = arith.constant 0 : i32
        %cond3A_192 = arith.cmpi ne, %convert_element_type3A_190, %cond3A_191 : i32
        scf.if %cond3A_192 {
          %dma_wait3A_224 = arith.constant 0 : i32
          %dma_wait3A_225 = arith.constant 0 : i32
          %dma_wait3A_226 = tpu.memref_slice %arg7[%dma_wait3A_224, %dma_wait3A_225] : memref<10240x144xf32, #tpu.memory_space<vmem_shared>> -> memref<10240x144xf32, #tpu.memory_space<vmem_shared>>
          tpu.wait_indirect_dma semaphore(%arg21 : memref<!tpu.dma_semaphore, #tpu.memory_space<semaphore_mem>>) src(%arg15 : memref<64x144xf32, #tpu.memory_space<vmem>>) dst(%dma_wait3A_226 : memref<10240x144xf32, #tpu.memory_space<vmem_shared>>)
        } else {
        }
        %dma_wait3A_193 = arith.constant 0 : i32
        %dma_wait3A_194 = tpu.memref_slice %arg4[%dma_wait3A_193] : memref<163840xi32, #tpu.memory_space<hbm>> -> memref<64xi32, #tpu.memory_space<hbm>>
        %dma_wait3A_195 = arith.constant 0 : i32
        %dma_wait3A_196 = tpu.memref_slice %arg4[%dma_wait3A_195] : memref<163840xi32, #tpu.memory_space<hbm>> -> memref<64xi32, #tpu.memory_space<hbm>>
        tpu.wait_dma2 semaphore(%arg19 : memref<!tpu.dma_semaphore, #tpu.memory_space<semaphore_mem>>) src(%dma_wait3A_196 : memref<64xi32, #tpu.memory_space<hbm>>) dst(%arg9 : memref<64xi32, #tpu.memory_space<vmem>>)
        %add3A_197 = arith.constant 1 : i32
        %add3A_198 = arith.addi %add3A_139, %add3A_197 : i32
        %mul3A_199 = arith.constant 64 : i32
        %mul3A_200 = arith.muli %add3A_198, %mul3A_199 : i32
        %add3A_201 = arith.addi %add3A, %mul3A_200 : i32
        %dma_start3A_202 = arith.constant 0 : i32
        %dma_start3A_203 = arith.constant 0 : i32
        %dma_start3A_204 = tpu.memref_slice %arg15[%dma_start3A_202, %dma_start3A_203] : memref<64x144xf32, #tpu.memory_space<vmem>> -> memref<32x144xf32, #tpu.memory_space<vmem>>
        %dma_start3A_205 = arith.constant 0 : i32
        %dma_start3A_206 = tpu.memref_slice %arg9[%dma_start3A_205] : memref<64xi32, #tpu.memory_space<vmem>> -> memref<32xi32, #tpu.memory_space<vmem>>
        %dma_start3A_207 = arith.constant 0 : i32
        %dma_start3A_208 = arith.constant 0 : i32
        %dma_start3A_209 = tpu.memref_slice %arg2[%dma_start3A_207, %dma_start3A_208] : memref<10240x144xf32, #tpu.memory_space<hbm>> -> memref<10240x144xf32, #tpu.memory_space<hbm>>
        tpu.enqueue_indirect_dma source(%dma_start3A_209 : memref<10240x144xf32, #tpu.memory_space<hbm>>) target(%dma_start3A_204 : memref<32x144xf32, #tpu.memory_space<vmem>>) offsets(%dma_start3A_206 : memref<32xi32, #tpu.memory_space<vmem>>) semaphore(%arg17 : memref<!tpu.dma_semaphore, #tpu.memory_space<semaphore_mem>>)
        %dma_start3A_210 = arith.constant 32 : i32
        %dma_start3A_211 = arith.constant 0 : i32
        %dma_start3A_212 = tpu.memref_slice %arg15[%dma_start3A_210, %dma_start3A_211] : memref<64x144xf32, #tpu.memory_space<vmem>> -> memref<32x144xf32, #tpu.memory_space<vmem>>
        %dma_start3A_213 = arith.constant 32 : i32
        %dma_start3A_214 = tpu.memref_slice %arg9[%dma_start3A_213] : memref<64xi32, #tpu.memory_space<vmem>> -> memref<32xi32, #tpu.memory_space<vmem>>
        %dma_start3A_215 = arith.constant 0 : i32
        %dma_start3A_216 = arith.constant 0 : i32
        %dma_start3A_217 = tpu.memref_slice %arg2[%dma_start3A_215, %dma_start3A_216] : memref<10240x144xf32, #tpu.memory_space<hbm>> -> memref<10240x144xf32, #tpu.memory_space<hbm>>
        tpu.enqueue_indirect_dma source(%dma_start3A_217 : memref<10240x144xf32, #tpu.memory_space<hbm>>) target(%dma_start3A_212 : memref<32x144xf32, #tpu.memory_space<vmem>>) offsets(%dma_start3A_214 : memref<32xi32, #tpu.memory_space<vmem>>) semaphore(%arg17 : memref<!tpu.dma_semaphore, #tpu.memory_space<semaphore_mem>>)
        %dma_start3A_218 = arith.constant 0 : i32
        %dma_start3A_219 = tpu.memref_slice %arg3[%add3A_201, %dma_start3A_218] : memref<163840x144xf32, #tpu.memory_space<hbm>> -> memref<64x144xf32, #tpu.memory_space<hbm>>
        %dma_start3A_220 = arith.constant 0 : i32
        %dma_start3A_221 = tpu.memref_slice %arg3[%add3A_201, %dma_start3A_220] : memref<163840x144xf32, #tpu.memory_space<hbm>> -> memref<64x144xf32, #tpu.memory_space<hbm>>
        tpu.enqueue_dma source(%dma_start3A_221 : memref<64x144xf32, #tpu.memory_space<hbm>>) target(%arg13 : memref<64x144xf32, #tpu.memory_space<vmem>>) target_semaphore(%arg17 : memref<!tpu.dma_semaphore, #tpu.memory_space<semaphore_mem>>)
        %dma_start3A_222 = tpu.memref_slice %arg5[%add3A_201] : memref<163840xi32, #tpu.memory_space<hbm>> -> memref<64xi32, #tpu.memory_space<hbm>>
        %dma_start3A_223 = tpu.memref_slice %arg5[%add3A_201] : memref<163840xi32, #tpu.memory_space<hbm>> -> memref<64xi32, #tpu.memory_space<hbm>>
        tpu.enqueue_dma source(%dma_start3A_223 : memref<64xi32, #tpu.memory_space<hbm>>) target(%arg11 : memref<64xi32, #tpu.memory_space<vmem>>) target_semaphore(%arg17 : memref<!tpu.dma_semaphore, #tpu.memory_space<semaphore_mem>>)
      } else {
      }
      %add3A_172 = arith.constant 2 : i32
      %add3A_173 = arith.addi %add3A_139, %add3A_172 : i32
      %lt3A_174 = arith.cmpi slt, %add3A_173, %select_n3A : i32
      %convert_element_type3A_175 = arith.extui %lt3A_174 : i1 to i32
      %cond3A_176 = arith.constant 0 : i32
      %cond3A_177 = arith.cmpi ne, %convert_element_type3A_175, %cond3A_176 : i32
      scf.if %cond3A_177 {
        %add3A_189 = arith.constant 2 : i32
        %add3A_190 = arith.addi %add3A_139, %add3A_189 : i32
        %mul3A_191 = arith.constant 64 : i32
        %mul3A_192 = arith.muli %add3A_190, %mul3A_191 : i32
        %add3A_193 = arith.addi %add3A, %mul3A_192 : i32
        %dma_start3A_194 = tpu.memref_slice %arg4[%add3A_193] : memref<163840xi32, #tpu.memory_space<hbm>> -> memref<64xi32, #tpu.memory_space<hbm>>
        %dma_start3A_195 = tpu.memref_slice %arg4[%add3A_193] : memref<163840xi32, #tpu.memory_space<hbm>> -> memref<64xi32, #tpu.memory_space<hbm>>
        tpu.enqueue_dma source(%dma_start3A_195 : memref<64xi32, #tpu.memory_space<hbm>>) target(%arg10 : memref<64xi32, #tpu.memory_space<vmem>>) target_semaphore(%arg20 : memref<!tpu.dma_semaphore, #tpu.memory_space<semaphore_mem>>)
      } else {
      }
      %scan3A_178 = arith.constant 0 : i32
      %scan3A_179 = arith.constant 0 : i32
      %scan3A_180 = arith.constant 64 : i32
      %scan3A_181 = arith.addi %scan3A_179, %scan3A_180 : i32
      %scan3A_182 = arith.constant 1 : i32
      %scan3A_183 = scf.for %scan3A_189 = %scan3A_179 to %scan3A_181 step %scan3A_182 iter_args(%scan3A_190 = %scan3A_178) -> (i32)  : i32 {
        %get3A = arith.index_cast %scan3A_189 : i32 to index
        %get3A_191 = arith.constant 0 : index
        %get3A_192 = tpu.vector_load %arg14[%get3A, %get3A_191] {strides = array<i32>} : memref<64x144xf32, #tpu.memory_space<vmem>>, vector<16xf32>,
        %get3A_193 = arith.index_cast %scan3A_189 : i32 to index
        %get3A_194 = arith.constant 0 : index
        %get3A_195 = tpu.vector_load %arg16[%get3A_193, %get3A_194] {strides = array<i32>} : memref<64x144xf32, #tpu.memory_space<vmem>>, vector<16xf32>,
        %mul3A_196 = arith.mulf %get3A_195, %get3A_192 : vector<16xf32>
        %swap3A = arith.index_cast %scan3A_189 : i32 to index
        %swap3A_197 = arith.constant 0 : index
        %swap3A_198 = tpu.vector_load %arg16[%swap3A, %swap3A_197] {strides = array<i32>} : memref<64x144xf32, #tpu.memory_space<vmem>>, vector<16xf32>,
        tpu.vector_store %arg16[%swap3A, %swap3A_197], %mul3A_196 {strides = array<i32>} : memref<64x144xf32, #tpu.memory_space<vmem>>, vector<16xf32>,
        %get3A_199 = arith.index_cast %scan3A_189 : i32 to index
        %get3A_200 = arith.constant 16 : index
        %get3A_201 = tpu.vector_load %arg16[%get3A_199, %get3A_200] {strides = array<i32>} : memref<64x144xf32, #tpu.memory_space<vmem>>, vector<16xf32>,
        %mul3A_202 = arith.mulf %get3A_201, %get3A_192 : vector<16xf32>
        %get3A_203 = arith.index_cast %scan3A_189 : i32 to index
        %get3A_204 = arith.constant 16 : index
        %get3A_205 = tpu.vector_load %arg14[%get3A_203, %get3A_204] {strides = array<i32>} : memref<64x144xf32, #tpu.memory_space<vmem>>, vector<16xf32>,
        %mul3A_206 = arith.mulf %get3A_195, %get3A_205 : vector<16xf32>
        %add3A_207 = arith.addf %mul3A_202, %mul3A_206 : vector<16xf32>
        %swap3A_208 = arith.index_cast %scan3A_189 : i32 to index
        %swap3A_209 = arith.constant 16 : index
        %swap3A_210 = tpu.vector_load %arg16[%swap3A_208, %swap3A_209] {strides = array<i32>} : memref<64x144xf32, #tpu.memory_space<vmem>>, vector<16xf32>,
        tpu.vector_store %arg16[%swap3A_208, %swap3A_209], %add3A_207 {strides = array<i32>} : memref<64x144xf32, #tpu.memory_space<vmem>>, vector<16xf32>,
        %get3A_211 = arith.index_cast %scan3A_189 : i32 to index
        %get3A_212 = arith.constant 32 : index
        %get3A_213 = tpu.vector_load %arg16[%get3A_211, %get3A_212] {strides = array<i32>} : memref<64x144xf32, #tpu.memory_space<vmem>>, vector<16xf32>,
        %mul3A_214 = arith.mulf %get3A_213, %get3A_192 : vector<16xf32>
        %get3A_215 = arith.index_cast %scan3A_189 : i32 to index
        %get3A_216 = arith.constant 32 : index
        %get3A_217 = tpu.vector_load %arg14[%get3A_215, %get3A_216] {strides = array<i32>} : memref<64x144xf32, #tpu.memory_space<vmem>>, vector<16xf32>,
        %mul3A_218 = arith.mulf %get3A_195, %get3A_217 : vector<16xf32>
        %add3A_219 = arith.addf %mul3A_214, %mul3A_218 : vector<16xf32>
        %swap3A_220 = arith.index_cast %scan3A_189 : i32 to index
        %swap3A_221 = arith.constant 32 : index
        %swap3A_222 = tpu.vector_load %arg16[%swap3A_220, %swap3A_221] {strides = array<i32>} : memref<64x144xf32, #tpu.memory_space<vmem>>, vector<16xf32>,
        tpu.vector_store %arg16[%swap3A_220, %swap3A_221], %add3A_219 {strides = array<i32>} : memref<64x144xf32, #tpu.memory_space<vmem>>, vector<16xf32>,
        %get3A_223 = arith.index_cast %scan3A_189 : i32 to index
        %get3A_224 = arith.constant 48 : index
        %get3A_225 = tpu.vector_load %arg16[%get3A_223, %get3A_224] {strides = array<i32>} : memref<64x144xf32, #tpu.memory_space<vmem>>, vector<16xf32>,
        %mul3A_226 = arith.mulf %get3A_225, %get3A_192 : vector<16xf32>
        %get3A_227 = arith.index_cast %scan3A_189 : i32 to index
        %get3A_228 = arith.constant 48 : index
        %get3A_229 = tpu.vector_load %arg14[%get3A_227, %get3A_228] {strides = array<i32>} : memref<64x144xf32, #tpu.memory_space<vmem>>, vector<16xf32>,
        %mul3A_230 = arith.mulf %get3A_195, %get3A_229 : vector<16xf32>
        %add3A_231 = arith.addf %mul3A_226, %mul3A_230 : vector<16xf32>
        %swap3A_232 = arith.index_cast %scan3A_189 : i32 to index
        %swap3A_233 = arith.constant 48 : index
        %swap3A_234 = tpu.vector_load %arg16[%swap3A_232, %swap3A_233] {strides = array<i32>} : memref<64x144xf32, #tpu.memory_space<vmem>>, vector<16xf32>,
        tpu.vector_store %arg16[%swap3A_232, %swap3A_233], %add3A_231 {strides = array<i32>} : memref<64x144xf32, #tpu.memory_space<vmem>>, vector<16xf32>,
        %get3A_235 = arith.index_cast %scan3A_189 : i32 to index
        %get3A_236 = arith.constant 64 : index
        %get3A_237 = tpu.vector_load %arg16[%get3A_235, %get3A_236] {strides = array<i32>} : memref<64x144xf32, #tpu.memory_space<vmem>>, vector<16xf32>,
        %mul3A_238 = arith.mulf %get3A_237, %get3A_192 : vector<16xf32>
        %get3A_239 = arith.index_cast %scan3A_189 : i32 to index
        %get3A_240 = arith.constant 64 : index
        %get3A_241 = tpu.vector_load %arg14[%get3A_239, %get3A_240] {strides = array<i32>} : memref<64x144xf32, #tpu.memory_space<vmem>>, vector<16xf32>,
        %mul3A_242 = arith.mulf %get3A_195, %get3A_241 : vector<16xf32>
        %add3A_243 = arith.addf %mul3A_238, %mul3A_242 : vector<16xf32>
        %swap3A_244 = arith.index_cast %scan3A_189 : i32 to index
        %swap3A_245 = arith.constant 64 : index
        %swap3A_246 = tpu.vector_load %arg16[%swap3A_244, %swap3A_245] {strides = array<i32>} : memref<64x144xf32, #tpu.memory_space<vmem>>, vector<16xf32>,
        tpu.vector_store %arg16[%swap3A_244, %swap3A_245], %add3A_243 {strides = array<i32>} : memref<64x144xf32, #tpu.memory_space<vmem>>, vector<16xf32>,
        %get3A_247 = arith.index_cast %scan3A_189 : i32 to index
        %get3A_248 = arith.constant 80 : index
        %get3A_249 = tpu.vector_load %arg16[%get3A_247, %get3A_248] {strides = array<i32>} : memref<64x144xf32, #tpu.memory_space<vmem>>, vector<16xf32>,
        %mul3A_250 = arith.mulf %get3A_249, %get3A_192 : vector<16xf32>
        %get3A_251 = arith.index_cast %scan3A_189 : i32 to index
        %get3A_252 = arith.constant 80 : index
        %get3A_253 = tpu.vector_load %arg14[%get3A_251, %get3A_252] {strides = array<i32>} : memref<64x144xf32, #tpu.memory_space<vmem>>, vector<16xf32>,
        %mul3A_254 = arith.mulf %get3A_195, %get3A_253 : vector<16xf32>
        %add3A_255 = arith.addf %mul3A_250, %mul3A_254 : vector<16xf32>
        %swap3A_256 = arith.index_cast %scan3A_189 : i32 to index
        %swap3A_257 = arith.constant 80 : index
        %swap3A_258 = tpu.vector_load %arg16[%swap3A_256, %swap3A_257] {strides = array<i32>} : memref<64x144xf32, #tpu.memory_space<vmem>>, vector<16xf32>,
        tpu.vector_store %arg16[%swap3A_256, %swap3A_257], %add3A_255 {strides = array<i32>} : memref<64x144xf32, #tpu.memory_space<vmem>>, vector<16xf32>,
        %get3A_259 = arith.index_cast %scan3A_189 : i32 to index
        %get3A_260 = arith.constant 96 : index
        %get3A_261 = tpu.vector_load %arg16[%get3A_259, %get3A_260] {strides = array<i32>} : memref<64x144xf32, #tpu.memory_space<vmem>>, vector<16xf32>,
        %mul3A_262 = arith.mulf %get3A_261, %get3A_192 : vector<16xf32>
        %get3A_263 = arith.index_cast %scan3A_189 : i32 to index
        %get3A_264 = arith.constant 96 : index
        %get3A_265 = tpu.vector_load %arg14[%get3A_263, %get3A_264] {strides = array<i32>} : memref<64x144xf32, #tpu.memory_space<vmem>>, vector<16xf32>,
        %mul3A_266 = arith.mulf %get3A_195, %get3A_265 : vector<16xf32>
        %add3A_267 = arith.addf %mul3A_262, %mul3A_266 : vector<16xf32>
        %swap3A_268 = arith.index_cast %scan3A_189 : i32 to index
        %swap3A_269 = arith.constant 96 : index
        %swap3A_270 = tpu.vector_load %arg16[%swap3A_268, %swap3A_269] {strides = array<i32>} : memref<64x144xf32, #tpu.memory_space<vmem>>, vector<16xf32>,
        tpu.vector_store %arg16[%swap3A_268, %swap3A_269], %add3A_267 {strides = array<i32>} : memref<64x144xf32, #tpu.memory_space<vmem>>, vector<16xf32>,
        %get3A_271 = arith.index_cast %scan3A_189 : i32 to index
        %get3A_272 = arith.constant 112 : index
        %get3A_273 = tpu.vector_load %arg16[%get3A_271, %get3A_272] {strides = array<i32>} : memref<64x144xf32, #tpu.memory_space<vmem>>, vector<16xf32>,
        %mul3A_274 = arith.mulf %get3A_273, %get3A_192 : vector<16xf32>
        %get3A_275 = arith.index_cast %scan3A_189 : i32 to index
        %get3A_276 = arith.constant 112 : index
        %get3A_277 = tpu.vector_load %arg14[%get3A_275, %get3A_276] {strides = array<i32>} : memref<64x144xf32, #tpu.memory_space<vmem>>, vector<16xf32>,
        %mul3A_278 = arith.mulf %get3A_195, %get3A_277 : vector<16xf32>
        %add3A_279 = arith.addf %mul3A_274, %mul3A_278 : vector<16xf32>
        %swap3A_280 = arith.index_cast %scan3A_189 : i32 to index
        %swap3A_281 = arith.constant 112 : index
        %swap3A_282 = tpu.vector_load %arg16[%swap3A_280, %swap3A_281] {strides = array<i32>} : memref<64x144xf32, #tpu.memory_space<vmem>>, vector<16xf32>,
        tpu.vector_store %arg16[%swap3A_280, %swap3A_281], %add3A_279 {strides = array<i32>} : memref<64x144xf32, #tpu.memory_space<vmem>>, vector<16xf32>,
        %get3A_283 = arith.index_cast %scan3A_189 : i32 to index
        %get3A_284 = arith.constant 128 : index
        %get3A_285 = tpu.vector_load %arg16[%get3A_283, %get3A_284] {strides = array<i32>} : memref<64x144xf32, #tpu.memory_space<vmem>>, vector<16xf32>,
        %mul3A_286 = arith.mulf %get3A_285, %get3A_192 : vector<16xf32>
        %get3A_287 = arith.index_cast %scan3A_189 : i32 to index
        %get3A_288 = arith.constant 128 : index
        %get3A_289 = tpu.vector_load %arg14[%get3A_287, %get3A_288] {strides = array<i32>} : memref<64x144xf32, #tpu.memory_space<vmem>>, vector<16xf32>,
        %mul3A_290 = arith.mulf %get3A_195, %get3A_289 : vector<16xf32>
        %add3A_291 = arith.addf %mul3A_286, %mul3A_290 : vector<16xf32>
        %swap3A_292 = arith.index_cast %scan3A_189 : i32 to index
        %swap3A_293 = arith.constant 128 : index
        %swap3A_294 = tpu.vector_load %arg16[%swap3A_292, %swap3A_293] {strides = array<i32>} : memref<64x144xf32, #tpu.memory_space<vmem>>, vector<16xf32>,
        tpu.vector_store %arg16[%swap3A_292, %swap3A_293], %add3A_291 {strides = array<i32>} : memref<64x144xf32, #tpu.memory_space<vmem>>, vector<16xf32>,
        %scan3A_295 = arith.constant 0 : i32
        scf.yield %scan3A_295 : i32
      }
      %scan3A_184 = arith.constant 64 : i32
      %dma_start3A_185 = arith.constant 0 : i32
      %dma_start3A_186 = arith.constant 0 : i32
      %dma_start3A_187 = tpu.memref_slice %arg7[%dma_start3A_185, %dma_start3A_186] : memref<10240x144xf32, #tpu.memory_space<vmem_shared>> -> memref<10240x144xf32, #tpu.memory_space<vmem_shared>>
      tpu.enqueue_indirect_dma source(%arg16 : memref<64x144xf32, #tpu.memory_space<vmem>>) target(%dma_start3A_187 : memref<10240x144xf32, #tpu.memory_space<vmem_shared>>) offsets(%arg12 : memref<64xi32, #tpu.memory_space<vmem>>) semaphore(%arg22 : memref<!tpu.dma_semaphore, #tpu.memory_space<semaphore_mem>>) {add = true}
      %while3A_188 = arith.constant 0 : i32
      scf.yield %while3A_188 : i32
    }
    %while3A_73 = arith.constant 1 : i32
    %while3A_74 = scf.for %while3A_85 = %while3A_70 to %while3A_66 step %while3A_73 iter_args(%while3A_86 = %while3A_72) -> (i32)  : i32 {
      %mul3A_87 = arith.constant 2 : i32
      %mul3A_88 = arith.muli %while3A_85, %mul3A_87 : i32
      %add3A_89 = arith.constant 0 : i32
      %add3A_90 = arith.addi %mul3A_88, %add3A_89 : i32
      %dma_wait3A_91 = arith.constant 0 : i32
      %dma_wait3A_92 = arith.constant 0 : i32
      %dma_wait3A_93 = tpu.memref_slice %arg15[%dma_wait3A_91, %dma_wait3A_92] : memref<64x144xf32, #tpu.memory_space<vmem>> -> memref<32x144xf32, #tpu.memory_space<vmem>>
      %dma_wait3A_94 = arith.constant 0 : i32
      %dma_wait3A_95 = tpu.memref_slice %arg9[%dma_wait3A_94] : memref<64xi32, #tpu.memory_space<vmem>> -> memref<32xi32, #tpu.memory_space<vmem>>
      %dma_wait3A_96 = arith.constant 0 : i32
      %dma_wait3A_97 = arith.constant 0 : i32
      %dma_wait3A_98 = tpu.memref_slice %arg2[%dma_wait3A_96, %dma_wait3A_97] : memref<10240x144xf32, #tpu.memory_space<hbm>> -> memref<10240x144xf32, #tpu.memory_space<hbm>>
      tpu.wait_indirect_dma semaphore(%arg17 : memref<!tpu.dma_semaphore, #tpu.memory_space<semaphore_mem>>) src(%dma_wait3A_98 : memref<10240x144xf32, #tpu.memory_space<hbm>>) dst(%dma_wait3A_93 : memref<32x144xf32, #tpu.memory_space<vmem>>)
      %dma_wait3A_99 = arith.constant 32 : i32
      %dma_wait3A_100 = arith.constant 0 : i32
      %dma_wait3A_101 = tpu.memref_slice %arg15[%dma_wait3A_99, %dma_wait3A_100] : memref<64x144xf32, #tpu.memory_space<vmem>> -> memref<32x144xf32, #tpu.memory_space<vmem>>
      %dma_wait3A_102 = arith.constant 32 : i32
      %dma_wait3A_103 = tpu.memref_slice %arg9[%dma_wait3A_102] : memref<64xi32, #tpu.memory_space<vmem>> -> memref<32xi32, #tpu.memory_space<vmem>>
      %dma_wait3A_104 = arith.constant 0 : i32
      %dma_wait3A_105 = arith.constant 0 : i32
      %dma_wait3A_106 = tpu.memref_slice %arg2[%dma_wait3A_104, %dma_wait3A_105] : memref<10240x144xf32, #tpu.memory_space<hbm>> -> memref<10240x144xf32, #tpu.memory_space<hbm>>
      tpu.wait_indirect_dma semaphore(%arg17 : memref<!tpu.dma_semaphore, #tpu.memory_space<semaphore_mem>>) src(%dma_wait3A_106 : memref<10240x144xf32, #tpu.memory_space<hbm>>) dst(%dma_wait3A_101 : memref<32x144xf32, #tpu.memory_space<vmem>>)
      %dma_wait3A_107 = arith.constant 0 : i32
      %dma_wait3A_108 = arith.constant 0 : i32
      %dma_wait3A_109 = tpu.memref_slice %arg3[%dma_wait3A_107, %dma_wait3A_108] : memref<163840x144xf32, #tpu.memory_space<hbm>> -> memref<64x144xf32, #tpu.memory_space<hbm>>
      %dma_wait3A_110 = arith.constant 0 : i32
      %dma_wait3A_111 = arith.constant 0 : i32
      %dma_wait3A_112 = tpu.memref_slice %arg3[%dma_wait3A_110, %dma_wait3A_111] : memref<163840x144xf32, #tpu.memory_space<hbm>> -> memref<64x144xf32, #tpu.memory_space<hbm>>
      tpu.wait_dma2 semaphore(%arg17 : memref<!tpu.dma_semaphore, #tpu.memory_space<semaphore_mem>>) src(%dma_wait3A_112 : memref<64x144xf32, #tpu.memory_space<hbm>>) dst(%arg13 : memref<64x144xf32, #tpu.memory_space<vmem>>)
      %dma_wait3A_113 = arith.constant 0 : i32
      %dma_wait3A_114 = tpu.memref_slice %arg5[%dma_wait3A_113] : memref<163840xi32, #tpu.memory_space<hbm>> -> memref<64xi32, #tpu.memory_space<hbm>>
      %dma_wait3A_115 = arith.constant 0 : i32
      %dma_wait3A_116 = tpu.memref_slice %arg5[%dma_wait3A_115] : memref<163840xi32, #tpu.memory_space<hbm>> -> memref<64xi32, #tpu.memory_space<hbm>>
      tpu.wait_dma2 semaphore(%arg17 : memref<!tpu.dma_semaphore, #tpu.memory_space<semaphore_mem>>) src(%dma_wait3A_116 : memref<64xi32, #tpu.memory_space<hbm>>) dst(%arg11 : memref<64xi32, #tpu.memory_space<vmem>>)
      %add3A_117 = arith.constant 1 : i32
      %add3A_118 = arith.addi %add3A_90, %add3A_117 : i32
      %lt3A = arith.cmpi slt, %add3A_118, %select_n3A : i32
      %convert_element_type3A = arith.extui %lt3A : i1 to i32
      %cond3A = arith.constant 0 : i32
      %cond3A_119 = arith.cmpi ne, %convert_element_type3A, %cond3A : i32
      scf.if %cond3A_119 {
        %ge3A = arith.constant 1 : i32
        %ge3A_189 = arith.cmpi sge, %add3A_90, %ge3A : i32
        %convert_element_type3A_190 = arith.extui %ge3A_189 : i1 to i32
        %cond3A_191 = arith.constant 0 : i32
        %cond3A_192 = arith.cmpi ne, %convert_element_type3A_190, %cond3A_191 : i32
        scf.if %cond3A_192 {
          %dma_wait3A_224 = arith.constant 0 : i32
          %dma_wait3A_225 = arith.constant 0 : i32
          %dma_wait3A_226 = tpu.memref_slice %arg7[%dma_wait3A_224, %dma_wait3A_225] : memref<10240x144xf32, #tpu.memory_space<vmem_shared>> -> memref<10240x144xf32, #tpu.memory_space<vmem_shared>>
          tpu.wait_indirect_dma semaphore(%arg22 : memref<!tpu.dma_semaphore, #tpu.memory_space<semaphore_mem>>) src(%arg16 : memref<64x144xf32, #tpu.memory_space<vmem>>) dst(%dma_wait3A_226 : memref<10240x144xf32, #tpu.memory_space<vmem_shared>>)
        } else {
        }
        %dma_wait3A_193 = arith.constant 0 : i32
        %dma_wait3A_194 = tpu.memref_slice %arg4[%dma_wait3A_193] : memref<163840xi32, #tpu.memory_space<hbm>> -> memref<64xi32, #tpu.memory_space<hbm>>
        %dma_wait3A_195 = arith.constant 0 : i32
        %dma_wait3A_196 = tpu.memref_slice %arg4[%dma_wait3A_195] : memref<163840xi32, #tpu.memory_space<hbm>> -> memref<64xi32, #tpu.memory_space<hbm>>
        tpu.wait_dma2 semaphore(%arg20 : memref<!tpu.dma_semaphore, #tpu.memory_space<semaphore_mem>>) src(%dma_wait3A_196 : memref<64xi32, #tpu.memory_space<hbm>>) dst(%arg10 : memref<64xi32, #tpu.memory_space<vmem>>)
        %add3A_197 = arith.constant 1 : i32
        %add3A_198 = arith.addi %add3A_90, %add3A_197 : i32
        %mul3A_199 = arith.constant 64 : i32
        %mul3A_200 = arith.muli %add3A_198, %mul3A_199 : i32
        %add3A_201 = arith.addi %add3A, %mul3A_200 : i32
        %dma_start3A_202 = arith.constant 0 : i32
        %dma_start3A_203 = arith.constant 0 : i32
        %dma_start3A_204 = tpu.memref_slice %arg16[%dma_start3A_202, %dma_start3A_203] : memref<64x144xf32, #tpu.memory_space<vmem>> -> memref<32x144xf32, #tpu.memory_space<vmem>>
        %dma_start3A_205 = arith.constant 0 : i32
        %dma_start3A_206 = tpu.memref_slice %arg10[%dma_start3A_205] : memref<64xi32, #tpu.memory_space<vmem>> -> memref<32xi32, #tpu.memory_space<vmem>>
        %dma_start3A_207 = arith.constant 0 : i32
        %dma_start3A_208 = arith.constant 0 : i32
        %dma_start3A_209 = tpu.memref_slice %arg2[%dma_start3A_207, %dma_start3A_208] : memref<10240x144xf32, #tpu.memory_space<hbm>> -> memref<10240x144xf32, #tpu.memory_space<hbm>>
        tpu.enqueue_indirect_dma source(%dma_start3A_209 : memref<10240x144xf32, #tpu.memory_space<hbm>>) target(%dma_start3A_204 : memref<32x144xf32, #tpu.memory_space<vmem>>) offsets(%dma_start3A_206 : memref<32xi32, #tpu.memory_space<vmem>>) semaphore(%arg18 : memref<!tpu.dma_semaphore, #tpu.memory_space<semaphore_mem>>)
        %dma_start3A_210 = arith.constant 32 : i32
        %dma_start3A_211 = arith.constant 0 : i32
        %dma_start3A_212 = tpu.memref_slice %arg16[%dma_start3A_210, %dma_start3A_211] : memref<64x144xf32, #tpu.memory_space<vmem>> -> memref<32x144xf32, #tpu.memory_space<vmem>>
        %dma_start3A_213 = arith.constant 32 : i32
        %dma_start3A_214 = tpu.memref_slice %arg10[%dma_start3A_213] : memref<64xi32, #tpu.memory_space<vmem>> -> memref<32xi32, #tpu.memory_space<vmem>>
        %dma_start3A_215 = arith.constant 0 : i32
        %dma_start3A_216 = arith.constant 0 : i32
        %dma_start3A_217 = tpu.memref_slice %arg2[%dma_start3A_215, %dma_start3A_216] : memref<10240x144xf32, #tpu.memory_space<hbm>> -> memref<10240x144xf32, #tpu.memory_space<hbm>>
        tpu.enqueue_indirect_dma source(%dma_start3A_217 : memref<10240x144xf32, #tpu.memory_space<hbm>>) target(%dma_start3A_212 : memref<32x144xf32, #tpu.memory_space<vmem>>) offsets(%dma_start3A_214 : memref<32xi32, #tpu.memory_space<vmem>>) semaphore(%arg18 : memref<!tpu.dma_semaphore, #tpu.memory_space<semaphore_mem>>)
        %dma_start3A_218 = arith.constant 0 : i32
        %dma_start3A_219 = tpu.memref_slice %arg3[%add3A_201, %dma_start3A_218] : memref<163840x144xf32, #tpu.memory_space<hbm>> -> memref<64x144xf32, #tpu.memory_space<hbm>>
        %dma_start3A_220 = arith.constant 0 : i32
        %dma_start3A_221 = tpu.memref_slice %arg3[%add3A_201, %dma_start3A_220] : memref<163840x144xf32, #tpu.memory_space<hbm>> -> memref<64x144xf32, #tpu.memory_space<hbm>>
        tpu.enqueue_dma source(%dma_start3A_221 : memref<64x144xf32, #tpu.memory_space<hbm>>) target(%arg14 : memref<64x144xf32, #tpu.memory_space<vmem>>) target_semaphore(%arg18 : memref<!tpu.dma_semaphore, #tpu.memory_space<semaphore_mem>>)
        %dma_start3A_222 = tpu.memref_slice %arg5[%add3A_201] : memref<163840xi32, #tpu.memory_space<hbm>> -> memref<64xi32, #tpu.memory_space<hbm>>
        %dma_start3A_223 = tpu.memref_slice %arg5[%add3A_201] : memref<163840xi32, #tpu.memory_space<hbm>> -> memref<64xi32, #tpu.memory_space<hbm>>
        tpu.enqueue_dma source(%dma_start3A_223 : memref<64xi32, #tpu.memory_space<hbm>>) target(%arg12 : memref<64xi32, #tpu.memory_space<vmem>>) target_semaphore(%arg18 : memref<!tpu.dma_semaphore, #tpu.memory_space<semaphore_mem>>)
      } else {
      }
      %add3A_120 = arith.constant 2 : i32
      %add3A_121 = arith.addi %add3A_90, %add3A_120 : i32
      %lt3A_122 = arith.cmpi slt, %add3A_121, %select_n3A : i32
      %convert_element_type3A_123 = arith.extui %lt3A_122 : i1 to i32
      %cond3A_124 = arith.constant 0 : i32
      %cond3A_125 = arith.cmpi ne, %convert_element_type3A_123, %cond3A_124 : i32
      scf.if %cond3A_125 {
        %add3A_189 = arith.constant 2 : i32
        %add3A_190 = arith.addi %add3A_90, %add3A_189 : i32
        %mul3A_191 = arith.constant 64 : i32
        %mul3A_192 = arith.muli %add3A_190, %mul3A_191 : i32
        %add3A_193 = arith.addi %add3A, %mul3A_192 : i32
        %dma_start3A_194 = tpu.memref_slice %arg4[%add3A_193] : memref<163840xi32, #tpu.memory_space<hbm>> -> memref<64xi32, #tpu.memory_space<hbm>>
        %dma_start3A_195 = tpu.memref_slice %arg4[%add3A_193] : memref<163840xi32, #tpu.memory_space<hbm>> -> memref<64xi32, #tpu.memory_space<hbm>>
        tpu.enqueue_dma source(%dma_start3A_195 : memref<64xi32, #tpu.memory_space<hbm>>) target(%arg9 : memref<64xi32, #tpu.memory_space<vmem>>) target_semaphore(%arg19 : memref<!tpu.dma_semaphore, #tpu.memory_space<semaphore_mem>>)
      } else {
      }
      %scan3A_126 = arith.constant 0 : i32
      %scan3A_127 = arith.constant 0 : i32
      %scan3A_128 = arith.constant 64 : i32
      %scan3A_129 = arith.addi %scan3A_127, %scan3A_128 : i32
      %scan3A_130 = arith.constant 1 : i32
      %scan3A_131 = scf.for %scan3A_189 = %scan3A_127 to %scan3A_129 step %scan3A_130 iter_args(%scan3A_190 = %scan3A_126) -> (i32)  : i32 {
        %get3A = arith.index_cast %scan3A_189 : i32 to index
        %get3A_191 = arith.constant 0 : index
        %get3A_192 = tpu.vector_load %arg13[%get3A, %get3A_191] {strides = array<i32>} : memref<64x144xf32, #tpu.memory_space<vmem>>, vector<16xf32>,
        %get3A_193 = arith.index_cast %scan3A_189 : i32 to index
        %get3A_194 = arith.constant 0 : index
        %get3A_195 = tpu.vector_load %arg15[%get3A_193, %get3A_194] {strides = array<i32>} : memref<64x144xf32, #tpu.memory_space<vmem>>, vector<16xf32>,
        %mul3A_196 = arith.mulf %get3A_195, %get3A_192 : vector<16xf32>
        %swap3A = arith.index_cast %scan3A_189 : i32 to index
        %swap3A_197 = arith.constant 0 : index
        %swap3A_198 = tpu.vector_load %arg15[%swap3A, %swap3A_197] {strides = array<i32>} : memref<64x144xf32, #tpu.memory_space<vmem>>, vector<16xf32>,
        tpu.vector_store %arg15[%swap3A, %swap3A_197], %mul3A_196 {strides = array<i32>} : memref<64x144xf32, #tpu.memory_space<vmem>>, vector<16xf32>,
        %get3A_199 = arith.index_cast %scan3A_189 : i32 to index
        %get3A_200 = arith.constant 16 : index
        %get3A_201 = tpu.vector_load %arg15[%get3A_199, %get3A_200] {strides = array<i32>} : memref<64x144xf32, #tpu.memory_space<vmem>>, vector<16xf32>,
        %mul3A_202 = arith.mulf %get3A_201, %get3A_192 : vector<16xf32>
        %get3A_203 = arith.index_cast %scan3A_189 : i32 to index
        %get3A_204 = arith.constant 16 : index
        %get3A_205 = tpu.vector_load %arg13[%get3A_203, %get3A_204] {strides = array<i32>} : memref<64x144xf32, #tpu.memory_space<vmem>>, vector<16xf32>,
        %mul3A_206 = arith.mulf %get3A_195, %get3A_205 : vector<16xf32>
        %add3A_207 = arith.addf %mul3A_202, %mul3A_206 : vector<16xf32>
        %swap3A_208 = arith.index_cast %scan3A_189 : i32 to index
        %swap3A_209 = arith.constant 16 : index
        %swap3A_210 = tpu.vector_load %arg15[%swap3A_208, %swap3A_209] {strides = array<i32>} : memref<64x144xf32, #tpu.memory_space<vmem>>, vector<16xf32>,
        tpu.vector_store %arg15[%swap3A_208, %swap3A_209], %add3A_207 {strides = array<i32>} : memref<64x144xf32, #tpu.memory_space<vmem>>, vector<16xf32>,
        %get3A_211 = arith.index_cast %scan3A_189 : i32 to index
        %get3A_212 = arith.constant 32 : index
        %get3A_213 = tpu.vector_load %arg15[%get3A_211, %get3A_212] {strides = array<i32>} : memref<64x144xf32, #tpu.memory_space<vmem>>, vector<16xf32>,
        %mul3A_214 = arith.mulf %get3A_213, %get3A_192 : vector<16xf32>
        %get3A_215 = arith.index_cast %scan3A_189 : i32 to index
        %get3A_216 = arith.constant 32 : index
        %get3A_217 = tpu.vector_load %arg13[%get3A_215, %get3A_216] {strides = array<i32>} : memref<64x144xf32, #tpu.memory_space<vmem>>, vector<16xf32>,
        %mul3A_218 = arith.mulf %get3A_195, %get3A_217 : vector<16xf32>
        %add3A_219 = arith.addf %mul3A_214, %mul3A_218 : vector<16xf32>
        %swap3A_220 = arith.index_cast %scan3A_189 : i32 to index
        %swap3A_221 = arith.constant 32 : index
        %swap3A_222 = tpu.vector_load %arg15[%swap3A_220, %swap3A_221] {strides = array<i32>} : memref<64x144xf32, #tpu.memory_space<vmem>>, vector<16xf32>,
        tpu.vector_store %arg15[%swap3A_220, %swap3A_221], %add3A_219 {strides = array<i32>} : memref<64x144xf32, #tpu.memory_space<vmem>>, vector<16xf32>,
        %get3A_223 = arith.index_cast %scan3A_189 : i32 to index
        %get3A_224 = arith.constant 48 : index
        %get3A_225 = tpu.vector_load %arg15[%get3A_223, %get3A_224] {strides = array<i32>} : memref<64x144xf32, #tpu.memory_space<vmem>>, vector<16xf32>,
        %mul3A_226 = arith.mulf %get3A_225, %get3A_192 : vector<16xf32>
        %get3A_227 = arith.index_cast %scan3A_189 : i32 to index
        %get3A_228 = arith.constant 48 : index
        %get3A_229 = tpu.vector_load %arg13[%get3A_227, %get3A_228] {strides = array<i32>} : memref<64x144xf32, #tpu.memory_space<vmem>>, vector<16xf32>,
        %mul3A_230 = arith.mulf %get3A_195, %get3A_229 : vector<16xf32>
        %add3A_231 = arith.addf %mul3A_226, %mul3A_230 : vector<16xf32>
        %swap3A_232 = arith.index_cast %scan3A_189 : i32 to index
        %swap3A_233 = arith.constant 48 : index
        %swap3A_234 = tpu.vector_load %arg15[%swap3A_232, %swap3A_233] {strides = array<i32>} : memref<64x144xf32, #tpu.memory_space<vmem>>, vector<16xf32>,
        tpu.vector_store %arg15[%swap3A_232, %swap3A_233], %add3A_231 {strides = array<i32>} : memref<64x144xf32, #tpu.memory_space<vmem>>, vector<16xf32>,
        %get3A_235 = arith.index_cast %scan3A_189 : i32 to index
        %get3A_236 = arith.constant 64 : index
        %get3A_237 = tpu.vector_load %arg15[%get3A_235, %get3A_236] {strides = array<i32>} : memref<64x144xf32, #tpu.memory_space<vmem>>, vector<16xf32>,
        %mul3A_238 = arith.mulf %get3A_237, %get3A_192 : vector<16xf32>
        %get3A_239 = arith.index_cast %scan3A_189 : i32 to index
        %get3A_240 = arith.constant 64 : index
        %get3A_241 = tpu.vector_load %arg13[%get3A_239, %get3A_240] {strides = array<i32>} : memref<64x144xf32, #tpu.memory_space<vmem>>, vector<16xf32>,
        %mul3A_242 = arith.mulf %get3A_195, %get3A_241 : vector<16xf32>
        %add3A_243 = arith.addf %mul3A_238, %mul3A_242 : vector<16xf32>
        %swap3A_244 = arith.index_cast %scan3A_189 : i32 to index
        %swap3A_245 = arith.constant 64 : index
        %swap3A_246 = tpu.vector_load %arg15[%swap3A_244, %swap3A_245] {strides = array<i32>} : memref<64x144xf32, #tpu.memory_space<vmem>>, vector<16xf32>,
        tpu.vector_store %arg15[%swap3A_244, %swap3A_245], %add3A_243 {strides = array<i32>} : memref<64x144xf32, #tpu.memory_space<vmem>>, vector<16xf32>,
        %get3A_247 = arith.index_cast %scan3A_189 : i32 to index
        %get3A_248 = arith.constant 80 : index
        %get3A_249 = tpu.vector_load %arg15[%get3A_247, %get3A_248] {strides = array<i32>} : memref<64x144xf32, #tpu.memory_space<vmem>>, vector<16xf32>,
        %mul3A_250 = arith.mulf %get3A_249, %get3A_192 : vector<16xf32>
        %get3A_251 = arith.index_cast %scan3A_189 : i32 to index
        %get3A_252 = arith.constant 80 : index
        %get3A_253 = tpu.vector_load %arg13[%get3A_251, %get3A_252] {strides = array<i32>} : memref<64x144xf32, #tpu.memory_space<vmem>>, vector<16xf32>,
        %mul3A_254 = arith.mulf %get3A_195, %get3A_253 : vector<16xf32>
        %add3A_255 = arith.addf %mul3A_250, %mul3A_254 : vector<16xf32>
        %swap3A_256 = arith.index_cast %scan3A_189 : i32 to index
        %swap3A_257 = arith.constant 80 : index
        %swap3A_258 = tpu.vector_load %arg15[%swap3A_256, %swap3A_257] {strides = array<i32>} : memref<64x144xf32, #tpu.memory_space<vmem>>, vector<16xf32>,
        tpu.vector_store %arg15[%swap3A_256, %swap3A_257], %add3A_255 {strides = array<i32>} : memref<64x144xf32, #tpu.memory_space<vmem>>, vector<16xf32>,
        %get3A_259 = arith.index_cast %scan3A_189 : i32 to index
        %get3A_260 = arith.constant 96 : index
        %get3A_261 = tpu.vector_load %arg15[%get3A_259, %get3A_260] {strides = array<i32>} : memref<64x144xf32, #tpu.memory_space<vmem>>, vector<16xf32>,
        %mul3A_262 = arith.mulf %get3A_261, %get3A_192 : vector<16xf32>
        %get3A_263 = arith.index_cast %scan3A_189 : i32 to index
        %get3A_264 = arith.constant 96 : index
        %get3A_265 = tpu.vector_load %arg13[%get3A_263, %get3A_264] {strides = array<i32>} : memref<64x144xf32, #tpu.memory_space<vmem>>, vector<16xf32>,
        %mul3A_266 = arith.mulf %get3A_195, %get3A_265 : vector<16xf32>
        %add3A_267 = arith.addf %mul3A_262, %mul3A_266 : vector<16xf32>
        %swap3A_268 = arith.index_cast %scan3A_189 : i32 to index
        %swap3A_269 = arith.constant 96 : index
        %swap3A_270 = tpu.vector_load %arg15[%swap3A_268, %swap3A_269] {strides = array<i32>} : memref<64x144xf32, #tpu.memory_space<vmem>>, vector<16xf32>,
        tpu.vector_store %arg15[%swap3A_268, %swap3A_269], %add3A_267 {strides = array<i32>} : memref<64x144xf32, #tpu.memory_space<vmem>>, vector<16xf32>,
        %get3A_271 = arith.index_cast %scan3A_189 : i32 to index
        %get3A_272 = arith.constant 112 : index
        %get3A_273 = tpu.vector_load %arg15[%get3A_271, %get3A_272] {strides = array<i32>} : memref<64x144xf32, #tpu.memory_space<vmem>>, vector<16xf32>,
        %mul3A_274 = arith.mulf %get3A_273, %get3A_192 : vector<16xf32>
        %get3A_275 = arith.index_cast %scan3A_189 : i32 to index
        %get3A_276 = arith.constant 112 : index
        %get3A_277 = tpu.vector_load %arg13[%get3A_275, %get3A_276] {strides = array<i32>} : memref<64x144xf32, #tpu.memory_space<vmem>>, vector<16xf32>,
        %mul3A_278 = arith.mulf %get3A_195, %get3A_277 : vector<16xf32>
        %add3A_279 = arith.addf %mul3A_274, %mul3A_278 : vector<16xf32>
        %swap3A_280 = arith.index_cast %scan3A_189 : i32 to index
        %swap3A_281 = arith.constant 112 : index
        %swap3A_282 = tpu.vector_load %arg15[%swap3A_280, %swap3A_281] {strides = array<i32>} : memref<64x144xf32, #tpu.memory_space<vmem>>, vector<16xf32>,
        tpu.vector_store %arg15[%swap3A_280, %swap3A_281], %add3A_279 {strides = array<i32>} : memref<64x144xf32, #tpu.memory_space<vmem>>, vector<16xf32>,
        %get3A_283 = arith.index_cast %scan3A_189 : i32 to index
        %get3A_284 = arith.constant 128 : index
        %get3A_285 = tpu.vector_load %arg15[%get3A_283, %get3A_284] {strides = array<i32>} : memref<64x144xf32, #tpu.memory_space<vmem>>, vector<16xf32>,
        %mul3A_286 = arith.mulf %get3A_285, %get3A_192 : vector<16xf32>
        %get3A_287 = arith.index_cast %scan3A_189 : i32 to index
        %get3A_288 = arith.constant 128 : index
        %get3A_289 = tpu.vector_load %arg13[%get3A_287, %get3A_288] {strides = array<i32>} : memref<64x144xf32, #tpu.memory_space<vmem>>, vector<16xf32>,
        %mul3A_290 = arith.mulf %get3A_195, %get3A_289 : vector<16xf32>
        %add3A_291 = arith.addf %mul3A_286, %mul3A_290 : vector<16xf32>
        %swap3A_292 = arith.index_cast %scan3A_189 : i32 to index
        %swap3A_293 = arith.constant 128 : index
        %swap3A_294 = tpu.vector_load %arg15[%swap3A_292, %swap3A_293] {strides = array<i32>} : memref<64x144xf32, #tpu.memory_space<vmem>>, vector<16xf32>,
        tpu.vector_store %arg15[%swap3A_292, %swap3A_293], %add3A_291 {strides = array<i32>} : memref<64x144xf32, #tpu.memory_space<vmem>>, vector<16xf32>,
        %scan3A_295 = arith.constant 0 : i32
        scf.yield %scan3A_295 : i32
      }
      %scan3A_132 = arith.constant 64 : i32
      %dma_start3A_133 = arith.constant 0 : i32
      %dma_start3A_134 = arith.constant 0 : i32
      %dma_start3A_135 = tpu.memref_slice %arg7[%dma_start3A_133, %dma_start3A_134] : memref<10240x144xf32, #tpu.memory_space<vmem_shared>> -> memref<10240x144xf32, #tpu.memory_space<vmem_shared>>
      tpu.enqueue_indirect_dma source(%arg15 : memref<64x144xf32, #tpu.memory_space<vmem>>) target(%dma_start3A_135 : memref<10240x144xf32, #tpu.memory_space<vmem_shared>>) offsets(%arg11 : memref<64xi32, #tpu.memory_space<vmem>>) semaphore(%arg21 : memref<!tpu.dma_semaphore, #tpu.memory_space<semaphore_mem>>) {add = true}
      %mul3A_136 = arith.constant 2 : i32
      %mul3A_137 = arith.muli %while3A_85, %mul3A_136 : i32
      %add3A_138 = arith.constant 1 : i32
      %add3A_139 = arith.addi %mul3A_137, %add3A_138 : i32
      %dma_wait3A_140 = arith.constant 0 : i32
      %dma_wait3A_141 = arith.constant 0 : i32
      %dma_wait3A_142 = tpu.memref_slice %arg16[%dma_wait3A_140, %dma_wait3A_141] : memref<64x144xf32, #tpu.memory_space<vmem>> -> memref<32x144xf32, #tpu.memory_space<vmem>>
      %dma_wait3A_143 = arith.constant 0 : i32
      %dma_wait3A_144 = tpu.memref_slice %arg10[%dma_wait3A_143] : memref<64xi32, #tpu.memory_space<vmem>> -> memref<32xi32, #tpu.memory_space<vmem>>
      %dma_wait3A_145 = arith.constant 0 : i32
      %dma_wait3A_146 = arith.constant 0 : i32
      %dma_wait3A_147 = tpu.memref_slice %arg2[%dma_wait3A_145, %dma_wait3A_146] : memref<10240x144xf32, #tpu.memory_space<hbm>> -> memref<10240x144xf32, #tpu.memory_space<hbm>>
      tpu.wait_indirect_dma semaphore(%arg18 : memref<!tpu.dma_semaphore, #tpu.memory_space<semaphore_mem>>) src(%dma_wait3A_147 : memref<10240x144xf32, #tpu.memory_space<hbm>>) dst(%dma_wait3A_142 : memref<32x144xf32, #tpu.memory_space<vmem>>)
      %dma_wait3A_148 = arith.constant 32 : i32
      %dma_wait3A_149 = arith.constant 0 : i32
      %dma_wait3A_150 = tpu.memref_slice %arg16[%dma_wait3A_148, %dma_wait3A_149] : memref<64x144xf32, #tpu.memory_space<vmem>> -> memref<32x144xf32, #tpu.memory_space<vmem>>
      %dma_wait3A_151 = arith.constant 32 : i32
      %dma_wait3A_152 = tpu.memref_slice %arg10[%dma_wait3A_151] : memref<64xi32, #tpu.memory_space<vmem>> -> memref<32xi32, #tpu.memory_space<vmem>>
      %dma_wait3A_153 = arith.constant 0 : i32
      %dma_wait3A_154 = arith.constant 0 : i32
      %dma_wait3A_155 = tpu.memref_slice %arg2[%dma_wait3A_153, %dma_wait3A_154] : memref<10240x144xf32, #tpu.memory_space<hbm>> -> memref<10240x144xf32, #tpu.memory_space<hbm>>
      tpu.wait_indirect_dma semaphore(%arg18 : memref<!tpu.dma_semaphore, #tpu.memory_space<semaphore_mem>>) src(%dma_wait3A_155 : memref<10240x144xf32, #tpu.memory_space<hbm>>) dst(%dma_wait3A_150 : memref<32x144xf32, #tpu.memory_space<vmem>>)
      %dma_wait3A_156 = arith.constant 0 : i32
      %dma_wait3A_157 = arith.constant 0 : i32
      %dma_wait3A_158 = tpu.memref_slice %arg3[%dma_wait3A_156, %dma_wait3A_157] : memref<163840x144xf32, #tpu.memory_space<hbm>> -> memref<64x144xf32, #tpu.memory_space<hbm>>
      %dma_wait3A_159 = arith.constant 0 : i32
      %dma_wait3A_160 = arith.constant 0 : i32
      %dma_wait3A_161 = tpu.memref_slice %arg3[%dma_wait3A_159, %dma_wait3A_160] : memref<163840x144xf32, #tpu.memory_space<hbm>> -> memref<64x144xf32, #tpu.memory_space<hbm>>
      tpu.wait_dma2 semaphore(%arg18 : memref<!tpu.dma_semaphore, #tpu.memory_space<semaphore_mem>>) src(%dma_wait3A_161 : memref<64x144xf32, #tpu.memory_space<hbm>>) dst(%arg14 : memref<64x144xf32, #tpu.memory_space<vmem>>)
      %dma_wait3A_162 = arith.constant 0 : i32
      %dma_wait3A_163 = tpu.memref_slice %arg5[%dma_wait3A_162] : memref<163840xi32, #tpu.memory_space<hbm>> -> memref<64xi32, #tpu.memory_space<hbm>>
      %dma_wait3A_164 = arith.constant 0 : i32
      %dma_wait3A_165 = tpu.memref_slice %arg5[%dma_wait3A_164] : memref<163840xi32, #tpu.memory_space<hbm>> -> memref<64xi32, #tpu.memory_space<hbm>>
      tpu.wait_dma2 semaphore(%arg18 : memref<!tpu.dma_semaphore, #tpu.memory_space<semaphore_mem>>) src(%dma_wait3A_165 : memref<64xi32, #tpu.memory_space<hbm>>) dst(%arg12 : memref<64xi32, #tpu.memory_space<vmem>>)
      %add3A_166 = arith.constant 1 : i32
      %add3A_167 = arith.addi %add3A_139, %add3A_166 : i32
      %lt3A_168 = arith.cmpi slt, %add3A_167, %select_n3A : i32
      %convert_element_type3A_169 = arith.extui %lt3A_168 : i1 to i32
      %cond3A_170 = arith.constant 0 : i32
      %cond3A_171 = arith.cmpi ne, %convert_element_type3A_169, %cond3A_170 : i32
      scf.if %cond3A_171 {
        %ge3A = arith.constant 1 : i32
        %ge3A_189 = arith.cmpi sge, %add3A_139, %ge3A : i32
        %convert_element_type3A_190 = arith.extui %ge3A_189 : i1 to i32
        %cond3A_191 = arith.constant 0 : i32
        %cond3A_192 = arith.cmpi ne, %convert_element_type3A_190, %cond3A_191 : i32
        scf.if %cond3A_192 {
          %dma_wait3A_224 = arith.constant 0 : i32
          %dma_wait3A_225 = arith.constant 0 : i32
          %dma_wait3A_226 = tpu.memref_slice %arg7[%dma_wait3A_224, %dma_wait3A_225] : memref<10240x144xf32, #tpu.memory_space<vmem_shared>> -> memref<10240x144xf32, #tpu.memory_space<vmem_shared>>
          tpu.wait_indirect_dma semaphore(%arg21 : memref<!tpu.dma_semaphore, #tpu.memory_space<semaphore_mem>>) src(%arg15 : memref<64x144xf32, #tpu.memory_space<vmem>>) dst(%dma_wait3A_226 : memref<10240x144xf32, #tpu.memory_space<vmem_shared>>)
        } else {
        }
        %dma_wait3A_193 = arith.constant 0 : i32
        %dma_wait3A_194 = tpu.memref_slice %arg4[%dma_wait3A_193] : memref<163840xi32, #tpu.memory_space<hbm>> -> memref<64xi32, #tpu.memory_space<hbm>>
        %dma_wait3A_195 = arith.constant 0 : i32
        %dma_wait3A_196 = tpu.memref_slice %arg4[%dma_wait3A_195] : memref<163840xi32, #tpu.memory_space<hbm>> -> memref<64xi32, #tpu.memory_space<hbm>>
        tpu.wait_dma2 semaphore(%arg19 : memref<!tpu.dma_semaphore, #tpu.memory_space<semaphore_mem>>) src(%dma_wait3A_196 : memref<64xi32, #tpu.memory_space<hbm>>) dst(%arg9 : memref<64xi32, #tpu.memory_space<vmem>>)
        %add3A_197 = arith.constant 1 : i32
        %add3A_198 = arith.addi %add3A_139, %add3A_197 : i32
        %mul3A_199 = arith.constant 64 : i32
        %mul3A_200 = arith.muli %add3A_198, %mul3A_199 : i32
        %add3A_201 = arith.addi %add3A, %mul3A_200 : i32
        %dma_start3A_202 = arith.constant 0 : i32
        %dma_start3A_203 = arith.constant 0 : i32
        %dma_start3A_204 = tpu.memref_slice %arg15[%dma_start3A_202, %dma_start3A_203] : memref<64x144xf32, #tpu.memory_space<vmem>> -> memref<32x144xf32, #tpu.memory_space<vmem>>
        %dma_start3A_205 = arith.constant 0 : i32
        %dma_start3A_206 = tpu.memref_slice %arg9[%dma_start3A_205] : memref<64xi32, #tpu.memory_space<vmem>> -> memref<32xi32, #tpu.memory_space<vmem>>
        %dma_start3A_207 = arith.constant 0 : i32
        %dma_start3A_208 = arith.constant 0 : i32
        %dma_start3A_209 = tpu.memref_slice %arg2[%dma_start3A_207, %dma_start3A_208] : memref<10240x144xf32, #tpu.memory_space<hbm>> -> memref<10240x144xf32, #tpu.memory_space<hbm>>
        tpu.enqueue_indirect_dma source(%dma_start3A_209 : memref<10240x144xf32, #tpu.memory_space<hbm>>) target(%dma_start3A_204 : memref<32x144xf32, #tpu.memory_space<vmem>>) offsets(%dma_start3A_206 : memref<32xi32, #tpu.memory_space<vmem>>) semaphore(%arg17 : memref<!tpu.dma_semaphore, #tpu.memory_space<semaphore_mem>>)
        %dma_start3A_210 = arith.constant 32 : i32
        %dma_start3A_211 = arith.constant 0 : i32
        %dma_start3A_212 = tpu.memref_slice %arg15[%dma_start3A_210, %dma_start3A_211] : memref<64x144xf32, #tpu.memory_space<vmem>> -> memref<32x144xf32, #tpu.memory_space<vmem>>
        %dma_start3A_213 = arith.constant 32 : i32
        %dma_start3A_214 = tpu.memref_slice %arg9[%dma_start3A_213] : memref<64xi32, #tpu.memory_space<vmem>> -> memref<32xi32, #tpu.memory_space<vmem>>
        %dma_start3A_215 = arith.constant 0 : i32
        %dma_start3A_216 = arith.constant 0 : i32
        %dma_start3A_217 = tpu.memref_slice %arg2[%dma_start3A_215, %dma_start3A_216] : memref<10240x144xf32, #tpu.memory_space<hbm>> -> memref<10240x144xf32, #tpu.memory_space<hbm>>
        tpu.enqueue_indirect_dma source(%dma_start3A_217 : memref<10240x144xf32, #tpu.memory_space<hbm>>) target(%dma_start3A_212 : memref<32x144xf32, #tpu.memory_space<vmem>>) offsets(%dma_start3A_214 : memref<32xi32, #tpu.memory_space<vmem>>) semaphore(%arg17 : memref<!tpu.dma_semaphore, #tpu.memory_space<semaphore_mem>>)
        %dma_start3A_218 = arith.constant 0 : i32
        %dma_start3A_219 = tpu.memref_slice %arg3[%add3A_201, %dma_start3A_218] : memref<163840x144xf32, #tpu.memory_space<hbm>> -> memref<64x144xf32, #tpu.memory_space<hbm>>
        %dma_start3A_220 = arith.constant 0 : i32
        %dma_start3A_221 = tpu.memref_slice %arg3[%add3A_201, %dma_start3A_220] : memref<163840x144xf32, #tpu.memory_space<hbm>> -> memref<64x144xf32, #tpu.memory_space<hbm>>
        tpu.enqueue_dma source(%dma_start3A_221 : memref<64x144xf32, #tpu.memory_space<hbm>>) target(%arg13 : memref<64x144xf32, #tpu.memory_space<vmem>>) target_semaphore(%arg17 : memref<!tpu.dma_semaphore, #tpu.memory_space<semaphore_mem>>)
        %dma_start3A_222 = tpu.memref_slice %arg5[%add3A_201] : memref<163840xi32, #tpu.memory_space<hbm>> -> memref<64xi32, #tpu.memory_space<hbm>>
        %dma_start3A_223 = tpu.memref_slice %arg5[%add3A_201] : memref<163840xi32, #tpu.memory_space<hbm>> -> memref<64xi32, #tpu.memory_space<hbm>>
        tpu.enqueue_dma source(%dma_start3A_223 : memref<64xi32, #tpu.memory_space<hbm>>) target(%arg11 : memref<64xi32, #tpu.memory_space<vmem>>) target_semaphore(%arg17 : memref<!tpu.dma_semaphore, #tpu.memory_space<semaphore_mem>>)
      } else {
      }
      %add3A_172 = arith.constant 2 : i32
      %add3A_173 = arith.addi %add3A_139, %add3A_172 : i32
      %lt3A_174 = arith.cmpi slt, %add3A_173, %select_n3A : i32
      %convert_element_type3A_175 = arith.extui %lt3A_174 : i1 to i32
      %cond3A_176 = arith.constant 0 : i32
      %cond3A_177 = arith.cmpi ne, %convert_element_type3A_175, %cond3A_176 : i32
      scf.if %cond3A_177 {
        %add3A_189 = arith.constant 2 : i32
        %add3A_190 = arith.addi %add3A_139, %add3A_189 : i32
        %mul3A_191 = arith.constant 64 : i32
        %mul3A_192 = arith.muli %add3A_190, %mul3A_191 : i32
        %add3A_193 = arith.addi %add3A, %mul3A_192 : i32
        %dma_start3A_194 = tpu.memref_slice %arg4[%add3A_193] : memref<163840xi32, #tpu.memory_space<hbm>> -> memref<64xi32, #tpu.memory_space<hbm>>
        %dma_start3A_195 = tpu.memref_slice %arg4[%add3A_193] : memref<163840xi32, #tpu.memory_space<hbm>> -> memref<64xi32, #tpu.memory_space<hbm>>
        tpu.enqueue_dma source(%dma_start3A_195 : memref<64xi32, #tpu.memory_space<hbm>>) target(%arg10 : memref<64xi32, #tpu.memory_space<vmem>>) target_semaphore(%arg20 : memref<!tpu.dma_semaphore, #tpu.memory_space<semaphore_mem>>)
      } else {
      }
      %scan3A_178 = arith.constant 0 : i32
      %scan3A_179 = arith.constant 0 : i32
      %scan3A_180 = arith.constant 64 : i32
      %scan3A_181 = arith.addi %scan3A_179, %scan3A_180 : i32
      %scan3A_182 = arith.constant 1 : i32
      %scan3A_183 = scf.for %scan3A_189 = %scan3A_179 to %scan3A_181 step %scan3A_182 iter_args(%scan3A_190 = %scan3A_178) -> (i32)  : i32 {
        %get3A = arith.index_cast %scan3A_189 : i32 to index
        %get3A_191 = arith.constant 0 : index
        %get3A_192 = tpu.vector_load %arg14[%get3A, %get3A_191] {strides = array<i32>} : memref<64x144xf32, #tpu.memory_space<vmem>>, vector<16xf32>,
        %get3A_193 = arith.index_cast %scan3A_189 : i32 to index
        %get3A_194 = arith.constant 0 : index
        %get3A_195 = tpu.vector_load %arg16[%get3A_193, %get3A_194] {strides = array<i32>} : memref<64x144xf32, #tpu.memory_space<vmem>>, vector<16xf32>,
        %mul3A_196 = arith.mulf %get3A_195, %get3A_192 : vector<16xf32>
        %swap3A = arith.index_cast %scan3A_189 : i32 to index
        %swap3A_197 = arith.constant 0 : index
        %swap3A_198 = tpu.vector_load %arg16[%swap3A, %swap3A_197] {strides = array<i32>} : memref<64x144xf32, #tpu.memory_space<vmem>>, vector<16xf32>,
        tpu.vector_store %arg16[%swap3A, %swap3A_197], %mul3A_196 {strides = array<i32>} : memref<64x144xf32, #tpu.memory_space<vmem>>, vector<16xf32>,
        %get3A_199 = arith.index_cast %scan3A_189 : i32 to index
        %get3A_200 = arith.constant 16 : index
        %get3A_201 = tpu.vector_load %arg16[%get3A_199, %get3A_200] {strides = array<i32>} : memref<64x144xf32, #tpu.memory_space<vmem>>, vector<16xf32>,
        %mul3A_202 = arith.mulf %get3A_201, %get3A_192 : vector<16xf32>
        %get3A_203 = arith.index_cast %scan3A_189 : i32 to index
        %get3A_204 = arith.constant 16 : index
        %get3A_205 = tpu.vector_load %arg14[%get3A_203, %get3A_204] {strides = array<i32>} : memref<64x144xf32, #tpu.memory_space<vmem>>, vector<16xf32>,
        %mul3A_206 = arith.mulf %get3A_195, %get3A_205 : vector<16xf32>
        %add3A_207 = arith.addf %mul3A_202, %mul3A_206 : vector<16xf32>
        %swap3A_208 = arith.index_cast %scan3A_189 : i32 to index
        %swap3A_209 = arith.constant 16 : index
        %swap3A_210 = tpu.vector_load %arg16[%swap3A_208, %swap3A_209] {strides = array<i32>} : memref<64x144xf32, #tpu.memory_space<vmem>>, vector<16xf32>,
        tpu.vector_store %arg16[%swap3A_208, %swap3A_209], %add3A_207 {strides = array<i32>} : memref<64x144xf32, #tpu.memory_space<vmem>>, vector<16xf32>,
        %get3A_211 = arith.index_cast %scan3A_189 : i32 to index
        %get3A_212 = arith.constant 32 : index
        %get3A_213 = tpu.vector_load %arg16[%get3A_211, %get3A_212] {strides = array<i32>} : memref<64x144xf32, #tpu.memory_space<vmem>>, vector<16xf32>,
        %mul3A_214 = arith.mulf %get3A_213, %get3A_192 : vector<16xf32>
        %get3A_215 = arith.index_cast %scan3A_189 : i32 to index
        %get3A_216 = arith.constant 32 : index
        %get3A_217 = tpu.vector_load %arg14[%get3A_215, %get3A_216] {strides = array<i32>} : memref<64x144xf32, #tpu.memory_space<vmem>>, vector<16xf32>,
        %mul3A_218 = arith.mulf %get3A_195, %get3A_217 : vector<16xf32>
        %add3A_219 = arith.addf %mul3A_214, %mul3A_218 : vector<16xf32>
        %swap3A_220 = arith.index_cast %scan3A_189 : i32 to index
        %swap3A_221 = arith.constant 32 : index
        %swap3A_222 = tpu.vector_load %arg16[%swap3A_220, %swap3A_221] {strides = array<i32>} : memref<64x144xf32, #tpu.memory_space<vmem>>, vector<16xf32>,
        tpu.vector_store %arg16[%swap3A_220, %swap3A_221], %add3A_219 {strides = array<i32>} : memref<64x144xf32, #tpu.memory_space<vmem>>, vector<16xf32>,
        %get3A_223 = arith.index_cast %scan3A_189 : i32 to index
        %get3A_224 = arith.constant 48 : index
        %get3A_225 = tpu.vector_load %arg16[%get3A_223, %get3A_224] {strides = array<i32>} : memref<64x144xf32, #tpu.memory_space<vmem>>, vector<16xf32>,
        %mul3A_226 = arith.mulf %get3A_225, %get3A_192 : vector<16xf32>
        %get3A_227 = arith.index_cast %scan3A_189 : i32 to index
        %get3A_228 = arith.constant 48 : index
        %get3A_229 = tpu.vector_load %arg14[%get3A_227, %get3A_228] {strides = array<i32>} : memref<64x144xf32, #tpu.memory_space<vmem>>, vector<16xf32>,
        %mul3A_230 = arith.mulf %get3A_195, %get3A_229 : vector<16xf32>
        %add3A_231 = arith.addf %mul3A_226, %mul3A_230 : vector<16xf32>
        %swap3A_232 = arith.index_cast %scan3A_189 : i32 to index
        %swap3A_233 = arith.constant 48 : index
        %swap3A_234 = tpu.vector_load %arg16[%swap3A_232, %swap3A_233] {strides = array<i32>} : memref<64x144xf32, #tpu.memory_space<vmem>>, vector<16xf32>,
        tpu.vector_store %arg16[%swap3A_232, %swap3A_233], %add3A_231 {strides = array<i32>} : memref<64x144xf32, #tpu.memory_space<vmem>>, vector<16xf32>,
        %get3A_235 = arith.index_cast %scan3A_189 : i32 to index
        %get3A_236 = arith.constant 64 : index
        %get3A_237 = tpu.vector_load %arg16[%get3A_235, %get3A_236] {strides = array<i32>} : memref<64x144xf32, #tpu.memory_space<vmem>>, vector<16xf32>,
        %mul3A_238 = arith.mulf %get3A_237, %get3A_192 : vector<16xf32>
        %get3A_239 = arith.index_cast %scan3A_189 : i32 to index
        %get3A_240 = arith.constant 64 : index
        %get3A_241 = tpu.vector_load %arg14[%get3A_239, %get3A_240] {strides = array<i32>} : memref<64x144xf32, #tpu.memory_space<vmem>>, vector<16xf32>,
        %mul3A_242 = arith.mulf %get3A_195, %get3A_241 : vector<16xf32>
        %add3A_243 = arith.addf %mul3A_238, %mul3A_242 : vector<16xf32>
        %swap3A_244 = arith.index_cast %scan3A_189 : i32 to index
        %swap3A_245 = arith.constant 64 : index
        %swap3A_246 = tpu.vector_load %arg16[%swap3A_244, %swap3A_245] {strides = array<i32>} : memref<64x144xf32, #tpu.memory_space<vmem>>, vector<16xf32>,
        tpu.vector_store %arg16[%swap3A_244, %swap3A_245], %add3A_243 {strides = array<i32>} : memref<64x144xf32, #tpu.memory_space<vmem>>, vector<16xf32>,
        %get3A_247 = arith.index_cast %scan3A_189 : i32 to index
        %get3A_248 = arith.constant 80 : index
        %get3A_249 = tpu.vector_load %arg16[%get3A_247, %get3A_248] {strides = array<i32>} : memref<64x144xf32, #tpu.memory_space<vmem>>, vector<16xf32>,
        %mul3A_250 = arith.mulf %get3A_249, %get3A_192 : vector<16xf32>
        %get3A_251 = arith.index_cast %scan3A_189 : i32 to index
        %get3A_252 = arith.constant 80 : index
        %get3A_253 = tpu.vector_load %arg14[%get3A_251, %get3A_252] {strides = array<i32>} : memref<64x144xf32, #tpu.memory_space<vmem>>, vector<16xf32>,
        %mul3A_254 = arith.mulf %get3A_195, %get3A_253 : vector<16xf32>
        %add3A_255 = arith.addf %mul3A_250, %mul3A_254 : vector<16xf32>
        %swap3A_256 = arith.index_cast %scan3A_189 : i32 to index
        %swap3A_257 = arith.constant 80 : index
        %swap3A_258 = tpu.vector_load %arg16[%swap3A_256, %swap3A_257] {strides = array<i32>} : memref<64x144xf32, #tpu.memory_space<vmem>>, vector<16xf32>,
        tpu.vector_store %arg16[%swap3A_256, %swap3A_257], %add3A_255 {strides = array<i32>} : memref<64x144xf32, #tpu.memory_space<vmem>>, vector<16xf32>,
        %get3A_259 = arith.index_cast %scan3A_189 : i32 to index
        %get3A_260 = arith.constant 96 : index
        %get3A_261 = tpu.vector_load %arg16[%get3A_259, %get3A_260] {strides = array<i32>} : memref<64x144xf32, #tpu.memory_space<vmem>>, vector<16xf32>,
        %mul3A_262 = arith.mulf %get3A_261, %get3A_192 : vector<16xf32>
        %get3A_263 = arith.index_cast %scan3A_189 : i32 to index
        %get3A_264 = arith.constant 96 : index
        %get3A_265 = tpu.vector_load %arg14[%get3A_263, %get3A_264] {strides = array<i32>} : memref<64x144xf32, #tpu.memory_space<vmem>>, vector<16xf32>,
        %mul3A_266 = arith.mulf %get3A_195, %get3A_265 : vector<16xf32>
        %add3A_267 = arith.addf %mul3A_262, %mul3A_266 : vector<16xf32>
        %swap3A_268 = arith.index_cast %scan3A_189 : i32 to index
        %swap3A_269 = arith.constant 96 : index
        %swap3A_270 = tpu.vector_load %arg16[%swap3A_268, %swap3A_269] {strides = array<i32>} : memref<64x144xf32, #tpu.memory_space<vmem>>, vector<16xf32>,
        tpu.vector_store %arg16[%swap3A_268, %swap3A_269], %add3A_267 {strides = array<i32>} : memref<64x144xf32, #tpu.memory_space<vmem>>, vector<16xf32>,
        %get3A_271 = arith.index_cast %scan3A_189 : i32 to index
        %get3A_272 = arith.constant 112 : index
        %get3A_273 = tpu.vector_load %arg16[%get3A_271, %get3A_272] {strides = array<i32>} : memref<64x144xf32, #tpu.memory_space<vmem>>, vector<16xf32>,
        %mul3A_274 = arith.mulf %get3A_273, %get3A_192 : vector<16xf32>
        %get3A_275 = arith.index_cast %scan3A_189 : i32 to index
        %get3A_276 = arith.constant 112 : index
        %get3A_277 = tpu.vector_load %arg14[%get3A_275, %get3A_276] {strides = array<i32>} : memref<64x144xf32, #tpu.memory_space<vmem>>, vector<16xf32>,
        %mul3A_278 = arith.mulf %get3A_195, %get3A_277 : vector<16xf32>
        %add3A_279 = arith.addf %mul3A_274, %mul3A_278 : vector<16xf32>
        %swap3A_280 = arith.index_cast %scan3A_189 : i32 to index
        %swap3A_281 = arith.constant 112 : index
        %swap3A_282 = tpu.vector_load %arg16[%swap3A_280, %swap3A_281] {strides = array<i32>} : memref<64x144xf32, #tpu.memory_space<vmem>>, vector<16xf32>,
        tpu.vector_store %arg16[%swap3A_280, %swap3A_281], %add3A_279 {strides = array<i32>} : memref<64x144xf32, #tpu.memory_space<vmem>>, vector<16xf32>,
        %get3A_283 = arith.index_cast %scan3A_189 : i32 to index
        %get3A_284 = arith.constant 128 : index
        %get3A_285 = tpu.vector_load %arg16[%get3A_283, %get3A_284] {strides = array<i32>} : memref<64x144xf32, #tpu.memory_space<vmem>>, vector<16xf32>,
        %mul3A_286 = arith.mulf %get3A_285, %get3A_192 : vector<16xf32>
        %get3A_287 = arith.index_cast %scan3A_189 : i32 to index
        %get3A_288 = arith.constant 128 : index
        %get3A_289 = tpu.vector_load %arg14[%get3A_287, %get3A_288] {strides = array<i32>} : memref<64x144xf32, #tpu.memory_space<vmem>>, vector<16xf32>,
        %mul3A_290 = arith.mulf %get3A_195, %get3A_289 : vector<16xf32>
        %add3A_291 = arith.addf %mul3A_286, %mul3A_290 : vector<16xf32>
        %swap3A_292 = arith.index_cast %scan3A_189 : i32 to index
        %swap3A_293 = arith.constant 128 : index
        %swap3A_294 = tpu.vector_load %arg16[%swap3A_292, %swap3A_293] {strides = array<i32>} : memref<64x144xf32, #tpu.memory_space<vmem>>, vector<16xf32>,
        tpu.vector_store %arg16[%swap3A_292, %swap3A_293], %add3A_291 {strides = array<i32>} : memref<64x144xf32, #tpu.memory_space<vmem>>, vector<16xf32>,
        %scan3A_295 = arith.constant 0 : i32
        scf.yield %scan3A_295 : i32
      }
      %scan3A_184 = arith.constant 64 : i32
      %dma_start3A_185 = arith.constant 0 : i32
      %dma_start3A_186 = arith.constant 0 : i32
      %dma_start3A_187 = tpu.memref_slice %arg7[%dma_start3A_185, %dma_start3A_186] : memref<10240x144xf32, #tpu.memory_space<vmem_shared>> -> memref<10240x144xf32, #tpu.memory_space<vmem_shared>>
      tpu.enqueue_indirect_dma source(%arg16 : memref<64x144xf32, #tpu.memory_space<vmem>>) target(%dma_start3A_187 : memref<10240x144xf32, #tpu.memory_space<vmem_shared>>) offsets(%arg12 : memref<64xi32, #tpu.memory_space<vmem>>) semaphore(%arg22 : memref<!tpu.dma_semaphore, #tpu.memory_space<semaphore_mem>>) {add = true}
      %while3A_188 = arith.constant 0 : i32
      scf.yield %while3A_188 : i32
    }
    %dma_wait3A = arith.constant 0 : i32
    %dma_wait3A_75 = arith.constant 0 : i32
    %dma_wait3A_76 = tpu.memref_slice %arg7[%dma_wait3A, %dma_wait3A_75] : memref<10240x144xf32, #tpu.memory_space<vmem_shared>> -> memref<10240x144xf32, #tpu.memory_space<vmem_shared>>
    tpu.wait_indirect_dma semaphore(%arg21 : memref<!tpu.dma_semaphore, #tpu.memory_space<semaphore_mem>>) src(%arg15 : memref<64x144xf32, #tpu.memory_space<vmem>>) dst(%dma_wait3A_76 : memref<10240x144xf32, #tpu.memory_space<vmem_shared>>)
    %dma_wait3A_77 = arith.constant 0 : i32
    %dma_wait3A_78 = arith.constant 0 : i32
    %dma_wait3A_79 = tpu.memref_slice %arg7[%dma_wait3A_77, %dma_wait3A_78] : memref<10240x144xf32, #tpu.memory_space<vmem_shared>> -> memref<10240x144xf32, #tpu.memory_space<vmem_shared>>
    tpu.wait_indirect_dma semaphore(%arg22 : memref<!tpu.dma_semaphore, #tpu.memory_space<semaphore_mem>>) src(%arg16 : memref<64x144xf32, #tpu.memory_space<vmem>>) dst(%dma_wait3A_79 : memref<10240x144xf32, #tpu.memory_space<vmem_shared>>)
    %barrier3A_80 = arith.constant 0 : index
    tpu.barrier barrier_id(%barrier3A_80)
    %mul3A_81 = arith.constant 640 : i32
    %mul3A_82 = arith.muli %arg1, %mul3A_81 : i32
    %mul3A_83 = arith.constant 640 : i32
    %mul3A_84 = arith.muli %arg1, %mul3A_83 : i32
    "tpu.region"() ({
      %run_scoped3A = tpu.sem_alloc : memref<!tpu.dma_semaphore, #tpu.memory_space<semaphore_mem>>
      %dma_start3A_85 = arith.constant 0 : i32
      %dma_start3A_86 = tpu.memref_slice %arg6[%arg0, %mul3A_84, %dma_start3A_85] : memref<2x10240x144xf32, #tpu.memory_space<hbm>> -> memref<1x640x144xf32, #tpu.memory_space<hbm>>
      %dma_start3A_87 = tpu.memref_squeeze %dma_start3A_86 : memref<1x640x144xf32, #tpu.memory_space<hbm>> -> memref<640x144xf32, #tpu.memory_space<hbm>>
      %dma_start3A_88 = arith.constant 0 : i32
      %dma_start3A_89 = tpu.memref_slice %arg7[%mul3A_82, %dma_start3A_88] : memref<10240x144xf32, #tpu.memory_space<vmem_shared>> -> memref<640x144xf32, #tpu.memory_space<vmem_shared>>
      tpu.enqueue_dma source(%dma_start3A_89 : memref<640x144xf32, #tpu.memory_space<vmem_shared>>) target(%dma_start3A_87 : memref<640x144xf32, #tpu.memory_space<hbm>>) target_semaphore(%run_scoped3A : memref<!tpu.dma_semaphore, #tpu.memory_space<semaphore_mem>>)
      %dma_wait3A_90 = arith.constant 0 : i32
      %dma_wait3A_91 = tpu.memref_slice %arg6[%arg0, %mul3A_84, %dma_wait3A_90] : memref<2x10240x144xf32, #tpu.memory_space<hbm>> -> memref<1x640x144xf32, #tpu.memory_space<hbm>>
      %dma_wait3A_92 = tpu.memref_squeeze %dma_wait3A_91 : memref<1x640x144xf32, #tpu.memory_space<hbm>> -> memref<640x144xf32, #tpu.memory_space<hbm>>
      %dma_wait3A_93 = arith.constant 0 : i32
      %dma_wait3A_94 = tpu.memref_slice %arg7[%mul3A_82, %dma_wait3A_93] : memref<10240x144xf32, #tpu.memory_space<vmem_shared>> -> memref<640x144xf32, #tpu.memory_space<vmem_shared>>
      tpu.wait_dma2 semaphore(%run_scoped3A : memref<!tpu.dma_semaphore, #tpu.memory_space<semaphore_mem>>) src(%dma_wait3A_94 : memref<640x144xf32, #tpu.memory_space<vmem_shared>>) dst(%dma_wait3A_92 : memref<640x144xf32, #tpu.memory_space<hbm>>)
      tpu.yield
    }) : () -> ()
    return
  }
}

module attributes {stable_mosaic.version = 14 : i64} {
  func.func @_xa0_body(%arg0: i32, %arg1: memref<640x144xf32, #tpu.memory_space<vmem>>, %arg2: memref<144x144xf32, #tpu.memory_space<vmem>>, %arg3: memref<1x144xf32, #tpu.memory_space<vmem>>, %arg4: memref<640x144xf32, #tpu.memory_space<vmem>>) attributes {dimension_semantics = [#tpu.dimension_semantics<arbitrary>], iteration_bounds = array<i64: 16>, scalar_prefetch = 0 : i64, scratch_operands = 0 : i64, tpu.core_type = #tpu.core_type<tc>, window_params = [{transform_indices = @transform_0, window_bounds = array<i64: 640, 144>}, {pipeline_mode = #tpu.pipeline_mode<synchronous>, transform_indices = @transform_1, window_bounds = array<i64: 144, 144>}, {pipeline_mode = #tpu.pipeline_mode<synchronous>, transform_indices = @transform_2, window_bounds = array<i64: 1, 144>}, {transform_indices = @transform_3, window_bounds = array<i64: 640, 144>}]} {
    %get3A = arith.constant 0 : index
    %get3A_0 = arith.constant 0 : index
    %get3A_1 = vector.load %arg1[%get3A, %get3A_0] : memref<640x144xf32, #tpu.memory_space<vmem>>, vector<640x144xf32>
    %get3A_2 = arith.constant 0 : index
    %get3A_3 = arith.constant 0 : index
    %get3A_4 = vector.load %arg2[%get3A_2, %get3A_3] : memref<144x144xf32, #tpu.memory_space<vmem>>, vector<144x144xf32>
    %dot_general3A = arith.constant dense<0.000000e+00> : vector<640x144xf32>
    %dot_general3A_5 = tpu.matmul %get3A_1, %get3A_4, %dot_general3A {dimension_numbers = #tpu.dot_dimension_numbers<[1], [0], [0], [1], [0, 0, 1, 1], [], []>, transpose_lhs_hint = false} : vector<640x144xf32>, vector<144x144xf32>, vector<640x144xf32> -> vector<640x144xf32>
    %get3A_6 = arith.constant 0 : index
    %get3A_7 = arith.constant 0 : index
    %get3A_8 = vector.load %arg3[%get3A_6, %get3A_7] : memref<1x144xf32, #tpu.memory_space<vmem>>, vector<1x144xf32>
    %add3A = vector.broadcast %get3A_8 : vector<1x144xf32> to vector<640x144xf32>
    %add3A_9 = arith.addf %dot_general3A_5, %add3A : vector<640x144xf32>
    %swap3A = arith.constant 0 : index
    %swap3A_10 = arith.constant 0 : index
    %swap3A_11 = vector.load %arg4[%swap3A, %swap3A_10] : memref<640x144xf32, #tpu.memory_space<vmem>>, vector<640x144xf32>
    tpu.vector_store %arg4[%swap3A, %swap3A_10], %add3A_9 {strides = array<i32>} : memref<640x144xf32, #tpu.memory_space<vmem>>, vector<640x144xf32>,
    return
  }
  func.func @transform_0(%arg0: i32) -> (i32, i32) {
    %c0_i32 = arith.constant 0 : i32
    %c0_i32_0 = arith.constant 0 : i32
    return %arg0, %c0_i32 : i32, i32
  }
  func.func @transform_1(%arg0: i32) -> (i32, i32) {
    %c0_i32 = arith.constant 0 : i32
    %c0_i32_0 = arith.constant 0 : i32
    %c0_i32_1 = arith.constant 0 : i32
    return %c0_i32, %c0_i32_0 : i32, i32
  }
  func.func @transform_2(%arg0: i32) -> (i32, i32) {
    %c0_i32 = arith.constant 0 : i32
    %c0_i32_0 = arith.constant 0 : i32
    %c0_i32_1 = arith.constant 0 : i32
    return %c0_i32, %c0_i32_0 : i32, i32
  }
  func.func @transform_3(%arg0: i32) -> (i32, i32) {
    %c0_i32 = arith.constant 0 : i32
    %c0_i32_0 = arith.constant 0 : i32
    return %arg0, %c0_i32 : i32, i32
  }
}

module attributes {stable_mosaic.version = 14 : i64} {
  func.func @_bproj_body(%arg0: i32, %arg1: memref<3x1024xf32, #tpu.memory_space<vmem>>, %arg2: memref<16x1xf32, #tpu.memory_space<vmem>>, %arg3: memref<144x144xf32, #tpu.memory_space<vmem>>, %arg4: memref<144x144xf32, #tpu.memory_space<vmem>>, %arg5: memref<144x144xf32, #tpu.memory_space<vmem>>, %arg6: memref<3x144xf32, #tpu.memory_space<vmem>>, %arg7: memref<1024x144xf32, #tpu.memory_space<vmem>>, %arg8: memref<1024x144xf32, #tpu.memory_space<vmem>>, %arg9: memref<1024x144xf32, #tpu.memory_space<vmem>>) attributes {dimension_semantics = [#tpu.dimension_semantics<arbitrary>], iteration_bounds = array<i64: 160>, scalar_prefetch = 0 : i64, scratch_operands = 0 : i64, tpu.core_type = #tpu.core_type<tc>, window_params = [{transform_indices = @transform_0, window_bounds = array<i64: 3, 1024>}, {pipeline_mode = #tpu.pipeline_mode<synchronous>, transform_indices = @transform_1, window_bounds = array<i64: 16, 1>}, {pipeline_mode = #tpu.pipeline_mode<synchronous>, transform_indices = @transform_2, window_bounds = array<i64: 144, 144>}, {pipeline_mode = #tpu.pipeline_mode<synchronous>, transform_indices = @transform_3, window_bounds = array<i64: 144, 144>}, {pipeline_mode = #tpu.pipeline_mode<synchronous>, transform_indices = @transform_4, window_bounds = array<i64: 144, 144>}, {pipeline_mode = #tpu.pipeline_mode<synchronous>, transform_indices = @transform_5, window_bounds = array<i64: 3, 144>}, {transform_indices = @transform_6, window_bounds = array<i64: 1024, 144>}, {transform_indices = @transform_7, window_bounds = array<i64: 1024, 144>}, {transform_indices = @transform_8, window_bounds = array<i64: 1024, 144>}]} {
    %get3A = arith.constant 0 : index
    %get3A_0 = arith.constant 0 : index
    %get3A_1 = vector.load %arg1[%get3A, %get3A_0] : memref<3x1024xf32, #tpu.memory_space<vmem>>, vector<3x1024xf32>
    %slice3A = vector.extract_strided_slice %get3A_1 {offsets = [0, 0], sizes = [1, 1024], strides = [1, 1]} : vector<3x1024xf32> to vector<1x1024xf32>
    %slice3A_2 = vector.extract_strided_slice %get3A_1 {offsets = [1, 0], sizes = [1, 1024], strides = [1, 1]} : vector<3x1024xf32> to vector<1x1024xf32>
    %slice3A_3 = vector.extract_strided_slice %get3A_1 {offsets = [2, 0], sizes = [1, 1024], strides = [1, 1]} : vector<3x1024xf32> to vector<1x1024xf32>
    %mul3A = arith.mulf %slice3A, %slice3A : vector<1x1024xf32>
    %mul3A_4 = arith.mulf %slice3A_2, %slice3A_2 : vector<1x1024xf32>
    %add3A = arith.addf %mul3A, %mul3A_4 : vector<1x1024xf32>
    %mul3A_5 = arith.mulf %slice3A_3, %slice3A_3 : vector<1x1024xf32>
    %add3A_6 = arith.addf %add3A, %mul3A_5 : vector<1x1024xf32>
    %sqrt3A = math.sqrt %add3A_6 : vector<1x1024xf32>
    %add3A_7 = arith.constant 9.99999993E-9 : f32
    %add3A_8 = vector.broadcast %add3A_7 : f32 to vector<1x1024xf32>
    %add3A_9 = arith.addf %sqrt3A, %add3A_8 : vector<1x1024xf32>
    %div3A = arith.constant 1.000000e+00 : f32
    %div3A_10 = vector.broadcast %div3A : f32 to vector<1x1024xf32>
    %div3A_11 = arith.divf %div3A_10, %add3A_9 : vector<1x1024xf32>
    %mul3A_12 = arith.mulf %slice3A, %div3A_11 : vector<1x1024xf32>
    %mul3A_13 = arith.mulf %slice3A_2, %div3A_11 : vector<1x1024xf32>
    %mul3A_14 = arith.mulf %slice3A_3, %div3A_11 : vector<1x1024xf32>
    %broadcast_in_dim3A = arith.constant 1.000000e+00 : f32
    %broadcast_in_dim3A_15 = vector.broadcast %broadcast_in_dim3A : f32 to vector<1x1024xf32>
    %mul3A_16 = arith.constant 1.73205078 : f32
    %mul3A_17 = vector.broadcast %mul3A_16 : f32 to vector<1x1024xf32>
    %mul3A_18 = arith.mulf %mul3A_17, %mul3A_12 : vector<1x1024xf32>
    %mul3A_19 = arith.mulf %mul3A_18, %mul3A_13 : vector<1x1024xf32>
    %mul3A_20 = arith.constant 1.73205078 : f32
    %mul3A_21 = vector.broadcast %mul3A_20 : f32 to vector<1x1024xf32>
    %mul3A_22 = arith.mulf %mul3A_21, %mul3A_13 : vector<1x1024xf32>
    %mul3A_23 = arith.mulf %mul3A_22, %mul3A_14 : vector<1x1024xf32>
    %mul3A_24 = arith.constant 3.000000e+00 : f32
    %mul3A_25 = vector.broadcast %mul3A_24 : f32 to vector<1x1024xf32>
    %mul3A_26 = arith.mulf %mul3A_25, %mul3A_14 : vector<1x1024xf32>
    %mul3A_27 = arith.mulf %mul3A_26, %mul3A_14 : vector<1x1024xf32>
    %sub3A = arith.constant 1.000000e+00 : f32
    %sub3A_28 = vector.broadcast %sub3A : f32 to vector<1x1024xf32>
    %sub3A_29 = arith.subf %mul3A_27, %sub3A_28 : vector<1x1024xf32>
    %mul3A_30 = arith.constant 5.000000e-01 : f32
    %mul3A_31 = vector.broadcast %mul3A_30 : f32 to vector<1x1024xf32>
    %mul3A_32 = arith.mulf %mul3A_31, %sub3A_29 : vector<1x1024xf32>
    %mul3A_33 = arith.constant 1.73205078 : f32
    %mul3A_34 = vector.broadcast %mul3A_33 : f32 to vector<1x1024xf32>
    %mul3A_35 = arith.mulf %mul3A_34, %mul3A_12 : vector<1x1024xf32>
    %mul3A_36 = arith.mulf %mul3A_35, %mul3A_14 : vector<1x1024xf32>
    %mul3A_37 = arith.mulf %mul3A_12, %mul3A_12 : vector<1x1024xf32>
    %mul3A_38 = arith.mulf %mul3A_13, %mul3A_13 : vector<1x1024xf32>
    %sub3A_39 = arith.subf %mul3A_37, %mul3A_38 : vector<1x1024xf32>
    %mul3A_40 = arith.constant 0.866025388 : f32
    %mul3A_41 = vector.broadcast %mul3A_40 : f32 to vector<1x1024xf32>
    %mul3A_42 = arith.mulf %mul3A_41, %sub3A_39 : vector<1x1024xf32>
    %get3A_43 = arith.constant 0 : index
    %get3A_44 = arith.constant 0 : index
    %get3A_45 = vector.load %arg2[%get3A_43, %get3A_44] : memref<16x1xf32, #tpu.memory_space<vmem>>, vector<16x1xf32>
    %sub3A_46 = vector.broadcast %sqrt3A : vector<1x1024xf32> to vector<16x1024xf32>
    %sub3A_47 = vector.broadcast %get3A_45 : vector<16x1xf32> to vector<16x1024xf32>
    %sub3A_48 = arith.subf %sub3A_46, %sub3A_47 : vector<16x1024xf32>
    %mul3A_49 = arith.mulf %sub3A_48, %sub3A_48 : vector<16x1024xf32>
    %neg3A = arith.constant 0.000000e+00 : f32
    %neg3A_50 = vector.broadcast %neg3A : f32 to vector<16x1024xf32>
    %neg3A_51 = arith.subf %neg3A_50, %mul3A_49 : vector<16x1024xf32>
    %mul3A_52 = arith.constant 3.55555558 : f32
    %mul3A_53 = vector.broadcast %mul3A_52 : f32 to vector<16x1024xf32>
    %mul3A_54 = arith.mulf %neg3A_51, %mul3A_53 : vector<16x1024xf32>
    %exp3A = math.exp %mul3A_54 : vector<16x1024xf32>
    %mul3A_55 = vector.broadcast %broadcast_in_dim3A_15 : vector<1x1024xf32> to vector<16x1024xf32>
    %mul3A_56 = arith.mulf %mul3A_55, %exp3A : vector<16x1024xf32>
    %mul3A_57 = vector.broadcast %mul3A_12 : vector<1x1024xf32> to vector<16x1024xf32>
    %mul3A_58 = arith.mulf %mul3A_57, %exp3A : vector<16x1024xf32>
    %mul3A_59 = vector.broadcast %mul3A_13 : vector<1x1024xf32> to vector<16x1024xf32>
    %mul3A_60 = arith.mulf %mul3A_59, %exp3A : vector<16x1024xf32>
    %mul3A_61 = vector.broadcast %mul3A_14 : vector<1x1024xf32> to vector<16x1024xf32>
    %mul3A_62 = arith.mulf %mul3A_61, %exp3A : vector<16x1024xf32>
    %mul3A_63 = vector.broadcast %mul3A_19 : vector<1x1024xf32> to vector<16x1024xf32>
    %mul3A_64 = arith.mulf %mul3A_63, %exp3A : vector<16x1024xf32>
    %mul3A_65 = vector.broadcast %mul3A_23 : vector<1x1024xf32> to vector<16x1024xf32>
    %mul3A_66 = arith.mulf %mul3A_65, %exp3A : vector<16x1024xf32>
    %mul3A_67 = vector.broadcast %mul3A_32 : vector<1x1024xf32> to vector<16x1024xf32>
    %mul3A_68 = arith.mulf %mul3A_67, %exp3A : vector<16x1024xf32>
    %mul3A_69 = vector.broadcast %mul3A_36 : vector<1x1024xf32> to vector<16x1024xf32>
    %mul3A_70 = arith.mulf %mul3A_69, %exp3A : vector<16x1024xf32>
    %mul3A_71 = vector.broadcast %mul3A_42 : vector<1x1024xf32> to vector<16x1024xf32>
    %mul3A_72 = arith.mulf %mul3A_71, %exp3A : vector<16x1024xf32>
    %concatenate3A = tpu.concatenate %mul3A_56, %mul3A_58, %mul3A_60, %mul3A_62, %mul3A_64, %mul3A_66, %mul3A_68, %mul3A_70, %mul3A_72 in 0 : vector<16x1024xf32>, vector<16x1024xf32>, vector<16x1024xf32>, vector<16x1024xf32>, vector<16x1024xf32>, vector<16x1024xf32>, vector<16x1024xf32>, vector<16x1024xf32>, vector<16x1024xf32> -> vector<144x1024xf32>
    %get3A_73 = arith.constant 0 : index
    %get3A_74 = arith.constant 0 : index
    %get3A_75 = vector.load %arg3[%get3A_73, %get3A_74] : memref<144x144xf32, #tpu.memory_space<vmem>>, vector<144x144xf32>
    %dot_general3A = arith.constant dense<0.000000e+00> : vector<1024x144xf32>
    %dot_general3A_76 = tpu.matmul %concatenate3A, %get3A_75, %dot_general3A {dimension_numbers = #tpu.dot_dimension_numbers<[0], [0], [1], [1], [0, 1, 1, 1], [], []>, transpose_lhs_hint = false} : vector<144x1024xf32>, vector<144x144xf32>, vector<1024x144xf32> -> vector<1024x144xf32>
    %get3A_77 = arith.constant 0 : index
    %get3A_78 = arith.constant 0 : index
    %get3A_79 = vector.load %arg6[%get3A_77, %get3A_78] : memref<3x144xf32, #tpu.memory_space<vmem>>, vector<1x144xf32>
    %add3A_80 = vector.broadcast %get3A_79 : vector<1x144xf32> to vector<1024x144xf32>
    %add3A_81 = arith.addf %dot_general3A_76, %add3A_80 : vector<1024x144xf32>
    %swap3A = arith.constant 0 : index
    %swap3A_82 = arith.constant 0 : index
    %swap3A_83 = vector.load %arg7[%swap3A, %swap3A_82] : memref<1024x144xf32, #tpu.memory_space<vmem>>, vector<1024x144xf32>
    tpu.vector_store %arg7[%swap3A, %swap3A_82], %add3A_81 {strides = array<i32>} : memref<1024x144xf32, #tpu.memory_space<vmem>>, vector<1024x144xf32>,
    %get3A_84 = arith.constant 0 : index
    %get3A_85 = arith.constant 0 : index
    %get3A_86 = vector.load %arg4[%get3A_84, %get3A_85] : memref<144x144xf32, #tpu.memory_space<vmem>>, vector<144x144xf32>
    %dot_general3A_87 = arith.constant dense<0.000000e+00> : vector<1024x144xf32>
    %dot_general3A_88 = tpu.matmul %concatenate3A, %get3A_86, %dot_general3A_87 {dimension_numbers = #tpu.dot_dimension_numbers<[0], [0], [1], [1], [0, 1, 1, 1], [], []>, transpose_lhs_hint = false} : vector<144x1024xf32>, vector<144x144xf32>, vector<1024x144xf32> -> vector<1024x144xf32>
    %get3A_89 = arith.constant 1 : index
    %get3A_90 = arith.constant 0 : index
    %get3A_91 = vector.load %arg6[%get3A_89, %get3A_90] : memref<3x144xf32, #tpu.memory_space<vmem>>, vector<1x144xf32>
    %add3A_92 = vector.broadcast %get3A_91 : vector<1x144xf32> to vector<1024x144xf32>
    %add3A_93 = arith.addf %dot_general3A_88, %add3A_92 : vector<1024x144xf32>
    %swap3A_94 = arith.constant 0 : index
    %swap3A_95 = arith.constant 0 : index
    %swap3A_96 = vector.load %arg8[%swap3A_94, %swap3A_95] : memref<1024x144xf32, #tpu.memory_space<vmem>>, vector<1024x144xf32>
    tpu.vector_store %arg8[%swap3A_94, %swap3A_95], %add3A_93 {strides = array<i32>} : memref<1024x144xf32, #tpu.memory_space<vmem>>, vector<1024x144xf32>,
    %get3A_97 = arith.constant 0 : index
    %get3A_98 = arith.constant 0 : index
    %get3A_99 = vector.load %arg5[%get3A_97, %get3A_98] : memref<144x144xf32, #tpu.memory_space<vmem>>, vector<144x144xf32>
    %dot_general3A_100 = arith.constant dense<0.000000e+00> : vector<1024x144xf32>
    %dot_general3A_101 = tpu.matmul %concatenate3A, %get3A_99, %dot_general3A_100 {dimension_numbers = #tpu.dot_dimension_numbers<[0], [0], [1], [1], [0, 1, 1, 1], [], []>, transpose_lhs_hint = false} : vector<144x1024xf32>, vector<144x144xf32>, vector<1024x144xf32> -> vector<1024x144xf32>
    %get3A_102 = arith.constant 2 : index
    %get3A_103 = arith.constant 0 : index
    %get3A_104 = vector.load %arg6[%get3A_102, %get3A_103] : memref<3x144xf32, #tpu.memory_space<vmem>>, vector<1x144xf32>
    %add3A_105 = vector.broadcast %get3A_104 : vector<1x144xf32> to vector<1024x144xf32>
    %add3A_106 = arith.addf %dot_general3A_101, %add3A_105 : vector<1024x144xf32>
    %swap3A_107 = arith.constant 0 : index
    %swap3A_108 = arith.constant 0 : index
    %swap3A_109 = vector.load %arg9[%swap3A_107, %swap3A_108] : memref<1024x144xf32, #tpu.memory_space<vmem>>, vector<1024x144xf32>
    tpu.vector_store %arg9[%swap3A_107, %swap3A_108], %add3A_106 {strides = array<i32>} : memref<1024x144xf32, #tpu.memory_space<vmem>>, vector<1024x144xf32>,
    return
  }
  func.func @transform_0(%arg0: i32) -> (i32, i32) {
    %c0_i32 = arith.constant 0 : i32
    %c0_i32_0 = arith.constant 0 : i32
    return %c0_i32, %arg0 : i32, i32
  }
  func.func @transform_1(%arg0: i32) -> (i32, i32) {
    %c0_i32 = arith.constant 0 : i32
    %c0_i32_0 = arith.constant 0 : i32
    %c0_i32_1 = arith.constant 0 : i32
    return %c0_i32, %c0_i32_0 : i32, i32
  }
  func.func @transform_2(%arg0: i32) -> (i32, i32) {
    %c0_i32 = arith.constant 0 : i32
    %c0_i32_0 = arith.constant 0 : i32
    %c0_i32_1 = arith.constant 0 : i32
    return %c0_i32, %c0_i32_0 : i32, i32
  }
  func.func @transform_3(%arg0: i32) -> (i32, i32) {
    %c0_i32 = arith.constant 0 : i32
    %c0_i32_0 = arith.constant 0 : i32
    %c0_i32_1 = arith.constant 0 : i32
    return %c0_i32, %c0_i32_0 : i32, i32
  }
  func.func @transform_4(%arg0: i32) -> (i32, i32) {
    %c0_i32 = arith.constant 0 : i32
    %c0_i32_0 = arith.constant 0 : i32
    %c0_i32_1 = arith.constant 0 : i32
    return %c0_i32, %c0_i32_0 : i32, i32
  }
  func.func @transform_5(%arg0: i32) -> (i32, i32) {
    %c0_i32 = arith.constant 0 : i32
    %c0_i32_0 = arith.constant 0 : i32
    %c0_i32_1 = arith.constant 0 : i32
    return %c0_i32, %c0_i32_0 : i32, i32
  }
  func.func @transform_6(%arg0: i32) -> (i32, i32) {
    %c0_i32 = arith.constant 0 : i32
    %c0_i32_0 = arith.constant 0 : i32
    return %arg0, %c0_i32 : i32, i32
  }
  func.func @transform_7(%arg0: i32) -> (i32, i32) {
    %c0_i32 = arith.constant 0 : i32
    %c0_i32_0 = arith.constant 0 : i32
    return %arg0, %c0_i32 : i32, i32
  }
  func.func @transform_8(%arg0: i32) -> (i32, i32) {
    %c0_i32 = arith.constant 0 : i32
    %c0_i32_0 = arith.constant 0 : i32
    return %arg0, %c0_i32 : i32, i32
  }
}

module attributes {stable_mosaic.version = 14 : i64} {
  func.func @_merge_body(%arg0: i32, %arg1: memref<640x144xf32, #tpu.memory_space<vmem>>, %arg2: memref<2x640x144xf32, #tpu.memory_space<vmem>>, %arg3: memref<640x144xf32, #tpu.memory_space<vmem>>) attributes {dimension_semantics = [#tpu.dimension_semantics<arbitrary>], iteration_bounds = array<i64: 16>, scalar_prefetch = 0 : i64, scratch_operands = 0 : i64, tpu.core_type = #tpu.core_type<tc>, window_params = [{transform_indices = @transform_0, window_bounds = array<i64: 640, 144>}, {transform_indices = @transform_1, window_bounds = array<i64: 2, 640, 144>}, {transform_indices = @transform_2, window_bounds = array<i64: 640, 144>}]} {
    %get3A = arith.constant 0 : index
    %get3A_0 = arith.constant 0 : index
    %get3A_1 = vector.load %arg1[%get3A, %get3A_0] : memref<640x144xf32, #tpu.memory_space<vmem>>, vector<640x144xf32>
    %get3A_2 = arith.constant 0 : index
    %get3A_3 = arith.constant 0 : index
    %get3A_4 = arith.constant 0 : index
    %get3A_5 = vector.load %arg2[%get3A_2, %get3A_3, %get3A_4] : memref<2x640x144xf32, #tpu.memory_space<vmem>>, vector<1x640x144xf32>
    %get3A_6 = vector.shape_cast %get3A_5 : vector<1x640x144xf32> to vector<640x144xf32>
    %add3A = arith.addf %get3A_1, %get3A_6 : vector<640x144xf32>
    %get3A_7 = arith.constant 1 : index
    %get3A_8 = arith.constant 0 : index
    %get3A_9 = arith.constant 0 : index
    %get3A_10 = vector.load %arg2[%get3A_7, %get3A_8, %get3A_9] : memref<2x640x144xf32, #tpu.memory_space<vmem>>, vector<1x640x144xf32>
    %get3A_11 = vector.shape_cast %get3A_10 : vector<1x640x144xf32> to vector<640x144xf32>
    %add3A_12 = arith.addf %add3A, %get3A_11 : vector<640x144xf32>
    %swap3A = arith.constant 0 : index
    %swap3A_13 = arith.constant 0 : index
    %swap3A_14 = vector.load %arg3[%swap3A, %swap3A_13] : memref<640x144xf32, #tpu.memory_space<vmem>>, vector<640x144xf32>
    tpu.vector_store %arg3[%swap3A, %swap3A_13], %add3A_12 {strides = array<i32>} : memref<640x144xf32, #tpu.memory_space<vmem>>, vector<640x144xf32>,
    return
  }
  func.func @transform_0(%arg0: i32) -> (i32, i32) {
    %c0_i32 = arith.constant 0 : i32
    %c0_i32_0 = arith.constant 0 : i32
    return %arg0, %c0_i32 : i32, i32
  }
  func.func @transform_1(%arg0: i32) -> (i32, i32, i32) {
    %c0_i32 = arith.constant 0 : i32
    %c0_i32_0 = arith.constant 0 : i32
    %c0_i32_1 = arith.constant 0 : i32
    return %c0_i32, %arg0, %c0_i32_0 : i32, i32, i32
  }
  func.func @transform_2(%arg0: i32) -> (i32, i32) {
    %c0_i32 = arith.constant 0 : i32
    %c0_i32_0 = arith.constant 0 : i32
    return %arg0, %c0_i32 : i32, i32
  }
}

module attributes {stable_mosaic.version = 14 : i64} {
  func.func @_tail_body(%arg0: i32, %arg1: memref<1000x144xf32, #tpu.memory_space<vmem>>, %arg2: memref<144x144xf32, #tpu.memory_space<vmem>>, %arg3: memref<1x144xf32, #tpu.memory_space<vmem>>, %arg4: memref<144x144xf32, #tpu.memory_space<vmem>>, %arg5: memref<1x144xf32, #tpu.memory_space<vmem>>, %arg6: memref<144x16xf32, #tpu.memory_space<vmem>>, %arg7: memref<1x16xf32, #tpu.memory_space<vmem>>, %arg8: memref<1000x16xf32, #tpu.memory_space<vmem>>) attributes {dimension_semantics = [#tpu.dimension_semantics<arbitrary>], iteration_bounds = array<i64: 150>, scalar_prefetch = 0 : i64, scratch_operands = 0 : i64, tpu.core_type = #tpu.core_type<tc>, window_params = [{transform_indices = @transform_0, window_bounds = array<i64: 1000, 144>}, {pipeline_mode = #tpu.pipeline_mode<synchronous>, transform_indices = @transform_1, window_bounds = array<i64: 144, 144>}, {pipeline_mode = #tpu.pipeline_mode<synchronous>, transform_indices = @transform_2, window_bounds = array<i64: 1, 144>}, {pipeline_mode = #tpu.pipeline_mode<synchronous>, transform_indices = @transform_3, window_bounds = array<i64: 144, 144>}, {pipeline_mode = #tpu.pipeline_mode<synchronous>, transform_indices = @transform_4, window_bounds = array<i64: 1, 144>}, {pipeline_mode = #tpu.pipeline_mode<synchronous>, transform_indices = @transform_5, window_bounds = array<i64: 144, 16>}, {pipeline_mode = #tpu.pipeline_mode<synchronous>, transform_indices = @transform_6, window_bounds = array<i64: 1, 16>}, {transform_indices = @transform_7, window_bounds = array<i64: 1000, 16>}]} {
    %get3A = arith.constant 0 : index
    %get3A_0 = arith.constant 0 : index
    %get3A_1 = vector.load %arg1[%get3A, %get3A_0] : memref<1000x144xf32, #tpu.memory_space<vmem>>, vector<1000x144xf32>
    %get3A_2 = arith.constant 0 : index
    %get3A_3 = arith.constant 0 : index
    %get3A_4 = vector.load %arg2[%get3A_2, %get3A_3] : memref<144x144xf32, #tpu.memory_space<vmem>>, vector<144x144xf32>
    %dot_general3A = arith.constant dense<0.000000e+00> : vector<1000x144xf32>
    %dot_general3A_5 = tpu.matmul %get3A_1, %get3A_4, %dot_general3A {dimension_numbers = #tpu.dot_dimension_numbers<[1], [0], [0], [1], [0, 0, 1, 1], [], []>, transpose_lhs_hint = false} : vector<1000x144xf32>, vector<144x144xf32>, vector<1000x144xf32> -> vector<1000x144xf32>
    %get3A_6 = arith.constant 0 : index
    %get3A_7 = arith.constant 0 : index
    %get3A_8 = vector.load %arg3[%get3A_6, %get3A_7] : memref<1x144xf32, #tpu.memory_space<vmem>>, vector<1x144xf32>
    %add3A = vector.broadcast %get3A_8 : vector<1x144xf32> to vector<1000x144xf32>
    %add3A_9 = arith.addf %dot_general3A_5, %add3A : vector<1000x144xf32>
    %get3A_10 = arith.constant 0 : index
    %get3A_11 = arith.constant 0 : index
    %get3A_12 = vector.load %arg4[%get3A_10, %get3A_11] : memref<144x144xf32, #tpu.memory_space<vmem>>, vector<144x144xf32>
    %dot_general3A_13 = arith.constant dense<0.000000e+00> : vector<1000x144xf32>
    %dot_general3A_14 = tpu.matmul %add3A_9, %get3A_12, %dot_general3A_13 {dimension_numbers = #tpu.dot_dimension_numbers<[1], [0], [0], [1], [0, 0, 1, 1], [], []>, transpose_lhs_hint = false} : vector<1000x144xf32>, vector<144x144xf32>, vector<1000x144xf32> -> vector<1000x144xf32>
    %get3A_15 = arith.constant 0 : index
    %get3A_16 = arith.constant 0 : index
    %get3A_17 = vector.load %arg5[%get3A_15, %get3A_16] : memref<1x144xf32, #tpu.memory_space<vmem>>, vector<1x144xf32>
    %add3A_18 = vector.broadcast %get3A_17 : vector<1x144xf32> to vector<1000x144xf32>
    %add3A_19 = arith.addf %dot_general3A_14, %add3A_18 : vector<1000x144xf32>
    %slice3A = vector.extract_strided_slice %add3A_19 {offsets = [0, 0], sizes = [1000, 16], strides = [1, 1]} : vector<1000x144xf32> to vector<1000x16xf32>
    %gt3A = arith.constant 0.000000e+00 : f32
    %gt3A_20 = vector.broadcast %gt3A : f32 to vector<1000x16xf32>
    %gt3A_21 = arith.cmpf ogt, %slice3A, %gt3A_20 : vector<1000x16xf32>
    %convert_element_type3A = arith.extui %gt3A_21 : vector<1000x16xi1> to vector<1000x16xi32>
    %convert_element_type3A_22 = arith.sitofp %convert_element_type3A : vector<1000x16xi32> to vector<1000x16xf32>
    %tile3A = tpu.concatenate %convert_element_type3A_22, %convert_element_type3A_22, %convert_element_type3A_22, %convert_element_type3A_22, %convert_element_type3A_22, %convert_element_type3A_22, %convert_element_type3A_22, %convert_element_type3A_22, %convert_element_type3A_22 in 1 : vector<1000x16xf32>, vector<1000x16xf32>, vector<1000x16xf32>, vector<1000x16xf32>, vector<1000x16xf32>, vector<1000x16xf32>, vector<1000x16xf32>, vector<1000x16xf32>, vector<1000x16xf32> -> vector<1000x144xf32>
    %mul3A = arith.mulf %add3A_19, %tile3A : vector<1000x144xf32>
    %get3A_23 = arith.constant 0 : index
    %get3A_24 = arith.constant 0 : index
    %get3A_25 = vector.load %arg6[%get3A_23, %get3A_24] : memref<144x16xf32, #tpu.memory_space<vmem>>, vector<144x16xf32>
    %dot_general3A_26 = arith.constant dense<0.000000e+00> : vector<1000x16xf32>
    %dot_general3A_27 = tpu.matmul %mul3A, %get3A_25, %dot_general3A_26 {dimension_numbers = #tpu.dot_dimension_numbers<[1], [0], [0], [1], [0, 0, 1, 1], [], []>, transpose_lhs_hint = false} : vector<1000x144xf32>, vector<144x16xf32>, vector<1000x16xf32> -> vector<1000x16xf32>
    %get3A_28 = arith.constant 0 : index
    %get3A_29 = arith.constant 0 : index
    %get3A_30 = vector.load %arg7[%get3A_28, %get3A_29] : memref<1x16xf32, #tpu.memory_space<vmem>>, vector<1x16xf32>
    %add3A_31 = vector.broadcast %get3A_30 : vector<1x16xf32> to vector<1000x16xf32>
    %add3A_32 = arith.addf %dot_general3A_27, %add3A_31 : vector<1000x16xf32>
    %swap3A = arith.constant 0 : index
    %swap3A_33 = arith.constant 0 : index
    %swap3A_34 = vector.load %arg8[%swap3A, %swap3A_33] : memref<1000x16xf32, #tpu.memory_space<vmem>>, vector<1000x16xf32>
    tpu.vector_store %arg8[%swap3A, %swap3A_33], %add3A_32 {strides = array<i32>} : memref<1000x16xf32, #tpu.memory_space<vmem>>, vector<1000x16xf32>,
    return
  }
  func.func @transform_0(%arg0: i32) -> (i32, i32) {
    %add3A = arith.constant 10 : i32
    %add3A_0 = arith.addi %arg0, %add3A : i32
    %c0_i32 = arith.constant 0 : i32
    %c0_i32_1 = arith.constant 0 : i32
    return %add3A_0, %c0_i32 : i32, i32
  }
  func.func @transform_1(%arg0: i32) -> (i32, i32) {
    %c0_i32 = arith.constant 0 : i32
    %c0_i32_0 = arith.constant 0 : i32
    %c0_i32_1 = arith.constant 0 : i32
    return %c0_i32, %c0_i32_0 : i32, i32
  }
  func.func @transform_2(%arg0: i32) -> (i32, i32) {
    %c0_i32 = arith.constant 0 : i32
    %c0_i32_0 = arith.constant 0 : i32
    %c0_i32_1 = arith.constant 0 : i32
    return %c0_i32, %c0_i32_0 : i32, i32
  }
  func.func @transform_3(%arg0: i32) -> (i32, i32) {
    %c0_i32 = arith.constant 0 : i32
    %c0_i32_0 = arith.constant 0 : i32
    %c0_i32_1 = arith.constant 0 : i32
    return %c0_i32, %c0_i32_0 : i32, i32
  }
  func.func @transform_4(%arg0: i32) -> (i32, i32) {
    %c0_i32 = arith.constant 0 : i32
    %c0_i32_0 = arith.constant 0 : i32
    %c0_i32_1 = arith.constant 0 : i32
    return %c0_i32, %c0_i32_0 : i32, i32
  }
  func.func @transform_5(%arg0: i32) -> (i32, i32) {
    %c0_i32 = arith.constant 0 : i32
    %c0_i32_0 = arith.constant 0 : i32
    %c0_i32_1 = arith.constant 0 : i32
    return %c0_i32, %c0_i32_0 : i32, i32
  }
  func.func @transform_6(%arg0: i32) -> (i32, i32) {
    %c0_i32 = arith.constant 0 : i32
    %c0_i32_0 = arith.constant 0 : i32
    %c0_i32_1 = arith.constant 0 : i32
    return %c0_i32, %c0_i32_0 : i32, i32
  }
  func.func @transform_7(%arg0: i32) -> (i32, i32) {
    %c0_i32 = arith.constant 0 : i32
    %c0_i32_0 = arith.constant 0 : i32
    return %arg0, %c0_i32 : i32, i32
  }
}

module attributes {stable_mosaic.version = 14 : i64} {
  func.func @_head_body(%arg0: i32, %arg1: memref<640x144xf32, #tpu.memory_space<vmem>>, %arg2: memref<144x144xf32, #tpu.memory_space<vmem>>, %arg3: memref<1x144xf32, #tpu.memory_space<vmem>>, %arg4: memref<144x16xf32, #tpu.memory_space<vmem>>, %arg5: memref<1x16xf32, #tpu.memory_space<vmem>>, %arg6: memref<640x16xf32, #tpu.memory_space<vmem>>) attributes {dimension_semantics = [#tpu.dimension_semantics<arbitrary>], iteration_bounds = array<i64: 16>, scalar_prefetch = 0 : i64, scratch_operands = 0 : i64, tpu.core_type = #tpu.core_type<tc>, window_params = [{transform_indices = @transform_0, window_bounds = array<i64: 640, 144>}, {pipeline_mode = #tpu.pipeline_mode<synchronous>, transform_indices = @transform_1, window_bounds = array<i64: 144, 144>}, {pipeline_mode = #tpu.pipeline_mode<synchronous>, transform_indices = @transform_2, window_bounds = array<i64: 1, 144>}, {pipeline_mode = #tpu.pipeline_mode<synchronous>, transform_indices = @transform_3, window_bounds = array<i64: 144, 16>}, {pipeline_mode = #tpu.pipeline_mode<synchronous>, transform_indices = @transform_4, window_bounds = array<i64: 1, 16>}, {transform_indices = @transform_5, window_bounds = array<i64: 640, 16>}]} {
    %get3A = arith.constant 0 : index
    %get3A_0 = arith.constant 0 : index
    %get3A_1 = vector.load %arg1[%get3A, %get3A_0] : memref<640x144xf32, #tpu.memory_space<vmem>>, vector<640x144xf32>
    %get3A_2 = arith.constant 0 : index
    %get3A_3 = arith.constant 0 : index
    %get3A_4 = vector.load %arg2[%get3A_2, %get3A_3] : memref<144x144xf32, #tpu.memory_space<vmem>>, vector<144x144xf32>
    %dot_general3A = arith.constant dense<0.000000e+00> : vector<640x144xf32>
    %dot_general3A_5 = tpu.matmul %get3A_1, %get3A_4, %dot_general3A {dimension_numbers = #tpu.dot_dimension_numbers<[1], [0], [0], [1], [0, 0, 1, 1], [], []>, transpose_lhs_hint = false} : vector<640x144xf32>, vector<144x144xf32>, vector<640x144xf32> -> vector<640x144xf32>
    %get3A_6 = arith.constant 0 : index
    %get3A_7 = arith.constant 0 : index
    %get3A_8 = vector.load %arg3[%get3A_6, %get3A_7] : memref<1x144xf32, #tpu.memory_space<vmem>>, vector<1x144xf32>
    %add3A = vector.broadcast %get3A_8 : vector<1x144xf32> to vector<640x144xf32>
    %add3A_9 = arith.addf %dot_general3A_5, %add3A : vector<640x144xf32>
    %slice3A = vector.extract_strided_slice %add3A_9 {offsets = [0, 0], sizes = [640, 16], strides = [1, 1]} : vector<640x144xf32> to vector<640x16xf32>
    %gt3A = arith.constant 0.000000e+00 : f32
    %gt3A_10 = vector.broadcast %gt3A : f32 to vector<640x16xf32>
    %gt3A_11 = arith.cmpf ogt, %slice3A, %gt3A_10 : vector<640x16xf32>
    %convert_element_type3A = arith.extui %gt3A_11 : vector<640x16xi1> to vector<640x16xi32>
    %convert_element_type3A_12 = arith.sitofp %convert_element_type3A : vector<640x16xi32> to vector<640x16xf32>
    %tile3A = tpu.concatenate %convert_element_type3A_12, %convert_element_type3A_12, %convert_element_type3A_12, %convert_element_type3A_12, %convert_element_type3A_12, %convert_element_type3A_12, %convert_element_type3A_12, %convert_element_type3A_12, %convert_element_type3A_12 in 1 : vector<640x16xf32>, vector<640x16xf32>, vector<640x16xf32>, vector<640x16xf32>, vector<640x16xf32>, vector<640x16xf32>, vector<640x16xf32>, vector<640x16xf32>, vector<640x16xf32> -> vector<640x144xf32>
    %mul3A = arith.mulf %add3A_9, %tile3A : vector<640x144xf32>
    %get3A_13 = arith.constant 0 : index
    %get3A_14 = arith.constant 0 : index
    %get3A_15 = vector.load %arg4[%get3A_13, %get3A_14] : memref<144x16xf32, #tpu.memory_space<vmem>>, vector<144x16xf32>
    %dot_general3A_16 = arith.constant dense<0.000000e+00> : vector<640x16xf32>
    %dot_general3A_17 = tpu.matmul %mul3A, %get3A_15, %dot_general3A_16 {dimension_numbers = #tpu.dot_dimension_numbers<[1], [0], [0], [1], [0, 0, 1, 1], [], []>, transpose_lhs_hint = false} : vector<640x144xf32>, vector<144x16xf32>, vector<640x16xf32> -> vector<640x16xf32>
    %get3A_18 = arith.constant 0 : index
    %get3A_19 = arith.constant 0 : index
    %get3A_20 = vector.load %arg5[%get3A_18, %get3A_19] : memref<1x16xf32, #tpu.memory_space<vmem>>, vector<1x16xf32>
    %add3A_21 = vector.broadcast %get3A_20 : vector<1x16xf32> to vector<640x16xf32>
    %add3A_22 = arith.addf %dot_general3A_17, %add3A_21 : vector<640x16xf32>
    %swap3A = arith.constant 0 : index
    %swap3A_23 = arith.constant 0 : index
    %swap3A_24 = vector.load %arg6[%swap3A, %swap3A_23] : memref<640x16xf32, #tpu.memory_space<vmem>>, vector<640x16xf32>
    tpu.vector_store %arg6[%swap3A, %swap3A_23], %add3A_22 {strides = array<i32>} : memref<640x16xf32, #tpu.memory_space<vmem>>, vector<640x16xf32>,
    return
  }
  func.func @transform_0(%arg0: i32) -> (i32, i32) {
    %c0_i32 = arith.constant 0 : i32
    %c0_i32_0 = arith.constant 0 : i32
    return %arg0, %c0_i32 : i32, i32
  }
  func.func @transform_1(%arg0: i32) -> (i32, i32) {
    %c0_i32 = arith.constant 0 : i32
    %c0_i32_0 = arith.constant 0 : i32
    %c0_i32_1 = arith.constant 0 : i32
    return %c0_i32, %c0_i32_0 : i32, i32
  }
  func.func @transform_2(%arg0: i32) -> (i32, i32) {
    %c0_i32 = arith.constant 0 : i32
    %c0_i32_0 = arith.constant 0 : i32
    %c0_i32_1 = arith.constant 0 : i32
    return %c0_i32, %c0_i32_0 : i32, i32
  }
  func.func @transform_3(%arg0: i32) -> (i32, i32) {
    %c0_i32 = arith.constant 0 : i32
    %c0_i32_0 = arith.constant 0 : i32
    %c0_i32_1 = arith.constant 0 : i32
    return %c0_i32, %c0_i32_0 : i32, i32
  }
  func.func @transform_4(%arg0: i32) -> (i32, i32) {
    %c0_i32 = arith.constant 0 : i32
    %c0_i32_0 = arith.constant 0 : i32
    %c0_i32_1 = arith.constant 0 : i32
    return %c0_i32, %c0_i32_0 : i32, i32
  }
  func.func @transform_5(%arg0: i32) -> (i32, i32) {
    %c0_i32 = arith.constant 0 : i32
    %c0_i32_0 = arith.constant 0 : i32
    return %arg0, %c0_i32 : i32, i32
  }
}

</mosaic_0001>

<sc_bundles>
// kernel: kernel.13.cloned.1.call-start
scs
__scs_entry_jumppad:
0x0: {  	(pc) =	sbr.rel $0x88, $3  }
0x1: {  	(tag) =	ssettag $0x0;
	lr =	simm.s32 $0x1  }
0x2: {  	[smem:$0x3F95] =	sst lr;
	_ =	strace $0xD0000000  }
0x3: {  	_ = 	snop  }
0x4: {  	_ = 	snop  }
0x5: {  	_ = 	snop  }
0x6: {  	_ = 	snop  }
0x7: {  	_ = 	snop  }
__scs_overlays_trampoline_lowered:
0x8: {  	[smem:$0x3FA4] =	sst s0  }
0x9: {  	[smem:$0x3FA5] =	sst s1  }
0xa: {  	[smem:$0x3FA6] =	sst s2  }
0xb: {  	[smem:$0x3FA7] =	sst s3  }
0xc: {  	[smem:$0x3FA8] =	sst s4  }
0xd: {  	[smem:$0x3FA9] =	sst s5  }
0xe: {  	[smem:$0x3FAA] =	sst s6  }
0xf: {  	[smem:$0x3FAB] =	sst s7  }
0x10: {  	[smem:$0x3FAC] =	sst s8  }
0x11: {  	[smem:$0x3FAD] =	sst s9;
	s0 =	simm.s32 @!p0 $0x0  }
0x12: {  	s1 =	sld [smem:$0x3F93];
	s0 =	simm.s32 @p0 $0x1  }
0x13: {  	[smem:$0x3FAE] =	sst s0;
	s0 =	simm.s32 @!p1 $0x0  }
0x14: {  	s2 =	sld [smem:$0x3F92];
	s0 =	simm.s32 @p1 $0x1  }
0x15: {  	[smem:$0x3FAF] =	sst s0;
	s0 =	simm.s32 @!p2 $0x0  }
0x16: {  	s3 =	sld [smem:$0x3FDB];
	s0 =	simm.s32 @p2 $0x1  }
0x17: {  	s4 =	simm.s32 $0x1BF5;
	[smem:$0x3FB1] =	sst s0  }
0x18: {  	s0 =	sld [smem:$0x3F94];
	_ =	swait.ge [sflag:s4], $0x0  }
0x19: {  	s7 =	sld [smem:$0x3F95]  }
0x1a: {  	s8 =	sadd.s32 $0xFFFFE003, lr  }
0x1b: {  	s9 =	sadd.s32 $0xFFFFFEF7, lr;
	s5 =	simm.s32 $0xFFFFFFFF;
	p2 =	slt.u32 s8, $0xFFFFF086  }
0x1c: {  	p1 =	slt.u32 s9, $0xF7A;
	s5 =	simm.s32 @!p2 $0x0  }
0x1d: {  	s5 =	simm.s32 @p1 $0x1;
	p0 =	seq.s32 s7, s2  }
0x1e: {  	s7 =	smul.u32 @!p0 $0xF7A, s2;
	p2 =	seq.s32 @!p0 s5, $0x0  }
0x1f: {  	s9 =	smul.u32 $0xF7A, s1;
	s8 =	simm.s32 @!p0 $0x1BF5;
	p2 =	por !p2, p0  }
0x20: {  	[sflag:s8] =	ssyncset.s32 @!p0 $0xFFFFF086;
	s6 =	sadd.s32 @!p0 s3, s7;
	s7 =	simm.s32 @!p0 $0x108  }
0x21: {  	s3 =	sadd.s32 s3, s9;
	s6 =	sadd.s32 @!p0 $0x88, s6;
	s7 =	simm.s32 @p2 $0x1082  }
0x22: {  	[simem:s7], [sflag:s8] =	dma.local @!p0 [hbm:s6], $0xF7A  }
0x23: {  	s9 =	sor.u32 $0xD0000000, s2;
	s6 =	simm.s32 $0x108;
	_ =	swait.ge @!p0 [sflag:s8], $0x0  }
0x24: {  	s3 =	sadd.s32 $0x88, s3;
	s6 =	simm.s32 @!p1 $0x1082;
	[sflag:s4] =	ssyncset.s32 $0xFFFFF086  }
0x25: {  	[simem:s6], [sflag:s4] =	dma.local [hbm:s3], $0xF7A  }
0x26: {  	[smem:$0x3F95] =	sst s1;
	(tag) =	ssettag s2;
	_ =	strace s9  }
0x27: {  	s1 =	sld [smem:$0x3FA5]  }
0x28: {  	s2 =	sld [smem:$0x3FA6]  }
0x29: {  	s4 =	sld [smem:$0x3FA8]  }
0x2a: {  	p0 =	seq.s32 s5, $0x0;
	s5 =	sld [smem:$0x3FA9]  }
0x2b: {  	s6 =	sld [smem:$0x3FAA]  }
0x2c: {  	s7 =	sld [smem:$0x3FAB]  }
0x2d: {  	s3 =	simm.s32 $0x108;
	s8 =	sld [smem:$0x3FAC]  }
0x2e: {  	s3 =	simm.s32 @!p0 $0x1082;
	s9 =	sld [smem:$0x3FAD]  }
0x2f: {  	lr =	sadd.s32 s0, s3;
	s0 =	sld [smem:$0x3FA4]  }
0x30: {  	s3 =	sld [smem:$0x3FA7]  }
0x31: {  	[smem:$0x3FB0] =	sst s10  }
0x32: {  	s10 =	sld [smem:$0x3FAE];
	_ =	sdelay $0x3  }
0x33: {  	p0 =	seq.s32 s10, $0x1;
	s10 =	sld [smem:$0x3FB0];
	_ =	sdelay $0x3  }
0x34: {  	[smem:$0x3FB0] =	sst s10  }
0x35: {  	s10 =	sld [smem:$0x3FAF];
	_ =	sdelay $0x3  }
0x36: {  	p1 =	seq.s32 s10, $0x1;
	s10 =	sld [smem:$0x3FB0];
	_ =	sdelay $0x3  }
0x37: {  	[smem:$0x3FB0] =	sst s10  }
0x38: {  	s10 =	sld [smem:$0x3FB1]  }
0x39: {  	_ = 	snop;
	(pc) =	sbr.ind lr, $3  }
0x3a: {  	_ = 	snop  }
0x3b: {  	_ = 	snop  }
0x3c: {  	p2 =	seq.s32 s10, $0x1;
	s10 =	sld [smem:$0x3FB0]  }
0x3d: {  	_ =	shalt  }
0x3e: {  	_ =	shalt  }
0x3f: {  	_ =	shalt  }
0x40: {  	_ =	shalt  }
0x41: {  	_ =	shalt  }
0x42: {  	_ =	shalt  }
0x43: {  	_ =	shalt  }
0x44: {  	_ =	shalt  }
0x45: {  	_ =	shalt  }
0x46: {  	_ =	shalt  }
0x47: {  	_ =	shalt  }
0x48: {  	_ =	shalt  }
0x49: {  	_ =	shalt  }
0x4a: {  	_ =	shalt  }
0x4b: {  	_ =	shalt  }
0x4c: {  	_ =	shalt  }
0x4d: {  	_ =	shalt  }
0x4e: {  	_ =	shalt  }
0x4f: {  	_ =	shalt  }
0x50: {  	_ =	shalt  }
0x51: {  	_ =	shalt  }
0x52: {  	_ =	shalt  }
0x53: {  	_ =	shalt  }
0x54: {  	_ =	shalt  }
0x55: {  	_ =	shalt  }
0x56: {  	_ =	shalt  }
0x57: {  	_ =	shalt  }
0x58: {  	_ =	shalt  }
0x59: {  	_ =	shalt  }
0x5a: {  	_ =	shalt  }
0x5b: {  	_ =	shalt  }
0x5c: {  	_ =	shalt  }
0x5d: {  	_ =	shalt  }
0x5e: {  	_ =	shalt  }
0x5f: {  	_ =	shalt  }
0x60: {  	_ =	shalt  }
0x61: {  	_ =	shalt  }
0x62: {  	_ =	shalt  }
0x63: {  	_ =	shalt  }
0x64: {  	_ =	shalt  }
0x65: {  	_ =	shalt  }
0x66: {  	_ =	shalt  }
0x67: {  	_ =	shalt  }
0x68: {  	_ =	shalt  }
0x69: {  	_ =	shalt  }
0x6a: {  	_ =	shalt  }
0x6b: {  	_ =	shalt  }
0x6c: {  	_ =	shalt  }
0x6d: {  	_ =	shalt  }
0x6e: {  	_ =	shalt  }
0x6f: {  	_ =	shalt  }
0x70: {  	_ =	shalt  }
0x71: {  	_ =	shalt  }
0x72: {  	_ =	shalt  }
0x73: {  	_ =	shalt  }
0x74: {  	_ =	shalt  }
0x75: {  	_ =	shalt  }
0x76: {  	_ =	shalt  }
0x77: {  	_ =	shalt  }
0x78: {  	_ =	shalt  }
0x79: {  	_ =	shalt  }
0x7a: {  	_ =	shalt  }
0x7b: {  	_ =	shalt  }
0x7c: {  	_ =	shalt  }
0x7d: {  	_ =	shalt  }
0x7e: {  	_ =	shalt  }
0x7f: {  	_ =	shalt  }
0x80: {  	_ =	shalt  }
0x81: {  	_ =	shalt  }
0x82: {  	_ =	shalt  }
0x83: {  	_ =	shalt  }
0x84: {  	_ =	shalt  }
0x85: {  	_ =	shalt  }
0x86: {  	_ =	shalt  }
0x87: {  	_ =	shalt  }
.Lfunc_end0:
.L_simem_size_0:
called_computation_lowered:
.L_overlay_start_0:
0x88: {  	s2 =	sld [smem:$0x3FD9]  }
0x89: {  	s3 =	sld [smem:$0x3FFE];
	_ =	sdelay $0x1  }
0x8a: {  	s1 =	srdreg.scid  }
0x8b: {  	s0 =	sand.u32 $0x1, s1  }
0x8c: {  	s17 =	sshll.u32 s0, $0xA;
	s2 =	sadd.s32 s3, s2  }
0x8d: {  	s2 =	sadd.s32 s2, s17  }
0x8e: {  	[smem:$0x3FBC] =	sst s2  }
0x8f: {  	_ = 	snop  }
0x90: {  	s2 =	sld [smem:$0x3FD0];
	(tm) =	ssettm $0x1  }
0x91: {  	s18 =	sld [smem:$0x3FFB];
	_ =	sdelay $0x3  }
0x92: {  	_ =	strace s18  }
0x93: {  	s3 =	sld [smem:$0x3FFC];
	_ =	sdelay $0x3  }
0x94: {  	_ =	strace s3  }
0x95: {  	s3 =	sld [smem:$0x3FFD];
	_ =	sdelay $0x3  }
0x96: {  	_ =	strace s3  }
0x97: {  	_ =	strace $0x8FFFFFFF  }
0x98: {  	s19 =	sld [smem:$0x3FDB];
	_ =	sdelay $0x1  }
0x99: {  	s4 =	simm.s32 $_scs_section_size  }
0x9a: {  	s5 =	simm.s32 $_size__tile_overlayer_lowered;
	s6 =	simm.s32 $_tile_overlayer_lowered  }
0x9b: {  	s22 =	simm.s32 $0x1BFF;
	s21 =	sshll.u32 s6, $0x1;
	s3 =	sadd.s32 s4, s19  }
0x9c: {  	s7 =	simm.s32 $0x0;
	s20 =	sshll.u32 s5, $0x1;
	s5 =	sadd.s32 s21, s3  }
0x9d: {  	[timem:s7], [sflag:s22] =	dma.local [hbm:s5], s20  }
0x9e: {  	_ =	swait.ge [sflag:s22], s20  }
0x9f: {  	s4 =	ssub.s32 $0x0, s20;
	[sflag:s22] =	ssyncset.done $0x0  }
0xa0: {  	[sflag:s22] =	ssyncadd.s32 s4;
	_ =	sdelay $0x1  }
0xa1: {  	s23 =	simm.s32 $0x1B8B  }
0xa2: {  	_ =	swait.ge [sflag:s23], $0x1  }
0xa3: {  	[sflag:s23] =	ssyncset.done $0x0  }
0xa4: {  	s25 =	simm.s32 $0x1B8E;
	s24 =	sld [smem:$0x3FFE];
	[sflag:s23] =	ssyncadd.s32 $0xFFFFFFFF  }
0xa5: {  	s26 =	simm.s32 $execute0_lowered;
	[smem:$0x3FD2] =	sst s25  }
0xa6: {  	s5 =	sshll.u32 s26, $0x1;
	_ =	strace $0x80000046;
	[dreg:$0x1] =	wrdreg $0xFFFFFFFF  }
0xa7: {  	s28 =	simm.s32 $_size_execute0_lowered;
	s3 =	sadd.s32 s3, s5;
	[dreg:$0x0] =	wrdreg $0x0  }
0xa8: {  	s5 =	sshll.u32 s28, $0x1;
	[dreg:$0x2] =	wrdreg s3  }
0xa9: {  	[dreg:$0x3] =	wrdreg s5  }
0xaa: {  	[dreg:$0x4] =	wrdreg $0xC0  }
0xab: {  	_ =	task [dreg:s7], $0x5FFFF  }
0xac: {  	[dreg:$0x1] =	wrdreg $0xFFFFFFFF  }
0xad: {  	[dreg:$0x0] =	wrdreg $0x60  }
0xae: {  	[dreg:$0x2] =	wrdreg s24  }
0xaf: {  	[dreg:$0x3] =	wrdreg s2  }
0xb0: {  	[dreg:$0x4] =	wrdreg $0x9  }
0xb1: {  	_ =	task.clear_ibuf [dreg:s7], $0x5FFFF;
	_ =	strace $0x90000046  }
0xb2: {  	s29 =	simm.s32 $0x9;
	_ =	strace $0x80000048  }
0xb3: {  	_ =	swait.ge [sflag:s29], $0x1  }
0xb4: {  	[sflag:s29] =	ssyncadd.s32 $0xFFFFFFFF  }
0xb5: {  	_ =	strace $0x90000048  }
0xb6: {  	_ =	sfence  }
0xb7: {  	s30 =	sld [smem:$0x0];
	_ =	sdelay $0x2  }
0xb8: {  	s31 =	sshll.u32 s1, $0xD;
	s1 =	sshrl.u32 s1, $0x2  }
0xb9: {  	s3 =	sand.u32 $0x4000, s31;
	s1 =	sadd.s32 s1, s30  }
0xba: {  	s0 =	sor.u32 s3, s0;
	s1 =	sshll.u32 s1, $0x11  }
0xbb: {  	s0 =	sor.u32 s1, s0  }
0xbc: {  	s0 =	sadd.s32 $0x8F2B, s0  }
0xbd: {  	[sflag:s0] =	ssyncadd.remote.s32 $0x1  }
0xbe: {  	_ =	sfence.sel $0xFFFF  }
0xbf: {  	[dreg:$0x0] =	wrdreg $0xFFFFFFFF;
	(pc) =	sbr.abs _section_cstart, $3  }
0xc0: {  	[dreg:$0x1] =	wrdreg $0xFFFFFFFF  }
0xc1: {  	_ =	task.clear_ibuf [dreg:s7], $0x2FFFF;
	_ =	strace $0x9FFFFFFF  }
0xc2: {  	(tm) =	ssettm $0x7FFFFFFF  }
0xc3: {  	_ =	shalt  }
tec
execute0_lowered:
.L_overlay_start_1:
0x0: {  	(tag) =	ssettag $0x1  }
0x1: {  	s8 =	rddreg [dreg:$0x0]  }
0x2: {  	s1 =	rddreg [dreg:$0x1]  }
0x3: {  	s0 =	rddreg [dreg:$0x2]  }
0x4: {  	s2 =	simm.s32 $0x0;
	s3 =	srdreg.scid;
	s13 =	simm.s32 $0x4E20  }
0x5: {  	s14 =	simm.s32 $0x7530;
	s15 =	simm.s32 $0x7730;
	s16 =	simm.s32 $0x7930  }
0x6: {  	s17 =	simm.s32 $0x7B30;
	s18 =	simm.s32 $0x7D30;
	s19 =	simm.s32 $0x0  }
0x7: {  	[smem:$0x7FF] =	sst s2;
	s4 =	sadd.s32 $0x5400, s8;
	s9 =	sand.u32 $0x1, s3  }
0x8: {  	s5 =	sadd.s32 $0x4E00, s8;
	s3 =	stileid.u32;
	s6 =	sadd.s32 $0x4800, s8  }
0x9: {  	s7 =	sadd.s32 $0xFA00, s8;
	s8 =	sadd.s32 $0x5A00, s8;
	s10 =	ssub.s32 $0x2, s9  }
0xa: {  	_ =	strace $0x80000047;
	s12 =	sshll.u32 s3, $0x1;
	s11 =	sshrl.u32 s10, $0x1  }
0xb: {  	s9 =	sor.u32 s9, s12;
	s12 =	simm.s32 $0x2710;
	s10 =	ssub.s32 s10, s11  }
0xc: {  	s9 =	smul.u32 $0x1400, s9;
	s11 =	simm.s32 $0x1;
	s10 =	smax.u32 s10, $0x1  }
.LBB2_1:
0xd: {  	[tilespmem:s2], [sflag:$0x1] =	stream.linear.gather [hbm4b:s4+s2], $0x2710, $0x38;
	[tilespmem:$0x7F30] =	vst v63  }
0xe: {  	_ =	swait.ge [sflag:s11], $0x2710  }
0xf: {  	[sflag:s11] =	ssyncset.done $0x0  }
0x10: {  	[sflag:s11] =	ssyncadd.s32 $0xFFFFD8F0  }
0x11: {  	[tilespmem:s12], [sflag:$0x1] =	stream.linear.gather [hbm4b:s5+s2], $0x2710, $0x38;
	[tilespmem:$0x7F30] =	vst v63  }
0x12: {  	_ =	swait.ge [sflag:s11], $0x2710  }
0x13: {  	[sflag:s11] =	ssyncset.done $0x0  }
0x14: {  	[sflag:s11] =	ssyncadd.s32 $0xFFFFD8F0  }
0x15: {  	[tilespmem:s13], [sflag:$0x1] =	stream.linear.gather [hbm4b:s6+s2], $0x2710, $0x38;
	[tilespmem:$0x7F30] =	vst v63  }
0x16: {  	_ =	swait.ge [sflag:s11], $0x2710  }
0x17: {  	[sflag:s11] =	ssyncset.done $0x0  }
0x18: {  	s20 =	simm.s32 $0x0;
	[sflag:s11] =	ssyncadd.s32 $0xFFFFD8F0  }
.LBB2_2:
0x19: {  	s21 =	sshll.u32 s20, $0x9  }
0x1a: {  	s21 =	sadd.s32 s9, s21  }
0x1b: {  	s21 =	sshrl.u32 s21, $0x3  }
0x1c: {  	s23 =	simm.s32 $0x0;
	s22 =	sadd.s32 s7, s21  }
0x1d: {  	[tilespmem:s14], [sflag:$0x1] =	stream.linear.gather [hbm4b:s22+s23], $0x200, $0x38;
	[tilespmem:$0x7F30] =	vst v63  }
0x1e: {  	_ =	swait.ge [sflag:s11], $0x200  }
0x1f: {  	[sflag:s11] =	ssyncset.done $0x0  }
0x20: {  	s31 =	sadd.s32 s8, s21;
	[sflag:s11] =	ssyncadd.s32 $0xFFFFFE00  }
0x21: {  	[tilespmem:s15], [sflag:$0x1] =	stream.linear.gather [hbm4b:s31+s23], $0x200, $0x38;
	[tilespmem:$0x7F30] =	vst v63  }
0x22: {  	_ =	swait.ge [sflag:s11], $0x200  }
0x23: {  	[sflag:s11] =	ssyncset.done $0x0  }
0x24: {  	s22 =	simm.s32 $0x0;
	[sflag:s11] =	ssyncadd.s32 $0xFFFFFE00  }
0x25: {  	v0 =	vld [tilespmem:s22+$0x7530]  }
0x26: {  	v1 =	vld [tilespmem:s22+$0x7730];
	_ =	sdelay $0x6  }
0x27: {  	v2 =	vld.idx.msk [tilespmem:v0+s2+$0x0], $0xffff  }
0x28: {  	v3 =	vld.idx.msk [tilespmem:v1+s2+$0x0], $0xffff;
	_ =	sdelay $0x4  }
0x29: {  	v2 =	vsub.f32 v3, v2;
	_ =	sdelay $0x1  }
0x2a: {  	[tilespmem:s22+$0x7930] =	vst v2  }
0x2b: {  	v2 =	vld.idx.msk [tilespmem:v1+s12+$0x0], $0xffff  }
0x2c: {  	v3 =	vld.idx.msk [tilespmem:v0+s12+$0x0], $0xffff;
	_ =	sdelay $0x4  }
0x2d: {  	v2 =	vsub.f32 v2, v3;
	_ =	sdelay $0x1  }
0x2e: {  	[tilespmem:s22+$0x7B30] =	vst v2  }
0x2f: {  	v2 =	vld.idx.msk [tilespmem:v1+s13+$0x0], $0xffff  }
0x30: {  	s24 =	simm.s32 $0x10;
	v3 =	vld.idx.msk [tilespmem:v0+s13+$0x0], $0xffff  }
0x31: {  	v0 =	vld [tilespmem:s24+$0x7530]  }
0x32: {  	s23 =	simm.s32 $0x80;
	v1 =	vld [tilespmem:s24+$0x7730]  }
.LBB2_3:
0x33: {  	_ =	sdelay $0x1  }
0x34: {  	p0 =	sne.s32 s23, $0x7C0;
	s25 =	smov.u32 s23;
	s23 =	sadd.s32 $0x40, s23  }
0x35: {  	v2 =	vsub.f32 v2, v3;
	_ =	sdelay $0x1  }
0x36: {  	[tilespmem:s22+$0x7D30] =	vst v2;
	s22 =	smov.u32 s24  }
0x37: {  	v2 =	vld.idx.msk [tilespmem:v0+s2+$0x0], $0xffff  }
0x38: {  	v3 =	vld.idx.msk [tilespmem:v1+s2+$0x0], $0xffff;
	_ =	sdelay $0x5  }
0x39: {  	v2 =	vsub.f32 v3, v2;
	_ =	sdelay $0x1  }
0x3a: {  	[tilespmem:s22+$0x7930] =	vst v2  }
0x3b: {  	v2 =	vld.idx.msk [tilespmem:v1+s12+$0x0], $0xffff  }
0x3c: {  	v3 =	vld.idx.msk [tilespmem:v0+s12+$0x0], $0xffff;
	_ =	sdelay $0x5  }
0x3d: {  	v2 =	vsub.f32 v2, v3;
	_ =	sdelay $0x1  }
.Ltmp0:
0x3e: {  	[tilespmem:s22+$0x7B30] =	vst v2;
	(pc) =	sbr.rel @p0 .LBB2_3-.Ltmp0, $4  }
0x3f: {  	v2 =	vld.idx.msk [tilespmem:v1+s13+$0x0], $0xffff  }
0x40: {  	s24 =	sshra.s32 s25, $0x2;
	v3 =	vld.idx.msk [tilespmem:v0+s13+$0x0], $0xffff  }
0x41: {  	v0 =	vld [tilespmem:s24+$0x7530]  }
0x42: {  	v1 =	vld [tilespmem:s24+$0x7730]  }
0x43: {  	_ =	sdelay $0x3  }
0x44: {  	v2 =	vsub.f32 v2, v3;
	_ =	sdelay $0x1  }
0x45: {  	[tilespmem:s22+$0x7D30] =	vst v2  }
0x46: {  	v2 =	vld.idx.msk [tilespmem:v0+s2+$0x0], $0xffff  }
0x47: {  	v60 =	vld.idx.msk [tilespmem:v1+s2+$0x0], $0xffff;
	_ =	sdelay $0x4  }
0x48: {  	v2 =	vsub.f32 v60, v2;
	_ =	sdelay $0x1  }
0x49: {  	[tilespmem:s24+$0x7930] =	vst v2  }
0x4a: {  	v2 =	vld.idx.msk [tilespmem:v1+s12+$0x0], $0xffff  }
0x4b: {  	v61 =	vld.idx.msk [tilespmem:v0+s12+$0x0], $0xffff;
	_ =	sdelay $0x4  }
0x4c: {  	v2 =	vsub.f32 v2, v61;
	_ =	sdelay $0x1  }
0x4d: {  	[tilespmem:s24+$0x7B30] =	vst v2  }
0x4e: {  	v62 =	vld.idx.msk [tilespmem:v1+s13+$0x0], $0xffff  }
0x4f: {  	v63 =	vld.idx.msk [tilespmem:v0+s13+$0x0], $0xffff;
	_ =	sdelay $0x4  }
0x50: {  	v0 =	vsub.f32 v62, v63;
	_ =	sdelay $0x1  }
0x51: {  	s21 =	sadd.s32 s1, s21;
	[tilespmem:s24+$0x7D30] =	vst v0  }
0x52: {  	[hbm4b:s21+s2] =	stream.linear.scatter [tilespmem:s16], [sflag:$0x1], $0x200, $0x38;
	[tilespmem:$0x7F30] =	vst v63  }
0x53: {  	_ =	swait.ge [sflag:s11], $0x200  }
0x54: {  	[sflag:s11] =	ssyncset.done $0x0  }
0x55: {  	s31 =	sadd.s32 $0x5000, s21;
	[sflag:s11] =	ssyncadd.s32 $0xFFFFFE00  }
0x56: {  	[hbm4b:s31+s2] =	stream.linear.scatter [tilespmem:s17], [sflag:$0x1], $0x200, $0x38;
	[tilespmem:$0x7F30] =	vst v63  }
0x57: {  	s20 =	sadd.s32 $0x1, s20;
	_ =	swait.ge [sflag:s11], $0x200  }
0x58: {  	p0 =	sne.s32 s20, $0xA;
	[sflag:s11] =	ssyncset.done $0x0  }
.Ltmp1:
0x59: {  	s21 =	sadd.s32 $0xA000, s21;
	[sflag:s11] =	ssyncadd.s32 $0xFFFFFE00;
	(pc) =	sbr.rel @p0 .LBB2_2-.Ltmp1, $4  }
0x5a: {  	[hbm4b:s21+s2] =	stream.linear.scatter [tilespmem:s18], [sflag:$0x1], $0x200, $0x38;
	[tilespmem:$0x7F30] =	vst v63  }
0x5b: {  	_ =	swait.ge [sflag:s11], $0x200  }
0x5c: {  	[sflag:s11] =	ssyncset.done $0x0  }
0x5d: {  	[sflag:s11] =	ssyncadd.s32 $0xFFFFFE00  }
0x5e: {  	s19 =	sadd.s32 $0x1, s19  }
0x5f: {  	p0 =	sne.s32 s19, s10  }
.Ltmp2:
0x60: {  	_ = 	snop;
	(pc) =	sbr.rel @p0 .LBB2_1-.Ltmp2, $1  }
0x61: {  	_ =	sdelay $0x3  }
0x62: {  	_ =	sfence.sel $0x180000  }
0x63: {  	[bflag:$0x0] =	sbarrier.arrive $0xFFFF  }
0x64: {  	p0 =	sne.s32 s3, $0x0;
	_ =	strace $0x90000047  }
0x65: {  	s0 =	sadd.s32 @!p0 $0x100000, s0;
	[bflag:$0x2] =	sbarrier.arrive $0xFFFF  }
0x66: {  	[sflag:s0] =	ssyncadd.tile.s32 @!p0 $0x1;
	_ =	shalt  }
.Lfunc_end2:
_tile_overlayer_lowered:
.L_overlay_start_2:
0x67: {  	(tag) =	ssettag $0x2  }
0x68: {  	s0 =	rddreg [dreg:$0x0];
	s2 =	stileid.u32  }
0x69: {  	s1 =	rddreg [dreg:$0x1];
	p0 =	sne.s32 s2, $0x0  }
0x6a: {  	s3 =	rddreg [dreg:$0x2];
	[bflag:$0x3] =	sbarrier.arrive $0xFFFF;
	s2 =	simm.s32 @!p0 $0x1C01  }
0x6b: {  	[timem:s3], [sflag:s2] =	dma.local @!p0 [hbm:s0], s1  }
0x6c: {  	s0 =	simm.s32 @!p0 $0x1  }
0x6d: {  	_ =	swait.ge @!p0 [sflag:s0], s1  }
0x6e: {  	s1 =	ssub.s32 @!p0 $0x0, s1;
	[sflag:s0] =	ssyncset.done @!p0 $0x0  }
0x6f: {  	[sflag:s0] =	ssyncadd.s32 @!p0 s1  }
0x70: {  	[bflag:$0x3] =	sbarrier.arrive $0xFFFF  }
0x71: {  	_ =	shalt  }

// kernel: kernel.16.cloned.1.call-start
scs
__scs_entry_jumppad:
0x0: {  	(pc) =	sbr.rel $0x88, $3  }
0x1: {  	(tag) =	ssettag $0x0;
	lr =	simm.s32 $0x1  }
0x2: {  	[smem:$0x3F95] =	sst lr;
	_ =	strace $0xD0000000  }
0x3: {  	_ = 	snop  }
0x4: {  	_ = 	snop  }
0x5: {  	_ = 	snop  }
0x6: {  	_ = 	snop  }
0x7: {  	_ = 	snop  }
__scs_overlays_trampoline_lowered:
0x8: {  	[smem:$0x3FA4] =	sst s0  }
0x9: {  	[smem:$0x3FA5] =	sst s1  }
0xa: {  	[smem:$0x3FA6] =	sst s2  }
0xb: {  	[smem:$0x3FA7] =	sst s3  }
0xc: {  	[smem:$0x3FA8] =	sst s4  }
0xd: {  	[smem:$0x3FA9] =	sst s5  }
0xe: {  	[smem:$0x3FAA] =	sst s6  }
0xf: {  	[smem:$0x3FAB] =	sst s7  }
0x10: {  	[smem:$0x3FAC] =	sst s8  }
0x11: {  	[smem:$0x3FAD] =	sst s9;
	s0 =	simm.s32 @!p0 $0x0  }
0x12: {  	s1 =	sld [smem:$0x3F93];
	s0 =	simm.s32 @p0 $0x1  }
0x13: {  	[smem:$0x3FAE] =	sst s0;
	s0 =	simm.s32 @!p1 $0x0  }
0x14: {  	s2 =	sld [smem:$0x3F92];
	s0 =	simm.s32 @p1 $0x1  }
0x15: {  	[smem:$0x3FAF] =	sst s0;
	s0 =	simm.s32 @!p2 $0x0  }
0x16: {  	s3 =	sld [smem:$0x3FDB];
	s0 =	simm.s32 @p2 $0x1  }
0x17: {  	s4 =	simm.s32 $0x1BF5;
	[smem:$0x3FB1] =	sst s0  }
0x18: {  	s0 =	sld [smem:$0x3F94];
	_ =	swait.ge [sflag:s4], $0x0  }
0x19: {  	s7 =	sld [smem:$0x3F95]  }
0x1a: {  	s8 =	sadd.s32 $0xFFFFE003, lr  }
0x1b: {  	s9 =	sadd.s32 $0xFFFFFEF7, lr;
	s5 =	simm.s32 $0xFFFFFFFF;
	p2 =	slt.u32 s8, $0xFFFFF086  }
0x1c: {  	p1 =	slt.u32 s9, $0xF7A;
	s5 =	simm.s32 @!p2 $0x0  }
0x1d: {  	s5 =	simm.s32 @p1 $0x1;
	p0 =	seq.s32 s7, s2  }
0x1e: {  	s7 =	smul.u32 @!p0 $0xF7A, s2;
	p2 =	seq.s32 @!p0 s5, $0x0  }
0x1f: {  	s9 =	smul.u32 $0xF7A, s1;
	s8 =	simm.s32 @!p0 $0x1BF5;
	p2 =	por !p2, p0  }
0x20: {  	[sflag:s8] =	ssyncset.s32 @!p0 $0xFFFFF086;
	s6 =	sadd.s32 @!p0 s3, s7;
	s7 =	simm.s32 @!p0 $0x108  }
0x21: {  	s3 =	sadd.s32 s3, s9;
	s6 =	sadd.s32 @!p0 $0x88, s6;
	s7 =	simm.s32 @p2 $0x1082  }
0x22: {  	[simem:s7], [sflag:s8] =	dma.local @!p0 [hbm:s6], $0xF7A  }
0x23: {  	s9 =	sor.u32 $0xD0000000, s2;
	s6 =	simm.s32 $0x108;
	_ =	swait.ge @!p0 [sflag:s8], $0x0  }
0x24: {  	s3 =	sadd.s32 $0x88, s3;
	s6 =	simm.s32 @!p1 $0x1082;
	[sflag:s4] =	ssyncset.s32 $0xFFFFF086  }
0x25: {  	[simem:s6], [sflag:s4] =	dma.local [hbm:s3], $0xF7A  }
0x26: {  	[smem:$0x3F95] =	sst s1;
	(tag) =	ssettag s2;
	_ =	strace s9  }
0x27: {  	s1 =	sld [smem:$0x3FA5]  }
0x28: {  	s2 =	sld [smem:$0x3FA6]  }
0x29: {  	s4 =	sld [smem:$0x3FA8]  }
0x2a: {  	p0 =	seq.s32 s5, $0x0;
	s5 =	sld [smem:$0x3FA9]  }
0x2b: {  	s6 =	sld [smem:$0x3FAA]  }
0x2c: {  	s7 =	sld [smem:$0x3FAB]  }
0x2d: {  	s3 =	simm.s32 $0x108;
	s8 =	sld [smem:$0x3FAC]  }
0x2e: {  	s3 =	simm.s32 @!p0 $0x1082;
	s9 =	sld [smem:$0x3FAD]  }
0x2f: {  	lr =	sadd.s32 s0, s3;
	s0 =	sld [smem:$0x3FA4]  }
0x30: {  	s3 =	sld [smem:$0x3FA7]  }
0x31: {  	[smem:$0x3FB0] =	sst s10  }
0x32: {  	s10 =	sld [smem:$0x3FAE];
	_ =	sdelay $0x3  }
0x33: {  	p0 =	seq.s32 s10, $0x1;
	s10 =	sld [smem:$0x3FB0];
	_ =	sdelay $0x3  }
0x34: {  	[smem:$0x3FB0] =	sst s10  }
0x35: {  	s10 =	sld [smem:$0x3FAF];
	_ =	sdelay $0x3  }
0x36: {  	p1 =	seq.s32 s10, $0x1;
	s10 =	sld [smem:$0x3FB0];
	_ =	sdelay $0x3  }
0x37: {  	[smem:$0x3FB0] =	sst s10  }
0x38: {  	s10 =	sld [smem:$0x3FB1]  }
0x39: {  	_ = 	snop;
	(pc) =	sbr.ind lr, $3  }
0x3a: {  	_ = 	snop  }
0x3b: {  	_ = 	snop  }
0x3c: {  	p2 =	seq.s32 s10, $0x1;
	s10 =	sld [smem:$0x3FB0]  }
0x3d: {  	_ =	shalt  }
0x3e: {  	_ =	shalt  }
0x3f: {  	_ =	shalt  }
0x40: {  	_ =	shalt  }
0x41: {  	_ =	shalt  }
0x42: {  	_ =	shalt  }
0x43: {  	_ =	shalt  }
0x44: {  	_ =	shalt  }
0x45: {  	_ =	shalt  }
0x46: {  	_ =	shalt  }
0x47: {  	_ =	shalt  }
0x48: {  	_ =	shalt  }
0x49: {  	_ =	shalt  }
0x4a: {  	_ =	shalt  }
0x4b: {  	_ =	shalt  }
0x4c: {  	_ =	shalt  }
0x4d: {  	_ =	shalt  }
0x4e: {  	_ =	shalt  }
0x4f: {  	_ =	shalt  }
0x50: {  	_ =	shalt  }
0x51: {  	_ =	shalt  }
0x52: {  	_ =	shalt  }
0x53: {  	_ =	shalt  }
0x54: {  	_ =	shalt  }
0x55: {  	_ =	shalt  }
0x56: {  	_ =	shalt  }
0x57: {  	_ =	shalt  }
0x58: {  	_ =	shalt  }
0x59: {  	_ =	shalt  }
0x5a: {  	_ =	shalt  }
0x5b: {  	_ =	shalt  }
0x5c: {  	_ =	shalt  }
0x5d: {  	_ =	shalt  }
0x5e: {  	_ =	shalt  }
0x5f: {  	_ =	shalt  }
0x60: {  	_ =	shalt  }
0x61: {  	_ =	shalt  }
0x62: {  	_ =	shalt  }
0x63: {  	_ =	shalt  }
0x64: {  	_ =	shalt  }
0x65: {  	_ =	shalt  }
0x66: {  	_ =	shalt  }
0x67: {  	_ =	shalt  }
0x68: {  	_ =	shalt  }
0x69: {  	_ =	shalt  }
0x6a: {  	_ =	shalt  }
0x6b: {  	_ =	shalt  }
0x6c: {  	_ =	shalt  }
0x6d: {  	_ =	shalt  }
0x6e: {  	_ =	shalt  }
0x6f: {  	_ =	shalt  }
0x70: {  	_ =	shalt  }
0x71: {  	_ =	shalt  }
0x72: {  	_ =	shalt  }
0x73: {  	_ =	shalt  }
0x74: {  	_ =	shalt  }
0x75: {  	_ =	shalt  }
0x76: {  	_ =	shalt  }
0x77: {  	_ =	shalt  }
0x78: {  	_ =	shalt  }
0x79: {  	_ =	shalt  }
0x7a: {  	_ =	shalt  }
0x7b: {  	_ =	shalt  }
0x7c: {  	_ =	shalt  }
0x7d: {  	_ =	shalt  }
0x7e: {  	_ =	shalt  }
0x7f: {  	_ =	shalt  }
0x80: {  	_ =	shalt  }
0x81: {  	_ =	shalt  }
0x82: {  	_ =	shalt  }
0x83: {  	_ =	shalt  }
0x84: {  	_ =	shalt  }
0x85: {  	_ =	shalt  }
0x86: {  	_ =	shalt  }
0x87: {  	_ =	shalt  }
.Lfunc_end0:
.L_simem_size_0:
called_computation.1_lowered:
.L_overlay_start_0:
0x88: {  	s2 =	sld [smem:$0x3FD9]  }
0x89: {  	s3 =	sld [smem:$0x3FFE];
	_ =	sdelay $0x1  }
0x8a: {  	s1 =	srdreg.scid  }
0x8b: {  	s0 =	sand.u32 $0x1, s1  }
0x8c: {  	s16 =	sshll.u32 s0, $0xA;
	s2 =	sadd.s32 s3, s2  }
0x8d: {  	s2 =	sadd.s32 s2, s16  }
0x8e: {  	[smem:$0x3FBC] =	sst s2  }
0x8f: {  	_ = 	snop  }
0x90: {  	(tm) =	ssettm $0x1  }
0x91: {  	s17 =	sld [smem:$0x3FFB];
	_ =	sdelay $0x3  }
0x92: {  	_ =	strace s17  }
0x93: {  	s2 =	sld [smem:$0x3FFC];
	_ =	sdelay $0x3  }
0x94: {  	_ =	strace s2  }
0x95: {  	s2 =	sld [smem:$0x3FFD];
	_ =	sdelay $0x3  }
0x96: {  	_ =	strace s2  }
0x97: {  	_ =	strace $0x8FFFFFFF  }
0x98: {  	s18 =	sld [smem:$0x3FDB];
	_ =	sdelay $0x1  }
0x99: {  	s19 =	simm.s32 $_scs_section_size  }
0x9a: {  	s4 =	simm.s32 $_size__tile_overlayer_lowered;
	s5 =	simm.s32 $_tile_overlayer_lowered  }
0x9b: {  	s22 =	simm.s32 $0x1BFF;
	s21 =	sshll.u32 s5, $0x1;
	s2 =	sadd.s32 s19, s18  }
0x9c: {  	s6 =	simm.s32 $0x0;
	s20 =	sshll.u32 s4, $0x1;
	s4 =	sadd.s32 s21, s2  }
0x9d: {  	[timem:s6], [sflag:s22] =	dma.local [hbm:s4], s20  }
0x9e: {  	_ =	swait.ge [sflag:s22], s20  }
0x9f: {  	s3 =	ssub.s32 $0x0, s20;
	[sflag:s22] =	ssyncset.done $0x0  }
0xa0: {  	[sflag:s22] =	ssyncadd.s32 s3;
	_ =	sdelay $0x1  }
0xa1: {  	s23 =	simm.s32 $0x1B8B  }
0xa2: {  	_ =	swait.ge [sflag:s23], $0x1  }
0xa3: {  	[sflag:s23] =	ssyncset.done $0x0  }
0xa4: {  	s25 =	simm.s32 $0x1B8E;
	s24 =	sld [smem:$0x3FFE];
	[sflag:s23] =	ssyncadd.s32 $0xFFFFFFFF  }
0xa5: {  	s26 =	simm.s32 $execute0_lowered;
	[smem:$0x3FD2] =	sst s25  }
0xa6: {  	s4 =	sshll.u32 s26, $0x1;
	_ =	strace $0x80000049;
	[dreg:$0x1] =	wrdreg $0xFFFFFFFF  }
0xa7: {  	s28 =	simm.s32 $_size_execute0_lowered;
	s2 =	sadd.s32 s2, s4;
	[dreg:$0x0] =	wrdreg $0x0  }
0xa8: {  	s4 =	sshll.u32 s28, $0x1;
	[dreg:$0x2] =	wrdreg s2  }
0xa9: {  	[dreg:$0x3] =	wrdreg s4  }
0xaa: {  	[dreg:$0x4] =	wrdreg $0xC0  }
0xab: {  	_ =	task [dreg:s6], $0x5FFFF  }
0xac: {  	[dreg:$0x1] =	wrdreg $0xFFFFFFFF  }
0xad: {  	[dreg:$0x0] =	wrdreg $0x60  }
0xae: {  	[dreg:$0x2] =	wrdreg s24  }
0xaf: {  	[dreg:$0x3] =	wrdreg $0x0  }
0xb0: {  	[dreg:$0x4] =	wrdreg $0x9  }
0xb1: {  	_ =	task.clear_ibuf [dreg:s6], $0x5FFFF;
	_ =	strace $0x90000049  }
0xb2: {  	s29 =	simm.s32 $0x9;
	_ =	strace $0x8000004B  }
0xb3: {  	_ =	swait.ge [sflag:s29], $0x1  }
0xb4: {  	[sflag:s29] =	ssyncadd.s32 $0xFFFFFFFF  }
0xb5: {  	_ =	strace $0x9000004B  }
0xb6: {  	_ =	sfence  }
0xb7: {  	s30 =	sld [smem:$0x0];
	_ =	sdelay $0x2  }
0xb8: {  	s31 =	sshll.u32 s1, $0xD;
	s1 =	sshrl.u32 s1, $0x2  }
0xb9: {  	s3 =	sand.u32 $0x4000, s31;
	s1 =	sadd.s32 s1, s30  }
0xba: {  	s0 =	sor.u32 s3, s0;
	s1 =	sshll.u32 s1, $0x11  }
0xbb: {  	s0 =	sor.u32 s1, s0  }
0xbc: {  	s0 =	sadd.s32 $0x8F2B, s0  }
0xbd: {  	[sflag:s0] =	ssyncadd.remote.s32 $0x1  }
0xbe: {  	_ =	sfence.sel $0xFFFF  }
0xbf: {  	[dreg:$0x0] =	wrdreg $0xFFFFFFFF;
	(pc) =	sbr.abs _section_cstart, $3  }
0xc0: {  	[dreg:$0x1] =	wrdreg $0xFFFFFFFF  }
0xc1: {  	_ =	task.clear_ibuf [dreg:s6], $0x2FFFF;
	_ =	strace $0x9FFFFFFF  }
0xc2: {  	(tm) =	ssettm $0x7FFFFFFF  }
0xc3: {  	_ =	shalt  }
tec
execute0_lowered:
.L_overlay_start_1:
0x0: {  	(tag) =	ssettag $0x1  }
0x1: {  	s0 =	rddreg [dreg:$0x0]  }
0x2: {  	s1 =	rddreg [dreg:$0x1];
	s2 =	srdreg.scid;
	s3 =	simm.s32 $0x0  }
0x3: {  	s14 =	stileid.u32;
	s18 =	simm.s32 $0x16800;
	s19 =	simm.s32 $0x7  }
0x4: {  	s28 =	simm.s32 $0x16D00;
	s30 =	simm.s32 $0x1;
	s31 =	simm.s32 $0x40  }
0x5: {  	s29 =	simm.s32 $0x6;
	s2 =	sand.u32 $0x1, s2;
	s11 =	smul.u32 $0x16800, s14  }
0x6: {  	[smem:$0x7FF] =	sst s3;
	s4 =	sadd.s32 $0x4F9000, s0;
	s8 =	smul.u32 $0x2800, s14  }
0x7: {  	s5 =	sadd.s32 $0x1476000, s0;
	s6 =	sadd.s32 $0xFA00, s0;
	s16 =	smul.u32 $0x5A000, s14  }
0x8: {  	s7 =	smul.u32 $0x168000, s2;
	_ =	strace $0x8000004A;
	s10 =	ssub.s32 $0x2, s2  }
0x9: {  	s12 =	smul.u32 $0x1C00, s2;
	p0 =	seq.s32 s2, $0x0;
	s22 =	sshrl.u32 s10, $0x1  }
0xa: {  	s25 =	sshrl.u32 s16, $0x2;
	s26 =	sadd.s32 s11, s1;
	s7 =	sadd.s32 s11, s7  }
0xb: {  	s13 =	ssub.s32 s10, s22;
	s8 =	sadd.s32 s12, s8;
	s17 =	sadd.s32 s25, s1  }
0xc: {  	s22 =	simm.s32 $0x1B580;
	s25 =	sshrl.u32 s26, $0x3;
	s26 =	simm.s32 $0x5  }
0xd: {  	s9 =	sshrl.u32 s7, $0x3;
	s7 =	sadd.s32 $0xAA00, s0;
	s23 =	sshrl.u32 s8, $0x3  }
0xe: {  	s12 =	smul.u32 $0x12, s8;
	s16 =	smax.u32 s13, $0x1;
	s0 =	sadd.s32 s9, s0  }
0xf: {  	s9 =	simm.s32 $0x70;
	s10 =	sadd.s32 s6, s23;
	s2 =	sadd.s32 s7, s23  }
0x10: {  	s23 =	simm.s32 $0x16D40;
	s12 =	sadd.s32 s5, s12;
	[dreg:$0x4] =	wrdreg s2  }
0x11: {  	s9 =	simm.s32 @!p0 $0x30;
	s24 =	sadd.s32 $0x8, s10;
	[dreg:$0x3] =	wrdreg s12  }
0x12: {  	s0 =	sadd.s32 $0x576000, s0;
	[dreg:$0x5] =	wrdreg s24;
	s14 =	sshrl.u32 s9, $0x1  }
0x13: {  	v0 =	vimm.f32 $0.0e+00;
	[dreg:$0x6] =	wrdreg s0;
	s0 =	simm.s32 $0x2;
	s24 =	simm.s32 $0x1D980  }
.LBB2_1:
0x14: {  	[tilespmem:$0x16800] =	vst v0  }
0x15: {  	[tilespmem:$0x16810] =	vst v0  }
0x16: {  	[tilespmem:$0x16820] =	vst v0  }
0x17: {  	[tilespmem:$0x16830] =	vst v0  }
0x18: {  	[tilespmem:$0x16840] =	vst v0  }
0x19: {  	[tilespmem:$0x16850] =	vst v0  }
0x1a: {  	[tilespmem:$0x16860] =	vst v0  }
0x1b: {  	[tilespmem:$0x16870] =	vst v0  }
0x1c: {  	[tilespmem:$0x16880] =	vst v0  }
0x1d: {  	[tilespmem:$0x16890] =	vst v0  }
0x1e: {  	[tilespmem:$0x168A0] =	vst v0  }
0x1f: {  	[tilespmem:$0x168B0] =	vst v0  }
0x20: {  	[tilespmem:$0x168C0] =	vst v0  }
0x21: {  	[tilespmem:$0x168D0] =	vst v0  }
0x22: {  	[tilespmem:$0x168E0] =	vst v0  }
0x23: {  	[tilespmem:$0x168F0] =	vst v0  }
0x24: {  	[tilespmem:$0x16900] =	vst v0  }
0x25: {  	[tilespmem:$0x16910] =	vst v0  }
0x26: {  	[tilespmem:$0x16920] =	vst v0  }
0x27: {  	[tilespmem:$0x16930] =	vst v0  }
0x28: {  	[tilespmem:$0x16940] =	vst v0  }
0x29: {  	[tilespmem:$0x16950] =	vst v0  }
0x2a: {  	[tilespmem:$0x16960] =	vst v0  }
0x2b: {  	[tilespmem:$0x16970] =	vst v0  }
0x2c: {  	[tilespmem:$0x16980] =	vst v0  }
0x2d: {  	[tilespmem:$0x16990] =	vst v0  }
0x2e: {  	[tilespmem:$0x169A0] =	vst v0  }
0x2f: {  	[tilespmem:$0x169B0] =	vst v0  }
0x30: {  	[tilespmem:$0x169C0] =	vst v0  }
0x31: {  	[tilespmem:$0x169D0] =	vst v0  }
0x32: {  	[tilespmem:$0x169E0] =	vst v0  }
0x33: {  	[tilespmem:$0x169F0] =	vst v0  }
0x34: {  	[tilespmem:$0x16A00] =	vst v0  }
0x35: {  	[tilespmem:$0x16A10] =	vst v0  }
0x36: {  	[tilespmem:$0x16A20] =	vst v0  }
0x37: {  	[tilespmem:$0x16A30] =	vst v0  }
0x38: {  	[tilespmem:$0x16A40] =	vst v0  }
0x39: {  	[tilespmem:$0x16A50] =	vst v0  }
0x3a: {  	[tilespmem:$0x16A60] =	vst v0  }
0x3b: {  	[tilespmem:$0x16A70] =	vst v0  }
0x3c: {  	[tilespmem:$0x16A80] =	vst v0  }
0x3d: {  	[tilespmem:$0x16A90] =	vst v0  }
0x3e: {  	[tilespmem:$0x16AA0] =	vst v0  }
0x3f: {  	[tilespmem:$0x16AB0] =	vst v0  }
0x40: {  	[tilespmem:$0x16AC0] =	vst v0  }
0x41: {  	[tilespmem:$0x16AD0] =	vst v0  }
0x42: {  	[tilespmem:$0x16AE0] =	vst v0  }
0x43: {  	[tilespmem:$0x16AF0] =	vst v0  }
0x44: {  	[tilespmem:$0x16B00] =	vst v0  }
0x45: {  	[tilespmem:$0x16B10] =	vst v0  }
0x46: {  	[tilespmem:$0x16B20] =	vst v0  }
0x47: {  	[tilespmem:$0x16B30] =	vst v0  }
0x48: {  	[tilespmem:$0x16B40] =	vst v0  }
0x49: {  	[tilespmem:$0x16B50] =	vst v0  }
0x4a: {  	[tilespmem:$0x16B60] =	vst v0  }
0x4b: {  	[tilespmem:$0x16B70] =	vst v0  }
0x4c: {  	[tilespmem:$0x16B80] =	vst v0  }
0x4d: {  	[tilespmem:$0x16B90] =	vst v0  }
0x4e: {  	[tilespmem:$0x16BA0] =	vst v0  }
0x4f: {  	[tilespmem:$0x16BB0] =	vst v0  }
0x50: {  	[tilespmem:$0x16BC0] =	vst v0  }
0x51: {  	[tilespmem:$0x16BD0] =	vst v0  }
0x52: {  	[tilespmem:$0x16BE0] =	vst v0  }
0x53: {  	[tilespmem:$0x16BF0] =	vst v0  }
0x54: {  	[tilespmem:$0x16C00] =	vst v0  }
0x55: {  	[tilespmem:$0x16C10] =	vst v0  }
0x56: {  	[tilespmem:$0x16C20] =	vst v0  }
0x57: {  	[tilespmem:$0x16C30] =	vst v0  }
0x58: {  	[tilespmem:$0x16C40] =	vst v0  }
0x59: {  	[tilespmem:$0x16C50] =	vst v0  }
0x5a: {  	[tilespmem:$0x16C60] =	vst v0  }
0x5b: {  	[tilespmem:$0x16C70] =	vst v0;
	s2 =	sadd.s32 $0x0, s17  }
0x5c: {  	[spmem:s2] =	stream.linear.scatter [tilespmem:s18], [sflag:$0x7], $0x480, $0x38;
	[tilespmem:$0x1FD80] =	vst v63  }
0x5d: {  	s2 =	simm.s32 $0x1200;
	_ =	swait.ge [sflag:s19], $0x480  }
.LBB2_2:
0x5e: {  	s11 =	sshra.s32 s2, $0x2;
	[sflag:s19] =	ssyncset.done $0x0;
	p0 =	sne.s32 s2, $0x58E00  }
.Ltmp0:
0x5f: {  	s11 =	sadd.s32 s11, s17;
	[sflag:s19] =	ssyncadd.s32 $0xFFFFFB80;
	(pc) =	sbr.rel @p0 .LBB2_2-.Ltmp0, $3  }
0x60: {  	[spmem:s11] =	stream.linear.scatter [tilespmem:s18], [sflag:$0x7], $0x480, $0x38;
	[tilespmem:$0x1FD80] =	vst v63  }
0x61: {  	s2 =	sadd.s32 $0x1200, s2;
	_ =	sdelay $0x1  }
0x62: {  	_ =	swait.ge [sflag:s19], $0x480  }
0x63: {  	[sflag:s19] =	ssyncset.done $0x0  }
0x64: {  	s2 =	simm.s32 $0x0;
	s11 =	simm.s32 $0x16C80;
	[sflag:s19] =	ssyncadd.s32 $0xFFFFFB80  }
0x65: {  	[tilespmem:s11], [sflag:$0x7] =	stream.linear.gather [hbm4b:s10+s2], $0x40, $0x38;
	[tilespmem:$0x1FD80] =	vst v63  }
0x66: {  	_ =	swait.ge [sflag:s19], $0x40  }
0x67: {  	[sflag:s19] =	ssyncset.done $0x0  }
0x68: {  	s12 =	simm.s32 $0x20;
	[sflag:s19] =	ssyncadd.s32 $0xFFFFFFC0  }
0x69: {  	[tilespmem:s22], [sflag:$0x1] =	stream.indirect.gather [hbm4b:s4+s12], $0x90, s11, s12, $0xb8;
	[tilespmem:$0x1FD80] =	vst v63  }
0x6a: {  	s21 =	simm.s32 $0x16CA0;
	s13 =	simm.s32 $0x1C780  }
0x6b: {  	[tilespmem:s13], [sflag:$0x1] =	stream.indirect.gather [hbm4b:s4+s12], $0x90, s21, s12, $0xb8;
	[tilespmem:$0x1FD80] =	vst v63  }
0x6c: {  	s12 =	rddreg [dreg:$0x3];
	s13 =	simm.s32 $0x16D80  }
0x6d: {  	[tilespmem:s13], [sflag:$0x1] =	stream.linear.gather [hbm4b:s12+s2], $0x2400, $0x38;
	[tilespmem:$0x1FD80] =	vst v63  }
0x6e: {  	s15 =	rddreg [dreg:$0x4]  }
0x6f: {  	[tilespmem:s28], [sflag:$0x1] =	stream.linear.gather [hbm4b:s15+s2], $0x40, $0x38;
	[tilespmem:$0x1FD80] =	vst v63  }
0x70: {  	s20 =	rddreg [dreg:$0x5];
	s21 =	simm.s32 $0x16CC0  }
0x71: {  	[tilespmem:s21], [sflag:$0x4] =	stream.linear.gather [hbm4b:s20+s2], $0x40, $0x38;
	[tilespmem:$0x1FD80] =	vst v63  }
0x72: {  	[bflag:$0x0] =	sbarrier.arrive $0xFFFF  }
.LBB2_4:
0x73: {  	_ =	swait.ge [sflag:s30], $0x1200  }
0x74: {  	[sflag:s30] =	ssyncset.done $0x0  }
0x75: {  	[sflag:s30] =	ssyncadd.s32 $0xFFFFEE00  }
0x76: {  	_ =	swait.ge [sflag:s30], $0x1200  }
0x77: {  	[sflag:s30] =	ssyncset.done $0x0  }
0x78: {  	[sflag:s30] =	ssyncadd.s32 $0xFFFFEE00  }
0x79: {  	_ =	swait.ge [sflag:s30], $0x2400  }
0x7a: {  	s11 =	sshllo.u32 s2, $0x1;
	[sflag:s30] =	ssyncset.done $0x0  }
0x7b: {  	p0 =	sge.u32 s11, s9;
	[sflag:s30] =	ssyncadd.s32 $0xFFFFDC00  }
0x7c: {  	p1 =	seq.s32 @!p0 s2, $0x0;
	_ =	swait.ge [sflag:s30], $0x40  }
0x7d: {  	p1 =	por p1, p0;
	[sflag:s30] =	ssyncset.done $0x0  }
0x7e: {  	s12 =	simm.s32 @!p1 $0x6;
	[sflag:s30] =	ssyncadd.s32 $0xFFFFFFC0  }
0x7f: {  	_ =	swait.ge @!p1 [sflag:s12], $0x2400  }
0x80: {  	[sflag:s12] =	ssyncset.done @!p1 $0x0  }
0x81: {  	[sflag:s12] =	ssyncadd.s32 @!p1 $0xFFFFDC00;
	s12 =	simm.s32 @!p0 $0x4  }
0x82: {  	s11 =	sshll.u32 @!p0 s11, $0x6;
	_ =	swait.ge @!p0 [sflag:s12], $0x40  }
0x83: {  	s13 =	simm.s32 @!p0 $0x16CC0;
	s20 =	simm.s32 @!p0 $0x1D980;
	[sflag:s12] =	ssyncset.done @!p0 $0x0  }
0x84: {  	s11 =	sadd.s32 @!p0 s8, s11;
	[sflag:s12] =	ssyncadd.s32 @!p0 $0xFFFFFFC0;
	s12 =	simm.s32 @!p0 $0x20  }
0x85: {  	[tilespmem:s20], [sflag:$0x2] =	stream.indirect.gather @!p0 [hbm4b:s4+s12], $0x90, s13, s12, $0xb8;
	[tilespmem:$0x1FD80] =	vst v63  }
0x86: {  	s21 =	smul.u32 @!p0 $0x12, s11;
	s13 =	simm.s32 @!p0 $0x16CE0;
	s20 =	simm.s32 @!p0 $0x1EB80  }
0x87: {  	[tilespmem:s20], [sflag:$0x2] =	stream.indirect.gather @!p0 [hbm4b:s4+s12], $0x90, s13, s12, $0xb8;
	[tilespmem:$0x1FD80] =	vst v63  }
0x88: {  	s12 =	sadd.s32 @!p0 s5, s21;
	s13 =	simm.s32 @!p0 $0x0;
	s20 =	simm.s32 @!p0 $0x19180  }
0x89: {  	[tilespmem:s20], [sflag:$0x2] =	stream.linear.gather @!p0 [hbm4b:s12+s13], $0x2400, $0x38;
	[tilespmem:$0x1FD80] =	vst v63  }
0x8a: {  	s12 =	sshrl.u32 @!p0 s11, $0x3  }
0x8b: {  	s11 =	sshll.u32 s2, $0x1;
	s20 =	simm.s32 @!p0 $0x16D40;
	s12 =	sadd.s32 @!p0 s7, s12  }
0x8c: {  	[tilespmem:s20], [sflag:$0x2] =	stream.linear.gather @!p0 [hbm4b:s12+s13], $0x40, $0x38;
	[tilespmem:$0x1FD80] =	vst v63  }
0x8d: {  	s12 =	sadd.s32 $0x2, s11  }
0x8e: {  	p0 =	sge.u32 s12, s9  }
0x8f: {  	s12 =	sshll.u32 @!p0 s12, $0x6  }
0x90: {  	s13 =	sadd.s32 @!p0 s8, s12  }
0x91: {  	s12 =	sshrl.u32 @!p0 s13, $0x3  }
0x92: {  	s21 =	simm.s32 @!p0 $0x0;
	s15 =	simm.s32 @!p0 $0x16C80;
	s20 =	sadd.s32 @!p0 s6, s12  }
0x93: {  	[tilespmem:s15], [sflag:$0x3] =	stream.linear.gather @!p0 [hbm4b:s20+s21], $0x40, $0x38;
	[tilespmem:$0x1FD80] =	vst v63  }
0x94: {  	s20 =	simm.s32 $0x0  }
0x95: {  	v1 =	vld [tilespmem:s20+$0x16D90]  }
0x96: {  	v8 =	vld [tilespmem:s20+$0x16DA0]  }
0x97: {  	v12 =	vld [tilespmem:s20+$0x16DF0]  }
0x98: {  	v2 =	vld [tilespmem:s20+$0x16DC0]  }
0x99: {  	v5 =	vld [tilespmem:s20+$0x16DD0]  }
0x9a: {  	v6 =	vld [tilespmem:s20+$0x16E00]  }
0x9b: {  	v13 =	vld [tilespmem:s20+$0x1B5B0]  }
0x9c: {  	v18 =	vld [tilespmem:s20+$0x16DE0]  }
0x9d: {  	v9 =	vld [tilespmem:s20+$0x1B600]  }
0x9e: {  	v10 =	vld [tilespmem:s20+$0x16DB0]  }
0x9f: {  	v4 =	vld [tilespmem:s20+$0x1B580]  }
0xa0: {  	v3 =	vld [tilespmem:s20+$0x16D80]  }
0xa1: {  	v11 =	vld [tilespmem:s20+$0x1B5E0]  }
0xa2: {  	v7 =	vld [tilespmem:s20+$0x1B5C0]  }
0xa3: {  	v16 =	vld [tilespmem:s20+$0x1B5F0]  }
0xa4: {  	v15 =	vld [tilespmem:s20+$0x1B5D0];
	v8 =	vmul.f32 v8, v4;
	v14 =	vmul.f32 v12, v4  }
0xa5: {  	s21 =	simm.s32 $0x240;
	v12 =	vld [tilespmem:s20+$0x1B5A0];
	v17 =	vmul.f32 v13, v3;
	v13 =	vmul.f32 v18, v4  }
.LBB2_5:
0xa6: {  	s15 =	sshra.s32 s21, $0x2;
	p1 =	sne.s32 s21, $0x8DC0;
	s21 =	sadd.s32 $0x240, s21;
	v18 =	vld [tilespmem:s20+$0x1B590];
	v19 =	vmul.f32 v2, v4;
	v9 =	vmul.f32 v9, v3  }
0xa7: {  	v2 =	vmul.f32 v10, v4;
	v10 =	vmul.f32 v11, v3;
	v20 =	vld [tilespmem:s15+$0x16D90]  }
0xa8: {  	v11 =	vmul.f32 v5, v4;
	v21 =	vld [tilespmem:s15+$0x16DA0];
	v5 =	vmul.f32 v16, v3  }
0xa9: {  	v6 =	vmul.f32 v6, v4;
	v16 =	vadd.f32 v2, v17;
	v22 =	vld [tilespmem:s15+$0x16DF0];
	v15 =	vmul.f32 v15, v3  }
0xaa: {  	v13 =	vadd.f32 v13, v10;
	v2 =	vld [tilespmem:s15+$0x16DC0];
	v12 =	vmul.f32 v12, v3;
	v10 =	vadd.f32 v14, v5  }
0xab: {  	v9 =	vadd.f32 v6, v9;
	v14 =	vmul.f32 v4, v3;
	v5 =	vld [tilespmem:s15+$0x16DD0];
	[tilespmem:s20+$0x1B5B0] =	vst v16;
	v11 =	vadd.f32 v11, v15  }
0xac: {  	v4 =	vmul.f32 v1, v4;
	v15 =	vmul.f32 v18, v3;
	v6 =	vld [tilespmem:s15+$0x16E00];
	v8 =	vadd.f32 v8, v12;
	[tilespmem:s20+$0x1B5F0] =	vst v10  }
0xad: {  	v3 =	vmul.f32 v7, v3;
	v1 =	vmov v20;
	v17 =	vld [tilespmem:s15+$0x1B5B0];
	[tilespmem:s20+$0x1B580] =	vst v14  }
0xae: {  	v7 =	vadd.f32 v4, v15;
	v18 =	vld [tilespmem:s15+$0x16DE0];
	[tilespmem:s20+$0x1B600] =	vst v9  }
0xaf: {  	v12 =	vadd.f32 v19, v3;
	v9 =	vld [tilespmem:s15+$0x1B600];
	[tilespmem:s20+$0x1B5D0] =	vst v11  }
0xb0: {  	v10 =	vld [tilespmem:s15+$0x16DB0];
	[tilespmem:s20+$0x1B5E0] =	vst v13  }
0xb1: {  	v4 =	vld [tilespmem:s15+$0x1B580];
	[tilespmem:s20+$0x1B5A0] =	vst v8  }
0xb2: {  	v3 =	vld [tilespmem:s15+$0x16D80];
	[tilespmem:s20+$0x1B590] =	vst v7  }
.Ltmp1:
0xb3: {  	v11 =	vld [tilespmem:s15+$0x1B5E0];
	[tilespmem:s20+$0x1B5C0] =	vst v12;
	s20 =	smov.u32 s15;
	(pc) =	sbr.rel @p1 .LBB2_5-.Ltmp1, $4  }
0xb4: {  	v7 =	vld [tilespmem:s20+$0x1B5C0]  }
0xb5: {  	v16 =	vld [tilespmem:s20+$0x1B5F0]  }
0xb6: {  	v8 =	vmul.f32 v21, v4;
	v15 =	vld [tilespmem:s20+$0x1B5D0];
	v14 =	vmul.f32 v22, v4  }
0xb7: {  	v13 =	vmul.f32 v18, v4;
	v12 =	vld [tilespmem:s20+$0x1B5A0];
	v17 =	vmul.f32 v17, v3  }
0xb8: {  	v10 =	vmul.f32 v10, v4  }
0xb9: {  	v9 =	vmul.f32 v9, v3;
	v6 =	vmul.f32 v6, v4  }
0xba: {  	v18 =	vld [tilespmem:s20+$0x1B590];
	v16 =	vmul.f32 v16, v3;
	v10 =	vadd.f32 v10, v17  }
0xbb: {  	v6 =	vadd.f32 v6, v9  }
0xbc: {  	v5 =	vmul.f32 v5, v4;
	v15 =	vmul.f32 v15, v3;
	v14 =	vadd.f32 v14, v16;
	[tilespmem:s20+$0x1B5B0] =	vst v10  }
0xbd: {  	v16 =	vmul.f32 v4, v3;
	v10 =	vmul.f32 v11, v3;
	[tilespmem:s20+$0x1B600] =	vst v6  }
0xbe: {  	v9 =	vmul.f32 v12, v3;
	v5 =	vadd.f32 v5, v15;
	[tilespmem:s20+$0x1B5F0] =	vst v14  }
0xbf: {  	v1 =	vmul.f32 v1, v4;
	v11 =	vmul.f32 v18, v3;
	[tilespmem:s20+$0x1B580] =	vst v16;
	v10 =	vadd.f32 v13, v10  }
0xc0: {  	v2 =	vmul.f32 v2, v4;
	v3 =	vmul.f32 v7, v3;
	v4 =	vadd.f32 v8, v9;
	[tilespmem:s20+$0x1B5D0] =	vst v5  }
0xc1: {  	v1 =	vadd.f32 v1, v11;
	[tilespmem:s20+$0x1B5E0] =	vst v10  }
0xc2: {  	v2 =	vadd.f32 v2, v3;
	[tilespmem:s20+$0x1B5A0] =	vst v4  }
0xc3: {  	[tilespmem:s20+$0x1B590] =	vst v1  }
0xc4: {  	[tilespmem:s20+$0x1B5C0] =	vst v2  }
0xc5: {  	[spmem:s1] =	stream.indirect.scatter.add.f32 [tilespmem:s22], [sflag:$0x5], $0x90, s28, s31, $0xb8;
	[tilespmem:$0x1FD80] =	vst v63  }
0xc6: {  	_ =	swait.ge [sflag:s0], $0x1200  }
0xc7: {  	[sflag:s0] =	ssyncset.done $0x0  }
0xc8: {  	[sflag:s0] =	ssyncadd.s32 $0xFFFFEE00  }
0xc9: {  	_ =	swait.ge [sflag:s0], $0x1200  }
0xca: {  	[sflag:s0] =	ssyncset.done $0x0  }
0xcb: {  	[sflag:s0] =	ssyncadd.s32 $0xFFFFEE00  }
0xcc: {  	_ =	swait.ge [sflag:s0], $0x2400  }
0xcd: {  	[sflag:s0] =	ssyncset.done $0x0  }
0xce: {  	[sflag:s0] =	ssyncadd.s32 $0xFFFFDC00  }
0xcf: {  	_ =	swait.ge [sflag:s0], $0x40  }
0xd0: {  	[sflag:s0] =	ssyncset.done $0x0  }
0xd1: {  	s15 =	simm.s32 @!p0 $0x5;
	[sflag:s0] =	ssyncadd.s32 $0xFFFFFFC0  }
0xd2: {  	_ =	swait.ge @!p0 [sflag:s15], $0x2400  }
0xd3: {  	[sflag:s15] =	ssyncset.done @!p0 $0x0  }
0xd4: {  	[sflag:s15] =	ssyncadd.s32 @!p0 $0xFFFFDC00;
	s15 =	simm.s32 @!p0 $0x3  }
0xd5: {  	_ =	swait.ge @!p0 [sflag:s15], $0x40  }
0xd6: {  	s21 =	simm.s32 @!p0 $0x1B580;
	[sflag:s15] =	ssyncset.done @!p0 $0x0  }
0xd7: {  	s20 =	simm.s32 @!p0 $0x16C80;
	[sflag:s15] =	ssyncadd.s32 @!p0 $0xFFFFFFC0;
	s15 =	simm.s32 @!p0 $0x20  }
0xd8: {  	[tilespmem:s21], [sflag:$0x1] =	stream.indirect.gather @!p0 [hbm4b:s4+s15], $0x90, s20, s15, $0xb8;
	[tilespmem:$0x1FD80] =	vst v63  }
0xd9: {  	s13 =	smul.u32 @!p0 $0x12, s13;
	s20 =	simm.s32 @!p0 $0x16CA0;
	s21 =	simm.s32 @!p0 $0x1C780  }
0xda: {  	[tilespmem:s21], [sflag:$0x1] =	stream.indirect.gather @!p0 [hbm4b:s4+s15], $0x90, s20, s15, $0xb8;
	[tilespmem:$0x1FD80] =	vst v63  }
0xdb: {  	s13 =	sadd.s32 @!p0 s5, s13;
	s15 =	simm.s32 @!p0 $0x0;
	s20 =	simm.s32 @!p0 $0x16D80  }
0xdc: {  	[tilespmem:s20], [sflag:$0x1] =	stream.linear.gather @!p0 [hbm4b:s13+s15], $0x2400, $0x38;
	[tilespmem:$0x1FD80] =	vst v63  }
0xdd: {  	s12 =	sadd.s32 @!p0 s7, s12;
	s11 =	sadd.s32 $0x3, s11;
	s13 =	simm.s32 @!p0 $0x16D00  }
0xde: {  	[tilespmem:s13], [sflag:$0x1] =	stream.linear.gather @!p0 [hbm4b:s12+s15], $0x40, $0x38;
	[tilespmem:$0x1FD80] =	vst v63  }
0xdf: {  	p0 =	sge.u32 s11, s9  }
0xe0: {  	s11 =	sshll.u32 @!p0 s11, $0x6  }
0xe1: {  	s11 =	sadd.s32 @!p0 s8, s11  }
0xe2: {  	s11 =	sshrl.u32 @!p0 s11, $0x3  }
0xe3: {  	s12 =	simm.s32 @!p0 $0x0;
	s13 =	simm.s32 @!p0 $0x16CC0;
	s11 =	sadd.s32 @!p0 s6, s11  }
0xe4: {  	[tilespmem:s13], [sflag:$0x4] =	stream.linear.gather @!p0 [hbm4b:s11+s12], $0x40, $0x38;
	[tilespmem:$0x1FD80] =	vst v63  }
0xe5: {  	s11 =	simm.s32 $0x0  }
0xe6: {  	v1 =	vld [tilespmem:s11+$0x19190]  }
0xe7: {  	v8 =	vld [tilespmem:s11+$0x191A0]  }
0xe8: {  	v12 =	vld [tilespmem:s11+$0x191F0]  }
0xe9: {  	v2 =	vld [tilespmem:s11+$0x191C0]  }
0xea: {  	v5 =	vld [tilespmem:s11+$0x191D0]  }
0xeb: {  	v6 =	vld [tilespmem:s11+$0x19200]  }
0xec: {  	v13 =	vld [tilespmem:s11+$0x1D9B0]  }
0xed: {  	v18 =	vld [tilespmem:s11+$0x191E0]  }
0xee: {  	v9 =	vld [tilespmem:s11+$0x1DA00]  }
0xef: {  	v10 =	vld [tilespmem:s11+$0x191B0]  }
0xf0: {  	v4 =	vld [tilespmem:s11+$0x1D980]  }
0xf1: {  	v3 =	vld [tilespmem:s11+$0x19180]  }
0xf2: {  	v11 =	vld [tilespmem:s11+$0x1D9E0]  }
0xf3: {  	v7 =	vld [tilespmem:s11+$0x1D9C0]  }
0xf4: {  	v16 =	vld [tilespmem:s11+$0x1D9F0]  }
0xf5: {  	v15 =	vld [tilespmem:s11+$0x1D9D0];
	v8 =	vmul.f32 v8, v4;
	v14 =	vmul.f32 v12, v4  }
0xf6: {  	s12 =	simm.s32 $0x240;
	v12 =	vld [tilespmem:s11+$0x1D9A0];
	v17 =	vmul.f32 v13, v3;
	v13 =	vmul.f32 v18, v4  }
.LBB2_7:
0xf7: {  	s13 =	sshra.s32 s12, $0x2;
	p0 =	sne.s32 s12, $0x8DC0;
	s12 =	sadd.s32 $0x240, s12;
	v18 =	vld [tilespmem:s11+$0x1D990];
	v19 =	vmul.f32 v2, v4;
	v9 =	vmul.f32 v9, v3  }
0xf8: {  	v2 =	vmul.f32 v10, v4;
	v10 =	vmul.f32 v11, v3;
	v20 =	vld [tilespmem:s13+$0x19190]  }
0xf9: {  	v11 =	vmul.f32 v5, v4;
	v21 =	vld [tilespmem:s13+$0x191A0];
	v5 =	vmul.f32 v16, v3  }
0xfa: {  	v6 =	vmul.f32 v6, v4;
	v16 =	vadd.f32 v2, v17;
	v22 =	vld [tilespmem:s13+$0x191F0];
	v15 =	vmul.f32 v15, v3  }
0xfb: {  	v13 =	vadd.f32 v13, v10;
	v2 =	vld [tilespmem:s13+$0x191C0];
	v12 =	vmul.f32 v12, v3;
	v10 =	vadd.f32 v14, v5  }
0xfc: {  	v9 =	vadd.f32 v6, v9;
	v14 =	vmul.f32 v4, v3;
	v5 =	vld [tilespmem:s13+$0x191D0];
	[tilespmem:s11+$0x1D9B0] =	vst v16;
	v11 =	vadd.f32 v11, v15  }
0xfd: {  	v4 =	vmul.f32 v1, v4;
	v15 =	vmul.f32 v18, v3;
	v6 =	vld [tilespmem:s13+$0x19200];
	v8 =	vadd.f32 v8, v12;
	[tilespmem:s11+$0x1D9F0] =	vst v10  }
0xfe: {  	v3 =	vmul.f32 v7, v3;
	v1 =	vmov v20;
	v17 =	vld [tilespmem:s13+$0x1D9B0];
	[tilespmem:s11+$0x1D980] =	vst v14  }
0xff: {  	v7 =	vadd.f32 v4, v15;
	v18 =	vld [tilespmem:s13+$0x191E0];
	[tilespmem:s11+$0x1DA00] =	vst v9  }
0x100: {  	v12 =	vadd.f32 v19, v3;
	v9 =	vld [tilespmem:s13+$0x1DA00];
	[tilespmem:s11+$0x1D9D0] =	vst v11  }
0x101: {  	v10 =	vld [tilespmem:s13+$0x191B0];
	[tilespmem:s11+$0x1D9E0] =	vst v13  }
0x102: {  	v4 =	vld [tilespmem:s13+$0x1D980];
	[tilespmem:s11+$0x1D9A0] =	vst v8  }
0x103: {  	v3 =	vld [tilespmem:s13+$0x19180];
	[tilespmem:s11+$0x1D990] =	vst v7  }
.Ltmp2:
0x104: {  	v11 =	vld [tilespmem:s13+$0x1D9E0];
	[tilespmem:s11+$0x1D9C0] =	vst v12;
	s11 =	smov.u32 s13;
	(pc) =	sbr.rel @p0 .LBB2_7-.Ltmp2, $4  }
0x105: {  	v7 =	vld [tilespmem:s11+$0x1D9C0]  }
0x106: {  	v16 =	vld [tilespmem:s11+$0x1D9F0]  }
0x107: {  	v8 =	vmul.f32 v21, v4;
	v15 =	vld [tilespmem:s11+$0x1D9D0];
	v14 =	vmul.f32 v22, v4  }
0x108: {  	v13 =	vmul.f32 v18, v4;
	v12 =	vld [tilespmem:s11+$0x1D9A0];
	v17 =	vmul.f32 v17, v3  }
0x109: {  	v10 =	vmul.f32 v10, v4;
	v9 =	vmul.f32 v9, v3  }
0x10a: {  	v18 =	vld [tilespmem:s11+$0x1D990];
	v6 =	vmul.f32 v6, v4;
	v59 =	vmul.f32 v4, v3  }
0x10b: {  	v16 =	vmul.f32 v16, v3;
	v10 =	vadd.f32 v10, v17  }
0x10c: {  	v60 =	vmul.f32 v11, v3;
	v6 =	vadd.f32 v6, v9;
	[tilespmem:s11+$0x1D980] =	vst v59  }
0x10d: {  	v5 =	vmul.f32 v5, v4;
	v15 =	vmul.f32 v15, v3;
	v14 =	vadd.f32 v14, v16;
	[tilespmem:s11+$0x1D9B0] =	vst v10  }
0x10e: {  	v61 =	vmul.f32 v12, v3;
	v10 =	vadd.f32 v13, v60;
	[tilespmem:s11+$0x1DA00] =	vst v6  }
0x10f: {  	v1 =	vmul.f32 v1, v4;
	s2 =	sadd.s32 $0x1, s2;
	v5 =	vadd.f32 v5, v15;
	v62 =	vmul.f32 v18, v3;
	[tilespmem:s11+$0x1D9F0] =	vst v14  }
0x110: {  	v2 =	vmul.f32 v2, v4;
	p0 =	sne.s32 s2, s14;
	v3 =	vmul.f32 v7, v3;
	v63 =	vadd.f32 v8, v61;
	[tilespmem:s11+$0x1D9E0] =	vst v10  }
.Ltmp3:
0x111: {  	[tilespmem:s11+$0x1D9D0] =	vst v5;
	v1 =	vadd.f32 v1, v62;
	(pc) =	sbr.rel @p0 .LBB2_4-.Ltmp3, $4  }
0x112: {  	v2 =	vadd.f32 v2, v3;
	[tilespmem:s11+$0x1D9A0] =	vst v63  }
0x113: {  	[tilespmem:s11+$0x1D990] =	vst v1  }
0x114: {  	[tilespmem:s11+$0x1D9C0] =	vst v2  }
0x115: {  	[spmem:s1] =	stream.indirect.scatter.add.f32 [tilespmem:s24], [sflag:$0x6], $0x90, s23, s31, $0xb8;
	[tilespmem:$0x1FD80] =	vst v63  }
0x116: {  	_ =	swait.ge [sflag:s26], $0x2400  }
0x117: {  	[sflag:s26] =	ssyncset.done $0x0  }
0x118: {  	[sflag:s26] =	ssyncadd.s32 $0xFFFFDC00  }
0x119: {  	_ =	swait.ge [sflag:s29], $0x2400  }
0x11a: {  	[sflag:s29] =	ssyncset.done $0x0  }
0x11b: {  	s2 =	stileid.u32;
	s3 =	sadd.s32 $0x1, s3;
	[sflag:s29] =	ssyncadd.s32 $0xFFFFDC00  }
0x11c: {  	s2 =	sshll.u32 s2, $0x6;
	p0 =	sne.s32 s3, s16;
	[bflag:$0x0] =	sbarrier.arrive $0xFFFF  }
.Ltmp4:
0x11d: {  	s2 =	sor.u32 $0x1C07, s2;
	s11 =	rddreg [dreg:$0x6];
	(pc) =	sbr.rel @p0 .LBB2_1-.Ltmp4, $4  }
0x11e: {  	[hbm:s11], [sflag:s2] =	dma.local [spmem:s25], $0x2D00  }
0x11f: {  	_ =	swait.ge [sflag:s19], $0x2D00  }
0x120: {  	[sflag:s19] =	ssyncset.done $0x0  }
0x121: {  	[sflag:s19] =	ssyncadd.s32 $0xFFFFD300  }
0x122: {  	_ =	sfence.sel $0x180000  }
0x123: {  	[bflag:$0x0] =	sbarrier.arrive $0xFFFF  }
0x124: {  	_ =	strace $0x9000004A  }
0x125: {  	s0 =	stileid.u32;
	[bflag:$0x2] =	sbarrier.arrive $0xFFFF  }
0x126: {  	p0 =	sne.s32 s0, $0x0;
	s0 =	rddreg [dreg:$0x2]  }
0x127: {  	s0 =	sadd.s32 @!p0 $0x100000, s0  }
0x128: {  	[sflag:s0] =	ssyncadd.tile.s32 @!p0 $0x1;
	_ =	shalt  }
.Lfunc_end2:
_tile_overlayer_lowered:
.L_overlay_start_2:
0x129: {  	(tag) =	ssettag $0x2  }
0x12a: {  	s0 =	rddreg [dreg:$0x0];
	s2 =	stileid.u32  }
0x12b: {  	s1 =	rddreg [dreg:$0x1];
	p0 =	sne.s32 s2, $0x0  }
0x12c: {  	s3 =	rddreg [dreg:$0x2];
	[bflag:$0x3] =	sbarrier.arrive $0xFFFF;
	s2 =	simm.s32 @!p0 $0x1C07  }
0x12d: {  	[timem:s3], [sflag:s2] =	dma.local @!p0 [hbm:s0], s1  }
0x12e: {  	s0 =	simm.s32 @!p0 $0x7  }
0x12f: {  	_ =	swait.ge @!p0 [sflag:s0], s1  }
0x130: {  	s1 =	ssub.s32 @!p0 $0x0, s1;
	[sflag:s0] =	ssyncset.done @!p0 $0x0  }
0x131: {  	[sflag:s0] =	ssyncadd.s32 @!p0 s1  }
0x132: {  	[bflag:$0x3] =	sbarrier.arrive $0xFFFF  }
0x133: {  	_ =	shalt  }

// kernel: kernel.19.cloned.1.call-start
scs
__scs_entry_jumppad:
0x0: {  	(pc) =	sbr.rel $0x88, $3  }
0x1: {  	(tag) =	ssettag $0x0;
	lr =	simm.s32 $0x1  }
0x2: {  	[smem:$0x3F95] =	sst lr;
	_ =	strace $0xD0000000  }
0x3: {  	_ = 	snop  }
0x4: {  	_ = 	snop  }
0x5: {  	_ = 	snop  }
0x6: {  	_ = 	snop  }
0x7: {  	_ = 	snop  }
__scs_overlays_trampoline_lowered:
0x8: {  	[smem:$0x3FA4] =	sst s0  }
0x9: {  	[smem:$0x3FA5] =	sst s1  }
0xa: {  	[smem:$0x3FA6] =	sst s2  }
0xb: {  	[smem:$0x3FA7] =	sst s3  }
0xc: {  	[smem:$0x3FA8] =	sst s4  }
0xd: {  	[smem:$0x3FA9] =	sst s5  }
0xe: {  	[smem:$0x3FAA] =	sst s6  }
0xf: {  	[smem:$0x3FAB] =	sst s7  }
0x10: {  	[smem:$0x3FAC] =	sst s8  }
0x11: {  	[smem:$0x3FAD] =	sst s9;
	s0 =	simm.s32 @!p0 $0x0  }
0x12: {  	s1 =	sld [smem:$0x3F93];
	s0 =	simm.s32 @p0 $0x1  }
0x13: {  	[smem:$0x3FAE] =	sst s0;
	s0 =	simm.s32 @!p1 $0x0  }
0x14: {  	s2 =	sld [smem:$0x3F92];
	s0 =	simm.s32 @p1 $0x1  }
0x15: {  	[smem:$0x3FAF] =	sst s0;
	s0 =	simm.s32 @!p2 $0x0  }
0x16: {  	s3 =	sld [smem:$0x3FDB];
	s0 =	simm.s32 @p2 $0x1  }
0x17: {  	s4 =	simm.s32 $0x1BF5;
	[smem:$0x3FB1] =	sst s0  }
0x18: {  	s0 =	sld [smem:$0x3F94];
	_ =	swait.ge [sflag:s4], $0x0  }
0x19: {  	s7 =	sld [smem:$0x3F95]  }
0x1a: {  	s8 =	sadd.s32 $0xFFFFE003, lr  }
0x1b: {  	s9 =	sadd.s32 $0xFFFFFEF7, lr;
	s5 =	simm.s32 $0xFFFFFFFF;
	p2 =	slt.u32 s8, $0xFFFFF086  }
0x1c: {  	p1 =	slt.u32 s9, $0xF7A;
	s5 =	simm.s32 @!p2 $0x0  }
0x1d: {  	s5 =	simm.s32 @p1 $0x1;
	p0 =	seq.s32 s7, s2  }
0x1e: {  	s7 =	smul.u32 @!p0 $0xF7A, s2;
	p2 =	seq.s32 @!p0 s5, $0x0  }
0x1f: {  	s9 =	smul.u32 $0xF7A, s1;
	s8 =	simm.s32 @!p0 $0x1BF5;
	p2 =	por !p2, p0  }
0x20: {  	[sflag:s8] =	ssyncset.s32 @!p0 $0xFFFFF086;
	s6 =	sadd.s32 @!p0 s3, s7;
	s7 =	simm.s32 @!p0 $0x108  }
0x21: {  	s3 =	sadd.s32 s3, s9;
	s6 =	sadd.s32 @!p0 $0x88, s6;
	s7 =	simm.s32 @p2 $0x1082  }
0x22: {  	[simem:s7], [sflag:s8] =	dma.local @!p0 [hbm:s6], $0xF7A  }
0x23: {  	s9 =	sor.u32 $0xD0000000, s2;
	s6 =	simm.s32 $0x108;
	_ =	swait.ge @!p0 [sflag:s8], $0x0  }
0x24: {  	s3 =	sadd.s32 $0x88, s3;
	s6 =	simm.s32 @!p1 $0x1082;
	[sflag:s4] =	ssyncset.s32 $0xFFFFF086  }
0x25: {  	[simem:s6], [sflag:s4] =	dma.local [hbm:s3], $0xF7A  }
0x26: {  	[smem:$0x3F95] =	sst s1;
	(tag) =	ssettag s2;
	_ =	strace s9  }
0x27: {  	s1 =	sld [smem:$0x3FA5]  }
0x28: {  	s2 =	sld [smem:$0x3FA6]  }
0x29: {  	s4 =	sld [smem:$0x3FA8]  }
0x2a: {  	p0 =	seq.s32 s5, $0x0;
	s5 =	sld [smem:$0x3FA9]  }
0x2b: {  	s6 =	sld [smem:$0x3FAA]  }
0x2c: {  	s7 =	sld [smem:$0x3FAB]  }
0x2d: {  	s3 =	simm.s32 $0x108;
	s8 =	sld [smem:$0x3FAC]  }
0x2e: {  	s3 =	simm.s32 @!p0 $0x1082;
	s9 =	sld [smem:$0x3FAD]  }
0x2f: {  	lr =	sadd.s32 s0, s3;
	s0 =	sld [smem:$0x3FA4]  }
0x30: {  	s3 =	sld [smem:$0x3FA7]  }
0x31: {  	[smem:$0x3FB0] =	sst s10  }
0x32: {  	s10 =	sld [smem:$0x3FAE];
	_ =	sdelay $0x3  }
0x33: {  	p0 =	seq.s32 s10, $0x1;
	s10 =	sld [smem:$0x3FB0];
	_ =	sdelay $0x3  }
0x34: {  	[smem:$0x3FB0] =	sst s10  }
0x35: {  	s10 =	sld [smem:$0x3FAF];
	_ =	sdelay $0x3  }
0x36: {  	p1 =	seq.s32 s10, $0x1;
	s10 =	sld [smem:$0x3FB0];
	_ =	sdelay $0x3  }
0x37: {  	[smem:$0x3FB0] =	sst s10  }
0x38: {  	s10 =	sld [smem:$0x3FB1]  }
0x39: {  	_ = 	snop;
	(pc) =	sbr.ind lr, $3  }
0x3a: {  	_ = 	snop  }
0x3b: {  	_ = 	snop  }
0x3c: {  	p2 =	seq.s32 s10, $0x1;
	s10 =	sld [smem:$0x3FB0]  }
0x3d: {  	_ =	shalt  }
0x3e: {  	_ =	shalt  }
0x3f: {  	_ =	shalt  }
0x40: {  	_ =	shalt  }
0x41: {  	_ =	shalt  }
0x42: {  	_ =	shalt  }
0x43: {  	_ =	shalt  }
0x44: {  	_ =	shalt  }
0x45: {  	_ =	shalt  }
0x46: {  	_ =	shalt  }
0x47: {  	_ =	shalt  }
0x48: {  	_ =	shalt  }
0x49: {  	_ =	shalt  }
0x4a: {  	_ =	shalt  }
0x4b: {  	_ =	shalt  }
0x4c: {  	_ =	shalt  }
0x4d: {  	_ =	shalt  }
0x4e: {  	_ =	shalt  }
0x4f: {  	_ =	shalt  }
0x50: {  	_ =	shalt  }
0x51: {  	_ =	shalt  }
0x52: {  	_ =	shalt  }
0x53: {  	_ =	shalt  }
0x54: {  	_ =	shalt  }
0x55: {  	_ =	shalt  }
0x56: {  	_ =	shalt  }
0x57: {  	_ =	shalt  }
0x58: {  	_ =	shalt  }
0x59: {  	_ =	shalt  }
0x5a: {  	_ =	shalt  }
0x5b: {  	_ =	shalt  }
0x5c: {  	_ =	shalt  }
0x5d: {  	_ =	shalt  }
0x5e: {  	_ =	shalt  }
0x5f: {  	_ =	shalt  }
0x60: {  	_ =	shalt  }
0x61: {  	_ =	shalt  }
0x62: {  	_ =	shalt  }
0x63: {  	_ =	shalt  }
0x64: {  	_ =	shalt  }
0x65: {  	_ =	shalt  }
0x66: {  	_ =	shalt  }
0x67: {  	_ =	shalt  }
0x68: {  	_ =	shalt  }
0x69: {  	_ =	shalt  }
0x6a: {  	_ =	shalt  }
0x6b: {  	_ =	shalt  }
0x6c: {  	_ =	shalt  }
0x6d: {  	_ =	shalt  }
0x6e: {  	_ =	shalt  }
0x6f: {  	_ =	shalt  }
0x70: {  	_ =	shalt  }
0x71: {  	_ =	shalt  }
0x72: {  	_ =	shalt  }
0x73: {  	_ =	shalt  }
0x74: {  	_ =	shalt  }
0x75: {  	_ =	shalt  }
0x76: {  	_ =	shalt  }
0x77: {  	_ =	shalt  }
0x78: {  	_ =	shalt  }
0x79: {  	_ =	shalt  }
0x7a: {  	_ =	shalt  }
0x7b: {  	_ =	shalt  }
0x7c: {  	_ =	shalt  }
0x7d: {  	_ =	shalt  }
0x7e: {  	_ =	shalt  }
0x7f: {  	_ =	shalt  }
0x80: {  	_ =	shalt  }
0x81: {  	_ =	shalt  }
0x82: {  	_ =	shalt  }
0x83: {  	_ =	shalt  }
0x84: {  	_ =	shalt  }
0x85: {  	_ =	shalt  }
0x86: {  	_ =	shalt  }
0x87: {  	_ =	shalt  }
.Lfunc_end0:
.L_simem_size_0:
called_computation.2_lowered:
.L_overlay_start_0:
0x88: {  	s2 =	sld [smem:$0x3FD9]  }
0x89: {  	s3 =	sld [smem:$0x3FFE];
	_ =	sdelay $0x1  }
0x8a: {  	s1 =	srdreg.scid  }
0x8b: {  	s0 =	sand.u32 $0x1, s1  }
0x8c: {  	s16 =	sshll.u32 s0, $0xA;
	s2 =	sadd.s32 s3, s2  }
0x8d: {  	s2 =	sadd.s32 s2, s16  }
0x8e: {  	[smem:$0x3FBC] =	sst s2  }
0x8f: {  	_ = 	snop  }
0x90: {  	(tm) =	ssettm $0x1  }
0x91: {  	s17 =	sld [smem:$0x3FFB];
	_ =	sdelay $0x3  }
0x92: {  	_ =	strace s17  }
0x93: {  	s2 =	sld [smem:$0x3FFC];
	_ =	sdelay $0x3  }
0x94: {  	_ =	strace s2  }
0x95: {  	s2 =	sld [smem:$0x3FFD];
	_ =	sdelay $0x3  }
0x96: {  	_ =	strace s2  }
0x97: {  	_ =	strace $0x8FFFFFFF  }
0x98: {  	s18 =	sld [smem:$0x3FDB];
	_ =	sdelay $0x1  }
0x99: {  	s19 =	simm.s32 $_scs_section_size  }
0x9a: {  	s4 =	simm.s32 $_size__tile_overlayer_lowered;
	s5 =	simm.s32 $_tile_overlayer_lowered  }
0x9b: {  	s22 =	simm.s32 $0x1BFF;
	s21 =	sshll.u32 s5, $0x1;
	s2 =	sadd.s32 s19, s18  }
0x9c: {  	s6 =	simm.s32 $0x0;
	s20 =	sshll.u32 s4, $0x1;
	s4 =	sadd.s32 s21, s2  }
0x9d: {  	[timem:s6], [sflag:s22] =	dma.local [hbm:s4], s20  }
0x9e: {  	_ =	swait.ge [sflag:s22], s20  }
0x9f: {  	s3 =	ssub.s32 $0x0, s20;
	[sflag:s22] =	ssyncset.done $0x0  }
0xa0: {  	[sflag:s22] =	ssyncadd.s32 s3;
	_ =	sdelay $0x1  }
0xa1: {  	s23 =	simm.s32 $0x1B8B  }
0xa2: {  	_ =	swait.ge [sflag:s23], $0x1  }
0xa3: {  	[sflag:s23] =	ssyncset.done $0x0  }
0xa4: {  	s25 =	simm.s32 $0x1B8E;
	s24 =	sld [smem:$0x3FFE];
	[sflag:s23] =	ssyncadd.s32 $0xFFFFFFFF  }
0xa5: {  	s26 =	simm.s32 $execute0_lowered;
	[smem:$0x3FD2] =	sst s25  }
0xa6: {  	s4 =	sshll.u32 s26, $0x1;
	_ =	strace $0x8000004C;
	[dreg:$0x1] =	wrdreg $0xFFFFFFFF  }
0xa7: {  	s28 =	simm.s32 $_size_execute0_lowered;
	s2 =	sadd.s32 s2, s4;
	[dreg:$0x0] =	wrdreg $0x0  }
0xa8: {  	s4 =	sshll.u32 s28, $0x1;
	[dreg:$0x2] =	wrdreg s2  }
0xa9: {  	[dreg:$0x3] =	wrdreg s4  }
0xaa: {  	[dreg:$0x4] =	wrdreg $0xC0  }
0xab: {  	_ =	task [dreg:s6], $0x5FFFF  }
0xac: {  	[dreg:$0x1] =	wrdreg $0xFFFFFFFF  }
0xad: {  	[dreg:$0x0] =	wrdreg $0x60  }
0xae: {  	[dreg:$0x2] =	wrdreg s24  }
0xaf: {  	[dreg:$0x3] =	wrdreg $0x0  }
0xb0: {  	[dreg:$0x4] =	wrdreg $0x9  }
0xb1: {  	_ =	task.clear_ibuf [dreg:s6], $0x5FFFF;
	_ =	strace $0x9000004C  }
0xb2: {  	s29 =	simm.s32 $0x9;
	_ =	strace $0x8000004E  }
0xb3: {  	_ =	swait.ge [sflag:s29], $0x1  }
0xb4: {  	[sflag:s29] =	ssyncadd.s32 $0xFFFFFFFF  }
0xb5: {  	_ =	strace $0x9000004E  }
0xb6: {  	_ =	sfence  }
0xb7: {  	s30 =	sld [smem:$0x0];
	_ =	sdelay $0x2  }
0xb8: {  	s31 =	sshll.u32 s1, $0xD;
	s1 =	sshrl.u32 s1, $0x2  }
0xb9: {  	s3 =	sand.u32 $0x4000, s31;
	s1 =	sadd.s32 s1, s30  }
0xba: {  	s0 =	sor.u32 s3, s0;
	s1 =	sshll.u32 s1, $0x11  }
0xbb: {  	s0 =	sor.u32 s1, s0  }
0xbc: {  	s0 =	sadd.s32 $0x8F2B, s0  }
0xbd: {  	[sflag:s0] =	ssyncadd.remote.s32 $0x1  }
0xbe: {  	_ =	sfence.sel $0xFFFF  }
0xbf: {  	[dreg:$0x0] =	wrdreg $0xFFFFFFFF;
	(pc) =	sbr.abs _section_cstart, $3  }
0xc0: {  	[dreg:$0x1] =	wrdreg $0xFFFFFFFF  }
0xc1: {  	_ =	task.clear_ibuf [dreg:s6], $0x2FFFF;
	_ =	strace $0x9FFFFFFF  }
0xc2: {  	(tm) =	ssettm $0x7FFFFFFF  }
0xc3: {  	_ =	shalt  }
tec
execute0_lowered:
.L_overlay_start_1:
0x0: {  	(tag) =	ssettag $0x1  }
0x1: {  	s0 =	rddreg [dreg:$0x0]  }
0x2: {  	s1 =	rddreg [dreg:$0x1];
	s2 =	srdreg.scid;
	s3 =	simm.s32 $0x0  }
0x3: {  	s14 =	stileid.u32;
	s18 =	simm.s32 $0x16800;
	s19 =	simm.s32 $0x7  }
0x4: {  	s28 =	simm.s32 $0x16D00;
	s30 =	simm.s32 $0x1;
	s31 =	simm.s32 $0x40  }
0x5: {  	s29 =	simm.s32 $0x6;
	s2 =	sand.u32 $0x1, s2;
	s11 =	smul.u32 $0x16800, s14  }
0x6: {  	[smem:$0x7FF] =	sst s3;
	s4 =	sadd.s32 $0x549000, s0;
	s8 =	smul.u32 $0x2800, s14  }
0x7: {  	s5 =	sadd.s32 $0x5D0000, s0;
	s6 =	sadd.s32 $0xFA00, s0;
	s16 =	smul.u32 $0x5A000, s14  }
0x8: {  	s7 =	smul.u32 $0x168000, s2;
	_ =	strace $0x8000004D;
	s10 =	ssub.s32 $0x2, s2  }
0x9: {  	s12 =	smul.u32 $0x1C00, s2;
	p0 =	seq.s32 s2, $0x0;
	s22 =	sshrl.u32 s10, $0x1  }
0xa: {  	s25 =	sshrl.u32 s16, $0x2;
	s26 =	sadd.s32 s11, s1;
	s7 =	sadd.s32 s11, s7  }
0xb: {  	s13 =	ssub.s32 s10, s22;
	s8 =	sadd.s32 s12, s8;
	s17 =	sadd.s32 s25, s1  }
0xc: {  	s22 =	simm.s32 $0x1B580;
	s25 =	sshrl.u32 s26, $0x3;
	s26 =	simm.s32 $0x5  }
0xd: {  	s9 =	sshrl.u32 s7, $0x3;
	s7 =	sadd.s32 $0xAA00, s0;
	s23 =	sshrl.u32 s8, $0x3  }
0xe: {  	s12 =	smul.u32 $0x12, s8;
	s16 =	smax.u32 s13, $0x1;
	s0 =	sadd.s32 s9, s0  }
0xf: {  	s9 =	simm.s32 $0x70;
	s10 =	sadd.s32 s6, s23;
	s2 =	sadd.s32 s7, s23  }
0x10: {  	s23 =	simm.s32 $0x16D40;
	s12 =	sadd.s32 s5, s12;
	[dreg:$0x4] =	wrdreg s2  }
0x11: {  	s9 =	simm.s32 @!p0 $0x30;
	s24 =	sadd.s32 $0x8, s10;
	[dreg:$0x3] =	wrdreg s12  }
0x12: {  	s0 =	sadd.s32 $0x576000, s0;
	[dreg:$0x5] =	wrdreg s24;
	s14 =	sshrl.u32 s9, $0x1  }
0x13: {  	v0 =	vimm.f32 $0.0e+00;
	[dreg:$0x6] =	wrdreg s0;
	s0 =	simm.s32 $0x2;
	s24 =	simm.s32 $0x1D980  }
.LBB2_1:
0x14: {  	[tilespmem:$0x16800] =	vst v0  }
0x15: {  	[tilespmem:$0x16810] =	vst v0  }
0x16: {  	[tilespmem:$0x16820] =	vst v0  }
0x17: {  	[tilespmem:$0x16830] =	vst v0  }
0x18: {  	[tilespmem:$0x16840] =	vst v0  }
0x19: {  	[tilespmem:$0x16850] =	vst v0  }
0x1a: {  	[tilespmem:$0x16860] =	vst v0  }
0x1b: {  	[tilespmem:$0x16870] =	vst v0  }
0x1c: {  	[tilespmem:$0x16880] =	vst v0  }
0x1d: {  	[tilespmem:$0x16890] =	vst v0  }
0x1e: {  	[tilespmem:$0x168A0] =	vst v0  }
0x1f: {  	[tilespmem:$0x168B0] =	vst v0  }
0x20: {  	[tilespmem:$0x168C0] =	vst v0  }
0x21: {  	[tilespmem:$0x168D0] =	vst v0  }
0x22: {  	[tilespmem:$0x168E0] =	vst v0  }
0x23: {  	[tilespmem:$0x168F0] =	vst v0  }
0x24: {  	[tilespmem:$0x16900] =	vst v0  }
0x25: {  	[tilespmem:$0x16910] =	vst v0  }
0x26: {  	[tilespmem:$0x16920] =	vst v0  }
0x27: {  	[tilespmem:$0x16930] =	vst v0  }
0x28: {  	[tilespmem:$0x16940] =	vst v0  }
0x29: {  	[tilespmem:$0x16950] =	vst v0  }
0x2a: {  	[tilespmem:$0x16960] =	vst v0  }
0x2b: {  	[tilespmem:$0x16970] =	vst v0  }
0x2c: {  	[tilespmem:$0x16980] =	vst v0  }
0x2d: {  	[tilespmem:$0x16990] =	vst v0  }
0x2e: {  	[tilespmem:$0x169A0] =	vst v0  }
0x2f: {  	[tilespmem:$0x169B0] =	vst v0  }
0x30: {  	[tilespmem:$0x169C0] =	vst v0  }
0x31: {  	[tilespmem:$0x169D0] =	vst v0  }
0x32: {  	[tilespmem:$0x169E0] =	vst v0  }
0x33: {  	[tilespmem:$0x169F0] =	vst v0  }
0x34: {  	[tilespmem:$0x16A00] =	vst v0  }
0x35: {  	[tilespmem:$0x16A10] =	vst v0  }
0x36: {  	[tilespmem:$0x16A20] =	vst v0  }
0x37: {  	[tilespmem:$0x16A30] =	vst v0  }
0x38: {  	[tilespmem:$0x16A40] =	vst v0  }
0x39: {  	[tilespmem:$0x16A50] =	vst v0  }
0x3a: {  	[tilespmem:$0x16A60] =	vst v0  }
0x3b: {  	[tilespmem:$0x16A70] =	vst v0  }
0x3c: {  	[tilespmem:$0x16A80] =	vst v0  }
0x3d: {  	[tilespmem:$0x16A90] =	vst v0  }
0x3e: {  	[tilespmem:$0x16AA0] =	vst v0  }
0x3f: {  	[tilespmem:$0x16AB0] =	vst v0  }
0x40: {  	[tilespmem:$0x16AC0] =	vst v0  }
0x41: {  	[tilespmem:$0x16AD0] =	vst v0  }
0x42: {  	[tilespmem:$0x16AE0] =	vst v0  }
0x43: {  	[tilespmem:$0x16AF0] =	vst v0  }
0x44: {  	[tilespmem:$0x16B00] =	vst v0  }
0x45: {  	[tilespmem:$0x16B10] =	vst v0  }
0x46: {  	[tilespmem:$0x16B20] =	vst v0  }
0x47: {  	[tilespmem:$0x16B30] =	vst v0  }
0x48: {  	[tilespmem:$0x16B40] =	vst v0  }
0x49: {  	[tilespmem:$0x16B50] =	vst v0  }
0x4a: {  	[tilespmem:$0x16B60] =	vst v0  }
0x4b: {  	[tilespmem:$0x16B70] =	vst v0  }
0x4c: {  	[tilespmem:$0x16B80] =	vst v0  }
0x4d: {  	[tilespmem:$0x16B90] =	vst v0  }
0x4e: {  	[tilespmem:$0x16BA0] =	vst v0  }
0x4f: {  	[tilespmem:$0x16BB0] =	vst v0  }
0x50: {  	[tilespmem:$0x16BC0] =	vst v0  }
0x51: {  	[tilespmem:$0x16BD0] =	vst v0  }
0x52: {  	[tilespmem:$0x16BE0] =	vst v0  }
0x53: {  	[tilespmem:$0x16BF0] =	vst v0  }
0x54: {  	[tilespmem:$0x16C00] =	vst v0  }
0x55: {  	[tilespmem:$0x16C10] =	vst v0  }
0x56: {  	[tilespmem:$0x16C20] =	vst v0  }
0x57: {  	[tilespmem:$0x16C30] =	vst v0  }
0x58: {  	[tilespmem:$0x16C40] =	vst v0  }
0x59: {  	[tilespmem:$0x16C50] =	vst v0  }
0x5a: {  	[tilespmem:$0x16C60] =	vst v0  }
0x5b: {  	[tilespmem:$0x16C70] =	vst v0;
	s2 =	sadd.s32 $0x0, s17  }
0x5c: {  	[spmem:s2] =	stream.linear.scatter [tilespmem:s18], [sflag:$0x7], $0x480, $0x38;
	[tilespmem:$0x1FD80] =	vst v63  }
0x5d: {  	s2 =	simm.s32 $0x1200;
	_ =	swait.ge [sflag:s19], $0x480  }
.LBB2_2:
0x5e: {  	s11 =	sshra.s32 s2, $0x2;
	[sflag:s19] =	ssyncset.done $0x0;
	p0 =	sne.s32 s2, $0x58E00  }
.Ltmp0:
0x5f: {  	s11 =	sadd.s32 s11, s17;
	[sflag:s19] =	ssyncadd.s32 $0xFFFFFB80;
	(pc) =	sbr.rel @p0 .LBB2_2-.Ltmp0, $3  }
0x60: {  	[spmem:s11] =	stream.linear.scatter [tilespmem:s18], [sflag:$0x7], $0x480, $0x38;
	[tilespmem:$0x1FD80] =	vst v63  }
0x61: {  	s2 =	sadd.s32 $0x1200, s2;
	_ =	sdelay $0x1  }
0x62: {  	_ =	swait.ge [sflag:s19], $0x480  }
0x63: {  	[sflag:s19] =	ssyncset.done $0x0  }
0x64: {  	s2 =	simm.s32 $0x0;
	s11 =	simm.s32 $0x16C80;
	[sflag:s19] =	ssyncadd.s32 $0xFFFFFB80  }
0x65: {  	[tilespmem:s11], [sflag:$0x7] =	stream.linear.gather [hbm4b:s10+s2], $0x40, $0x38;
	[tilespmem:$0x1FD80] =	vst v63  }
0x66: {  	_ =	swait.ge [sflag:s19], $0x40  }
0x67: {  	[sflag:s19] =	ssyncset.done $0x0  }
0x68: {  	s12 =	simm.s32 $0x20;
	[sflag:s19] =	ssyncadd.s32 $0xFFFFFFC0  }
0x69: {  	[tilespmem:s22], [sflag:$0x1] =	stream.indirect.gather [hbm4b:s4+s12], $0x90, s11, s12, $0xb8;
	[tilespmem:$0x1FD80] =	vst v63  }
0x6a: {  	s21 =	simm.s32 $0x16CA0;
	s13 =	simm.s32 $0x1C780  }
0x6b: {  	[tilespmem:s13], [sflag:$0x1] =	stream.indirect.gather [hbm4b:s4+s12], $0x90, s21, s12, $0xb8;
	[tilespmem:$0x1FD80] =	vst v63  }
0x6c: {  	s12 =	rddreg [dreg:$0x3];
	s13 =	simm.s32 $0x16D80  }
0x6d: {  	[tilespmem:s13], [sflag:$0x1] =	stream.linear.gather [hbm4b:s12+s2], $0x2400, $0x38;
	[tilespmem:$0x1FD80] =	vst v63  }
0x6e: {  	s15 =	rddreg [dreg:$0x4]  }
0x6f: {  	[tilespmem:s28], [sflag:$0x1] =	stream.linear.gather [hbm4b:s15+s2], $0x40, $0x38;
	[tilespmem:$0x1FD80] =	vst v63  }
0x70: {  	s20 =	rddreg [dreg:$0x5];
	s21 =	simm.s32 $0x16CC0  }
0x71: {  	[tilespmem:s21], [sflag:$0x4] =	stream.linear.gather [hbm4b:s20+s2], $0x40, $0x38;
	[tilespmem:$0x1FD80] =	vst v63  }
0x72: {  	[bflag:$0x0] =	sbarrier.arrive $0xFFFF  }
.LBB2_4:
0x73: {  	_ =	swait.ge [sflag:s30], $0x1200  }
0x74: {  	[sflag:s30] =	ssyncset.done $0x0  }
0x75: {  	[sflag:s30] =	ssyncadd.s32 $0xFFFFEE00  }
0x76: {  	_ =	swait.ge [sflag:s30], $0x1200  }
0x77: {  	[sflag:s30] =	ssyncset.done $0x0  }
0x78: {  	[sflag:s30] =	ssyncadd.s32 $0xFFFFEE00  }
0x79: {  	_ =	swait.ge [sflag:s30], $0x2400  }
0x7a: {  	s11 =	sshllo.u32 s2, $0x1;
	[sflag:s30] =	ssyncset.done $0x0  }
0x7b: {  	p0 =	sge.u32 s11, s9;
	[sflag:s30] =	ssyncadd.s32 $0xFFFFDC00  }
0x7c: {  	p1 =	seq.s32 @!p0 s2, $0x0;
	_ =	swait.ge [sflag:s30], $0x40  }
0x7d: {  	p1 =	por p1, p0;
	[sflag:s30] =	ssyncset.done $0x0  }
0x7e: {  	s12 =	simm.s32 @!p1 $0x6;
	[sflag:s30] =	ssyncadd.s32 $0xFFFFFFC0  }
0x7f: {  	_ =	swait.ge @!p1 [sflag:s12], $0x2400  }
0x80: {  	[sflag:s12] =	ssyncset.done @!p1 $0x0  }
0x81: {  	[sflag:s12] =	ssyncadd.s32 @!p1 $0xFFFFDC00;
	s12 =	simm.s32 @!p0 $0x4  }
0x82: {  	s11 =	sshll.u32 @!p0 s11, $0x6;
	_ =	swait.ge @!p0 [sflag:s12], $0x40  }
0x83: {  	s13 =	simm.s32 @!p0 $0x16CC0;
	s20 =	simm.s32 @!p0 $0x1D980;
	[sflag:s12] =	ssyncset.done @!p0 $0x0  }
0x84: {  	s11 =	sadd.s32 @!p0 s8, s11;
	[sflag:s12] =	ssyncadd.s32 @!p0 $0xFFFFFFC0;
	s12 =	simm.s32 @!p0 $0x20  }
0x85: {  	[tilespmem:s20], [sflag:$0x2] =	stream.indirect.gather @!p0 [hbm4b:s4+s12], $0x90, s13, s12, $0xb8;
	[tilespmem:$0x1FD80] =	vst v63  }
0x86: {  	s21 =	smul.u32 @!p0 $0x12, s11;
	s13 =	simm.s32 @!p0 $0x16CE0;
	s20 =	simm.s32 @!p0 $0x1EB80  }
0x87: {  	[tilespmem:s20], [sflag:$0x2] =	stream.indirect.gather @!p0 [hbm4b:s4+s12], $0x90, s13, s12, $0xb8;
	[tilespmem:$0x1FD80] =	vst v63  }
0x88: {  	s12 =	sadd.s32 @!p0 s5, s21;
	s13 =	simm.s32 @!p0 $0x0;
	s20 =	simm.s32 @!p0 $0x19180  }
0x89: {  	[tilespmem:s20], [sflag:$0x2] =	stream.linear.gather @!p0 [hbm4b:s12+s13], $0x2400, $0x38;
	[tilespmem:$0x1FD80] =	vst v63  }
0x8a: {  	s12 =	sshrl.u32 @!p0 s11, $0x3  }
0x8b: {  	s11 =	sshll.u32 s2, $0x1;
	s20 =	simm.s32 @!p0 $0x16D40;
	s12 =	sadd.s32 @!p0 s7, s12  }
0x8c: {  	[tilespmem:s20], [sflag:$0x2] =	stream.linear.gather @!p0 [hbm4b:s12+s13], $0x40, $0x38;
	[tilespmem:$0x1FD80] =	vst v63  }
0x8d: {  	s12 =	sadd.s32 $0x2, s11  }
0x8e: {  	p0 =	sge.u32 s12, s9  }
0x8f: {  	s12 =	sshll.u32 @!p0 s12, $0x6  }
0x90: {  	s13 =	sadd.s32 @!p0 s8, s12  }
0x91: {  	s12 =	sshrl.u32 @!p0 s13, $0x3  }
0x92: {  	s21 =	simm.s32 @!p0 $0x0;
	s15 =	simm.s32 @!p0 $0x16C80;
	s20 =	sadd.s32 @!p0 s6, s12  }
0x93: {  	[tilespmem:s15], [sflag:$0x3] =	stream.linear.gather @!p0 [hbm4b:s20+s21], $0x40, $0x38;
	[tilespmem:$0x1FD80] =	vst v63  }
0x94: {  	s20 =	simm.s32 $0x0  }
0x95: {  	v1 =	vld [tilespmem:s20+$0x16D90]  }
0x96: {  	v8 =	vld [tilespmem:s20+$0x16DA0]  }
0x97: {  	v12 =	vld [tilespmem:s20+$0x16DF0]  }
0x98: {  	v2 =	vld [tilespmem:s20+$0x16DC0]  }
0x99: {  	v5 =	vld [tilespmem:s20+$0x16DD0]  }
0x9a: {  	v6 =	vld [tilespmem:s20+$0x16E00]  }
0x9b: {  	v13 =	vld [tilespmem:s20+$0x1B5B0]  }
0x9c: {  	v18 =	vld [tilespmem:s20+$0x16DE0]  }
0x9d: {  	v9 =	vld [tilespmem:s20+$0x1B600]  }
0x9e: {  	v10 =	vld [tilespmem:s20+$0x16DB0]  }
0x9f: {  	v4 =	vld [tilespmem:s20+$0x1B580]  }
0xa0: {  	v3 =	vld [tilespmem:s20+$0x16D80]  }
0xa1: {  	v11 =	vld [tilespmem:s20+$0x1B5E0]  }
0xa2: {  	v7 =	vld [tilespmem:s20+$0x1B5C0]  }
0xa3: {  	v16 =	vld [tilespmem:s20+$0x1B5F0]  }
0xa4: {  	v15 =	vld [tilespmem:s20+$0x1B5D0];
	v8 =	vmul.f32 v8, v4;
	v14 =	vmul.f32 v12, v4  }
0xa5: {  	s21 =	simm.s32 $0x240;
	v12 =	vld [tilespmem:s20+$0x1B5A0];
	v17 =	vmul.f32 v13, v3;
	v13 =	vmul.f32 v18, v4  }
.LBB2_5:
0xa6: {  	s15 =	sshra.s32 s21, $0x2;
	p1 =	sne.s32 s21, $0x8DC0;
	s21 =	sadd.s32 $0x240, s21;
	v18 =	vld [tilespmem:s20+$0x1B590];
	v19 =	vmul.f32 v2, v4;
	v9 =	vmul.f32 v9, v3  }
0xa7: {  	v2 =	vmul.f32 v10, v4;
	v10 =	vmul.f32 v11, v3;
	v20 =	vld [tilespmem:s15+$0x16D90]  }
0xa8: {  	v11 =	vmul.f32 v5, v4;
	v21 =	vld [tilespmem:s15+$0x16DA0];
	v5 =	vmul.f32 v16, v3  }
0xa9: {  	v6 =	vmul.f32 v6, v4;
	v16 =	vadd.f32 v2, v17;
	v22 =	vld [tilespmem:s15+$0x16DF0];
	v15 =	vmul.f32 v15, v3  }
0xaa: {  	v13 =	vadd.f32 v13, v10;
	v2 =	vld [tilespmem:s15+$0x16DC0];
	v12 =	vmul.f32 v12, v3;
	v10 =	vadd.f32 v14, v5  }
0xab: {  	v9 =	vadd.f32 v6, v9;
	v14 =	vmul.f32 v4, v3;
	v5 =	vld [tilespmem:s15+$0x16DD0];
	[tilespmem:s20+$0x1B5B0] =	vst v16;
	v11 =	vadd.f32 v11, v15  }
0xac: {  	v4 =	vmul.f32 v1, v4;
	v15 =	vmul.f32 v18, v3;
	v6 =	vld [tilespmem:s15+$0x16E00];
	v8 =	vadd.f32 v8, v12;
	[tilespmem:s20+$0x1B5F0] =	vst v10  }
0xad: {  	v3 =	vmul.f32 v7, v3;
	v1 =	vmov v20;
	v17 =	vld [tilespmem:s15+$0x1B5B0];
	[tilespmem:s20+$0x1B580] =	vst v14  }
0xae: {  	v7 =	vadd.f32 v4, v15;
	v18 =	vld [tilespmem:s15+$0x16DE0];
	[tilespmem:s20+$0x1B600] =	vst v9  }
0xaf: {  	v12 =	vadd.f32 v19, v3;
	v9 =	vld [tilespmem:s15+$0x1B600];
	[tilespmem:s20+$0x1B5D0] =	vst v11  }
0xb0: {  	v10 =	vld [tilespmem:s15+$0x16DB0];
	[tilespmem:s20+$0x1B5E0] =	vst v13  }
0xb1: {  	v4 =	vld [tilespmem:s15+$0x1B580];
	[tilespmem:s20+$0x1B5A0] =	vst v8  }
0xb2: {  	v3 =	vld [tilespmem:s15+$0x16D80];
	[tilespmem:s20+$0x1B590] =	vst v7  }
.Ltmp1:
0xb3: {  	v11 =	vld [tilespmem:s15+$0x1B5E0];
	[tilespmem:s20+$0x1B5C0] =	vst v12;
	s20 =	smov.u32 s15;
	(pc) =	sbr.rel @p1 .LBB2_5-.Ltmp1, $4  }
0xb4: {  	v7 =	vld [tilespmem:s20+$0x1B5C0]  }
0xb5: {  	v16 =	vld [tilespmem:s20+$0x1B5F0]  }
0xb6: {  	v8 =	vmul.f32 v21, v4;
	v15 =	vld [tilespmem:s20+$0x1B5D0];
	v14 =	vmul.f32 v22, v4  }
0xb7: {  	v13 =	vmul.f32 v18, v4;
	v12 =	vld [tilespmem:s20+$0x1B5A0];
	v17 =	vmul.f32 v17, v3  }
0xb8: {  	v10 =	vmul.f32 v10, v4  }
0xb9: {  	v9 =	vmul.f32 v9, v3;
	v6 =	vmul.f32 v6, v4  }
0xba: {  	v18 =	vld [tilespmem:s20+$0x1B590];
	v16 =	vmul.f32 v16, v3;
	v10 =	vadd.f32 v10, v17  }
0xbb: {  	v6 =	vadd.f32 v6, v9  }
0xbc: {  	v5 =	vmul.f32 v5, v4;
	v15 =	vmul.f32 v15, v3;
	v14 =	vadd.f32 v14, v16;
	[tilespmem:s20+$0x1B5B0] =	vst v10  }
0xbd: {  	v16 =	vmul.f32 v4, v3;
	v10 =	vmul.f32 v11, v3;
	[tilespmem:s20+$0x1B600] =	vst v6  }
0xbe: {  	v9 =	vmul.f32 v12, v3;
	v5 =	vadd.f32 v5, v15;
	[tilespmem:s20+$0x1B5F0] =	vst v14  }
0xbf: {  	v1 =	vmul.f32 v1, v4;
	v11 =	vmul.f32 v18, v3;
	[tilespmem:s20+$0x1B580] =	vst v16;
	v10 =	vadd.f32 v13, v10  }
0xc0: {  	v2 =	vmul.f32 v2, v4;
	v3 =	vmul.f32 v7, v3;
	v4 =	vadd.f32 v8, v9;
	[tilespmem:s20+$0x1B5D0] =	vst v5  }
0xc1: {  	v1 =	vadd.f32 v1, v11;
	[tilespmem:s20+$0x1B5E0] =	vst v10  }
0xc2: {  	v2 =	vadd.f32 v2, v3;
	[tilespmem:s20+$0x1B5A0] =	vst v4  }
0xc3: {  	[tilespmem:s20+$0x1B590] =	vst v1  }
0xc4: {  	[tilespmem:s20+$0x1B5C0] =	vst v2  }
0xc5: {  	[spmem:s1] =	stream.indirect.scatter.add.f32 [tilespmem:s22], [sflag:$0x5], $0x90, s28, s31, $0xb8;
	[tilespmem:$0x1FD80] =	vst v63  }
0xc6: {  	_ =	swait.ge [sflag:s0], $0x1200  }
0xc7: {  	[sflag:s0] =	ssyncset.done $0x0  }
0xc8: {  	[sflag:s0] =	ssyncadd.s32 $0xFFFFEE00  }
0xc9: {  	_ =	swait.ge [sflag:s0], $0x1200  }
0xca: {  	[sflag:s0] =	ssyncset.done $0x0  }
0xcb: {  	[sflag:s0] =	ssyncadd.s32 $0xFFFFEE00  }
0xcc: {  	_ =	swait.ge [sflag:s0], $0x2400  }
0xcd: {  	[sflag:s0] =	ssyncset.done $0x0  }
0xce: {  	[sflag:s0] =	ssyncadd.s32 $0xFFFFDC00  }
0xcf: {  	_ =	swait.ge [sflag:s0], $0x40  }
0xd0: {  	[sflag:s0] =	ssyncset.done $0x0  }
0xd1: {  	s15 =	simm.s32 @!p0 $0x5;
	[sflag:s0] =	ssyncadd.s32 $0xFFFFFFC0  }
0xd2: {  	_ =	swait.ge @!p0 [sflag:s15], $0x2400  }
0xd3: {  	[sflag:s15] =	ssyncset.done @!p0 $0x0  }
0xd4: {  	[sflag:s15] =	ssyncadd.s32 @!p0 $0xFFFFDC00;
	s15 =	simm.s32 @!p0 $0x3  }
0xd5: {  	_ =	swait.ge @!p0 [sflag:s15], $0x40  }
0xd6: {  	s21 =	simm.s32 @!p0 $0x1B580;
	[sflag:s15] =	ssyncset.done @!p0 $0x0  }
0xd7: {  	s20 =	simm.s32 @!p0 $0x16C80;
	[sflag:s15] =	ssyncadd.s32 @!p0 $0xFFFFFFC0;
	s15 =	simm.s32 @!p0 $0x20  }
0xd8: {  	[tilespmem:s21], [sflag:$0x1] =	stream.indirect.gather @!p0 [hbm4b:s4+s15], $0x90, s20, s15, $0xb8;
	[tilespmem:$0x1FD80] =	vst v63  }
0xd9: {  	s13 =	smul.u32 @!p0 $0x12, s13;
	s20 =	simm.s32 @!p0 $0x16CA0;
	s21 =	simm.s32 @!p0 $0x1C780  }
0xda: {  	[tilespmem:s21], [sflag:$0x1] =	stream.indirect.gather @!p0 [hbm4b:s4+s15], $0x90, s20, s15, $0xb8;
	[tilespmem:$0x1FD80] =	vst v63  }
0xdb: {  	s13 =	sadd.s32 @!p0 s5, s13;
	s15 =	simm.s32 @!p0 $0x0;
	s20 =	simm.s32 @!p0 $0x16D80  }
0xdc: {  	[tilespmem:s20], [sflag:$0x1] =	stream.linear.gather @!p0 [hbm4b:s13+s15], $0x2400, $0x38;
	[tilespmem:$0x1FD80] =	vst v63  }
0xdd: {  	s12 =	sadd.s32 @!p0 s7, s12;
	s11 =	sadd.s32 $0x3, s11;
	s13 =	simm.s32 @!p0 $0x16D00  }
0xde: {  	[tilespmem:s13], [sflag:$0x1] =	stream.linear.gather @!p0 [hbm4b:s12+s15], $0x40, $0x38;
	[tilespmem:$0x1FD80] =	vst v63  }
0xdf: {  	p0 =	sge.u32 s11, s9  }
0xe0: {  	s11 =	sshll.u32 @!p0 s11, $0x6  }
0xe1: {  	s11 =	sadd.s32 @!p0 s8, s11  }
0xe2: {  	s11 =	sshrl.u32 @!p0 s11, $0x3  }
0xe3: {  	s12 =	simm.s32 @!p0 $0x0;
	s13 =	simm.s32 @!p0 $0x16CC0;
	s11 =	sadd.s32 @!p0 s6, s11  }
0xe4: {  	[tilespmem:s13], [sflag:$0x4] =	stream.linear.gather @!p0 [hbm4b:s11+s12], $0x40, $0x38;
	[tilespmem:$0x1FD80] =	vst v63  }
0xe5: {  	s11 =	simm.s32 $0x0  }
0xe6: {  	v1 =	vld [tilespmem:s11+$0x19190]  }
0xe7: {  	v8 =	vld [tilespmem:s11+$0x191A0]  }
0xe8: {  	v12 =	vld [tilespmem:s11+$0x191F0]  }
0xe9: {  	v2 =	vld [tilespmem:s11+$0x191C0]  }
0xea: {  	v5 =	vld [tilespmem:s11+$0x191D0]  }
0xeb: {  	v6 =	vld [tilespmem:s11+$0x19200]  }
0xec: {  	v13 =	vld [tilespmem:s11+$0x1D9B0]  }
0xed: {  	v18 =	vld [tilespmem:s11+$0x191E0]  }
0xee: {  	v9 =	vld [tilespmem:s11+$0x1DA00]  }
0xef: {  	v10 =	vld [tilespmem:s11+$0x191B0]  }
0xf0: {  	v4 =	vld [tilespmem:s11+$0x1D980]  }
0xf1: {  	v3 =	vld [tilespmem:s11+$0x19180]  }
0xf2: {  	v11 =	vld [tilespmem:s11+$0x1D9E0]  }
0xf3: {  	v7 =	vld [tilespmem:s11+$0x1D9C0]  }
0xf4: {  	v16 =	vld [tilespmem:s11+$0x1D9F0]  }
0xf5: {  	v15 =	vld [tilespmem:s11+$0x1D9D0];
	v8 =	vmul.f32 v8, v4;
	v14 =	vmul.f32 v12, v4  }
0xf6: {  	s12 =	simm.s32 $0x240;
	v12 =	vld [tilespmem:s11+$0x1D9A0];
	v17 =	vmul.f32 v13, v3;
	v13 =	vmul.f32 v18, v4  }
.LBB2_7:
0xf7: {  	s13 =	sshra.s32 s12, $0x2;
	p0 =	sne.s32 s12, $0x8DC0;
	s12 =	sadd.s32 $0x240, s12;
	v18 =	vld [tilespmem:s11+$0x1D990];
	v19 =	vmul.f32 v2, v4;
	v9 =	vmul.f32 v9, v3  }
0xf8: {  	v2 =	vmul.f32 v10, v4;
	v10 =	vmul.f32 v11, v3;
	v20 =	vld [tilespmem:s13+$0x19190]  }
0xf9: {  	v11 =	vmul.f32 v5, v4;
	v21 =	vld [tilespmem:s13+$0x191A0];
	v5 =	vmul.f32 v16, v3  }
0xfa: {  	v6 =	vmul.f32 v6, v4;
	v16 =	vadd.f32 v2, v17;
	v22 =	vld [tilespmem:s13+$0x191F0];
	v15 =	vmul.f32 v15, v3  }
0xfb: {  	v13 =	vadd.f32 v13, v10;
	v2 =	vld [tilespmem:s13+$0x191C0];
	v12 =	vmul.f32 v12, v3;
	v10 =	vadd.f32 v14, v5  }
0xfc: {  	v9 =	vadd.f32 v6, v9;
	v14 =	vmul.f32 v4, v3;
	v5 =	vld [tilespmem:s13+$0x191D0];
	[tilespmem:s11+$0x1D9B0] =	vst v16;
	v11 =	vadd.f32 v11, v15  }
0xfd: {  	v4 =	vmul.f32 v1, v4;
	v15 =	vmul.f32 v18, v3;
	v6 =	vld [tilespmem:s13+$0x19200];
	v8 =	vadd.f32 v8, v12;
	[tilespmem:s11+$0x1D9F0] =	vst v10  }
0xfe: {  	v3 =	vmul.f32 v7, v3;
	v1 =	vmov v20;
	v17 =	vld [tilespmem:s13+$0x1D9B0];
	[tilespmem:s11+$0x1D980] =	vst v14  }
0xff: {  	v7 =	vadd.f32 v4, v15;
	v18 =	vld [tilespmem:s13+$0x191E0];
	[tilespmem:s11+$0x1DA00] =	vst v9  }
0x100: {  	v12 =	vadd.f32 v19, v3;
	v9 =	vld [tilespmem:s13+$0x1DA00];
	[tilespmem:s11+$0x1D9D0] =	vst v11  }
0x101: {  	v10 =	vld [tilespmem:s13+$0x191B0];
	[tilespmem:s11+$0x1D9E0] =	vst v13  }
0x102: {  	v4 =	vld [tilespmem:s13+$0x1D980];
	[tilespmem:s11+$0x1D9A0] =	vst v8  }
0x103: {  	v3 =	vld [tilespmem:s13+$0x19180];
	[tilespmem:s11+$0x1D990] =	vst v7  }
.Ltmp2:
0x104: {  	v11 =	vld [tilespmem:s13+$0x1D9E0];
	[tilespmem:s11+$0x1D9C0] =	vst v12;
	s11 =	smov.u32 s13;
	(pc) =	sbr.rel @p0 .LBB2_7-.Ltmp2, $4  }
0x105: {  	v7 =	vld [tilespmem:s11+$0x1D9C0]  }
0x106: {  	v16 =	vld [tilespmem:s11+$0x1D9F0]  }
0x107: {  	v8 =	vmul.f32 v21, v4;
	v15 =	vld [tilespmem:s11+$0x1D9D0];
	v14 =	vmul.f32 v22, v4  }
0x108: {  	v13 =	vmul.f32 v18, v4;
	v12 =	vld [tilespmem:s11+$0x1D9A0];
	v17 =	vmul.f32 v17, v3  }
0x109: {  	v10 =	vmul.f32 v10, v4;
	v9 =	vmul.f32 v9, v3  }
0x10a: {  	v18 =	vld [tilespmem:s11+$0x1D990];
	v6 =	vmul.f32 v6, v4;
	v59 =	vmul.f32 v4, v3  }
0x10b: {  	v16 =	vmul.f32 v16, v3;
	v10 =	vadd.f32 v10, v17  }
0x10c: {  	v60 =	vmul.f32 v11, v3;
	v6 =	vadd.f32 v6, v9;
	[tilespmem:s11+$0x1D980] =	vst v59  }
0x10d: {  	v5 =	vmul.f32 v5, v4;
	v15 =	vmul.f32 v15, v3;
	v14 =	vadd.f32 v14, v16;
	[tilespmem:s11+$0x1D9B0] =	vst v10  }
0x10e: {  	v61 =	vmul.f32 v12, v3;
	v10 =	vadd.f32 v13, v60;
	[tilespmem:s11+$0x1DA00] =	vst v6  }
0x10f: {  	v1 =	vmul.f32 v1, v4;
	s2 =	sadd.s32 $0x1, s2;
	v5 =	vadd.f32 v5, v15;
	v62 =	vmul.f32 v18, v3;
	[tilespmem:s11+$0x1D9F0] =	vst v14  }
0x110: {  	v2 =	vmul.f32 v2, v4;
	p0 =	sne.s32 s2, s14;
	v3 =	vmul.f32 v7, v3;
	v63 =	vadd.f32 v8, v61;
	[tilespmem:s11+$0x1D9E0] =	vst v10  }
.Ltmp3:
0x111: {  	[tilespmem:s11+$0x1D9D0] =	vst v5;
	v1 =	vadd.f32 v1, v62;
	(pc) =	sbr.rel @p0 .LBB2_4-.Ltmp3, $4  }
0x112: {  	v2 =	vadd.f32 v2, v3;
	[tilespmem:s11+$0x1D9A0] =	vst v63  }
0x113: {  	[tilespmem:s11+$0x1D990] =	vst v1  }
0x114: {  	[tilespmem:s11+$0x1D9C0] =	vst v2  }
0x115: {  	[spmem:s1] =	stream.indirect.scatter.add.f32 [tilespmem:s24], [sflag:$0x6], $0x90, s23, s31, $0xb8;
	[tilespmem:$0x1FD80] =	vst v63  }
0x116: {  	_ =	swait.ge [sflag:s26], $0x2400  }
0x117: {  	[sflag:s26] =	ssyncset.done $0x0  }
0x118: {  	[sflag:s26] =	ssyncadd.s32 $0xFFFFDC00  }
0x119: {  	_ =	swait.ge [sflag:s29], $0x2400  }
0x11a: {  	[sflag:s29] =	ssyncset.done $0x0  }
0x11b: {  	s2 =	stileid.u32;
	s3 =	sadd.s32 $0x1, s3;
	[sflag:s29] =	ssyncadd.s32 $0xFFFFDC00  }
0x11c: {  	s2 =	sshll.u32 s2, $0x6;
	p0 =	sne.s32 s3, s16;
	[bflag:$0x0] =	sbarrier.arrive $0xFFFF  }
.Ltmp4:
0x11d: {  	s2 =	sor.u32 $0x1C07, s2;
	s11 =	rddreg [dreg:$0x6];
	(pc) =	sbr.rel @p0 .LBB2_1-.Ltmp4, $4  }
0x11e: {  	[hbm:s11], [sflag:s2] =	dma.local [spmem:s25], $0x2D00  }
0x11f: {  	_ =	swait.ge [sflag:s19], $0x2D00  }
0x120: {  	[sflag:s19] =	ssyncset.done $0x0  }
0x121: {  	[sflag:s19] =	ssyncadd.s32 $0xFFFFD300  }
0x122: {  	_ =	sfence.sel $0x180000  }
0x123: {  	[bflag:$0x0] =	sbarrier.arrive $0xFFFF  }
0x124: {  	_ =	strace $0x9000004D  }
0x125: {  	s0 =	stileid.u32;
	[bflag:$0x2] =	sbarrier.arrive $0xFFFF  }
0x126: {  	p0 =	sne.s32 s0, $0x0;
	s0 =	rddreg [dreg:$0x2]  }
0x127: {  	s0 =	sadd.s32 @!p0 $0x100000, s0  }
0x128: {  	[sflag:s0] =	ssyncadd.tile.s32 @!p0 $0x1;
	_ =	shalt  }
.Lfunc_end2:
_tile_overlayer_lowered:
.L_overlay_start_2:
0x129: {  	(tag) =	ssettag $0x2  }
0x12a: {  	s0 =	rddreg [dreg:$0x0];
	s2 =	stileid.u32  }
0x12b: {  	s1 =	rddreg [dreg:$0x1];
	p0 =	sne.s32 s2, $0x0  }
0x12c: {  	s3 =	rddreg [dreg:$0x2];
	[bflag:$0x3] =	sbarrier.arrive $0xFFFF;
	s2 =	simm.s32 @!p0 $0x1C07  }
0x12d: {  	[timem:s3], [sflag:s2] =	dma.local @!p0 [hbm:s0], s1  }
0x12e: {  	s0 =	simm.s32 @!p0 $0x7  }
0x12f: {  	_ =	swait.ge @!p0 [sflag:s0], s1  }
0x130: {  	s1 =	ssub.s32 @!p0 $0x0, s1;
	[sflag:s0] =	ssyncset.done @!p0 $0x0  }
0x131: {  	[sflag:s0] =	ssyncadd.s32 @!p0 s1  }
0x132: {  	[bflag:$0x3] =	sbarrier.arrive $0xFFFF  }
0x133: {  	_ =	shalt  }

// kernel: kernel.22.cloned.1.call-start
scs
__scs_entry_jumppad:
0x0: {  	(pc) =	sbr.rel $0x88, $3  }
0x1: {  	(tag) =	ssettag $0x0;
	lr =	simm.s32 $0x1  }
0x2: {  	[smem:$0x3F95] =	sst lr;
	_ =	strace $0xD0000000  }
0x3: {  	_ = 	snop  }
0x4: {  	_ = 	snop  }
0x5: {  	_ = 	snop  }
0x6: {  	_ = 	snop  }
0x7: {  	_ = 	snop  }
__scs_overlays_trampoline_lowered:
0x8: {  	[smem:$0x3FA4] =	sst s0  }
0x9: {  	[smem:$0x3FA5] =	sst s1  }
0xa: {  	[smem:$0x3FA6] =	sst s2  }
0xb: {  	[smem:$0x3FA7] =	sst s3  }
0xc: {  	[smem:$0x3FA8] =	sst s4  }
0xd: {  	[smem:$0x3FA9] =	sst s5  }
0xe: {  	[smem:$0x3FAA] =	sst s6  }
0xf: {  	[smem:$0x3FAB] =	sst s7  }
0x10: {  	[smem:$0x3FAC] =	sst s8  }
0x11: {  	[smem:$0x3FAD] =	sst s9;
	s0 =	simm.s32 @!p0 $0x0  }
0x12: {  	s1 =	sld [smem:$0x3F93];
	s0 =	simm.s32 @p0 $0x1  }
0x13: {  	[smem:$0x3FAE] =	sst s0;
	s0 =	simm.s32 @!p1 $0x0  }
0x14: {  	s2 =	sld [smem:$0x3F92];
	s0 =	simm.s32 @p1 $0x1  }
0x15: {  	[smem:$0x3FAF] =	sst s0;
	s0 =	simm.s32 @!p2 $0x0  }
0x16: {  	s3 =	sld [smem:$0x3FDB];
	s0 =	simm.s32 @p2 $0x1  }
0x17: {  	s4 =	simm.s32 $0x1BF5;
	[smem:$0x3FB1] =	sst s0  }
0x18: {  	s0 =	sld [smem:$0x3F94];
	_ =	swait.ge [sflag:s4], $0x0  }
0x19: {  	s7 =	sld [smem:$0x3F95]  }
0x1a: {  	s8 =	sadd.s32 $0xFFFFE003, lr  }
0x1b: {  	s9 =	sadd.s32 $0xFFFFFEF7, lr;
	s5 =	simm.s32 $0xFFFFFFFF;
	p2 =	slt.u32 s8, $0xFFFFF086  }
0x1c: {  	p1 =	slt.u32 s9, $0xF7A;
	s5 =	simm.s32 @!p2 $0x0  }
0x1d: {  	s5 =	simm.s32 @p1 $0x1;
	p0 =	seq.s32 s7, s2  }
0x1e: {  	s7 =	smul.u32 @!p0 $0xF7A, s2;
	p2 =	seq.s32 @!p0 s5, $0x0  }
0x1f: {  	s9 =	smul.u32 $0xF7A, s1;
	s8 =	simm.s32 @!p0 $0x1BF5;
	p2 =	por !p2, p0  }
0x20: {  	[sflag:s8] =	ssyncset.s32 @!p0 $0xFFFFF086;
	s6 =	sadd.s32 @!p0 s3, s7;
	s7 =	simm.s32 @!p0 $0x108  }
0x21: {  	s3 =	sadd.s32 s3, s9;
	s6 =	sadd.s32 @!p0 $0x88, s6;
	s7 =	simm.s32 @p2 $0x1082  }
0x22: {  	[simem:s7], [sflag:s8] =	dma.local @!p0 [hbm:s6], $0xF7A  }
0x23: {  	s9 =	sor.u32 $0xD0000000, s2;
	s6 =	simm.s32 $0x108;
	_ =	swait.ge @!p0 [sflag:s8], $0x0  }
0x24: {  	s3 =	sadd.s32 $0x88, s3;
	s6 =	simm.s32 @!p1 $0x1082;
	[sflag:s4] =	ssyncset.s32 $0xFFFFF086  }
0x25: {  	[simem:s6], [sflag:s4] =	dma.local [hbm:s3], $0xF7A  }
0x26: {  	[smem:$0x3F95] =	sst s1;
	(tag) =	ssettag s2;
	_ =	strace s9  }
0x27: {  	s1 =	sld [smem:$0x3FA5]  }
0x28: {  	s2 =	sld [smem:$0x3FA6]  }
0x29: {  	s4 =	sld [smem:$0x3FA8]  }
0x2a: {  	p0 =	seq.s32 s5, $0x0;
	s5 =	sld [smem:$0x3FA9]  }
0x2b: {  	s6 =	sld [smem:$0x3FAA]  }
0x2c: {  	s7 =	sld [smem:$0x3FAB]  }
0x2d: {  	s3 =	simm.s32 $0x108;
	s8 =	sld [smem:$0x3FAC]  }
0x2e: {  	s3 =	simm.s32 @!p0 $0x1082;
	s9 =	sld [smem:$0x3FAD]  }
0x2f: {  	lr =	sadd.s32 s0, s3;
	s0 =	sld [smem:$0x3FA4]  }
0x30: {  	s3 =	sld [smem:$0x3FA7]  }
0x31: {  	[smem:$0x3FB0] =	sst s10  }
0x32: {  	s10 =	sld [smem:$0x3FAE];
	_ =	sdelay $0x3  }
0x33: {  	p0 =	seq.s32 s10, $0x1;
	s10 =	sld [smem:$0x3FB0];
	_ =	sdelay $0x3  }
0x34: {  	[smem:$0x3FB0] =	sst s10  }
0x35: {  	s10 =	sld [smem:$0x3FAF];
	_ =	sdelay $0x3  }
0x36: {  	p1 =	seq.s32 s10, $0x1;
	s10 =	sld [smem:$0x3FB0];
	_ =	sdelay $0x3  }
0x37: {  	[smem:$0x3FB0] =	sst s10  }
0x38: {  	s10 =	sld [smem:$0x3FB1]  }
0x39: {  	_ = 	snop;
	(pc) =	sbr.ind lr, $3  }
0x3a: {  	_ = 	snop  }
0x3b: {  	_ = 	snop  }
0x3c: {  	p2 =	seq.s32 s10, $0x1;
	s10 =	sld [smem:$0x3FB0]  }
0x3d: {  	_ =	shalt  }
0x3e: {  	_ =	shalt  }
0x3f: {  	_ =	shalt  }
0x40: {  	_ =	shalt  }
0x41: {  	_ =	shalt  }
0x42: {  	_ =	shalt  }
0x43: {  	_ =	shalt  }
0x44: {  	_ =	shalt  }
0x45: {  	_ =	shalt  }
0x46: {  	_ =	shalt  }
0x47: {  	_ =	shalt  }
0x48: {  	_ =	shalt  }
0x49: {  	_ =	shalt  }
0x4a: {  	_ =	shalt  }
0x4b: {  	_ =	shalt  }
0x4c: {  	_ =	shalt  }
0x4d: {  	_ =	shalt  }
0x4e: {  	_ =	shalt  }
0x4f: {  	_ =	shalt  }
0x50: {  	_ =	shalt  }
0x51: {  	_ =	shalt  }
0x52: {  	_ =	shalt  }
0x53: {  	_ =	shalt  }
0x54: {  	_ =	shalt  }
0x55: {  	_ =	shalt  }
0x56: {  	_ =	shalt  }
0x57: {  	_ =	shalt  }
0x58: {  	_ =	shalt  }
0x59: {  	_ =	shalt  }
0x5a: {  	_ =	shalt  }
0x5b: {  	_ =	shalt  }
0x5c: {  	_ =	shalt  }
0x5d: {  	_ =	shalt  }
0x5e: {  	_ =	shalt  }
0x5f: {  	_ =	shalt  }
0x60: {  	_ =	shalt  }
0x61: {  	_ =	shalt  }
0x62: {  	_ =	shalt  }
0x63: {  	_ =	shalt  }
0x64: {  	_ =	shalt  }
0x65: {  	_ =	shalt  }
0x66: {  	_ =	shalt  }
0x67: {  	_ =	shalt  }
0x68: {  	_ =	shalt  }
0x69: {  	_ =	shalt  }
0x6a: {  	_ =	shalt  }
0x6b: {  	_ =	shalt  }
0x6c: {  	_ =	shalt  }
0x6d: {  	_ =	shalt  }
0x6e: {  	_ =	shalt  }
0x6f: {  	_ =	shalt  }
0x70: {  	_ =	shalt  }
0x71: {  	_ =	shalt  }
0x72: {  	_ =	shalt  }
0x73: {  	_ =	shalt  }
0x74: {  	_ =	shalt  }
0x75: {  	_ =	shalt  }
0x76: {  	_ =	shalt  }
0x77: {  	_ =	shalt  }
0x78: {  	_ =	shalt  }
0x79: {  	_ =	shalt  }
0x7a: {  	_ =	shalt  }
0x7b: {  	_ =	shalt  }
0x7c: {  	_ =	shalt  }
0x7d: {  	_ =	shalt  }
0x7e: {  	_ =	shalt  }
0x7f: {  	_ =	shalt  }
0x80: {  	_ =	shalt  }
0x81: {  	_ =	shalt  }
0x82: {  	_ =	shalt  }
0x83: {  	_ =	shalt  }
0x84: {  	_ =	shalt  }
0x85: {  	_ =	shalt  }
0x86: {  	_ =	shalt  }
0x87: {  	_ =	shalt  }
.Lfunc_end0:
.L_simem_size_0:
called_computation.3_lowered:
.L_overlay_start_0:
0x88: {  	s2 =	sld [smem:$0x3FD9]  }
0x89: {  	s3 =	sld [smem:$0x3FFE];
	_ =	sdelay $0x1  }
0x8a: {  	s1 =	srdreg.scid  }
0x8b: {  	s0 =	sand.u32 $0x1, s1  }
0x8c: {  	s16 =	sshll.u32 s0, $0xA;
	s2 =	sadd.s32 s3, s2  }
0x8d: {  	s2 =	sadd.s32 s2, s16  }
0x8e: {  	[smem:$0x3FBC] =	sst s2  }
0x8f: {  	_ = 	snop  }
0x90: {  	(tm) =	ssettm $0x1  }
0x91: {  	s17 =	sld [smem:$0x3FFB];
	_ =	sdelay $0x3  }
0x92: {  	_ =	strace s17  }
0x93: {  	s2 =	sld [smem:$0x3FFC];
	_ =	sdelay $0x3  }
0x94: {  	_ =	strace s2  }
0x95: {  	s2 =	sld [smem:$0x3FFD];
	_ =	sdelay $0x3  }
0x96: {  	_ =	strace s2  }
0x97: {  	_ =	strace $0x8FFFFFFF  }
0x98: {  	s18 =	sld [smem:$0x3FDB];
	_ =	sdelay $0x1  }
0x99: {  	s19 =	simm.s32 $_scs_section_size  }
0x9a: {  	s4 =	simm.s32 $_size__tile_overlayer_lowered;
	s5 =	simm.s32 $_tile_overlayer_lowered  }
0x9b: {  	s22 =	simm.s32 $0x1BFF;
	s21 =	sshll.u32 s5, $0x1;
	s2 =	sadd.s32 s19, s18  }
0x9c: {  	s6 =	simm.s32 $0x0;
	s20 =	sshll.u32 s4, $0x1;
	s4 =	sadd.s32 s21, s2  }
0x9d: {  	[timem:s6], [sflag:s22] =	dma.local [hbm:s4], s20  }
0x9e: {  	_ =	swait.ge [sflag:s22], s20  }
0x9f: {  	s3 =	ssub.s32 $0x0, s20;
	[sflag:s22] =	ssyncset.done $0x0  }
0xa0: {  	[sflag:s22] =	ssyncadd.s32 s3;
	_ =	sdelay $0x1  }
0xa1: {  	s23 =	simm.s32 $0x1B8B  }
0xa2: {  	_ =	swait.ge [sflag:s23], $0x1  }
0xa3: {  	[sflag:s23] =	ssyncset.done $0x0  }
0xa4: {  	s25 =	simm.s32 $0x1B8E;
	s24 =	sld [smem:$0x3FFE];
	[sflag:s23] =	ssyncadd.s32 $0xFFFFFFFF  }
0xa5: {  	s26 =	simm.s32 $execute0_lowered;
	[smem:$0x3FD2] =	sst s25  }
0xa6: {  	s4 =	sshll.u32 s26, $0x1;
	_ =	strace $0x8000004F;
	[dreg:$0x1] =	wrdreg $0xFFFFFFFF  }
0xa7: {  	s28 =	simm.s32 $_size_execute0_lowered;
	s2 =	sadd.s32 s2, s4;
	[dreg:$0x0] =	wrdreg $0x0  }
0xa8: {  	s4 =	sshll.u32 s28, $0x1;
	[dreg:$0x2] =	wrdreg s2  }
0xa9: {  	[dreg:$0x3] =	wrdreg s4  }
0xaa: {  	[dreg:$0x4] =	wrdreg $0xC0  }
0xab: {  	_ =	task [dreg:s6], $0x5FFFF  }
0xac: {  	[dreg:$0x1] =	wrdreg $0xFFFFFFFF  }
0xad: {  	[dreg:$0x0] =	wrdreg $0x60  }
0xae: {  	[dreg:$0x2] =	wrdreg s24  }
0xaf: {  	[dreg:$0x3] =	wrdreg $0x0  }
0xb0: {  	[dreg:$0x4] =	wrdreg $0x9  }
0xb1: {  	_ =	task.clear_ibuf [dreg:s6], $0x5FFFF;
	_ =	strace $0x9000004F  }
0xb2: {  	s29 =	simm.s32 $0x9;
	_ =	strace $0x80000051  }
0xb3: {  	_ =	swait.ge [sflag:s29], $0x1  }
0xb4: {  	[sflag:s29] =	ssyncadd.s32 $0xFFFFFFFF  }
0xb5: {  	_ =	strace $0x90000051  }
0xb6: {  	_ =	sfence  }
0xb7: {  	s30 =	sld [smem:$0x0];
	_ =	sdelay $0x2  }
0xb8: {  	s31 =	sshll.u32 s1, $0xD;
	s1 =	sshrl.u32 s1, $0x2  }
0xb9: {  	s3 =	sand.u32 $0x4000, s31;
	s1 =	sadd.s32 s1, s30  }
0xba: {  	s0 =	sor.u32 s3, s0;
	s1 =	sshll.u32 s1, $0x11  }
0xbb: {  	s0 =	sor.u32 s1, s0  }
0xbc: {  	s0 =	sadd.s32 $0x8F2B, s0  }
0xbd: {  	[sflag:s0] =	ssyncadd.remote.s32 $0x1  }
0xbe: {  	_ =	sfence.sel $0xFFFF  }
0xbf: {  	[dreg:$0x0] =	wrdreg $0xFFFFFFFF;
	(pc) =	sbr.abs _section_cstart, $3  }
0xc0: {  	[dreg:$0x1] =	wrdreg $0xFFFFFFFF  }
0xc1: {  	_ =	task.clear_ibuf [dreg:s6], $0x2FFFF;
	_ =	strace $0x9FFFFFFF  }
0xc2: {  	(tm) =	ssettm $0x7FFFFFFF  }
0xc3: {  	_ =	shalt  }
tec
execute0_lowered:
.L_overlay_start_1:
0x0: {  	(tag) =	ssettag $0x1  }
0x1: {  	s0 =	rddreg [dreg:$0x0]  }
0x2: {  	s1 =	rddreg [dreg:$0x1];
	s2 =	srdreg.scid;
	s3 =	simm.s32 $0x0  }
0x3: {  	s14 =	stileid.u32;
	s18 =	simm.s32 $0x16800;
	s19 =	simm.s32 $0x7  }
0x4: {  	s28 =	simm.s32 $0x16D00;
	s30 =	simm.s32 $0x1;
	s31 =	simm.s32 $0x40  }
0x5: {  	s29 =	simm.s32 $0x6;
	s2 =	sand.u32 $0x1, s2;
	s11 =	smul.u32 $0x16800, s14  }
0x6: {  	[smem:$0x7FF] =	sst s3;
	s4 =	sadd.s32 $0x549000, s0;
	s8 =	smul.u32 $0x2800, s14  }
0x7: {  	s5 =	sadd.s32 $0x8A0000, s0;
	s6 =	sadd.s32 $0xFA00, s0;
	s16 =	smul.u32 $0x5A000, s14  }
0x8: {  	s7 =	smul.u32 $0x168000, s2;
	_ =	strace $0x80000050;
	s10 =	ssub.s32 $0x2, s2  }
0x9: {  	s12 =	smul.u32 $0x1C00, s2;
	p0 =	seq.s32 s2, $0x0;
	s22 =	sshrl.u32 s10, $0x1  }
0xa: {  	s25 =	sshrl.u32 s16, $0x2;
	s26 =	sadd.s32 s11, s1;
	s7 =	sadd.s32 s11, s7  }
0xb: {  	s13 =	ssub.s32 s10, s22;
	s8 =	sadd.s32 s12, s8;
	s17 =	sadd.s32 s25, s1  }
0xc: {  	s22 =	simm.s32 $0x1B580;
	s25 =	sshrl.u32 s26, $0x3;
	s26 =	simm.s32 $0x5  }
0xd: {  	s9 =	sshrl.u32 s7, $0x3;
	s7 =	sadd.s32 $0xAA00, s0;
	s23 =	sshrl.u32 s8, $0x3  }
0xe: {  	s12 =	smul.u32 $0x12, s8;
	s16 =	smax.u32 s13, $0x1;
	s0 =	sadd.s32 s9, s0  }
0xf: {  	s9 =	simm.s32 $0x70;
	s10 =	sadd.s32 s6, s23;
	s2 =	sadd.s32 s7, s23  }
0x10: {  	s23 =	simm.s32 $0x16D40;
	s12 =	sadd.s32 s5, s12;
	[dreg:$0x4] =	wrdreg s2  }
0x11: {  	s9 =	simm.s32 @!p0 $0x30;
	s24 =	sadd.s32 $0x8, s10;
	[dreg:$0x3] =	wrdreg s12  }
0x12: {  	s0 =	sadd.s32 $0x576000, s0;
	[dreg:$0x5] =	wrdreg s24;
	s14 =	sshrl.u32 s9, $0x1  }
0x13: {  	v0 =	vimm.f32 $0.0e+00;
	[dreg:$0x6] =	wrdreg s0;
	s0 =	simm.s32 $0x2;
	s24 =	simm.s32 $0x1D980  }
.LBB2_1:
0x14: {  	[tilespmem:$0x16800] =	vst v0  }
0x15: {  	[tilespmem:$0x16810] =	vst v0  }
0x16: {  	[tilespmem:$0x16820] =	vst v0  }
0x17: {  	[tilespmem:$0x16830] =	vst v0  }
0x18: {  	[tilespmem:$0x16840] =	vst v0  }
0x19: {  	[tilespmem:$0x16850] =	vst v0  }
0x1a: {  	[tilespmem:$0x16860] =	vst v0  }
0x1b: {  	[tilespmem:$0x16870] =	vst v0  }
0x1c: {  	[tilespmem:$0x16880] =	vst v0  }
0x1d: {  	[tilespmem:$0x16890] =	vst v0  }
0x1e: {  	[tilespmem:$0x168A0] =	vst v0  }
0x1f: {  	[tilespmem:$0x168B0] =	vst v0  }
0x20: {  	[tilespmem:$0x168C0] =	vst v0  }
0x21: {  	[tilespmem:$0x168D0] =	vst v0  }
0x22: {  	[tilespmem:$0x168E0] =	vst v0  }
0x23: {  	[tilespmem:$0x168F0] =	vst v0  }
0x24: {  	[tilespmem:$0x16900] =	vst v0  }
0x25: {  	[tilespmem:$0x16910] =	vst v0  }
0x26: {  	[tilespmem:$0x16920] =	vst v0  }
0x27: {  	[tilespmem:$0x16930] =	vst v0  }
0x28: {  	[tilespmem:$0x16940] =	vst v0  }
0x29: {  	[tilespmem:$0x16950] =	vst v0  }
0x2a: {  	[tilespmem:$0x16960] =	vst v0  }
0x2b: {  	[tilespmem:$0x16970] =	vst v0  }
0x2c: {  	[tilespmem:$0x16980] =	vst v0  }
0x2d: {  	[tilespmem:$0x16990] =	vst v0  }
0x2e: {  	[tilespmem:$0x169A0] =	vst v0  }
0x2f: {  	[tilespmem:$0x169B0] =	vst v0  }
0x30: {  	[tilespmem:$0x169C0] =	vst v0  }
0x31: {  	[tilespmem:$0x169D0] =	vst v0  }
0x32: {  	[tilespmem:$0x169E0] =	vst v0  }
0x33: {  	[tilespmem:$0x169F0] =	vst v0  }
0x34: {  	[tilespmem:$0x16A00] =	vst v0  }
0x35: {  	[tilespmem:$0x16A10] =	vst v0  }
0x36: {  	[tilespmem:$0x16A20] =	vst v0  }
0x37: {  	[tilespmem:$0x16A30] =	vst v0  }
0x38: {  	[tilespmem:$0x16A40] =	vst v0  }
0x39: {  	[tilespmem:$0x16A50] =	vst v0  }
0x3a: {  	[tilespmem:$0x16A60] =	vst v0  }
0x3b: {  	[tilespmem:$0x16A70] =	vst v0  }
0x3c: {  	[tilespmem:$0x16A80] =	vst v0  }
0x3d: {  	[tilespmem:$0x16A90] =	vst v0  }
0x3e: {  	[tilespmem:$0x16AA0] =	vst v0  }
0x3f: {  	[tilespmem:$0x16AB0] =	vst v0  }
0x40: {  	[tilespmem:$0x16AC0] =	vst v0  }
0x41: {  	[tilespmem:$0x16AD0] =	vst v0  }
0x42: {  	[tilespmem:$0x16AE0] =	vst v0  }
0x43: {  	[tilespmem:$0x16AF0] =	vst v0  }
0x44: {  	[tilespmem:$0x16B00] =	vst v0  }
0x45: {  	[tilespmem:$0x16B10] =	vst v0  }
0x46: {  	[tilespmem:$0x16B20] =	vst v0  }
0x47: {  	[tilespmem:$0x16B30] =	vst v0  }
0x48: {  	[tilespmem:$0x16B40] =	vst v0  }
0x49: {  	[tilespmem:$0x16B50] =	vst v0  }
0x4a: {  	[tilespmem:$0x16B60] =	vst v0  }
0x4b: {  	[tilespmem:$0x16B70] =	vst v0  }
0x4c: {  	[tilespmem:$0x16B80] =	vst v0  }
0x4d: {  	[tilespmem:$0x16B90] =	vst v0  }
0x4e: {  	[tilespmem:$0x16BA0] =	vst v0  }
0x4f: {  	[tilespmem:$0x16BB0] =	vst v0  }
0x50: {  	[tilespmem:$0x16BC0] =	vst v0  }
0x51: {  	[tilespmem:$0x16BD0] =	vst v0  }
0x52: {  	[tilespmem:$0x16BE0] =	vst v0  }
0x53: {  	[tilespmem:$0x16BF0] =	vst v0  }
0x54: {  	[tilespmem:$0x16C00] =	vst v0  }
0x55: {  	[tilespmem:$0x16C10] =	vst v0  }
0x56: {  	[tilespmem:$0x16C20] =	vst v0  }
0x57: {  	[tilespmem:$0x16C30] =	vst v0  }
0x58: {  	[tilespmem:$0x16C40] =	vst v0  }
0x59: {  	[tilespmem:$0x16C50] =	vst v0  }
0x5a: {  	[tilespmem:$0x16C60] =	vst v0  }
0x5b: {  	[tilespmem:$0x16C70] =	vst v0;
	s2 =	sadd.s32 $0x0, s17  }
0x5c: {  	[spmem:s2] =	stream.linear.scatter [tilespmem:s18], [sflag:$0x7], $0x480, $0x38;
	[tilespmem:$0x1FD80] =	vst v63  }
0x5d: {  	s2 =	simm.s32 $0x1200;
	_ =	swait.ge [sflag:s19], $0x480  }
.LBB2_2:
0x5e: {  	s11 =	sshra.s32 s2, $0x2;
	[sflag:s19] =	ssyncset.done $0x0;
	p0 =	sne.s32 s2, $0x58E00  }
.Ltmp0:
0x5f: {  	s11 =	sadd.s32 s11, s17;
	[sflag:s19] =	ssyncadd.s32 $0xFFFFFB80;
	(pc) =	sbr.rel @p0 .LBB2_2-.Ltmp0, $3  }
0x60: {  	[spmem:s11] =	stream.linear.scatter [tilespmem:s18], [sflag:$0x7], $0x480, $0x38;
	[tilespmem:$0x1FD80] =	vst v63  }
0x61: {  	s2 =	sadd.s32 $0x1200, s2;
	_ =	sdelay $0x1  }
0x62: {  	_ =	swait.ge [sflag:s19], $0x480  }
0x63: {  	[sflag:s19] =	ssyncset.done $0x0  }
0x64: {  	s2 =	simm.s32 $0x0;
	s11 =	simm.s32 $0x16C80;
	[sflag:s19] =	ssyncadd.s32 $0xFFFFFB80  }
0x65: {  	[tilespmem:s11], [sflag:$0x7] =	stream.linear.gather [hbm4b:s10+s2], $0x40, $0x38;
	[tilespmem:$0x1FD80] =	vst v63  }
0x66: {  	_ =	swait.ge [sflag:s19], $0x40  }
0x67: {  	[sflag:s19] =	ssyncset.done $0x0  }
0x68: {  	s12 =	simm.s32 $0x20;
	[sflag:s19] =	ssyncadd.s32 $0xFFFFFFC0  }
0x69: {  	[tilespmem:s22], [sflag:$0x1] =	stream.indirect.gather [hbm4b:s4+s12], $0x90, s11, s12, $0xb8;
	[tilespmem:$0x1FD80] =	vst v63  }
0x6a: {  	s21 =	simm.s32 $0x16CA0;
	s13 =	simm.s32 $0x1C780  }
0x6b: {  	[tilespmem:s13], [sflag:$0x1] =	stream.indirect.gather [hbm4b:s4+s12], $0x90, s21, s12, $0xb8;
	[tilespmem:$0x1FD80] =	vst v63  }
0x6c: {  	s12 =	rddreg [dreg:$0x3];
	s13 =	simm.s32 $0x16D80  }
0x6d: {  	[tilespmem:s13], [sflag:$0x1] =	stream.linear.gather [hbm4b:s12+s2], $0x2400, $0x38;
	[tilespmem:$0x1FD80] =	vst v63  }
0x6e: {  	s15 =	rddreg [dreg:$0x4]  }
0x6f: {  	[tilespmem:s28], [sflag:$0x1] =	stream.linear.gather [hbm4b:s15+s2], $0x40, $0x38;
	[tilespmem:$0x1FD80] =	vst v63  }
0x70: {  	s20 =	rddreg [dreg:$0x5];
	s21 =	simm.s32 $0x16CC0  }
0x71: {  	[tilespmem:s21], [sflag:$0x4] =	stream.linear.gather [hbm4b:s20+s2], $0x40, $0x38;
	[tilespmem:$0x1FD80] =	vst v63  }
0x72: {  	[bflag:$0x0] =	sbarrier.arrive $0xFFFF  }
.LBB2_4:
0x73: {  	_ =	swait.ge [sflag:s30], $0x1200  }
0x74: {  	[sflag:s30] =	ssyncset.done $0x0  }
0x75: {  	[sflag:s30] =	ssyncadd.s32 $0xFFFFEE00  }
0x76: {  	_ =	swait.ge [sflag:s30], $0x1200  }
0x77: {  	[sflag:s30] =	ssyncset.done $0x0  }
0x78: {  	[sflag:s30] =	ssyncadd.s32 $0xFFFFEE00  }
0x79: {  	_ =	swait.ge [sflag:s30], $0x2400  }
0x7a: {  	s11 =	sshllo.u32 s2, $0x1;
	[sflag:s30] =	ssyncset.done $0x0  }
0x7b: {  	p0 =	sge.u32 s11, s9;
	[sflag:s30] =	ssyncadd.s32 $0xFFFFDC00  }
0x7c: {  	p1 =	seq.s32 @!p0 s2, $0x0;
	_ =	swait.ge [sflag:s30], $0x40  }
0x7d: {  	p1 =	por p1, p0;
	[sflag:s30] =	ssyncset.done $0x0  }
0x7e: {  	s12 =	simm.s32 @!p1 $0x6;
	[sflag:s30] =	ssyncadd.s32 $0xFFFFFFC0  }
0x7f: {  	_ =	swait.ge @!p1 [sflag:s12], $0x2400  }
0x80: {  	[sflag:s12] =	ssyncset.done @!p1 $0x0  }
0x81: {  	[sflag:s12] =	ssyncadd.s32 @!p1 $0xFFFFDC00;
	s12 =	simm.s32 @!p0 $0x4  }
0x82: {  	s11 =	sshll.u32 @!p0 s11, $0x6;
	_ =	swait.ge @!p0 [sflag:s12], $0x40  }
0x83: {  	s13 =	simm.s32 @!p0 $0x16CC0;
	s20 =	simm.s32 @!p0 $0x1D980;
	[sflag:s12] =	ssyncset.done @!p0 $0x0  }
0x84: {  	s11 =	sadd.s32 @!p0 s8, s11;
	[sflag:s12] =	ssyncadd.s32 @!p0 $0xFFFFFFC0;
	s12 =	simm.s32 @!p0 $0x20  }
0x85: {  	[tilespmem:s20], [sflag:$0x2] =	stream.indirect.gather @!p0 [hbm4b:s4+s12], $0x90, s13, s12, $0xb8;
	[tilespmem:$0x1FD80] =	vst v63  }
0x86: {  	s21 =	smul.u32 @!p0 $0x12, s11;
	s13 =	simm.s32 @!p0 $0x16CE0;
	s20 =	simm.s32 @!p0 $0x1EB80  }
0x87: {  	[tilespmem:s20], [sflag:$0x2] =	stream.indirect.gather @!p0 [hbm4b:s4+s12], $0x90, s13, s12, $0xb8;
	[tilespmem:$0x1FD80] =	vst v63  }
0x88: {  	s12 =	sadd.s32 @!p0 s5, s21;
	s13 =	simm.s32 @!p0 $0x0;
	s20 =	simm.s32 @!p0 $0x19180  }
0x89: {  	[tilespmem:s20], [sflag:$0x2] =	stream.linear.gather @!p0 [hbm4b:s12+s13], $0x2400, $0x38;
	[tilespmem:$0x1FD80] =	vst v63  }
0x8a: {  	s12 =	sshrl.u32 @!p0 s11, $0x3  }
0x8b: {  	s11 =	sshll.u32 s2, $0x1;
	s20 =	simm.s32 @!p0 $0x16D40;
	s12 =	sadd.s32 @!p0 s7, s12  }
0x8c: {  	[tilespmem:s20], [sflag:$0x2] =	stream.linear.gather @!p0 [hbm4b:s12+s13], $0x40, $0x38;
	[tilespmem:$0x1FD80] =	vst v63  }
0x8d: {  	s12 =	sadd.s32 $0x2, s11  }
0x8e: {  	p0 =	sge.u32 s12, s9  }
0x8f: {  	s12 =	sshll.u32 @!p0 s12, $0x6  }
0x90: {  	s13 =	sadd.s32 @!p0 s8, s12  }
0x91: {  	s12 =	sshrl.u32 @!p0 s13, $0x3  }
0x92: {  	s21 =	simm.s32 @!p0 $0x0;
	s15 =	simm.s32 @!p0 $0x16C80;
	s20 =	sadd.s32 @!p0 s6, s12  }
0x93: {  	[tilespmem:s15], [sflag:$0x3] =	stream.linear.gather @!p0 [hbm4b:s20+s21], $0x40, $0x38;
	[tilespmem:$0x1FD80] =	vst v63  }
0x94: {  	s20 =	simm.s32 $0x0  }
0x95: {  	v1 =	vld [tilespmem:s20+$0x16D90]  }
0x96: {  	v8 =	vld [tilespmem:s20+$0x16DA0]  }
0x97: {  	v12 =	vld [tilespmem:s20+$0x16DF0]  }
0x98: {  	v2 =	vld [tilespmem:s20+$0x16DC0]  }
0x99: {  	v5 =	vld [tilespmem:s20+$0x16DD0]  }
0x9a: {  	v6 =	vld [tilespmem:s20+$0x16E00]  }
0x9b: {  	v13 =	vld [tilespmem:s20+$0x1B5B0]  }
0x9c: {  	v18 =	vld [tilespmem:s20+$0x16DE0]  }
0x9d: {  	v9 =	vld [tilespmem:s20+$0x1B600]  }
0x9e: {  	v10 =	vld [tilespmem:s20+$0x16DB0]  }
0x9f: {  	v4 =	vld [tilespmem:s20+$0x1B580]  }
0xa0: {  	v3 =	vld [tilespmem:s20+$0x16D80]  }
0xa1: {  	v11 =	vld [tilespmem:s20+$0x1B5E0]  }
0xa2: {  	v7 =	vld [tilespmem:s20+$0x1B5C0]  }
0xa3: {  	v16 =	vld [tilespmem:s20+$0x1B5F0]  }
0xa4: {  	v15 =	vld [tilespmem:s20+$0x1B5D0];
	v8 =	vmul.f32 v8, v4;
	v14 =	vmul.f32 v12, v4  }
0xa5: {  	s21 =	simm.s32 $0x240;
	v12 =	vld [tilespmem:s20+$0x1B5A0];
	v17 =	vmul.f32 v13, v3;
	v13 =	vmul.f32 v18, v4  }
.LBB2_5:
0xa6: {  	s15 =	sshra.s32 s21, $0x2;
	p1 =	sne.s32 s21, $0x8DC0;
	s21 =	sadd.s32 $0x240, s21;
	v18 =	vld [tilespmem:s20+$0x1B590];
	v19 =	vmul.f32 v2, v4;
	v9 =	vmul.f32 v9, v3  }
0xa7: {  	v2 =	vmul.f32 v10, v4;
	v10 =	vmul.f32 v11, v3;
	v20 =	vld [tilespmem:s15+$0x16D90]  }
0xa8: {  	v11 =	vmul.f32 v5, v4;
	v21 =	vld [tilespmem:s15+$0x16DA0];
	v5 =	vmul.f32 v16, v3  }
0xa9: {  	v6 =	vmul.f32 v6, v4;
	v16 =	vadd.f32 v2, v17;
	v22 =	vld [tilespmem:s15+$0x16DF0];
	v15 =	vmul.f32 v15, v3  }
0xaa: {  	v13 =	vadd.f32 v13, v10;
	v2 =	vld [tilespmem:s15+$0x16DC0];
	v12 =	vmul.f32 v12, v3;
	v10 =	vadd.f32 v14, v5  }
0xab: {  	v9 =	vadd.f32 v6, v9;
	v14 =	vmul.f32 v4, v3;
	v5 =	vld [tilespmem:s15+$0x16DD0];
	[tilespmem:s20+$0x1B5B0] =	vst v16;
	v11 =	vadd.f32 v11, v15  }
0xac: {  	v4 =	vmul.f32 v1, v4;
	v15 =	vmul.f32 v18, v3;
	v6 =	vld [tilespmem:s15+$0x16E00];
	v8 =	vadd.f32 v8, v12;
	[tilespmem:s20+$0x1B5F0] =	vst v10  }
0xad: {  	v3 =	vmul.f32 v7, v3;
	v1 =	vmov v20;
	v17 =	vld [tilespmem:s15+$0x1B5B0];
	[tilespmem:s20+$0x1B580] =	vst v14  }
0xae: {  	v7 =	vadd.f32 v4, v15;
	v18 =	vld [tilespmem:s15+$0x16DE0];
	[tilespmem:s20+$0x1B600] =	vst v9  }
0xaf: {  	v12 =	vadd.f32 v19, v3;
	v9 =	vld [tilespmem:s15+$0x1B600];
	[tilespmem:s20+$0x1B5D0] =	vst v11  }
0xb0: {  	v10 =	vld [tilespmem:s15+$0x16DB0];
	[tilespmem:s20+$0x1B5E0] =	vst v13  }
0xb1: {  	v4 =	vld [tilespmem:s15+$0x1B580];
	[tilespmem:s20+$0x1B5A0] =	vst v8  }
0xb2: {  	v3 =	vld [tilespmem:s15+$0x16D80];
	[tilespmem:s20+$0x1B590] =	vst v7  }
.Ltmp1:
0xb3: {  	v11 =	vld [tilespmem:s15+$0x1B5E0];
	[tilespmem:s20+$0x1B5C0] =	vst v12;
	s20 =	smov.u32 s15;
	(pc) =	sbr.rel @p1 .LBB2_5-.Ltmp1, $4  }
0xb4: {  	v7 =	vld [tilespmem:s20+$0x1B5C0]  }
0xb5: {  	v16 =	vld [tilespmem:s20+$0x1B5F0]  }
0xb6: {  	v8 =	vmul.f32 v21, v4;
	v15 =	vld [tilespmem:s20+$0x1B5D0];
	v14 =	vmul.f32 v22, v4  }
0xb7: {  	v13 =	vmul.f32 v18, v4;
	v12 =	vld [tilespmem:s20+$0x1B5A0];
	v17 =	vmul.f32 v17, v3  }
0xb8: {  	v10 =	vmul.f32 v10, v4  }
0xb9: {  	v9 =	vmul.f32 v9, v3;
	v6 =	vmul.f32 v6, v4  }
0xba: {  	v18 =	vld [tilespmem:s20+$0x1B590];
	v16 =	vmul.f32 v16, v3;
	v10 =	vadd.f32 v10, v17  }
0xbb: {  	v6 =	vadd.f32 v6, v9  }
0xbc: {  	v5 =	vmul.f32 v5, v4;
	v15 =	vmul.f32 v15, v3;
	v14 =	vadd.f32 v14, v16;
	[tilespmem:s20+$0x1B5B0] =	vst v10  }
0xbd: {  	v16 =	vmul.f32 v4, v3;
	v10 =	vmul.f32 v11, v3;
	[tilespmem:s20+$0x1B600] =	vst v6  }
0xbe: {  	v9 =	vmul.f32 v12, v3;
	v5 =	vadd.f32 v5, v15;
	[tilespmem:s20+$0x1B5F0] =	vst v14  }
0xbf: {  	v1 =	vmul.f32 v1, v4;
	v11 =	vmul.f32 v18, v3;
	[tilespmem:s20+$0x1B580] =	vst v16;
	v10 =	vadd.f32 v13, v10  }
0xc0: {  	v2 =	vmul.f32 v2, v4;
	v3 =	vmul.f32 v7, v3;
	v4 =	vadd.f32 v8, v9;
	[tilespmem:s20+$0x1B5D0] =	vst v5  }
0xc1: {  	v1 =	vadd.f32 v1, v11;
	[tilespmem:s20+$0x1B5E0] =	vst v10  }
0xc2: {  	v2 =	vadd.f32 v2, v3;
	[tilespmem:s20+$0x1B5A0] =	vst v4  }
0xc3: {  	[tilespmem:s20+$0x1B590] =	vst v1  }
0xc4: {  	[tilespmem:s20+$0x1B5C0] =	vst v2  }
0xc5: {  	[spmem:s1] =	stream.indirect.scatter.add.f32 [tilespmem:s22], [sflag:$0x5], $0x90, s28, s31, $0xb8;
	[tilespmem:$0x1FD80] =	vst v63  }
0xc6: {  	_ =	swait.ge [sflag:s0], $0x1200  }
0xc7: {  	[sflag:s0] =	ssyncset.done $0x0  }
0xc8: {  	[sflag:s0] =	ssyncadd.s32 $0xFFFFEE00  }
0xc9: {  	_ =	swait.ge [sflag:s0], $0x1200  }
0xca: {  	[sflag:s0] =	ssyncset.done $0x0  }
0xcb: {  	[sflag:s0] =	ssyncadd.s32 $0xFFFFEE00  }
0xcc: {  	_ =	swait.ge [sflag:s0], $0x2400  }
0xcd: {  	[sflag:s0] =	ssyncset.done $0x0  }
0xce: {  	[sflag:s0] =	ssyncadd.s32 $0xFFFFDC00  }
0xcf: {  	_ =	swait.ge [sflag:s0], $0x40  }
0xd0: {  	[sflag:s0] =	ssyncset.done $0x0  }
0xd1: {  	s15 =	simm.s32 @!p0 $0x5;
	[sflag:s0] =	ssyncadd.s32 $0xFFFFFFC0  }
0xd2: {  	_ =	swait.ge @!p0 [sflag:s15], $0x2400  }
0xd3: {  	[sflag:s15] =	ssyncset.done @!p0 $0x0  }
0xd4: {  	[sflag:s15] =	ssyncadd.s32 @!p0 $0xFFFFDC00;
	s15 =	simm.s32 @!p0 $0x3  }
0xd5: {  	_ =	swait.ge @!p0 [sflag:s15], $0x40  }
0xd6: {  	s21 =	simm.s32 @!p0 $0x1B580;
	[sflag:s15] =	ssyncset.done @!p0 $0x0  }
0xd7: {  	s20 =	simm.s32 @!p0 $0x16C80;
	[sflag:s15] =	ssyncadd.s32 @!p0 $0xFFFFFFC0;
	s15 =	simm.s32 @!p0 $0x20  }
0xd8: {  	[tilespmem:s21], [sflag:$0x1] =	stream.indirect.gather @!p0 [hbm4b:s4+s15], $0x90, s20, s15, $0xb8;
	[tilespmem:$0x1FD80] =	vst v63  }
0xd9: {  	s13 =	smul.u32 @!p0 $0x12, s13;
	s20 =	simm.s32 @!p0 $0x16CA0;
	s21 =	simm.s32 @!p0 $0x1C780  }
0xda: {  	[tilespmem:s21], [sflag:$0x1] =	stream.indirect.gather @!p0 [hbm4b:s4+s15], $0x90, s20, s15, $0xb8;
	[tilespmem:$0x1FD80] =	vst v63  }
0xdb: {  	s13 =	sadd.s32 @!p0 s5, s13;
	s15 =	simm.s32 @!p0 $0x0;
	s20 =	simm.s32 @!p0 $0x16D80  }
0xdc: {  	[tilespmem:s20], [sflag:$0x1] =	stream.linear.gather @!p0 [hbm4b:s13+s15], $0x2400, $0x38;
	[tilespmem:$0x1FD80] =	vst v63  }
0xdd: {  	s12 =	sadd.s32 @!p0 s7, s12;
	s11 =	sadd.s32 $0x3, s11;
	s13 =	simm.s32 @!p0 $0x16D00  }
0xde: {  	[tilespmem:s13], [sflag:$0x1] =	stream.linear.gather @!p0 [hbm4b:s12+s15], $0x40, $0x38;
	[tilespmem:$0x1FD80] =	vst v63  }
0xdf: {  	p0 =	sge.u32 s11, s9  }
0xe0: {  	s11 =	sshll.u32 @!p0 s11, $0x6  }
0xe1: {  	s11 =	sadd.s32 @!p0 s8, s11  }
0xe2: {  	s11 =	sshrl.u32 @!p0 s11, $0x3  }
0xe3: {  	s12 =	simm.s32 @!p0 $0x0;
	s13 =	simm.s32 @!p0 $0x16CC0;
	s11 =	sadd.s32 @!p0 s6, s11  }
0xe4: {  	[tilespmem:s13], [sflag:$0x4] =	stream.linear.gather @!p0 [hbm4b:s11+s12], $0x40, $0x38;
	[tilespmem:$0x1FD80] =	vst v63  }
0xe5: {  	s11 =	simm.s32 $0x0  }
0xe6: {  	v1 =	vld [tilespmem:s11+$0x19190]  }
0xe7: {  	v8 =	vld [tilespmem:s11+$0x191A0]  }
0xe8: {  	v12 =	vld [tilespmem:s11+$0x191F0]  }
0xe9: {  	v2 =	vld [tilespmem:s11+$0x191C0]  }
0xea: {  	v5 =	vld [tilespmem:s11+$0x191D0]  }
0xeb: {  	v6 =	vld [tilespmem:s11+$0x19200]  }
0xec: {  	v13 =	vld [tilespmem:s11+$0x1D9B0]  }
0xed: {  	v18 =	vld [tilespmem:s11+$0x191E0]  }
0xee: {  	v9 =	vld [tilespmem:s11+$0x1DA00]  }
0xef: {  	v10 =	vld [tilespmem:s11+$0x191B0]  }
0xf0: {  	v4 =	vld [tilespmem:s11+$0x1D980]  }
0xf1: {  	v3 =	vld [tilespmem:s11+$0x19180]  }
0xf2: {  	v11 =	vld [tilespmem:s11+$0x1D9E0]  }
0xf3: {  	v7 =	vld [tilespmem:s11+$0x1D9C0]  }
0xf4: {  	v16 =	vld [tilespmem:s11+$0x1D9F0]  }
0xf5: {  	v15 =	vld [tilespmem:s11+$0x1D9D0];
	v8 =	vmul.f32 v8, v4;
	v14 =	vmul.f32 v12, v4  }
0xf6: {  	s12 =	simm.s32 $0x240;
	v12 =	vld [tilespmem:s11+$0x1D9A0];
	v17 =	vmul.f32 v13, v3;
	v13 =	vmul.f32 v18, v4  }
.LBB2_7:
0xf7: {  	s13 =	sshra.s32 s12, $0x2;
	p0 =	sne.s32 s12, $0x8DC0;
	s12 =	sadd.s32 $0x240, s12;
	v18 =	vld [tilespmem:s11+$0x1D990];
	v19 =	vmul.f32 v2, v4;
	v9 =	vmul.f32 v9, v3  }
0xf8: {  	v2 =	vmul.f32 v10, v4;
	v10 =	vmul.f32 v11, v3;
	v20 =	vld [tilespmem:s13+$0x19190]  }
0xf9: {  	v11 =	vmul.f32 v5, v4;
	v21 =	vld [tilespmem:s13+$0x191A0];
	v5 =	vmul.f32 v16, v3  }
0xfa: {  	v6 =	vmul.f32 v6, v4;
	v16 =	vadd.f32 v2, v17;
	v22 =	vld [tilespmem:s13+$0x191F0];
	v15 =	vmul.f32 v15, v3  }
0xfb: {  	v13 =	vadd.f32 v13, v10;
	v2 =	vld [tilespmem:s13+$0x191C0];
	v12 =	vmul.f32 v12, v3;
	v10 =	vadd.f32 v14, v5  }
0xfc: {  	v9 =	vadd.f32 v6, v9;
	v14 =	vmul.f32 v4, v3;
	v5 =	vld [tilespmem:s13+$0x191D0];
	[tilespmem:s11+$0x1D9B0] =	vst v16;
	v11 =	vadd.f32 v11, v15  }
0xfd: {  	v4 =	vmul.f32 v1, v4;
	v15 =	vmul.f32 v18, v3;
	v6 =	vld [tilespmem:s13+$0x19200];
	v8 =	vadd.f32 v8, v12;
	[tilespmem:s11+$0x1D9F0] =	vst v10  }
0xfe: {  	v3 =	vmul.f32 v7, v3;
	v1 =	vmov v20;
	v17 =	vld [tilespmem:s13+$0x1D9B0];
	[tilespmem:s11+$0x1D980] =	vst v14  }
0xff: {  	v7 =	vadd.f32 v4, v15;
	v18 =	vld [tilespmem:s13+$0x191E0];
	[tilespmem:s11+$0x1DA00] =	vst v9  }
0x100: {  	v12 =	vadd.f32 v19, v3;
	v9 =	vld [tilespmem:s13+$0x1DA00];
	[tilespmem:s11+$0x1D9D0] =	vst v11  }
0x101: {  	v10 =	vld [tilespmem:s13+$0x191B0];
	[tilespmem:s11+$0x1D9E0] =	vst v13  }
0x102: {  	v4 =	vld [tilespmem:s13+$0x1D980];
	[tilespmem:s11+$0x1D9A0] =	vst v8  }
0x103: {  	v3 =	vld [tilespmem:s13+$0x19180];
	[tilespmem:s11+$0x1D990] =	vst v7  }
.Ltmp2:
0x104: {  	v11 =	vld [tilespmem:s13+$0x1D9E0];
	[tilespmem:s11+$0x1D9C0] =	vst v12;
	s11 =	smov.u32 s13;
	(pc) =	sbr.rel @p0 .LBB2_7-.Ltmp2, $4  }
0x105: {  	v7 =	vld [tilespmem:s11+$0x1D9C0]  }
0x106: {  	v16 =	vld [tilespmem:s11+$0x1D9F0]  }
0x107: {  	v8 =	vmul.f32 v21, v4;
	v15 =	vld [tilespmem:s11+$0x1D9D0];
	v14 =	vmul.f32 v22, v4  }
0x108: {  	v13 =	vmul.f32 v18, v4;
	v12 =	vld [tilespmem:s11+$0x1D9A0];
	v17 =	vmul.f32 v17, v3  }
0x109: {  	v10 =	vmul.f32 v10, v4;
	v9 =	vmul.f32 v9, v3  }
0x10a: {  	v18 =	vld [tilespmem:s11+$0x1D990];
	v6 =	vmul.f32 v6, v4;
	v59 =	vmul.f32 v4, v3  }
0x10b: {  	v16 =	vmul.f32 v16, v3;
	v10 =	vadd.f32 v10, v17  }
0x10c: {  	v60 =	vmul.f32 v11, v3;
	v6 =	vadd.f32 v6, v9;
	[tilespmem:s11+$0x1D980] =	vst v59  }
0x10d: {  	v5 =	vmul.f32 v5, v4;
	v15 =	vmul.f32 v15, v3;
	v14 =	vadd.f32 v14, v16;
	[tilespmem:s11+$0x1D9B0] =	vst v10  }
0x10e: {  	v61 =	vmul.f32 v12, v3;
	v10 =	vadd.f32 v13, v60;
	[tilespmem:s11+$0x1DA00] =	vst v6  }
0x10f: {  	v1 =	vmul.f32 v1, v4;
	s2 =	sadd.s32 $0x1, s2;
	v5 =	vadd.f32 v5, v15;
	v62 =	vmul.f32 v18, v3;
	[tilespmem:s11+$0x1D9F0] =	vst v14  }
0x110: {  	v2 =	vmul.f32 v2, v4;
	p0 =	sne.s32 s2, s14;
	v3 =	vmul.f32 v7, v3;
	v63 =	vadd.f32 v8, v61;
	[tilespmem:s11+$0x1D9E0] =	vst v10  }
.Ltmp3:
0x111: {  	[tilespmem:s11+$0x1D9D0] =	vst v5;
	v1 =	vadd.f32 v1, v62;
	(pc) =	sbr.rel @p0 .LBB2_4-.Ltmp3, $4  }
0x112: {  	v2 =	vadd.f32 v2, v3;
	[tilespmem:s11+$0x1D9A0] =	vst v63  }
0x113: {  	[tilespmem:s11+$0x1D990] =	vst v1  }
0x114: {  	[tilespmem:s11+$0x1D9C0] =	vst v2  }
0x115: {  	[spmem:s1] =	stream.indirect.scatter.add.f32 [tilespmem:s24], [sflag:$0x6], $0x90, s23, s31, $0xb8;
	[tilespmem:$0x1FD80] =	vst v63  }
0x116: {  	_ =	swait.ge [sflag:s26], $0x2400  }
0x117: {  	[sflag:s26] =	ssyncset.done $0x0  }
0x118: {  	[sflag:s26] =	ssyncadd.s32 $0xFFFFDC00  }
0x119: {  	_ =	swait.ge [sflag:s29], $0x2400  }
0x11a: {  	[sflag:s29] =	ssyncset.done $0x0  }
0x11b: {  	s2 =	stileid.u32;
	s3 =	sadd.s32 $0x1, s3;
	[sflag:s29] =	ssyncadd.s32 $0xFFFFDC00  }
0x11c: {  	s2 =	sshll.u32 s2, $0x6;
	p0 =	sne.s32 s3, s16;
	[bflag:$0x0] =	sbarrier.arrive $0xFFFF  }
.Ltmp4:
0x11d: {  	s2 =	sor.u32 $0x1C07, s2;
	s11 =	rddreg [dreg:$0x6];
	(pc) =	sbr.rel @p0 .LBB2_1-.Ltmp4, $4  }
0x11e: {  	[hbm:s11], [sflag:s2] =	dma.local [spmem:s25], $0x2D00  }
0x11f: {  	_ =	swait.ge [sflag:s19], $0x2D00  }
0x120: {  	[sflag:s19] =	ssyncset.done $0x0  }
0x121: {  	[sflag:s19] =	ssyncadd.s32 $0xFFFFD300  }
0x122: {  	_ =	sfence.sel $0x180000  }
0x123: {  	[bflag:$0x0] =	sbarrier.arrive $0xFFFF  }
0x124: {  	_ =	strace $0x90000050  }
0x125: {  	s0 =	stileid.u32;
	[bflag:$0x2] =	sbarrier.arrive $0xFFFF  }
0x126: {  	p0 =	sne.s32 s0, $0x0;
	s0 =	rddreg [dreg:$0x2]  }
0x127: {  	s0 =	sadd.s32 @!p0 $0x100000, s0  }
0x128: {  	[sflag:s0] =	ssyncadd.tile.s32 @!p0 $0x1;
	_ =	shalt  }
.Lfunc_end2:
_tile_overlayer_lowered:
.L_overlay_start_2:
0x129: {  	(tag) =	ssettag $0x2  }
0x12a: {  	s0 =	rddreg [dreg:$0x0];
	s2 =	stileid.u32  }
0x12b: {  	s1 =	rddreg [dreg:$0x1];
	p0 =	sne.s32 s2, $0x0  }
0x12c: {  	s3 =	rddreg [dreg:$0x2];
	[bflag:$0x3] =	sbarrier.arrive $0xFFFF;
	s2 =	simm.s32 @!p0 $0x1C07  }
0x12d: {  	[timem:s3], [sflag:s2] =	dma.local @!p0 [hbm:s0], s1  }
0x12e: {  	s0 =	simm.s32 @!p0 $0x7  }
0x12f: {  	_ =	swait.ge @!p0 [sflag:s0], s1  }
0x130: {  	s1 =	ssub.s32 @!p0 $0x0, s1;
	[sflag:s0] =	ssyncset.done @!p0 $0x0  }
0x131: {  	[sflag:s0] =	ssyncadd.s32 @!p0 s1  }
0x132: {  	[bflag:$0x3] =	sbarrier.arrive $0xFFFF  }
0x133: {  	_ =	shalt  }

</sc_bundles>
